<compile_context>
chip_gen: v7x
topology: tpu7x:2x2x1
jax: 0.10.2.dev20260603
libtpu: 0.0.44.dev20260713+nightly
codegen_flags: <defaults>
</compile_context>

<pallas_src>
import functools

import jax
import jax.numpy as jnp
from jax import lax
from jax.experimental import pallas as pl
from jax.experimental.pallas import tpu as pltpu
from jax.experimental.pallas import tpu_sc as plsc

NC = 2
NS = 16
NW = NC * NS
L = 16
D = 64
BT = 128
HS = 2


def _sc_gather_tiles(idx_re, tab_f, batch, hist):
  bt_per_w = batch // BT // NW
  ET = D // 8

  mesh = plsc.VectorSubcoreMesh(
      core_axis_name="c", subcore_axis_name="s", num_cores=NC, num_subcores=NS
  )

  @functools.partial(
      pl.kernel,
      out_type=jax.ShapeDtypeStruct((hist, ET, batch // BT, 8, BT),
                                    jnp.float32),
      mesh=mesh,
      scratch_types=[
          pltpu.VMEM((BT * hist,), jnp.int32),
          pltpu.VMEM((HS * BT, D), jnp.float32),
          pltpu.VMEM((HS * BT, D), jnp.float32),
          pltpu.VMEM((HS, ET, 8, BT), jnp.float32),
          pltpu.VMEM((HS, ET, 8, BT), jnp.float32),
          pltpu.SemaphoreType.DMA,
          pltpu.SemaphoreType.DMA,
          pltpu.SemaphoreType.DMA,
          pltpu.SemaphoreType.DMA,
      ],
      compiler_params=pltpu.CompilerParams(
          use_tc_tiling_on_sc=False, needs_layout_passes=False),
  )
  def body(idx_hbm, tab_hbm, out_hbm, idxb_v, rows0, rows1, tile0, tile1,
           semg0, semg1, semo0, semo1):
    wid = lax.axis_index("s") * NC + lax.axis_index("c")
    lanes = jnp.arange(L, dtype=jnp.int32)
    col_hi = [(M * L + lanes) // 8 for M in range(4)]
    col_lo = [(M * L + lanes) % 8 for M in range(4)]
    rows = [rows0, rows1]
    tile = [tile0, tile1]
    semg = [semg0, semg1]
    semo = [semo0, semo1]

    n_steps = hist // HS

    def fire_gather(p, s):
      pltpu.async_copy(tab_hbm.at[idxb_v.at[pl.ds(s * HS * BT, HS * BT)]],
                       rows[p], semg[p])

    def drain_gather(p, s):
      pltpu.make_async_copy(tab_hbm.at[idxb_v.at[pl.ds(s * HS * BT, HS * BT)]],
                            rows[p], semg[p]).wait()

    def fire_out(p, s, bt):
      for hh in range(HS):
        for et in range(ET):
          pltpu.async_copy(tile[p].at[hh, et],
                           out_hbm.at[s * HS + hh, et, bt], semo[p])

    def drain_out(p, s, bt):
      for hh in range(HS):
        for et in range(ET):
          pltpu.make_async_copy(tile[p].at[hh, et],
                                out_hbm.at[s * HS + hh, et, bt],
                                semo[p]).wait()

    def blk_body(blk, carry):
      bt = wid * bt_per_w + blk
      off = bt * BT * hist
      pltpu.sync_copy(idx_hbm.at[pl.ds(off, BT * hist)], idxb_v)
      fire_gather(0, 0)

      def s_pair(g, carry2):
        for p in range(2):
          s = 2 * g + p

          @pl.when(s < n_steps)
          def _():
            @pl.when(s + 1 < n_steps)
            def _():
              fire_gather(1 - p, s + 1)

            @pl.when(s >= 2)
            def _():
              drain_out(p, s - 2, bt)

            drain_gather(p, s)

            @plsc.parallel_loop(0, HS * BT, unroll=8)
            def _(r):
              rsplat = jnp.full((L,), r, dtype=jnp.int32)
              hsplat = rsplat // BT
              bsplat = rsplat % BT
              for m in range(4):
                v = rows[p][r, pl.ds(m * L, L)]
                plsc.store_scatter(tile[p],
                                   [hsplat, col_hi[m], col_lo[m], bsplat], v)
            fire_out(p, s, bt)
        return carry2

      lax.fori_loop(0, (n_steps + 1) // 2, s_pair, 0)
      drain_out((n_steps - 2) % 2, n_steps - 2, bt)
      drain_out((n_steps - 1) % 2, n_steps - 1, bt)
      return carry

    lax.fori_loop(0, bt_per_w, blk_body, 0)

  return body(idx_re, tab_f)


def kernel(indices, q_table, scales):
  batch, hist = indices.shape
  tab_f = (q_table.astype(jnp.float32) * scales[:, None]).reshape(-1, 2 * D)
  tab_f = lax.optimization_barrier(tab_f)
  tab_f = tab_f.reshape(-1, D)
  idx_re = (indices.astype(jnp.int32)
            .reshape(batch // BT, BT, hist)
            .transpose(0, 2, 1)
            .reshape(-1))
  out5 = _sc_gather_tiles(idx_re, tab_f, batch, hist)
  return out5.transpose(2, 4, 0, 1, 3).reshape(batch, hist, D)

# --- scband reference (transcript-rebuilt; emitter-appended) ---
"""Pipeline reference for scband-tied-quantized-embedding-67224828117445 (READ-ONLY COPY).

The authoritative reference and input builder live on the scoring server;
editing this copy changes nothing except your own understanding.
"""

import jax, jax.numpy as jnp
import numpy as np

NUM_EMBEDDINGS = 1000000
EMBEDDING_DIM = 64
BATCH = 16384
HIST = 50

def setup_inputs(seed: int = 0) -> dict:
    key = jax.random.key(seed)
    k_idx, k_tab, k_scale = jax.random.split(key, 3)
    indices = jax.random.randint(k_idx, (BATCH, HIST), 0, NUM_EMBEDDINGS, dtype=jnp.int64)
    # int8 row-wise quantized embedding table (the 'source' module's storage)
    q_table = jax.random.randint(k_tab, (NUM_EMBEDDINGS, EMBEDDING_DIM), -128, 128, dtype=jnp.int8)
    # per-row dequantization scales
    scales = jax.random.uniform(k_scale, (NUM_EMBEDDINGS,), dtype=jnp.float32, minval=0.001, maxval=0.1)
    return {"indices": indices, "q_table": q_table, "scales": scales}

def reference(indices, q_table, scales):
    # source.dequantize_rows(flat): gather int8 rows + per-row scale, dequantize to fp32
    flat = indices.reshape(-1)
    rows = jnp.take(q_table, flat, axis=0).astype(jnp.float32)
    row_scales = jnp.take(scales, flat, axis=0)
    out = rows * row_scales[:, None]
    return out.reshape(*indices.shape, EMBEDDING_DIM)

if __name__ == "__main__":
    import jax
    _d = setup_inputs()
    print(jax.jit(kernel)(*tuple(_d.values())))

</pallas_src>

<mosaic_0001>
#map = affine_map<(d0, d1) -> (0)>
#map1 = affine_map<(d0, d1) -> (0, 0)>
#map2 = affine_map<(d0, d1) -> (0, 0, 0, 0, 0)>
module attributes {stable_mosaic.version = 14 : i64} {
  func.func @body(%arg0: i32, %arg1: i32, %arg2: memref<819200xi32, #tpu.memory_space<hbm>>, %arg3: memref<1000000x64xf32, #tpu.memory_space<hbm>>, %arg4: memref<50x8x128x8x128xf32, #tpu.memory_space<hbm>>, %arg5: memref<6400xi32, #tpu.memory_space<vmem>>, %arg6: memref<256x64xf32, #tpu.memory_space<vmem>>, %arg7: memref<256x64xf32, #tpu.memory_space<vmem>>, %arg8: memref<2x8x8x128xf32, #tpu.memory_space<vmem>>, %arg9: memref<2x8x8x128xf32, #tpu.memory_space<vmem>>, %arg10: memref<!tpu.dma_semaphore, #tpu.memory_space<semaphore_mem>>, %arg11: memref<!tpu.dma_semaphore, #tpu.memory_space<semaphore_mem>>, %arg12: memref<!tpu.dma_semaphore, #tpu.memory_space<semaphore_mem>>, %arg13: memref<!tpu.dma_semaphore, #tpu.memory_space<semaphore_mem>>) attributes {dimension_semantics = [#tpu.dimension_semantics<core_parallel>, #tpu.dimension_semantics<subcore_parallel>], iteration_bounds = array<i64: 2, 16>, scalar_prefetch = 0 : i64, scratch_operands = 9 : i64, tpu.core_type = #tpu.core_type<sc_vector_subcore>, window_params = [{transform_indices = #map}, {transform_indices = #map1}, {transform_indices = #map2}]} {
    %mul3A = arith.constant 2 : i32
    %mul3A_0 = arith.muli %arg1, %mul3A : i32
    %add3A = arith.addi %mul3A_0, %arg0 : i32
    %iota3A = tpu.iota {dimensions = array<i32: 0>} : vector<16xi32>
    %add3A_1 = arith.constant 0 : i32
    %add3A_2 = vector.broadcast %add3A_1 : i32 to vector<16xi32>
    %add3A_3 = arith.addi %add3A_2, %iota3A : vector<16xi32>
    %jit3A = arith.constant 8 : i32
    %div3A = vector.broadcast %jit3A : i32 to vector<16xi32>
    %div3A_4 = arith.divsi %add3A_3, %div3A : vector<16xi32>
    %sign3A = arith.constant 0 : i32
    %sign3A_5 = vector.broadcast %sign3A : i32 to vector<16xi32>
    %sign3A_6 = arith.cmpi sgt, %add3A_3, %sign3A_5 : vector<16xi32>
    %sign3A_7 = arith.extui %sign3A_6 : vector<16xi1> to vector<16xi32>
    %sign3A_8 = arith.constant 0 : i32
    %sign3A_9 = vector.broadcast %sign3A_8 : i32 to vector<16xi32>
    %sign3A_10 = arith.cmpi slt, %add3A_3, %sign3A_9 : vector<16xi32>
    %sign3A_11 = arith.extui %sign3A_10 : vector<16xi1> to vector<16xi32>
    %sign3A_12 = arith.subi %sign3A_7, %sign3A_11 : vector<16xi32>
    %sign3A_13 = arith.constant 0 : i32
    %sign3A_14 = arith.cmpi sgt, %jit3A, %sign3A_13 : i32
    %sign3A_15 = arith.extui %sign3A_14 : i1 to i32
    %sign3A_16 = arith.constant 0 : i32
    %sign3A_17 = arith.cmpi slt, %jit3A, %sign3A_16 : i32
    %sign3A_18 = arith.extui %sign3A_17 : i1 to i32
    %sign3A_19 = arith.subi %sign3A_15, %sign3A_18 : i32
    %ne3A = vector.broadcast %sign3A_19 : i32 to vector<16xi32>
    %ne3A_20 = arith.cmpi ne, %sign3A_12, %ne3A : vector<16xi32>
    %rem3A = vector.broadcast %jit3A : i32 to vector<16xi32>
    %rem3A_21 = arith.remsi %add3A_3, %rem3A : vector<16xi32>
    %ne3A_22 = arith.constant 0 : i32
    %ne3A_23 = vector.broadcast %ne3A_22 : i32 to vector<16xi32>
    %ne3A_24 = arith.cmpi ne, %rem3A_21, %ne3A_23 : vector<16xi32>
    %and3A = arith.andi %ne3A_20, %ne3A_24 : vector<16xi1>
    %sub3A = arith.constant 1 : i32
    %sub3A_25 = vector.broadcast %sub3A : i32 to vector<16xi32>
    %sub3A_26 = arith.subi %div3A_4, %sub3A_25 : vector<16xi32>
    %select_n3A = arith.select %and3A, %sub3A_26, %div3A_4 : vector<16xi1>, vector<16xi32>
    %add3A_27 = arith.constant 16 : i32
    %add3A_28 = vector.broadcast %add3A_27 : i32 to vector<16xi32>
    %add3A_29 = arith.addi %add3A_28, %iota3A : vector<16xi32>
    %jit3A_30 = arith.constant 8 : i32
    %div3A_31 = vector.broadcast %jit3A_30 : i32 to vector<16xi32>
    %div3A_32 = arith.divsi %add3A_29, %div3A_31 : vector<16xi32>
    %sign3A_33 = arith.constant 0 : i32
    %sign3A_34 = vector.broadcast %sign3A_33 : i32 to vector<16xi32>
    %sign3A_35 = arith.cmpi sgt, %add3A_29, %sign3A_34 : vector<16xi32>
    %sign3A_36 = arith.extui %sign3A_35 : vector<16xi1> to vector<16xi32>
    %sign3A_37 = arith.constant 0 : i32
    %sign3A_38 = vector.broadcast %sign3A_37 : i32 to vector<16xi32>
    %sign3A_39 = arith.cmpi slt, %add3A_29, %sign3A_38 : vector<16xi32>
    %sign3A_40 = arith.extui %sign3A_39 : vector<16xi1> to vector<16xi32>
    %sign3A_41 = arith.subi %sign3A_36, %sign3A_40 : vector<16xi32>
    %sign3A_42 = arith.constant 0 : i32
    %sign3A_43 = arith.cmpi sgt, %jit3A_30, %sign3A_42 : i32
    %sign3A_44 = arith.extui %sign3A_43 : i1 to i32
    %sign3A_45 = arith.constant 0 : i32
    %sign3A_46 = arith.cmpi slt, %jit3A_30, %sign3A_45 : i32
    %sign3A_47 = arith.extui %sign3A_46 : i1 to i32
    %sign3A_48 = arith.subi %sign3A_44, %sign3A_47 : i32
    %ne3A_49 = vector.broadcast %sign3A_48 : i32 to vector<16xi32>
    %ne3A_50 = arith.cmpi ne, %sign3A_41, %ne3A_49 : vector<16xi32>
    %rem3A_51 = vector.broadcast %jit3A_30 : i32 to vector<16xi32>
    %rem3A_52 = arith.remsi %add3A_29, %rem3A_51 : vector<16xi32>
    %ne3A_53 = arith.constant 0 : i32
    %ne3A_54 = vector.broadcast %ne3A_53 : i32 to vector<16xi32>
    %ne3A_55 = arith.cmpi ne, %rem3A_52, %ne3A_54 : vector<16xi32>
    %and3A_56 = arith.andi %ne3A_50, %ne3A_55 : vector<16xi1>
    %sub3A_57 = arith.constant 1 : i32
    %sub3A_58 = vector.broadcast %sub3A_57 : i32 to vector<16xi32>
    %sub3A_59 = arith.subi %div3A_32, %sub3A_58 : vector<16xi32>
    %select_n3A_60 = arith.select %and3A_56, %sub3A_59, %div3A_32 : vector<16xi1>, vector<16xi32>
    %add3A_61 = arith.constant 32 : i32
    %add3A_62 = vector.broadcast %add3A_61 : i32 to vector<16xi32>
    %add3A_63 = arith.addi %add3A_62, %iota3A : vector<16xi32>
    %jit3A_64 = arith.constant 8 : i32
    %div3A_65 = vector.broadcast %jit3A_64 : i32 to vector<16xi32>
    %div3A_66 = arith.divsi %add3A_63, %div3A_65 : vector<16xi32>
    %sign3A_67 = arith.constant 0 : i32
    %sign3A_68 = vector.broadcast %sign3A_67 : i32 to vector<16xi32>
    %sign3A_69 = arith.cmpi sgt, %add3A_63, %sign3A_68 : vector<16xi32>
    %sign3A_70 = arith.extui %sign3A_69 : vector<16xi1> to vector<16xi32>
    %sign3A_71 = arith.constant 0 : i32
    %sign3A_72 = vector.broadcast %sign3A_71 : i32 to vector<16xi32>
    %sign3A_73 = arith.cmpi slt, %add3A_63, %sign3A_72 : vector<16xi32>
    %sign3A_74 = arith.extui %sign3A_73 : vector<16xi1> to vector<16xi32>
    %sign3A_75 = arith.subi %sign3A_70, %sign3A_74 : vector<16xi32>
    %sign3A_76 = arith.constant 0 : i32
    %sign3A_77 = arith.cmpi sgt, %jit3A_64, %sign3A_76 : i32
    %sign3A_78 = arith.extui %sign3A_77 : i1 to i32
    %sign3A_79 = arith.constant 0 : i32
    %sign3A_80 = arith.cmpi slt, %jit3A_64, %sign3A_79 : i32
    %sign3A_81 = arith.extui %sign3A_80 : i1 to i32
    %sign3A_82 = arith.subi %sign3A_78, %sign3A_81 : i32
    %ne3A_83 = vector.broadcast %sign3A_82 : i32 to vector<16xi32>
    %ne3A_84 = arith.cmpi ne, %sign3A_75, %ne3A_83 : vector<16xi32>
    %rem3A_85 = vector.broadcast %jit3A_64 : i32 to vector<16xi32>
    %rem3A_86 = arith.remsi %add3A_63, %rem3A_85 : vector<16xi32>
    %ne3A_87 = arith.constant 0 : i32
    %ne3A_88 = vector.broadcast %ne3A_87 : i32 to vector<16xi32>
    %ne3A_89 = arith.cmpi ne, %rem3A_86, %ne3A_88 : vector<16xi32>
    %and3A_90 = arith.andi %ne3A_84, %ne3A_89 : vector<16xi1>
    %sub3A_91 = arith.constant 1 : i32
    %sub3A_92 = vector.broadcast %sub3A_91 : i32 to vector<16xi32>
    %sub3A_93 = arith.subi %div3A_66, %sub3A_92 : vector<16xi32>
    %select_n3A_94 = arith.select %and3A_90, %sub3A_93, %div3A_66 : vector<16xi1>, vector<16xi32>
    %add3A_95 = arith.constant 48 : i32
    %add3A_96 = vector.broadcast %add3A_95 : i32 to vector<16xi32>
    %add3A_97 = arith.addi %add3A_96, %iota3A : vector<16xi32>
    %jit3A_98 = arith.constant 8 : i32
    %div3A_99 = vector.broadcast %jit3A_98 : i32 to vector<16xi32>
    %div3A_100 = arith.divsi %add3A_97, %div3A_99 : vector<16xi32>
    %sign3A_101 = arith.constant 0 : i32
    %sign3A_102 = vector.broadcast %sign3A_101 : i32 to vector<16xi32>
    %sign3A_103 = arith.cmpi sgt, %add3A_97, %sign3A_102 : vector<16xi32>
    %sign3A_104 = arith.extui %sign3A_103 : vector<16xi1> to vector<16xi32>
    %sign3A_105 = arith.constant 0 : i32
    %sign3A_106 = vector.broadcast %sign3A_105 : i32 to vector<16xi32>
    %sign3A_107 = arith.cmpi slt, %add3A_97, %sign3A_106 : vector<16xi32>
    %sign3A_108 = arith.extui %sign3A_107 : vector<16xi1> to vector<16xi32>
    %sign3A_109 = arith.subi %sign3A_104, %sign3A_108 : vector<16xi32>
    %sign3A_110 = arith.constant 0 : i32
    %sign3A_111 = arith.cmpi sgt, %jit3A_98, %sign3A_110 : i32
    %sign3A_112 = arith.extui %sign3A_111 : i1 to i32
    %sign3A_113 = arith.constant 0 : i32
    %sign3A_114 = arith.cmpi slt, %jit3A_98, %sign3A_113 : i32
    %sign3A_115 = arith.extui %sign3A_114 : i1 to i32
    %sign3A_116 = arith.subi %sign3A_112, %sign3A_115 : i32
    %ne3A_117 = vector.broadcast %sign3A_116 : i32 to vector<16xi32>
    %ne3A_118 = arith.cmpi ne, %sign3A_109, %ne3A_117 : vector<16xi32>
    %rem3A_119 = vector.broadcast %jit3A_98 : i32 to vector<16xi32>
    %rem3A_120 = arith.remsi %add3A_97, %rem3A_119 : vector<16xi32>
    %ne3A_121 = arith.constant 0 : i32
    %ne3A_122 = vector.broadcast %ne3A_121 : i32 to vector<16xi32>
    %ne3A_123 = arith.cmpi ne, %rem3A_120, %ne3A_122 : vector<16xi32>
    %and3A_124 = arith.andi %ne3A_118, %ne3A_123 : vector<16xi1>
    %sub3A_125 = arith.constant 1 : i32
    %sub3A_126 = vector.broadcast %sub3A_125 : i32 to vector<16xi32>
    %sub3A_127 = arith.subi %div3A_100, %sub3A_126 : vector<16xi32>
    %select_n3A_128 = arith.select %and3A_124, %sub3A_127, %div3A_100 : vector<16xi1>, vector<16xi32>
    %add3A_129 = arith.constant 0 : i32
    %add3A_130 = vector.broadcast %add3A_129 : i32 to vector<16xi32>
    %add3A_131 = arith.addi %add3A_130, %iota3A : vector<16xi32>
    %jit3A_132 = arith.constant 8 : i32
    %eq3A = arith.constant 0 : i32
    %eq3A_133 = arith.cmpi eq, %jit3A_132, %eq3A : i32
    %jit3A_134 = arith.constant 1 : i32
    %select_n3A_135 = arith.select %eq3A_133, %jit3A_134, %jit3A_132 : i32
    %rem3A_136 = vector.broadcast %select_n3A_135 : i32 to vector<16xi32>
    %rem3A_137 = arith.remsi %add3A_131, %rem3A_136 : vector<16xi32>
    %ne3A_138 = arith.constant 0 : i32
    %ne3A_139 = vector.broadcast %ne3A_138 : i32 to vector<16xi32>
    %ne3A_140 = arith.cmpi ne, %rem3A_137, %ne3A_139 : vector<16xi32>
    %lt3A = arith.constant 0 : i32
    %lt3A_141 = vector.broadcast %lt3A : i32 to vector<16xi32>
    %lt3A_142 = arith.cmpi slt, %rem3A_137, %lt3A_141 : vector<16xi32>
    %lt3A_143 = arith.constant 0 : i32
    %lt3A_144 = arith.cmpi slt, %select_n3A_135, %lt3A_143 : i32
    %ne3A_145 = vector.broadcast %lt3A_144 : i1 to vector<16xi1>
    %ne3A_146 = vector.broadcast %ne3A_145 : vector<16xi1> to vector<16xi1>
    %ne3A_147 = arith.xori %lt3A_142, %ne3A_146 : vector<16xi1>
    %and3A_148 = arith.andi %ne3A_147, %ne3A_140 : vector<16xi1>
    %add3A_149 = vector.broadcast %select_n3A_135 : i32 to vector<16xi32>
    %add3A_150 = arith.addi %rem3A_137, %add3A_149 : vector<16xi32>
    %select_n3A_151 = arith.select %and3A_148, %add3A_150, %rem3A_137 : vector<16xi1>, vector<16xi32>
    %add3A_152 = arith.constant 16 : i32
    %add3A_153 = vector.broadcast %add3A_152 : i32 to vector<16xi32>
    %add3A_154 = arith.addi %add3A_153, %iota3A : vector<16xi32>
    %jit3A_155 = arith.constant 8 : i32
    %eq3A_156 = arith.constant 0 : i32
    %eq3A_157 = arith.cmpi eq, %jit3A_155, %eq3A_156 : i32
    %jit3A_158 = arith.constant 1 : i32
    %select_n3A_159 = arith.select %eq3A_157, %jit3A_158, %jit3A_155 : i32
    %rem3A_160 = vector.broadcast %select_n3A_159 : i32 to vector<16xi32>
    %rem3A_161 = arith.remsi %add3A_154, %rem3A_160 : vector<16xi32>
    %ne3A_162 = arith.constant 0 : i32
    %ne3A_163 = vector.broadcast %ne3A_162 : i32 to vector<16xi32>
    %ne3A_164 = arith.cmpi ne, %rem3A_161, %ne3A_163 : vector<16xi32>
    %lt3A_165 = arith.constant 0 : i32
    %lt3A_166 = vector.broadcast %lt3A_165 : i32 to vector<16xi32>
    %lt3A_167 = arith.cmpi slt, %rem3A_161, %lt3A_166 : vector<16xi32>
    %lt3A_168 = arith.constant 0 : i32
    %lt3A_169 = arith.cmpi slt, %select_n3A_159, %lt3A_168 : i32
    %ne3A_170 = vector.broadcast %lt3A_169 : i1 to vector<16xi1>
    %ne3A_171 = vector.broadcast %ne3A_170 : vector<16xi1> to vector<16xi1>
    %ne3A_172 = arith.xori %lt3A_167, %ne3A_171 : vector<16xi1>
    %and3A_173 = arith.andi %ne3A_172, %ne3A_164 : vector<16xi1>
    %add3A_174 = vector.broadcast %select_n3A_159 : i32 to vector<16xi32>
    %add3A_175 = arith.addi %rem3A_161, %add3A_174 : vector<16xi32>
    %select_n3A_176 = arith.select %and3A_173, %add3A_175, %rem3A_161 : vector<16xi1>, vector<16xi32>
    %add3A_177 = arith.constant 32 : i32
    %add3A_178 = vector.broadcast %add3A_177 : i32 to vector<16xi32>
    %add3A_179 = arith.addi %add3A_178, %iota3A : vector<16xi32>
    %jit3A_180 = arith.constant 8 : i32
    %eq3A_181 = arith.constant 0 : i32
    %eq3A_182 = arith.cmpi eq, %jit3A_180, %eq3A_181 : i32
    %jit3A_183 = arith.constant 1 : i32
    %select_n3A_184 = arith.select %eq3A_182, %jit3A_183, %jit3A_180 : i32
    %rem3A_185 = vector.broadcast %select_n3A_184 : i32 to vector<16xi32>
    %rem3A_186 = arith.remsi %add3A_179, %rem3A_185 : vector<16xi32>
    %ne3A_187 = arith.constant 0 : i32
    %ne3A_188 = vector.broadcast %ne3A_187 : i32 to vector<16xi32>
    %ne3A_189 = arith.cmpi ne, %rem3A_186, %ne3A_188 : vector<16xi32>
    %lt3A_190 = arith.constant 0 : i32
    %lt3A_191 = vector.broadcast %lt3A_190 : i32 to vector<16xi32>
    %lt3A_192 = arith.cmpi slt, %rem3A_186, %lt3A_191 : vector<16xi32>
    %lt3A_193 = arith.constant 0 : i32
    %lt3A_194 = arith.cmpi slt, %select_n3A_184, %lt3A_193 : i32
    %ne3A_195 = vector.broadcast %lt3A_194 : i1 to vector<16xi1>
    %ne3A_196 = vector.broadcast %ne3A_195 : vector<16xi1> to vector<16xi1>
    %ne3A_197 = arith.xori %lt3A_192, %ne3A_196 : vector<16xi1>
    %and3A_198 = arith.andi %ne3A_197, %ne3A_189 : vector<16xi1>
    %add3A_199 = vector.broadcast %select_n3A_184 : i32 to vector<16xi32>
    %add3A_200 = arith.addi %rem3A_186, %add3A_199 : vector<16xi32>
    %select_n3A_201 = arith.select %and3A_198, %add3A_200, %rem3A_186 : vector<16xi1>, vector<16xi32>
    %add3A_202 = arith.constant 48 : i32
    %add3A_203 = vector.broadcast %add3A_202 : i32 to vector<16xi32>
    %add3A_204 = arith.addi %add3A_203, %iota3A : vector<16xi32>
    %jit3A_205 = arith.constant 8 : i32
    %eq3A_206 = arith.constant 0 : i32
    %eq3A_207 = arith.cmpi eq, %jit3A_205, %eq3A_206 : i32
    %jit3A_208 = arith.constant 1 : i32
    %select_n3A_209 = arith.select %eq3A_207, %jit3A_208, %jit3A_205 : i32
    %rem3A_210 = vector.broadcast %select_n3A_209 : i32 to vector<16xi32>
    %rem3A_211 = arith.remsi %add3A_204, %rem3A_210 : vector<16xi32>
    %ne3A_212 = arith.constant 0 : i32
    %ne3A_213 = vector.broadcast %ne3A_212 : i32 to vector<16xi32>
    %ne3A_214 = arith.cmpi ne, %rem3A_211, %ne3A_213 : vector<16xi32>
    %lt3A_215 = arith.constant 0 : i32
    %lt3A_216 = vector.broadcast %lt3A_215 : i32 to vector<16xi32>
    %lt3A_217 = arith.cmpi slt, %rem3A_211, %lt3A_216 : vector<16xi32>
    %lt3A_218 = arith.constant 0 : i32
    %lt3A_219 = arith.cmpi slt, %select_n3A_209, %lt3A_218 : i32
    %ne3A_220 = vector.broadcast %lt3A_219 : i1 to vector<16xi1>
    %ne3A_221 = vector.broadcast %ne3A_220 : vector<16xi1> to vector<16xi1>
    %ne3A_222 = arith.xori %lt3A_217, %ne3A_221 : vector<16xi1>
    %and3A_223 = arith.andi %ne3A_222, %ne3A_214 : vector<16xi1>
    %add3A_224 = vector.broadcast %select_n3A_209 : i32 to vector<16xi32>
    %add3A_225 = arith.addi %rem3A_211, %add3A_224 : vector<16xi32>
    %select_n3A_226 = arith.select %and3A_223, %add3A_225, %rem3A_211 : vector<16xi1>, vector<16xi32>
    %scan3A = arith.constant 0 : i32
    %scan3A_227 = arith.constant 0 : i32
    %scan3A_228 = arith.constant 4 : i32
    %scan3A_229 = arith.addi %scan3A_227, %scan3A_228 : i32
    %scan3A_230 = arith.constant 1 : i32
    scf.for %scan3A_232 = %scan3A_227 to %scan3A_229 step %scan3A_230  : i32 {
      %mul3A_233 = arith.constant 4 : i32
      %mul3A_234 = arith.muli %add3A, %mul3A_233 : i32
      %add3A_235 = arith.addi %mul3A_234, %scan3A_232 : i32
      %mul3A_236 = arith.constant 128 : i32
      %mul3A_237 = arith.muli %add3A_235, %mul3A_236 : i32
      %mul3A_238 = arith.constant 50 : i32
      %mul3A_239 = arith.muli %mul3A_237, %mul3A_238 : i32
      "tpu.region"() ({
        %run_scoped3A = tpu.sem_alloc : memref<!tpu.dma_semaphore, #tpu.memory_space<semaphore_mem>>
        %dma_start3A_889 = tpu.memref_slice %arg2[%mul3A_239] : memref<819200xi32, #tpu.memory_space<hbm>> -> memref<6400xi32, #tpu.memory_space<hbm>>
        %dma_start3A_890 = tpu.memref_slice %arg2[%mul3A_239] : memref<819200xi32, #tpu.memory_space<hbm>> -> memref<6400xi32, #tpu.memory_space<hbm>>
        tpu.enqueue_dma source(%dma_start3A_890 : memref<6400xi32, #tpu.memory_space<hbm>>) target(%arg5 : memref<6400xi32, #tpu.memory_space<vmem>>) target_semaphore(%run_scoped3A : memref<!tpu.dma_semaphore, #tpu.memory_space<semaphore_mem>>)
        %dma_wait3A_891 = tpu.memref_slice %arg2[%mul3A_239] : memref<819200xi32, #tpu.memory_space<hbm>> -> memref<6400xi32, #tpu.memory_space<hbm>>
        %dma_wait3A_892 = tpu.memref_slice %arg2[%mul3A_239] : memref<819200xi32, #tpu.memory_space<hbm>> -> memref<6400xi32, #tpu.memory_space<hbm>>
        tpu.wait_dma2 semaphore(%run_scoped3A : memref<!tpu.dma_semaphore, #tpu.memory_space<semaphore_mem>>) src(%dma_wait3A_892 : memref<6400xi32, #tpu.memory_space<hbm>>) dst(%arg5 : memref<6400xi32, #tpu.memory_space<vmem>>)
        tpu.yield
      }) : () -> ()
      %dma_start3A = arith.constant 0 : i32
      %dma_start3A_240 = tpu.memref_slice %arg5[%dma_start3A] : memref<6400xi32, #tpu.memory_space<vmem>> -> memref<256xi32, #tpu.memory_space<vmem>>
      %dma_start3A_241 = arith.constant 0 : i32
      %dma_start3A_242 = arith.constant 0 : i32
      %dma_start3A_243 = tpu.memref_slice %arg3[%dma_start3A_241, %dma_start3A_242] : memref<1000000x64xf32, #tpu.memory_space<hbm>> -> memref<1000000x64xf32, #tpu.memory_space<hbm>>
      tpu.enqueue_indirect_dma source(%dma_start3A_243 : memref<1000000x64xf32, #tpu.memory_space<hbm>>) target(%arg6 : memref<256x64xf32, #tpu.memory_space<vmem>>) offsets(%dma_start3A_240 : memref<256xi32, #tpu.memory_space<vmem>>) semaphore(%arg10 : memref<!tpu.dma_semaphore, #tpu.memory_space<semaphore_mem>>)
      %scan3A_244 = arith.constant 0 : i32
      %scan3A_245 = arith.constant 0 : i32
      %scan3A_246 = arith.constant 13 : i32
      %scan3A_247 = arith.addi %scan3A_245, %scan3A_246 : i32
      %scan3A_248 = arith.constant 1 : i32
      scf.for %scan3A_889 = %scan3A_245 to %scan3A_247 step %scan3A_248  : i32 {
        %mul3A_890 = arith.constant 2 : i32
        %mul3A_891 = arith.muli %mul3A_890, %scan3A_889 : i32
        %add3A_892 = arith.constant 0 : i32
        %add3A_893 = arith.addi %mul3A_891, %add3A_892 : i32
        %lt3A_894 = arith.constant 25 : i32
        %lt3A_895 = arith.cmpi slt, %add3A_893, %lt3A_894 : i32
        %convert_element_type3A = arith.extui %lt3A_895 : i1 to i32
        %cond3A = arith.constant 0 : i32
        %cond3A_896 = arith.cmpi ne, %convert_element_type3A, %cond3A : i32
        scf.if %cond3A_896 {
          %add3A_906 = arith.constant 1 : i32
          %add3A_907 = arith.addi %add3A_893, %add3A_906 : i32
          %lt3A_908 = arith.constant 25 : i32
          %lt3A_909 = arith.cmpi slt, %add3A_907, %lt3A_908 : i32
          %convert_element_type3A_910 = arith.extui %lt3A_909 : i1 to i32
          %cond3A_911 = arith.constant 0 : i32
          %cond3A_912 = arith.cmpi ne, %convert_element_type3A_910, %cond3A_911 : i32
          scf.if %cond3A_912 {
            %add3A_1295 = arith.constant 1 : i32
            %add3A_1296 = arith.addi %add3A_893, %add3A_1295 : i32
            %mul3A_1297 = arith.constant 2 : i32
            %mul3A_1298 = arith.muli %add3A_1296, %mul3A_1297 : i32
            %mul3A_1299 = arith.constant 128 : i32
            %mul3A_1300 = arith.muli %mul3A_1298, %mul3A_1299 : i32
            %dma_start3A_1301 = tpu.memref_slice %arg5[%mul3A_1300] : memref<6400xi32, #tpu.memory_space<vmem>> -> memref<256xi32, #tpu.memory_space<vmem>>
            %dma_start3A_1302 = arith.constant 0 : i32
            %dma_start3A_1303 = arith.constant 0 : i32
            %dma_start3A_1304 = tpu.memref_slice %arg3[%dma_start3A_1302, %dma_start3A_1303] : memref<1000000x64xf32, #tpu.memory_space<hbm>> -> memref<1000000x64xf32, #tpu.memory_space<hbm>>
            tpu.enqueue_indirect_dma source(%dma_start3A_1304 : memref<1000000x64xf32, #tpu.memory_space<hbm>>) target(%arg7 : memref<256x64xf32, #tpu.memory_space<vmem>>) offsets(%dma_start3A_1301 : memref<256xi32, #tpu.memory_space<vmem>>) semaphore(%arg11 : memref<!tpu.dma_semaphore, #tpu.memory_space<semaphore_mem>>)
          } else {
          }
          %ge3A = arith.constant 2 : i32
          %ge3A_913 = arith.cmpi sge, %add3A_893, %ge3A : i32
          %convert_element_type3A_914 = arith.extui %ge3A_913 : i1 to i32
          %cond3A_915 = arith.constant 0 : i32
          %cond3A_916 = arith.cmpi ne, %convert_element_type3A_914, %cond3A_915 : i32
          scf.if %cond3A_916 {
            %sub3A_1295 = arith.constant 2 : i32
            %sub3A_1296 = arith.subi %add3A_893, %sub3A_1295 : i32
            %mul3A_1297 = arith.constant 2 : i32
            %mul3A_1298 = arith.muli %sub3A_1296, %mul3A_1297 : i32
            %add3A_1299 = arith.constant 0 : i32
            %add3A_1300 = arith.addi %mul3A_1298, %add3A_1299 : i32
            %dma_wait3A_1301 = arith.constant 0 : i32
            %dma_wait3A_1302 = arith.constant 0 : i32
            %dma_wait3A_1303 = arith.constant 0 : i32
            %dma_wait3A_1304 = arith.constant 0 : i32
            %dma_wait3A_1305 = arith.constant 0 : i32
            %dma_wait3A_1306 = tpu.memref_slice %arg8[%dma_wait3A_1301, %dma_wait3A_1302, %dma_wait3A_1304, %dma_wait3A_1305] : memref<2x8x8x128xf32, #tpu.memory_space<vmem>> -> memref<1x1x8x128xf32, #tpu.memory_space<vmem>>
            %dma_wait3A_1307 = tpu.memref_squeeze %dma_wait3A_1306 : memref<1x1x8x128xf32, #tpu.memory_space<vmem>> -> memref<8x128xf32, #tpu.memory_space<vmem>>
            %dma_wait3A_1308 = arith.constant 0 : i32
            %dma_wait3A_1309 = arith.constant 0 : i32
            %dma_wait3A_1310 = tpu.memref_slice %arg4[%add3A_1300, %dma_wait3A_1303, %add3A_235, %dma_wait3A_1308, %dma_wait3A_1309] : memref<50x8x128x8x128xf32, #tpu.memory_space<hbm>> -> memref<1x1x1x8x128xf32, #tpu.memory_space<hbm>>
            %dma_wait3A_1311 = tpu.memref_squeeze %dma_wait3A_1310 : memref<1x1x1x8x128xf32, #tpu.memory_space<hbm>> -> memref<8x128xf32, #tpu.memory_space<hbm>>
            %dma_wait3A_1312 = arith.constant 0 : i32
            %dma_wait3A_1313 = arith.constant 0 : i32
            %dma_wait3A_1314 = tpu.memref_slice %arg4[%add3A_1300, %dma_wait3A_1303, %add3A_235, %dma_wait3A_1312, %dma_wait3A_1313] : memref<50x8x128x8x128xf32, #tpu.memory_space<hbm>> -> memref<1x1x1x8x128xf32, #tpu.memory_space<hbm>>
            %dma_wait3A_1315 = tpu.memref_squeeze %dma_wait3A_1314 : memref<1x1x1x8x128xf32, #tpu.memory_space<hbm>> -> memref<8x128xf32, #tpu.memory_space<hbm>>
            %dma_wait3A_1316 = arith.constant 0 : i32
            %dma_wait3A_1317 = arith.constant 0 : i32
            %dma_wait3A_1318 = tpu.memref_slice %arg8[%dma_wait3A_1301, %dma_wait3A_1302, %dma_wait3A_1316, %dma_wait3A_1317] : memref<2x8x8x128xf32, #tpu.memory_space<vmem>> -> memref<1x1x8x128xf32, #tpu.memory_space<vmem>>
            %dma_wait3A_1319 = tpu.memref_squeeze %dma_wait3A_1318 : memref<1x1x8x128xf32, #tpu.memory_space<vmem>> -> memref<8x128xf32, #tpu.memory_space<vmem>>
            tpu.wait_dma2 semaphore(%arg12 : memref<!tpu.dma_semaphore, #tpu.memory_space<semaphore_mem>>) src(%dma_wait3A_1319 : memref<8x128xf32, #tpu.memory_space<vmem>>) dst(%dma_wait3A_1315 : memref<8x128xf32, #tpu.memory_space<hbm>>)
            %mul3A_1320 = arith.constant 2 : i32
            %mul3A_1321 = arith.muli %sub3A_1296, %mul3A_1320 : i32
            %add3A_1322 = arith.constant 0 : i32
            %add3A_1323 = arith.addi %mul3A_1321, %add3A_1322 : i32
            %dma_wait3A_1324 = arith.constant 0 : i32
            %dma_wait3A_1325 = arith.constant 1 : i32
            %dma_wait3A_1326 = arith.constant 1 : i32
            %dma_wait3A_1327 = arith.constant 0 : i32
            %dma_wait3A_1328 = arith.constant 0 : i32
            %dma_wait3A_1329 = tpu.memref_slice %arg8[%dma_wait3A_1324, %dma_wait3A_1325, %dma_wait3A_1327, %dma_wait3A_1328] : memref<2x8x8x128xf32, #tpu.memory_space<vmem>> -> memref<1x1x8x128xf32, #tpu.memory_space<vmem>>
            %dma_wait3A_1330 = tpu.memref_squeeze %dma_wait3A_1329 : memref<1x1x8x128xf32, #tpu.memory_space<vmem>> -> memref<8x128xf32, #tpu.memory_space<vmem>>
            %dma_wait3A_1331 = arith.constant 0 : i32
            %dma_wait3A_1332 = arith.constant 0 : i32
            %dma_wait3A_1333 = tpu.memref_slice %arg4[%add3A_1323, %dma_wait3A_1326, %add3A_235, %dma_wait3A_1331, %dma_wait3A_1332] : memref<50x8x128x8x128xf32, #tpu.memory_space<hbm>> -> memref<1x1x1x8x128xf32, #tpu.memory_space<hbm>>
            %dma_wait3A_1334 = tpu.memref_squeeze %dma_wait3A_1333 : memref<1x1x1x8x128xf32, #tpu.memory_space<hbm>> -> memref<8x128xf32, #tpu.memory_space<hbm>>
            %dma_wait3A_1335 = arith.constant 0 : i32
            %dma_wait3A_1336 = arith.constant 0 : i32
            %dma_wait3A_1337 = tpu.memref_slice %arg4[%add3A_1323, %dma_wait3A_1326, %add3A_235, %dma_wait3A_1335, %dma_wait3A_1336] : memref<50x8x128x8x128xf32, #tpu.memory_space<hbm>> -> memref<1x1x1x8x128xf32, #tpu.memory_space<hbm>>
            %dma_wait3A_1338 = tpu.memref_squeeze %dma_wait3A_1337 : memref<1x1x1x8x128xf32, #tpu.memory_space<hbm>> -> memref<8x128xf32, #tpu.memory_space<hbm>>
            %dma_wait3A_1339 = arith.constant 0 : i32
            %dma_wait3A_1340 = arith.constant 0 : i32
            %dma_wait3A_1341 = tpu.memref_slice %arg8[%dma_wait3A_1324, %dma_wait3A_1325, %dma_wait3A_1339, %dma_wait3A_1340] : memref<2x8x8x128xf32, #tpu.memory_space<vmem>> -> memref<1x1x8x128xf32, #tpu.memory_space<vmem>>
            %dma_wait3A_1342 = tpu.memref_squeeze %dma_wait3A_1341 : memref<1x1x8x128xf32, #tpu.memory_space<vmem>> -> memref<8x128xf32, #tpu.memory_space<vmem>>
            tpu.wait_dma2 semaphore(%arg12 : memref<!tpu.dma_semaphore, #tpu.memory_space<semaphore_mem>>) src(%dma_wait3A_1342 : memref<8x128xf32, #tpu.memory_space<vmem>>) dst(%dma_wait3A_1338 : memref<8x128xf32, #tpu.memory_space<hbm>>)
            %mul3A_1343 = arith.constant 2 : i32
            %mul3A_1344 = arith.muli %sub3A_1296, %mul3A_1343 : i32
            %add3A_1345 = arith.constant 0 : i32
            %add3A_1346 = arith.addi %mul3A_1344, %add3A_1345 : i32
            %dma_wait3A_1347 = arith.constant 0 : i32
            %dma_wait3A_1348 = arith.constant 2 : i32
            %dma_wait3A_1349 = arith.constant 2 : i32
            %dma_wait3A_1350 = arith.constant 0 : i32
            %dma_wait3A_1351 = arith.constant 0 : i32
            %dma_wait3A_1352 = tpu.memref_slice %arg8[%dma_wait3A_1347, %dma_wait3A_1348, %dma_wait3A_1350, %dma_wait3A_1351] : memref<2x8x8x128xf32, #tpu.memory_space<vmem>> -> memref<1x1x8x128xf32, #tpu.memory_space<vmem>>
            %dma_wait3A_1353 = tpu.memref_squeeze %dma_wait3A_1352 : memref<1x1x8x128xf32, #tpu.memory_space<vmem>> -> memref<8x128xf32, #tpu.memory_space<vmem>>
            %dma_wait3A_1354 = arith.constant 0 : i32
            %dma_wait3A_1355 = arith.constant 0 : i32
            %dma_wait3A_1356 = tpu.memref_slice %arg4[%add3A_1346, %dma_wait3A_1349, %add3A_235, %dma_wait3A_1354, %dma_wait3A_1355] : memref<50x8x128x8x128xf32, #tpu.memory_space<hbm>> -> memref<1x1x1x8x128xf32, #tpu.memory_space<hbm>>
            %dma_wait3A_1357 = tpu.memref_squeeze %dma_wait3A_1356 : memref<1x1x1x8x128xf32, #tpu.memory_space<hbm>> -> memref<8x128xf32, #tpu.memory_space<hbm>>
            %dma_wait3A_1358 = arith.constant 0 : i32
            %dma_wait3A_1359 = arith.constant 0 : i32
            %dma_wait3A_1360 = tpu.memref_slice %arg4[%add3A_1346, %dma_wait3A_1349, %add3A_235, %dma_wait3A_1358, %dma_wait3A_1359] : memref<50x8x128x8x128xf32, #tpu.memory_space<hbm>> -> memref<1x1x1x8x128xf32, #tpu.memory_space<hbm>>
            %dma_wait3A_1361 = tpu.memref_squeeze %dma_wait3A_1360 : memref<1x1x1x8x128xf32, #tpu.memory_space<hbm>> -> memref<8x128xf32, #tpu.memory_space<hbm>>
            %dma_wait3A_1362 = arith.constant 0 : i32
            %dma_wait3A_1363 = arith.constant 0 : i32
            %dma_wait3A_1364 = tpu.memref_slice %arg8[%dma_wait3A_1347, %dma_wait3A_1348, %dma_wait3A_1362, %dma_wait3A_1363] : memref<2x8x8x128xf32, #tpu.memory_space<vmem>> -> memref<1x1x8x128xf32, #tpu.memory_space<vmem>>
            %dma_wait3A_1365 = tpu.memref_squeeze %dma_wait3A_1364 : memref<1x1x8x128xf32, #tpu.memory_space<vmem>> -> memref<8x128xf32, #tpu.memory_space<vmem>>
            tpu.wait_dma2 semaphore(%arg12 : memref<!tpu.dma_semaphore, #tpu.memory_space<semaphore_mem>>) src(%dma_wait3A_1365 : memref<8x128xf32, #tpu.memory_space<vmem>>) dst(%dma_wait3A_1361 : memref<8x128xf32, #tpu.memory_space<hbm>>)
            %mul3A_1366 = arith.constant 2 : i32
            %mul3A_1367 = arith.muli %sub3A_1296, %mul3A_1366 : i32
            %add3A_1368 = arith.constant 0 : i32
            %add3A_1369 = arith.addi %mul3A_1367, %add3A_1368 : i32
            %dma_wait3A_1370 = arith.constant 0 : i32
            %dma_wait3A_1371 = arith.constant 3 : i32
            %dma_wait3A_1372 = arith.constant 3 : i32
            %dma_wait3A_1373 = arith.constant 0 : i32
            %dma_wait3A_1374 = arith.constant 0 : i32
            %dma_wait3A_1375 = tpu.memref_slice %arg8[%dma_wait3A_1370, %dma_wait3A_1371, %dma_wait3A_1373, %dma_wait3A_1374] : memref<2x8x8x128xf32, #tpu.memory_space<vmem>> -> memref<1x1x8x128xf32, #tpu.memory_space<vmem>>
            %dma_wait3A_1376 = tpu.memref_squeeze %dma_wait3A_1375 : memref<1x1x8x128xf32, #tpu.memory_space<vmem>> -> memref<8x128xf32, #tpu.memory_space<vmem>>
            %dma_wait3A_1377 = arith.constant 0 : i32
            %dma_wait3A_1378 = arith.constant 0 : i32
            %dma_wait3A_1379 = tpu.memref_slice %arg4[%add3A_1369, %dma_wait3A_1372, %add3A_235, %dma_wait3A_1377, %dma_wait3A_1378] : memref<50x8x128x8x128xf32, #tpu.memory_space<hbm>> -> memref<1x1x1x8x128xf32, #tpu.memory_space<hbm>>
            %dma_wait3A_1380 = tpu.memref_squeeze %dma_wait3A_1379 : memref<1x1x1x8x128xf32, #tpu.memory_space<hbm>> -> memref<8x128xf32, #tpu.memory_space<hbm>>
            %dma_wait3A_1381 = arith.constant 0 : i32
            %dma_wait3A_1382 = arith.constant 0 : i32
            %dma_wait3A_1383 = tpu.memref_slice %arg4[%add3A_1369, %dma_wait3A_1372, %add3A_235, %dma_wait3A_1381, %dma_wait3A_1382] : memref<50x8x128x8x128xf32, #tpu.memory_space<hbm>> -> memref<1x1x1x8x128xf32, #tpu.memory_space<hbm>>
            %dma_wait3A_1384 = tpu.memref_squeeze %dma_wait3A_1383 : memref<1x1x1x8x128xf32, #tpu.memory_space<hbm>> -> memref<8x128xf32, #tpu.memory_space<hbm>>
            %dma_wait3A_1385 = arith.constant 0 : i32
            %dma_wait3A_1386 = arith.constant 0 : i32
            %dma_wait3A_1387 = tpu.memref_slice %arg8[%dma_wait3A_1370, %dma_wait3A_1371, %dma_wait3A_1385, %dma_wait3A_1386] : memref<2x8x8x128xf32, #tpu.memory_space<vmem>> -> memref<1x1x8x128xf32, #tpu.memory_space<vmem>>
            %dma_wait3A_1388 = tpu.memref_squeeze %dma_wait3A_1387 : memref<1x1x8x128xf32, #tpu.memory_space<vmem>> -> memref<8x128xf32, #tpu.memory_space<vmem>>
            tpu.wait_dma2 semaphore(%arg12 : memref<!tpu.dma_semaphore, #tpu.memory_space<semaphore_mem>>) src(%dma_wait3A_1388 : memref<8x128xf32, #tpu.memory_space<vmem>>) dst(%dma_wait3A_1384 : memref<8x128xf32, #tpu.memory_space<hbm>>)
            %mul3A_1389 = arith.constant 2 : i32
            %mul3A_1390 = arith.muli %sub3A_1296, %mul3A_1389 : i32
            %add3A_1391 = arith.constant 0 : i32
            %add3A_1392 = arith.addi %mul3A_1390, %add3A_1391 : i32
            %dma_wait3A_1393 = arith.constant 0 : i32
            %dma_wait3A_1394 = arith.constant 4 : i32
            %dma_wait3A_1395 = arith.constant 4 : i32
            %dma_wait3A_1396 = arith.constant 0 : i32
            %dma_wait3A_1397 = arith.constant 0 : i32
            %dma_wait3A_1398 = tpu.memref_slice %arg8[%dma_wait3A_1393, %dma_wait3A_1394, %dma_wait3A_1396, %dma_wait3A_1397] : memref<2x8x8x128xf32, #tpu.memory_space<vmem>> -> memref<1x1x8x128xf32, #tpu.memory_space<vmem>>
            %dma_wait3A_1399 = tpu.memref_squeeze %dma_wait3A_1398 : memref<1x1x8x128xf32, #tpu.memory_space<vmem>> -> memref<8x128xf32, #tpu.memory_space<vmem>>
            %dma_wait3A_1400 = arith.constant 0 : i32
            %dma_wait3A_1401 = arith.constant 0 : i32
            %dma_wait3A_1402 = tpu.memref_slice %arg4[%add3A_1392, %dma_wait3A_1395, %add3A_235, %dma_wait3A_1400, %dma_wait3A_1401] : memref<50x8x128x8x128xf32, #tpu.memory_space<hbm>> -> memref<1x1x1x8x128xf32, #tpu.memory_space<hbm>>
            %dma_wait3A_1403 = tpu.memref_squeeze %dma_wait3A_1402 : memref<1x1x1x8x128xf32, #tpu.memory_space<hbm>> -> memref<8x128xf32, #tpu.memory_space<hbm>>
            %dma_wait3A_1404 = arith.constant 0 : i32
            %dma_wait3A_1405 = arith.constant 0 : i32
            %dma_wait3A_1406 = tpu.memref_slice %arg4[%add3A_1392, %dma_wait3A_1395, %add3A_235, %dma_wait3A_1404, %dma_wait3A_1405] : memref<50x8x128x8x128xf32, #tpu.memory_space<hbm>> -> memref<1x1x1x8x128xf32, #tpu.memory_space<hbm>>
            %dma_wait3A_1407 = tpu.memref_squeeze %dma_wait3A_1406 : memref<1x1x1x8x128xf32, #tpu.memory_space<hbm>> -> memref<8x128xf32, #tpu.memory_space<hbm>>
            %dma_wait3A_1408 = arith.constant 0 : i32
            %dma_wait3A_1409 = arith.constant 0 : i32
            %dma_wait3A_1410 = tpu.memref_slice %arg8[%dma_wait3A_1393, %dma_wait3A_1394, %dma_wait3A_1408, %dma_wait3A_1409] : memref<2x8x8x128xf32, #tpu.memory_space<vmem>> -> memref<1x1x8x128xf32, #tpu.memory_space<vmem>>
            %dma_wait3A_1411 = tpu.memref_squeeze %dma_wait3A_1410 : memref<1x1x8x128xf32, #tpu.memory_space<vmem>> -> memref<8x128xf32, #tpu.memory_space<vmem>>
            tpu.wait_dma2 semaphore(%arg12 : memref<!tpu.dma_semaphore, #tpu.memory_space<semaphore_mem>>) src(%dma_wait3A_1411 : memref<8x128xf32, #tpu.memory_space<vmem>>) dst(%dma_wait3A_1407 : memref<8x128xf32, #tpu.memory_space<hbm>>)
            %mul3A_1412 = arith.constant 2 : i32
            %mul3A_1413 = arith.muli %sub3A_1296, %mul3A_1412 : i32
            %add3A_1414 = arith.constant 0 : i32
            %add3A_1415 = arith.addi %mul3A_1413, %add3A_1414 : i32
            %dma_wait3A_1416 = arith.constant 0 : i32
            %dma_wait3A_1417 = arith.constant 5 : i32
            %dma_wait3A_1418 = arith.constant 5 : i32
            %dma_wait3A_1419 = arith.constant 0 : i32
            %dma_wait3A_1420 = arith.constant 0 : i32
            %dma_wait3A_1421 = tpu.memref_slice %arg8[%dma_wait3A_1416, %dma_wait3A_1417, %dma_wait3A_1419, %dma_wait3A_1420] : memref<2x8x8x128xf32, #tpu.memory_space<vmem>> -> memref<1x1x8x128xf32, #tpu.memory_space<vmem>>
            %dma_wait3A_1422 = tpu.memref_squeeze %dma_wait3A_1421 : memref<1x1x8x128xf32, #tpu.memory_space<vmem>> -> memref<8x128xf32, #tpu.memory_space<vmem>>
            %dma_wait3A_1423 = arith.constant 0 : i32
            %dma_wait3A_1424 = arith.constant 0 : i32
            %dma_wait3A_1425 = tpu.memref_slice %arg4[%add3A_1415, %dma_wait3A_1418, %add3A_235, %dma_wait3A_1423, %dma_wait3A_1424] : memref<50x8x128x8x128xf32, #tpu.memory_space<hbm>> -> memref<1x1x1x8x128xf32, #tpu.memory_space<hbm>>
            %dma_wait3A_1426 = tpu.memref_squeeze %dma_wait3A_1425 : memref<1x1x1x8x128xf32, #tpu.memory_space<hbm>> -> memref<8x128xf32, #tpu.memory_space<hbm>>
            %dma_wait3A_1427 = arith.constant 0 : i32
            %dma_wait3A_1428 = arith.constant 0 : i32
            %dma_wait3A_1429 = tpu.memref_slice %arg4[%add3A_1415, %dma_wait3A_1418, %add3A_235, %dma_wait3A_1427, %dma_wait3A_1428] : memref<50x8x128x8x128xf32, #tpu.memory_space<hbm>> -> memref<1x1x1x8x128xf32, #tpu.memory_space<hbm>>
            %dma_wait3A_1430 = tpu.memref_squeeze %dma_wait3A_1429 : memref<1x1x1x8x128xf32, #tpu.memory_space<hbm>> -> memref<8x128xf32, #tpu.memory_space<hbm>>
            %dma_wait3A_1431 = arith.constant 0 : i32
            %dma_wait3A_1432 = arith.constant 0 : i32
            %dma_wait3A_1433 = tpu.memref_slice %arg8[%dma_wait3A_1416, %dma_wait3A_1417, %dma_wait3A_1431, %dma_wait3A_1432] : memref<2x8x8x128xf32, #tpu.memory_space<vmem>> -> memref<1x1x8x128xf32, #tpu.memory_space<vmem>>
            %dma_wait3A_1434 = tpu.memref_squeeze %dma_wait3A_1433 : memref<1x1x8x128xf32, #tpu.memory_space<vmem>> -> memref<8x128xf32, #tpu.memory_space<vmem>>
            tpu.wait_dma2 semaphore(%arg12 : memref<!tpu.dma_semaphore, #tpu.memory_space<semaphore_mem>>) src(%dma_wait3A_1434 : memref<8x128xf32, #tpu.memory_space<vmem>>) dst(%dma_wait3A_1430 : memref<8x128xf32, #tpu.memory_space<hbm>>)
            %mul3A_1435 = arith.constant 2 : i32
            %mul3A_1436 = arith.muli %sub3A_1296, %mul3A_1435 : i32
            %add3A_1437 = arith.constant 0 : i32
            %add3A_1438 = arith.addi %mul3A_1436, %add3A_1437 : i32
            %dma_wait3A_1439 = arith.constant 0 : i32
            %dma_wait3A_1440 = arith.constant 6 : i32
            %dma_wait3A_1441 = arith.constant 6 : i32
            %dma_wait3A_1442 = arith.constant 0 : i32
            %dma_wait3A_1443 = arith.constant 0 : i32
            %dma_wait3A_1444 = tpu.memref_slice %arg8[%dma_wait3A_1439, %dma_wait3A_1440, %dma_wait3A_1442, %dma_wait3A_1443] : memref<2x8x8x128xf32, #tpu.memory_space<vmem>> -> memref<1x1x8x128xf32, #tpu.memory_space<vmem>>
            %dma_wait3A_1445 = tpu.memref_squeeze %dma_wait3A_1444 : memref<1x1x8x128xf32, #tpu.memory_space<vmem>> -> memref<8x128xf32, #tpu.memory_space<vmem>>
            %dma_wait3A_1446 = arith.constant 0 : i32
            %dma_wait3A_1447 = arith.constant 0 : i32
            %dma_wait3A_1448 = tpu.memref_slice %arg4[%add3A_1438, %dma_wait3A_1441, %add3A_235, %dma_wait3A_1446, %dma_wait3A_1447] : memref<50x8x128x8x128xf32, #tpu.memory_space<hbm>> -> memref<1x1x1x8x128xf32, #tpu.memory_space<hbm>>
            %dma_wait3A_1449 = tpu.memref_squeeze %dma_wait3A_1448 : memref<1x1x1x8x128xf32, #tpu.memory_space<hbm>> -> memref<8x128xf32, #tpu.memory_space<hbm>>
            %dma_wait3A_1450 = arith.constant 0 : i32
            %dma_wait3A_1451 = arith.constant 0 : i32
            %dma_wait3A_1452 = tpu.memref_slice %arg4[%add3A_1438, %dma_wait3A_1441, %add3A_235, %dma_wait3A_1450, %dma_wait3A_1451] : memref<50x8x128x8x128xf32, #tpu.memory_space<hbm>> -> memref<1x1x1x8x128xf32, #tpu.memory_space<hbm>>
            %dma_wait3A_1453 = tpu.memref_squeeze %dma_wait3A_1452 : memref<1x1x1x8x128xf32, #tpu.memory_space<hbm>> -> memref<8x128xf32, #tpu.memory_space<hbm>>
            %dma_wait3A_1454 = arith.constant 0 : i32
            %dma_wait3A_1455 = arith.constant 0 : i32
            %dma_wait3A_1456 = tpu.memref_slice %arg8[%dma_wait3A_1439, %dma_wait3A_1440, %dma_wait3A_1454, %dma_wait3A_1455] : memref<2x8x8x128xf32, #tpu.memory_space<vmem>> -> memref<1x1x8x128xf32, #tpu.memory_space<vmem>>
            %dma_wait3A_1457 = tpu.memref_squeeze %dma_wait3A_1456 : memref<1x1x8x128xf32, #tpu.memory_space<vmem>> -> memref<8x128xf32, #tpu.memory_space<vmem>>
            tpu.wait_dma2 semaphore(%arg12 : memref<!tpu.dma_semaphore, #tpu.memory_space<semaphore_mem>>) src(%dma_wait3A_1457 : memref<8x128xf32, #tpu.memory_space<vmem>>) dst(%dma_wait3A_1453 : memref<8x128xf32, #tpu.memory_space<hbm>>)
            %mul3A_1458 = arith.constant 2 : i32
            %mul3A_1459 = arith.muli %sub3A_1296, %mul3A_1458 : i32
            %add3A_1460 = arith.constant 0 : i32
            %add3A_1461 = arith.addi %mul3A_1459, %add3A_1460 : i32
            %dma_wait3A_1462 = arith.constant 0 : i32
            %dma_wait3A_1463 = arith.constant 7 : i32
            %dma_wait3A_1464 = arith.constant 7 : i32
            %dma_wait3A_1465 = arith.constant 0 : i32
            %dma_wait3A_1466 = arith.constant 0 : i32
            %dma_wait3A_1467 = tpu.memref_slice %arg8[%dma_wait3A_1462, %dma_wait3A_1463, %dma_wait3A_1465, %dma_wait3A_1466] : memref<2x8x8x128xf32, #tpu.memory_space<vmem>> -> memref<1x1x8x128xf32, #tpu.memory_space<vmem>>
            %dma_wait3A_1468 = tpu.memref_squeeze %dma_wait3A_1467 : memref<1x1x8x128xf32, #tpu.memory_space<vmem>> -> memref<8x128xf32, #tpu.memory_space<vmem>>
            %dma_wait3A_1469 = arith.constant 0 : i32
            %dma_wait3A_1470 = arith.constant 0 : i32
            %dma_wait3A_1471 = tpu.memref_slice %arg4[%add3A_1461, %dma_wait3A_1464, %add3A_235, %dma_wait3A_1469, %dma_wait3A_1470] : memref<50x8x128x8x128xf32, #tpu.memory_space<hbm>> -> memref<1x1x1x8x128xf32, #tpu.memory_space<hbm>>
            %dma_wait3A_1472 = tpu.memref_squeeze %dma_wait3A_1471 : memref<1x1x1x8x128xf32, #tpu.memory_space<hbm>> -> memref<8x128xf32, #tpu.memory_space<hbm>>
            %dma_wait3A_1473 = arith.constant 0 : i32
            %dma_wait3A_1474 = arith.constant 0 : i32
            %dma_wait3A_1475 = tpu.memref_slice %arg4[%add3A_1461, %dma_wait3A_1464, %add3A_235, %dma_wait3A_1473, %dma_wait3A_1474] : memref<50x8x128x8x128xf32, #tpu.memory_space<hbm>> -> memref<1x1x1x8x128xf32, #tpu.memory_space<hbm>>
            %dma_wait3A_1476 = tpu.memref_squeeze %dma_wait3A_1475 : memref<1x1x1x8x128xf32, #tpu.memory_space<hbm>> -> memref<8x128xf32, #tpu.memory_space<hbm>>
            %dma_wait3A_1477 = arith.constant 0 : i32
            %dma_wait3A_1478 = arith.constant 0 : i32
            %dma_wait3A_1479 = tpu.memref_slice %arg8[%dma_wait3A_1462, %dma_wait3A_1463, %dma_wait3A_1477, %dma_wait3A_1478] : memref<2x8x8x128xf32, #tpu.memory_space<vmem>> -> memref<1x1x8x128xf32, #tpu.memory_space<vmem>>
            %dma_wait3A_1480 = tpu.memref_squeeze %dma_wait3A_1479 : memref<1x1x8x128xf32, #tpu.memory_space<vmem>> -> memref<8x128xf32, #tpu.memory_space<vmem>>
            tpu.wait_dma2 semaphore(%arg12 : memref<!tpu.dma_semaphore, #tpu.memory_space<semaphore_mem>>) src(%dma_wait3A_1480 : memref<8x128xf32, #tpu.memory_space<vmem>>) dst(%dma_wait3A_1476 : memref<8x128xf32, #tpu.memory_space<hbm>>)
            %mul3A_1481 = arith.constant 2 : i32
            %mul3A_1482 = arith.muli %sub3A_1296, %mul3A_1481 : i32
            %add3A_1483 = arith.constant 1 : i32
            %add3A_1484 = arith.addi %mul3A_1482, %add3A_1483 : i32
            %dma_wait3A_1485 = arith.constant 1 : i32
            %dma_wait3A_1486 = arith.constant 0 : i32
            %dma_wait3A_1487 = arith.constant 0 : i32
            %dma_wait3A_1488 = arith.constant 0 : i32
            %dma_wait3A_1489 = arith.constant 0 : i32
            %dma_wait3A_1490 = tpu.memref_slice %arg8[%dma_wait3A_1485, %dma_wait3A_1486, %dma_wait3A_1488, %dma_wait3A_1489] : memref<2x8x8x128xf32, #tpu.memory_space<vmem>> -> memref<1x1x8x128xf32, #tpu.memory_space<vmem>>
            %dma_wait3A_1491 = tpu.memref_squeeze %dma_wait3A_1490 : memref<1x1x8x128xf32, #tpu.memory_space<vmem>> -> memref<8x128xf32, #tpu.memory_space<vmem>>
            %dma_wait3A_1492 = arith.constant 0 : i32
            %dma_wait3A_1493 = arith.constant 0 : i32
            %dma_wait3A_1494 = tpu.memref_slice %arg4[%add3A_1484, %dma_wait3A_1487, %add3A_235, %dma_wait3A_1492, %dma_wait3A_1493] : memref<50x8x128x8x128xf32, #tpu.memory_space<hbm>> -> memref<1x1x1x8x128xf32, #tpu.memory_space<hbm>>
            %dma_wait3A_1495 = tpu.memref_squeeze %dma_wait3A_1494 : memref<1x1x1x8x128xf32, #tpu.memory_space<hbm>> -> memref<8x128xf32, #tpu.memory_space<hbm>>
            %dma_wait3A_1496 = arith.constant 0 : i32
            %dma_wait3A_1497 = arith.constant 0 : i32
            %dma_wait3A_1498 = tpu.memref_slice %arg4[%add3A_1484, %dma_wait3A_1487, %add3A_235, %dma_wait3A_1496, %dma_wait3A_1497] : memref<50x8x128x8x128xf32, #tpu.memory_space<hbm>> -> memref<1x1x1x8x128xf32, #tpu.memory_space<hbm>>
            %dma_wait3A_1499 = tpu.memref_squeeze %dma_wait3A_1498 : memref<1x1x1x8x128xf32, #tpu.memory_space<hbm>> -> memref<8x128xf32, #tpu.memory_space<hbm>>
            %dma_wait3A_1500 = arith.constant 0 : i32
            %dma_wait3A_1501 = arith.constant 0 : i32
            %dma_wait3A_1502 = tpu.memref_slice %arg8[%dma_wait3A_1485, %dma_wait3A_1486, %dma_wait3A_1500, %dma_wait3A_1501] : memref<2x8x8x128xf32, #tpu.memory_space<vmem>> -> memref<1x1x8x128xf32, #tpu.memory_space<vmem>>
            %dma_wait3A_1503 = tpu.memref_squeeze %dma_wait3A_1502 : memref<1x1x8x128xf32, #tpu.memory_space<vmem>> -> memref<8x128xf32, #tpu.memory_space<vmem>>
            tpu.wait_dma2 semaphore(%arg12 : memref<!tpu.dma_semaphore, #tpu.memory_space<semaphore_mem>>) src(%dma_wait3A_1503 : memref<8x128xf32, #tpu.memory_space<vmem>>) dst(%dma_wait3A_1499 : memref<8x128xf32, #tpu.memory_space<hbm>>)
            %mul3A_1504 = arith.constant 2 : i32
            %mul3A_1505 = arith.muli %sub3A_1296, %mul3A_1504 : i32
            %add3A_1506 = arith.constant 1 : i32
            %add3A_1507 = arith.addi %mul3A_1505, %add3A_1506 : i32
            %dma_wait3A_1508 = arith.constant 1 : i32
            %dma_wait3A_1509 = arith.constant 1 : i32
            %dma_wait3A_1510 = arith.constant 1 : i32
            %dma_wait3A_1511 = arith.constant 0 : i32
            %dma_wait3A_1512 = arith.constant 0 : i32
            %dma_wait3A_1513 = tpu.memref_slice %arg8[%dma_wait3A_1508, %dma_wait3A_1509, %dma_wait3A_1511, %dma_wait3A_1512] : memref<2x8x8x128xf32, #tpu.memory_space<vmem>> -> memref<1x1x8x128xf32, #tpu.memory_space<vmem>>
            %dma_wait3A_1514 = tpu.memref_squeeze %dma_wait3A_1513 : memref<1x1x8x128xf32, #tpu.memory_space<vmem>> -> memref<8x128xf32, #tpu.memory_space<vmem>>
            %dma_wait3A_1515 = arith.constant 0 : i32
            %dma_wait3A_1516 = arith.constant 0 : i32
            %dma_wait3A_1517 = tpu.memref_slice %arg4[%add3A_1507, %dma_wait3A_1510, %add3A_235, %dma_wait3A_1515, %dma_wait3A_1516] : memref<50x8x128x8x128xf32, #tpu.memory_space<hbm>> -> memref<1x1x1x8x128xf32, #tpu.memory_space<hbm>>
            %dma_wait3A_1518 = tpu.memref_squeeze %dma_wait3A_1517 : memref<1x1x1x8x128xf32, #tpu.memory_space<hbm>> -> memref<8x128xf32, #tpu.memory_space<hbm>>
            %dma_wait3A_1519 = arith.constant 0 : i32
            %dma_wait3A_1520 = arith.constant 0 : i32
            %dma_wait3A_1521 = tpu.memref_slice %arg4[%add3A_1507, %dma_wait3A_1510, %add3A_235, %dma_wait3A_1519, %dma_wait3A_1520] : memref<50x8x128x8x128xf32, #tpu.memory_space<hbm>> -> memref<1x1x1x8x128xf32, #tpu.memory_space<hbm>>
            %dma_wait3A_1522 = tpu.memref_squeeze %dma_wait3A_1521 : memref<1x1x1x8x128xf32, #tpu.memory_space<hbm>> -> memref<8x128xf32, #tpu.memory_space<hbm>>
            %dma_wait3A_1523 = arith.constant 0 : i32
            %dma_wait3A_1524 = arith.constant 0 : i32
            %dma_wait3A_1525 = tpu.memref_slice %arg8[%dma_wait3A_1508, %dma_wait3A_1509, %dma_wait3A_1523, %dma_wait3A_1524] : memref<2x8x8x128xf32, #tpu.memory_space<vmem>> -> memref<1x1x8x128xf32, #tpu.memory_space<vmem>>
            %dma_wait3A_1526 = tpu.memref_squeeze %dma_wait3A_1525 : memref<1x1x8x128xf32, #tpu.memory_space<vmem>> -> memref<8x128xf32, #tpu.memory_space<vmem>>
            tpu.wait_dma2 semaphore(%arg12 : memref<!tpu.dma_semaphore, #tpu.memory_space<semaphore_mem>>) src(%dma_wait3A_1526 : memref<8x128xf32, #tpu.memory_space<vmem>>) dst(%dma_wait3A_1522 : memref<8x128xf32, #tpu.memory_space<hbm>>)
            %mul3A_1527 = arith.constant 2 : i32
            %mul3A_1528 = arith.muli %sub3A_1296, %mul3A_1527 : i32
            %add3A_1529 = arith.constant 1 : i32
            %add3A_1530 = arith.addi %mul3A_1528, %add3A_1529 : i32
            %dma_wait3A_1531 = arith.constant 1 : i32
            %dma_wait3A_1532 = arith.constant 2 : i32
            %dma_wait3A_1533 = arith.constant 2 : i32
            %dma_wait3A_1534 = arith.constant 0 : i32
            %dma_wait3A_1535 = arith.constant 0 : i32
            %dma_wait3A_1536 = tpu.memref_slice %arg8[%dma_wait3A_1531, %dma_wait3A_1532, %dma_wait3A_1534, %dma_wait3A_1535] : memref<2x8x8x128xf32, #tpu.memory_space<vmem>> -> memref<1x1x8x128xf32, #tpu.memory_space<vmem>>
            %dma_wait3A_1537 = tpu.memref_squeeze %dma_wait3A_1536 : memref<1x1x8x128xf32, #tpu.memory_space<vmem>> -> memref<8x128xf32, #tpu.memory_space<vmem>>
            %dma_wait3A_1538 = arith.constant 0 : i32
            %dma_wait3A_1539 = arith.constant 0 : i32
            %dma_wait3A_1540 = tpu.memref_slice %arg4[%add3A_1530, %dma_wait3A_1533, %add3A_235, %dma_wait3A_1538, %dma_wait3A_1539] : memref<50x8x128x8x128xf32, #tpu.memory_space<hbm>> -> memref<1x1x1x8x128xf32, #tpu.memory_space<hbm>>
            %dma_wait3A_1541 = tpu.memref_squeeze %dma_wait3A_1540 : memref<1x1x1x8x128xf32, #tpu.memory_space<hbm>> -> memref<8x128xf32, #tpu.memory_space<hbm>>
            %dma_wait3A_1542 = arith.constant 0 : i32
            %dma_wait3A_1543 = arith.constant 0 : i32
            %dma_wait3A_1544 = tpu.memref_slice %arg4[%add3A_1530, %dma_wait3A_1533, %add3A_235, %dma_wait3A_1542, %dma_wait3A_1543] : memref<50x8x128x8x128xf32, #tpu.memory_space<hbm>> -> memref<1x1x1x8x128xf32, #tpu.memory_space<hbm>>
            %dma_wait3A_1545 = tpu.memref_squeeze %dma_wait3A_1544 : memref<1x1x1x8x128xf32, #tpu.memory_space<hbm>> -> memref<8x128xf32, #tpu.memory_space<hbm>>
            %dma_wait3A_1546 = arith.constant 0 : i32
            %dma_wait3A_1547 = arith.constant 0 : i32
            %dma_wait3A_1548 = tpu.memref_slice %arg8[%dma_wait3A_1531, %dma_wait3A_1532, %dma_wait3A_1546, %dma_wait3A_1547] : memref<2x8x8x128xf32, #tpu.memory_space<vmem>> -> memref<1x1x8x128xf32, #tpu.memory_space<vmem>>
            %dma_wait3A_1549 = tpu.memref_squeeze %dma_wait3A_1548 : memref<1x1x8x128xf32, #tpu.memory_space<vmem>> -> memref<8x128xf32, #tpu.memory_space<vmem>>
            tpu.wait_dma2 semaphore(%arg12 : memref<!tpu.dma_semaphore, #tpu.memory_space<semaphore_mem>>) src(%dma_wait3A_1549 : memref<8x128xf32, #tpu.memory_space<vmem>>) dst(%dma_wait3A_1545 : memref<8x128xf32, #tpu.memory_space<hbm>>)
            %mul3A_1550 = arith.constant 2 : i32
            %mul3A_1551 = arith.muli %sub3A_1296, %mul3A_1550 : i32
            %add3A_1552 = arith.constant 1 : i32
            %add3A_1553 = arith.addi %mul3A_1551, %add3A_1552 : i32
            %dma_wait3A_1554 = arith.constant 1 : i32
            %dma_wait3A_1555 = arith.constant 3 : i32
            %dma_wait3A_1556 = arith.constant 3 : i32
            %dma_wait3A_1557 = arith.constant 0 : i32
            %dma_wait3A_1558 = arith.constant 0 : i32
            %dma_wait3A_1559 = tpu.memref_slice %arg8[%dma_wait3A_1554, %dma_wait3A_1555, %dma_wait3A_1557, %dma_wait3A_1558] : memref<2x8x8x128xf32, #tpu.memory_space<vmem>> -> memref<1x1x8x128xf32, #tpu.memory_space<vmem>>
            %dma_wait3A_1560 = tpu.memref_squeeze %dma_wait3A_1559 : memref<1x1x8x128xf32, #tpu.memory_space<vmem>> -> memref<8x128xf32, #tpu.memory_space<vmem>>
            %dma_wait3A_1561 = arith.constant 0 : i32
            %dma_wait3A_1562 = arith.constant 0 : i32
            %dma_wait3A_1563 = tpu.memref_slice %arg4[%add3A_1553, %dma_wait3A_1556, %add3A_235, %dma_wait3A_1561, %dma_wait3A_1562] : memref<50x8x128x8x128xf32, #tpu.memory_space<hbm>> -> memref<1x1x1x8x128xf32, #tpu.memory_space<hbm>>
            %dma_wait3A_1564 = tpu.memref_squeeze %dma_wait3A_1563 : memref<1x1x1x8x128xf32, #tpu.memory_space<hbm>> -> memref<8x128xf32, #tpu.memory_space<hbm>>
            %dma_wait3A_1565 = arith.constant 0 : i32
            %dma_wait3A_1566 = arith.constant 0 : i32
            %dma_wait3A_1567 = tpu.memref_slice %arg4[%add3A_1553, %dma_wait3A_1556, %add3A_235, %dma_wait3A_1565, %dma_wait3A_1566] : memref<50x8x128x8x128xf32, #tpu.memory_space<hbm>> -> memref<1x1x1x8x128xf32, #tpu.memory_space<hbm>>
            %dma_wait3A_1568 = tpu.memref_squeeze %dma_wait3A_1567 : memref<1x1x1x8x128xf32, #tpu.memory_space<hbm>> -> memref<8x128xf32, #tpu.memory_space<hbm>>
            %dma_wait3A_1569 = arith.constant 0 : i32
            %dma_wait3A_1570 = arith.constant 0 : i32
            %dma_wait3A_1571 = tpu.memref_slice %arg8[%dma_wait3A_1554, %dma_wait3A_1555, %dma_wait3A_1569, %dma_wait3A_1570] : memref<2x8x8x128xf32, #tpu.memory_space<vmem>> -> memref<1x1x8x128xf32, #tpu.memory_space<vmem>>
            %dma_wait3A_1572 = tpu.memref_squeeze %dma_wait3A_1571 : memref<1x1x8x128xf32, #tpu.memory_space<vmem>> -> memref<8x128xf32, #tpu.memory_space<vmem>>
            tpu.wait_dma2 semaphore(%arg12 : memref<!tpu.dma_semaphore, #tpu.memory_space<semaphore_mem>>) src(%dma_wait3A_1572 : memref<8x128xf32, #tpu.memory_space<vmem>>) dst(%dma_wait3A_1568 : memref<8x128xf32, #tpu.memory_space<hbm>>)
            %mul3A_1573 = arith.constant 2 : i32
            %mul3A_1574 = arith.muli %sub3A_1296, %mul3A_1573 : i32
            %add3A_1575 = arith.constant 1 : i32
            %add3A_1576 = arith.addi %mul3A_1574, %add3A_1575 : i32
            %dma_wait3A_1577 = arith.constant 1 : i32
            %dma_wait3A_1578 = arith.constant 4 : i32
            %dma_wait3A_1579 = arith.constant 4 : i32
            %dma_wait3A_1580 = arith.constant 0 : i32
            %dma_wait3A_1581 = arith.constant 0 : i32
            %dma_wait3A_1582 = tpu.memref_slice %arg8[%dma_wait3A_1577, %dma_wait3A_1578, %dma_wait3A_1580, %dma_wait3A_1581] : memref<2x8x8x128xf32, #tpu.memory_space<vmem>> -> memref<1x1x8x128xf32, #tpu.memory_space<vmem>>
            %dma_wait3A_1583 = tpu.memref_squeeze %dma_wait3A_1582 : memref<1x1x8x128xf32, #tpu.memory_space<vmem>> -> memref<8x128xf32, #tpu.memory_space<vmem>>
            %dma_wait3A_1584 = arith.constant 0 : i32
            %dma_wait3A_1585 = arith.constant 0 : i32
            %dma_wait3A_1586 = tpu.memref_slice %arg4[%add3A_1576, %dma_wait3A_1579, %add3A_235, %dma_wait3A_1584, %dma_wait3A_1585] : memref<50x8x128x8x128xf32, #tpu.memory_space<hbm>> -> memref<1x1x1x8x128xf32, #tpu.memory_space<hbm>>
            %dma_wait3A_1587 = tpu.memref_squeeze %dma_wait3A_1586 : memref<1x1x1x8x128xf32, #tpu.memory_space<hbm>> -> memref<8x128xf32, #tpu.memory_space<hbm>>
            %dma_wait3A_1588 = arith.constant 0 : i32
            %dma_wait3A_1589 = arith.constant 0 : i32
            %dma_wait3A_1590 = tpu.memref_slice %arg4[%add3A_1576, %dma_wait3A_1579, %add3A_235, %dma_wait3A_1588, %dma_wait3A_1589] : memref<50x8x128x8x128xf32, #tpu.memory_space<hbm>> -> memref<1x1x1x8x128xf32, #tpu.memory_space<hbm>>
            %dma_wait3A_1591 = tpu.memref_squeeze %dma_wait3A_1590 : memref<1x1x1x8x128xf32, #tpu.memory_space<hbm>> -> memref<8x128xf32, #tpu.memory_space<hbm>>
            %dma_wait3A_1592 = arith.constant 0 : i32
            %dma_wait3A_1593 = arith.constant 0 : i32
            %dma_wait3A_1594 = tpu.memref_slice %arg8[%dma_wait3A_1577, %dma_wait3A_1578, %dma_wait3A_1592, %dma_wait3A_1593] : memref<2x8x8x128xf32, #tpu.memory_space<vmem>> -> memref<1x1x8x128xf32, #tpu.memory_space<vmem>>
            %dma_wait3A_1595 = tpu.memref_squeeze %dma_wait3A_1594 : memref<1x1x8x128xf32, #tpu.memory_space<vmem>> -> memref<8x128xf32, #tpu.memory_space<vmem>>
            tpu.wait_dma2 semaphore(%arg12 : memref<!tpu.dma_semaphore, #tpu.memory_space<semaphore_mem>>) src(%dma_wait3A_1595 : memref<8x128xf32, #tpu.memory_space<vmem>>) dst(%dma_wait3A_1591 : memref<8x128xf32, #tpu.memory_space<hbm>>)
            %mul3A_1596 = arith.constant 2 : i32
            %mul3A_1597 = arith.muli %sub3A_1296, %mul3A_1596 : i32
            %add3A_1598 = arith.constant 1 : i32
            %add3A_1599 = arith.addi %mul3A_1597, %add3A_1598 : i32
            %dma_wait3A_1600 = arith.constant 1 : i32
            %dma_wait3A_1601 = arith.constant 5 : i32
            %dma_wait3A_1602 = arith.constant 5 : i32
            %dma_wait3A_1603 = arith.constant 0 : i32
            %dma_wait3A_1604 = arith.constant 0 : i32
            %dma_wait3A_1605 = tpu.memref_slice %arg8[%dma_wait3A_1600, %dma_wait3A_1601, %dma_wait3A_1603, %dma_wait3A_1604] : memref<2x8x8x128xf32, #tpu.memory_space<vmem>> -> memref<1x1x8x128xf32, #tpu.memory_space<vmem>>
            %dma_wait3A_1606 = tpu.memref_squeeze %dma_wait3A_1605 : memref<1x1x8x128xf32, #tpu.memory_space<vmem>> -> memref<8x128xf32, #tpu.memory_space<vmem>>
            %dma_wait3A_1607 = arith.constant 0 : i32
            %dma_wait3A_1608 = arith.constant 0 : i32
            %dma_wait3A_1609 = tpu.memref_slice %arg4[%add3A_1599, %dma_wait3A_1602, %add3A_235, %dma_wait3A_1607, %dma_wait3A_1608] : memref<50x8x128x8x128xf32, #tpu.memory_space<hbm>> -> memref<1x1x1x8x128xf32, #tpu.memory_space<hbm>>
            %dma_wait3A_1610 = tpu.memref_squeeze %dma_wait3A_1609 : memref<1x1x1x8x128xf32, #tpu.memory_space<hbm>> -> memref<8x128xf32, #tpu.memory_space<hbm>>
            %dma_wait3A_1611 = arith.constant 0 : i32
            %dma_wait3A_1612 = arith.constant 0 : i32
            %dma_wait3A_1613 = tpu.memref_slice %arg4[%add3A_1599, %dma_wait3A_1602, %add3A_235, %dma_wait3A_1611, %dma_wait3A_1612] : memref<50x8x128x8x128xf32, #tpu.memory_space<hbm>> -> memref<1x1x1x8x128xf32, #tpu.memory_space<hbm>>
            %dma_wait3A_1614 = tpu.memref_squeeze %dma_wait3A_1613 : memref<1x1x1x8x128xf32, #tpu.memory_space<hbm>> -> memref<8x128xf32, #tpu.memory_space<hbm>>
            %dma_wait3A_1615 = arith.constant 0 : i32
            %dma_wait3A_1616 = arith.constant 0 : i32
            %dma_wait3A_1617 = tpu.memref_slice %arg8[%dma_wait3A_1600, %dma_wait3A_1601, %dma_wait3A_1615, %dma_wait3A_1616] : memref<2x8x8x128xf32, #tpu.memory_space<vmem>> -> memref<1x1x8x128xf32, #tpu.memory_space<vmem>>
            %dma_wait3A_1618 = tpu.memref_squeeze %dma_wait3A_1617 : memref<1x1x8x128xf32, #tpu.memory_space<vmem>> -> memref<8x128xf32, #tpu.memory_space<vmem>>
            tpu.wait_dma2 semaphore(%arg12 : memref<!tpu.dma_semaphore, #tpu.memory_space<semaphore_mem>>) src(%dma_wait3A_1618 : memref<8x128xf32, #tpu.memory_space<vmem>>) dst(%dma_wait3A_1614 : memref<8x128xf32, #tpu.memory_space<hbm>>)
            %mul3A_1619 = arith.constant 2 : i32
            %mul3A_1620 = arith.muli %sub3A_1296, %mul3A_1619 : i32
            %add3A_1621 = arith.constant 1 : i32
            %add3A_1622 = arith.addi %mul3A_1620, %add3A_1621 : i32
            %dma_wait3A_1623 = arith.constant 1 : i32
            %dma_wait3A_1624 = arith.constant 6 : i32
            %dma_wait3A_1625 = arith.constant 6 : i32
            %dma_wait3A_1626 = arith.constant 0 : i32
            %dma_wait3A_1627 = arith.constant 0 : i32
            %dma_wait3A_1628 = tpu.memref_slice %arg8[%dma_wait3A_1623, %dma_wait3A_1624, %dma_wait3A_1626, %dma_wait3A_1627] : memref<2x8x8x128xf32, #tpu.memory_space<vmem>> -> memref<1x1x8x128xf32, #tpu.memory_space<vmem>>
            %dma_wait3A_1629 = tpu.memref_squeeze %dma_wait3A_1628 : memref<1x1x8x128xf32, #tpu.memory_space<vmem>> -> memref<8x128xf32, #tpu.memory_space<vmem>>
            %dma_wait3A_1630 = arith.constant 0 : i32
            %dma_wait3A_1631 = arith.constant 0 : i32
            %dma_wait3A_1632 = tpu.memref_slice %arg4[%add3A_1622, %dma_wait3A_1625, %add3A_235, %dma_wait3A_1630, %dma_wait3A_1631] : memref<50x8x128x8x128xf32, #tpu.memory_space<hbm>> -> memref<1x1x1x8x128xf32, #tpu.memory_space<hbm>>
            %dma_wait3A_1633 = tpu.memref_squeeze %dma_wait3A_1632 : memref<1x1x1x8x128xf32, #tpu.memory_space<hbm>> -> memref<8x128xf32, #tpu.memory_space<hbm>>
            %dma_wait3A_1634 = arith.constant 0 : i32
            %dma_wait3A_1635 = arith.constant 0 : i32
            %dma_wait3A_1636 = tpu.memref_slice %arg4[%add3A_1622, %dma_wait3A_1625, %add3A_235, %dma_wait3A_1634, %dma_wait3A_1635] : memref<50x8x128x8x128xf32, #tpu.memory_space<hbm>> -> memref<1x1x1x8x128xf32, #tpu.memory_space<hbm>>
            %dma_wait3A_1637 = tpu.memref_squeeze %dma_wait3A_1636 : memref<1x1x1x8x128xf32, #tpu.memory_space<hbm>> -> memref<8x128xf32, #tpu.memory_space<hbm>>
            %dma_wait3A_1638 = arith.constant 0 : i32
            %dma_wait3A_1639 = arith.constant 0 : i32
            %dma_wait3A_1640 = tpu.memref_slice %arg8[%dma_wait3A_1623, %dma_wait3A_1624, %dma_wait3A_1638, %dma_wait3A_1639] : memref<2x8x8x128xf32, #tpu.memory_space<vmem>> -> memref<1x1x8x128xf32, #tpu.memory_space<vmem>>
            %dma_wait3A_1641 = tpu.memref_squeeze %dma_wait3A_1640 : memref<1x1x8x128xf32, #tpu.memory_space<vmem>> -> memref<8x128xf32, #tpu.memory_space<vmem>>
            tpu.wait_dma2 semaphore(%arg12 : memref<!tpu.dma_semaphore, #tpu.memory_space<semaphore_mem>>) src(%dma_wait3A_1641 : memref<8x128xf32, #tpu.memory_space<vmem>>) dst(%dma_wait3A_1637 : memref<8x128xf32, #tpu.memory_space<hbm>>)
            %mul3A_1642 = arith.constant 2 : i32
            %mul3A_1643 = arith.muli %sub3A_1296, %mul3A_1642 : i32
            %add3A_1644 = arith.constant 1 : i32
            %add3A_1645 = arith.addi %mul3A_1643, %add3A_1644 : i32
            %dma_wait3A_1646 = arith.constant 1 : i32
            %dma_wait3A_1647 = arith.constant 7 : i32
            %dma_wait3A_1648 = arith.constant 7 : i32
            %dma_wait3A_1649 = arith.constant 0 : i32
            %dma_wait3A_1650 = arith.constant 0 : i32
            %dma_wait3A_1651 = tpu.memref_slice %arg8[%dma_wait3A_1646, %dma_wait3A_1647, %dma_wait3A_1649, %dma_wait3A_1650] : memref<2x8x8x128xf32, #tpu.memory_space<vmem>> -> memref<1x1x8x128xf32, #tpu.memory_space<vmem>>
            %dma_wait3A_1652 = tpu.memref_squeeze %dma_wait3A_1651 : memref<1x1x8x128xf32, #tpu.memory_space<vmem>> -> memref<8x128xf32, #tpu.memory_space<vmem>>
            %dma_wait3A_1653 = arith.constant 0 : i32
            %dma_wait3A_1654 = arith.constant 0 : i32
            %dma_wait3A_1655 = tpu.memref_slice %arg4[%add3A_1645, %dma_wait3A_1648, %add3A_235, %dma_wait3A_1653, %dma_wait3A_1654] : memref<50x8x128x8x128xf32, #tpu.memory_space<hbm>> -> memref<1x1x1x8x128xf32, #tpu.memory_space<hbm>>
            %dma_wait3A_1656 = tpu.memref_squeeze %dma_wait3A_1655 : memref<1x1x1x8x128xf32, #tpu.memory_space<hbm>> -> memref<8x128xf32, #tpu.memory_space<hbm>>
            %dma_wait3A_1657 = arith.constant 0 : i32
            %dma_wait3A_1658 = arith.constant 0 : i32
            %dma_wait3A_1659 = tpu.memref_slice %arg4[%add3A_1645, %dma_wait3A_1648, %add3A_235, %dma_wait3A_1657, %dma_wait3A_1658] : memref<50x8x128x8x128xf32, #tpu.memory_space<hbm>> -> memref<1x1x1x8x128xf32, #tpu.memory_space<hbm>>
            %dma_wait3A_1660 = tpu.memref_squeeze %dma_wait3A_1659 : memref<1x1x1x8x128xf32, #tpu.memory_space<hbm>> -> memref<8x128xf32, #tpu.memory_space<hbm>>
            %dma_wait3A_1661 = arith.constant 0 : i32
            %dma_wait3A_1662 = arith.constant 0 : i32
            %dma_wait3A_1663 = tpu.memref_slice %arg8[%dma_wait3A_1646, %dma_wait3A_1647, %dma_wait3A_1661, %dma_wait3A_1662] : memref<2x8x8x128xf32, #tpu.memory_space<vmem>> -> memref<1x1x8x128xf32, #tpu.memory_space<vmem>>
            %dma_wait3A_1664 = tpu.memref_squeeze %dma_wait3A_1663 : memref<1x1x8x128xf32, #tpu.memory_space<vmem>> -> memref<8x128xf32, #tpu.memory_space<vmem>>
            tpu.wait_dma2 semaphore(%arg12 : memref<!tpu.dma_semaphore, #tpu.memory_space<semaphore_mem>>) src(%dma_wait3A_1664 : memref<8x128xf32, #tpu.memory_space<vmem>>) dst(%dma_wait3A_1660 : memref<8x128xf32, #tpu.memory_space<hbm>>)
          } else {
          }
          %mul3A_917 = arith.constant 2 : i32
          %mul3A_918 = arith.muli %add3A_893, %mul3A_917 : i32
          %mul3A_919 = arith.constant 128 : i32
          %mul3A_920 = arith.muli %mul3A_918, %mul3A_919 : i32
          %dma_wait3A_921 = tpu.memref_slice %arg5[%mul3A_920] : memref<6400xi32, #tpu.memory_space<vmem>> -> memref<256xi32, #tpu.memory_space<vmem>>
          %dma_wait3A_922 = arith.constant 0 : i32
          %dma_wait3A_923 = arith.constant 0 : i32
          %dma_wait3A_924 = tpu.memref_slice %arg3[%dma_wait3A_922, %dma_wait3A_923] : memref<1000000x64xf32, #tpu.memory_space<hbm>> -> memref<1000000x64xf32, #tpu.memory_space<hbm>>
          tpu.wait_indirect_dma semaphore(%arg10 : memref<!tpu.dma_semaphore, #tpu.memory_space<semaphore_mem>>) src(%dma_wait3A_924 : memref<1000000x64xf32, #tpu.memory_space<hbm>>) dst(%arg6 : memref<256x64xf32, #tpu.memory_space<vmem>>)
          %parallel_loop3A = arith.constant 0 : i32
          %parallel_loop3A_925 = arith.constant 256 : i32
          %parallel_loop3A_926 = arith.constant 1 : i32
          scf.for %parallel_loop3A_1295 = %parallel_loop3A to %parallel_loop3A_925 step %parallel_loop3A_926  : i32 {
            %parallel_loop3A_1296 = vector.broadcast %parallel_loop3A_1295 : i32 to vector<16xi32>
            %parallel_loop3A_1297 = arith.constant 128 : i32
            %parallel_loop3A_1298 = vector.broadcast %parallel_loop3A_1297 : i32 to vector<16xi32>
            %parallel_loop3A_1299 = arith.divsi %parallel_loop3A_1296, %parallel_loop3A_1298 : vector<16xi32>
            %parallel_loop3A_1300 = arith.constant 0 : i32
            %parallel_loop3A_1301 = vector.broadcast %parallel_loop3A_1300 : i32 to vector<16xi32>
            %parallel_loop3A_1302 = arith.cmpi sgt, %parallel_loop3A_1296, %parallel_loop3A_1301 : vector<16xi32>
            %parallel_loop3A_1303 = arith.extui %parallel_loop3A_1302 : vector<16xi1> to vector<16xi32>
            %parallel_loop3A_1304 = arith.constant 0 : i32
            %parallel_loop3A_1305 = vector.broadcast %parallel_loop3A_1304 : i32 to vector<16xi32>
            %parallel_loop3A_1306 = arith.cmpi slt, %parallel_loop3A_1296, %parallel_loop3A_1305 : vector<16xi32>
            %parallel_loop3A_1307 = arith.extui %parallel_loop3A_1306 : vector<16xi1> to vector<16xi32>
            %parallel_loop3A_1308 = arith.subi %parallel_loop3A_1303, %parallel_loop3A_1307 : vector<16xi32>
            %parallel_loop3A_1309 = arith.constant 0 : i32
            %parallel_loop3A_1310 = arith.cmpi sgt, %parallel_loop3A_1297, %parallel_loop3A_1309 : i32
            %parallel_loop3A_1311 = arith.extui %parallel_loop3A_1310 : i1 to i32
            %parallel_loop3A_1312 = arith.constant 0 : i32
            %parallel_loop3A_1313 = arith.cmpi slt, %parallel_loop3A_1297, %parallel_loop3A_1312 : i32
            %parallel_loop3A_1314 = arith.extui %parallel_loop3A_1313 : i1 to i32
            %parallel_loop3A_1315 = arith.subi %parallel_loop3A_1311, %parallel_loop3A_1314 : i32
            %parallel_loop3A_1316 = vector.broadcast %parallel_loop3A_1315 : i32 to vector<16xi32>
            %parallel_loop3A_1317 = arith.cmpi ne, %parallel_loop3A_1308, %parallel_loop3A_1316 : vector<16xi32>
            %parallel_loop3A_1318 = vector.broadcast %parallel_loop3A_1297 : i32 to vector<16xi32>
            %parallel_loop3A_1319 = arith.remsi %parallel_loop3A_1296, %parallel_loop3A_1318 : vector<16xi32>
            %parallel_loop3A_1320 = arith.constant 0 : i32
            %parallel_loop3A_1321 = vector.broadcast %parallel_loop3A_1320 : i32 to vector<16xi32>
            %parallel_loop3A_1322 = arith.cmpi ne, %parallel_loop3A_1319, %parallel_loop3A_1321 : vector<16xi32>
            %parallel_loop3A_1323 = arith.andi %parallel_loop3A_1317, %parallel_loop3A_1322 : vector<16xi1>
            %parallel_loop3A_1324 = arith.constant 1 : i32
            %parallel_loop3A_1325 = vector.broadcast %parallel_loop3A_1324 : i32 to vector<16xi32>
            %parallel_loop3A_1326 = arith.subi %parallel_loop3A_1299, %parallel_loop3A_1325 : vector<16xi32>
            %parallel_loop3A_1327 = arith.select %parallel_loop3A_1323, %parallel_loop3A_1326, %parallel_loop3A_1299 : vector<16xi1>, vector<16xi32>
            %parallel_loop3A_1328 = arith.constant 128 : i32
            %parallel_loop3A_1329 = arith.constant 0 : i32
            %parallel_loop3A_1330 = arith.cmpi eq, %parallel_loop3A_1328, %parallel_loop3A_1329 : i32
            %parallel_loop3A_1331 = arith.constant 1 : i32
            %parallel_loop3A_1332 = arith.select %parallel_loop3A_1330, %parallel_loop3A_1331, %parallel_loop3A_1328 : i32
            %parallel_loop3A_1333 = vector.broadcast %parallel_loop3A_1332 : i32 to vector<16xi32>
            %parallel_loop3A_1334 = arith.remsi %parallel_loop3A_1296, %parallel_loop3A_1333 : vector<16xi32>
            %parallel_loop3A_1335 = arith.constant 0 : i32
            %parallel_loop3A_1336 = vector.broadcast %parallel_loop3A_1335 : i32 to vector<16xi32>
            %parallel_loop3A_1337 = arith.cmpi ne, %parallel_loop3A_1334, %parallel_loop3A_1336 : vector<16xi32>
            %parallel_loop3A_1338 = arith.constant 0 : i32
            %parallel_loop3A_1339 = vector.broadcast %parallel_loop3A_1338 : i32 to vector<16xi32>
            %parallel_loop3A_1340 = arith.cmpi slt, %parallel_loop3A_1334, %parallel_loop3A_1339 : vector<16xi32>
            %parallel_loop3A_1341 = arith.constant 0 : i32
            %parallel_loop3A_1342 = arith.cmpi slt, %parallel_loop3A_1332, %parallel_loop3A_1341 : i32
            %parallel_loop3A_1343 = vector.broadcast %parallel_loop3A_1342 : i1 to vector<16xi1>
            %parallel_loop3A_1344 = vector.broadcast %parallel_loop3A_1343 : vector<16xi1> to vector<16xi1>
            %parallel_loop3A_1345 = arith.xori %parallel_loop3A_1340, %parallel_loop3A_1344 : vector<16xi1>
            %parallel_loop3A_1346 = arith.andi %parallel_loop3A_1345, %parallel_loop3A_1337 : vector<16xi1>
            %parallel_loop3A_1347 = vector.broadcast %parallel_loop3A_1332 : i32 to vector<16xi32>
            %parallel_loop3A_1348 = arith.addi %parallel_loop3A_1334, %parallel_loop3A_1347 : vector<16xi32>
            %parallel_loop3A_1349 = arith.select %parallel_loop3A_1346, %parallel_loop3A_1348, %parallel_loop3A_1334 : vector<16xi1>, vector<16xi32>
            %parallel_loop3A_1350 = arith.index_cast %parallel_loop3A_1295 : i32 to index
            %parallel_loop3A_1351 = arith.constant 0 : index
            %parallel_loop3A_1352 = tpu.vector_load %arg6[%parallel_loop3A_1350, %parallel_loop3A_1351] {strides = array<i32>} : memref<256x64xf32, #tpu.memory_space<vmem>>, vector<16xf32>,
            tpu.vector_store_idx %arg8[%parallel_loop3A_1327, %select_n3A, %select_n3A_151, %parallel_loop3A_1349], %parallel_loop3A_1352 : memref<2x8x8x128xf32, #tpu.memory_space<vmem>>[vector<16xi32>, vector<16xi32>, vector<16xi32>, vector<16xi32>], vector<16xf32>,
            %parallel_loop3A_1353 = arith.index_cast %parallel_loop3A_1295 : i32 to index
            %parallel_loop3A_1354 = arith.constant 16 : index
            %parallel_loop3A_1355 = tpu.vector_load %arg6[%parallel_loop3A_1353, %parallel_loop3A_1354] {strides = array<i32>} : memref<256x64xf32, #tpu.memory_space<vmem>>, vector<16xf32>,
            tpu.vector_store_idx %arg8[%parallel_loop3A_1327, %select_n3A_60, %select_n3A_176, %parallel_loop3A_1349], %parallel_loop3A_1355 : memref<2x8x8x128xf32, #tpu.memory_space<vmem>>[vector<16xi32>, vector<16xi32>, vector<16xi32>, vector<16xi32>], vector<16xf32>,
            %parallel_loop3A_1356 = arith.index_cast %parallel_loop3A_1295 : i32 to index
            %parallel_loop3A_1357 = arith.constant 32 : index
            %parallel_loop3A_1358 = tpu.vector_load %arg6[%parallel_loop3A_1356, %parallel_loop3A_1357] {strides = array<i32>} : memref<256x64xf32, #tpu.memory_space<vmem>>, vector<16xf32>,
            tpu.vector_store_idx %arg8[%parallel_loop3A_1327, %select_n3A_94, %select_n3A_201, %parallel_loop3A_1349], %parallel_loop3A_1358 : memref<2x8x8x128xf32, #tpu.memory_space<vmem>>[vector<16xi32>, vector<16xi32>, vector<16xi32>, vector<16xi32>], vector<16xf32>,
            %parallel_loop3A_1359 = arith.index_cast %parallel_loop3A_1295 : i32 to index
            %parallel_loop3A_1360 = arith.constant 48 : index
            %parallel_loop3A_1361 = tpu.vector_load %arg6[%parallel_loop3A_1359, %parallel_loop3A_1360] {strides = array<i32>} : memref<256x64xf32, #tpu.memory_space<vmem>>, vector<16xf32>,
            tpu.vector_store_idx %arg8[%parallel_loop3A_1327, %select_n3A_128, %select_n3A_226, %parallel_loop3A_1349], %parallel_loop3A_1361 : memref<2x8x8x128xf32, #tpu.memory_space<vmem>>[vector<16xi32>, vector<16xi32>, vector<16xi32>, vector<16xi32>], vector<16xf32>,
          } {sc.loop_unroll_factor = 8 : i64, sc.parallel_access}
          %mul3A_927 = arith.constant 2 : i32
          %mul3A_928 = arith.muli %add3A_893, %mul3A_927 : i32
          %add3A_929 = arith.constant 0 : i32
          %add3A_930 = arith.addi %mul3A_928, %add3A_929 : i32
          %dma_start3A_931 = arith.constant 0 : i32
          %dma_start3A_932 = arith.constant 0 : i32
          %dma_start3A_933 = arith.constant 0 : i32
          %dma_start3A_934 = arith.constant 0 : i32
          %dma_start3A_935 = arith.constant 0 : i32
          %dma_start3A_936 = tpu.memref_slice %arg8[%dma_start3A_931, %dma_start3A_932, %dma_start3A_934, %dma_start3A_935] : memref<2x8x8x128xf32, #tpu.memory_space<vmem>> -> memref<1x1x8x128xf32, #tpu.memory_space<vmem>>
          %dma_start3A_937 = tpu.memref_squeeze %dma_start3A_936 : memref<1x1x8x128xf32, #tpu.memory_space<vmem>> -> memref<8x128xf32, #tpu.memory_space<vmem>>
          %dma_start3A_938 = arith.constant 0 : i32
          %dma_start3A_939 = arith.constant 0 : i32
          %dma_start3A_940 = tpu.memref_slice %arg4[%add3A_930, %dma_start3A_933, %add3A_235, %dma_start3A_938, %dma_start3A_939] : memref<50x8x128x8x128xf32, #tpu.memory_space<hbm>> -> memref<1x1x1x8x128xf32, #tpu.memory_space<hbm>>
          %dma_start3A_941 = tpu.memref_squeeze %dma_start3A_940 : memref<1x1x1x8x128xf32, #tpu.memory_space<hbm>> -> memref<8x128xf32, #tpu.memory_space<hbm>>
          %dma_start3A_942 = arith.constant 0 : i32
          %dma_start3A_943 = arith.constant 0 : i32
          %dma_start3A_944 = tpu.memref_slice %arg4[%add3A_930, %dma_start3A_933, %add3A_235, %dma_start3A_942, %dma_start3A_943] : memref<50x8x128x8x128xf32, #tpu.memory_space<hbm>> -> memref<1x1x1x8x128xf32, #tpu.memory_space<hbm>>
          %dma_start3A_945 = tpu.memref_squeeze %dma_start3A_944 : memref<1x1x1x8x128xf32, #tpu.memory_space<hbm>> -> memref<8x128xf32, #tpu.memory_space<hbm>>
          %dma_start3A_946 = arith.constant 0 : i32
          %dma_start3A_947 = arith.constant 0 : i32
          %dma_start3A_948 = tpu.memref_slice %arg8[%dma_start3A_931, %dma_start3A_932, %dma_start3A_946, %dma_start3A_947] : memref<2x8x8x128xf32, #tpu.memory_space<vmem>> -> memref<1x1x8x128xf32, #tpu.memory_space<vmem>>
          %dma_start3A_949 = tpu.memref_squeeze %dma_start3A_948 : memref<1x1x8x128xf32, #tpu.memory_space<vmem>> -> memref<8x128xf32, #tpu.memory_space<vmem>>
          tpu.enqueue_dma source(%dma_start3A_949 : memref<8x128xf32, #tpu.memory_space<vmem>>) target(%dma_start3A_945 : memref<8x128xf32, #tpu.memory_space<hbm>>) target_semaphore(%arg12 : memref<!tpu.dma_semaphore, #tpu.memory_space<semaphore_mem>>)
          %mul3A_950 = arith.constant 2 : i32
          %mul3A_951 = arith.muli %add3A_893, %mul3A_950 : i32
          %add3A_952 = arith.constant 0 : i32
          %add3A_953 = arith.addi %mul3A_951, %add3A_952 : i32
          %dma_start3A_954 = arith.constant 0 : i32
          %dma_start3A_955 = arith.constant 1 : i32
          %dma_start3A_956 = arith.constant 1 : i32
          %dma_start3A_957 = arith.constant 0 : i32
          %dma_start3A_958 = arith.constant 0 : i32
          %dma_start3A_959 = tpu.memref_slice %arg8[%dma_start3A_954, %dma_start3A_955, %dma_start3A_957, %dma_start3A_958] : memref<2x8x8x128xf32, #tpu.memory_space<vmem>> -> memref<1x1x8x128xf32, #tpu.memory_space<vmem>>
          %dma_start3A_960 = tpu.memref_squeeze %dma_start3A_959 : memref<1x1x8x128xf32, #tpu.memory_space<vmem>> -> memref<8x128xf32, #tpu.memory_space<vmem>>
          %dma_start3A_961 = arith.constant 0 : i32
          %dma_start3A_962 = arith.constant 0 : i32
          %dma_start3A_963 = tpu.memref_slice %arg4[%add3A_953, %dma_start3A_956, %add3A_235, %dma_start3A_961, %dma_start3A_962] : memref<50x8x128x8x128xf32, #tpu.memory_space<hbm>> -> memref<1x1x1x8x128xf32, #tpu.memory_space<hbm>>
          %dma_start3A_964 = tpu.memref_squeeze %dma_start3A_963 : memref<1x1x1x8x128xf32, #tpu.memory_space<hbm>> -> memref<8x128xf32, #tpu.memory_space<hbm>>
          %dma_start3A_965 = arith.constant 0 : i32
          %dma_start3A_966 = arith.constant 0 : i32
          %dma_start3A_967 = tpu.memref_slice %arg4[%add3A_953, %dma_start3A_956, %add3A_235, %dma_start3A_965, %dma_start3A_966] : memref<50x8x128x8x128xf32, #tpu.memory_space<hbm>> -> memref<1x1x1x8x128xf32, #tpu.memory_space<hbm>>
          %dma_start3A_968 = tpu.memref_squeeze %dma_start3A_967 : memref<1x1x1x8x128xf32, #tpu.memory_space<hbm>> -> memref<8x128xf32, #tpu.memory_space<hbm>>
          %dma_start3A_969 = arith.constant 0 : i32
          %dma_start3A_970 = arith.constant 0 : i32
          %dma_start3A_971 = tpu.memref_slice %arg8[%dma_start3A_954, %dma_start3A_955, %dma_start3A_969, %dma_start3A_970] : memref<2x8x8x128xf32, #tpu.memory_space<vmem>> -> memref<1x1x8x128xf32, #tpu.memory_space<vmem>>
          %dma_start3A_972 = tpu.memref_squeeze %dma_start3A_971 : memref<1x1x8x128xf32, #tpu.memory_space<vmem>> -> memref<8x128xf32, #tpu.memory_space<vmem>>
          tpu.enqueue_dma source(%dma_start3A_972 : memref<8x128xf32, #tpu.memory_space<vmem>>) target(%dma_start3A_968 : memref<8x128xf32, #tpu.memory_space<hbm>>) target_semaphore(%arg12 : memref<!tpu.dma_semaphore, #tpu.memory_space<semaphore_mem>>)
          %mul3A_973 = arith.constant 2 : i32
          %mul3A_974 = arith.muli %add3A_893, %mul3A_973 : i32
          %add3A_975 = arith.constant 0 : i32
          %add3A_976 = arith.addi %mul3A_974, %add3A_975 : i32
          %dma_start3A_977 = arith.constant 0 : i32
          %dma_start3A_978 = arith.constant 2 : i32
          %dma_start3A_979 = arith.constant 2 : i32
          %dma_start3A_980 = arith.constant 0 : i32
          %dma_start3A_981 = arith.constant 0 : i32
          %dma_start3A_982 = tpu.memref_slice %arg8[%dma_start3A_977, %dma_start3A_978, %dma_start3A_980, %dma_start3A_981] : memref<2x8x8x128xf32, #tpu.memory_space<vmem>> -> memref<1x1x8x128xf32, #tpu.memory_space<vmem>>
          %dma_start3A_983 = tpu.memref_squeeze %dma_start3A_982 : memref<1x1x8x128xf32, #tpu.memory_space<vmem>> -> memref<8x128xf32, #tpu.memory_space<vmem>>
          %dma_start3A_984 = arith.constant 0 : i32
          %dma_start3A_985 = arith.constant 0 : i32
          %dma_start3A_986 = tpu.memref_slice %arg4[%add3A_976, %dma_start3A_979, %add3A_235, %dma_start3A_984, %dma_start3A_985] : memref<50x8x128x8x128xf32, #tpu.memory_space<hbm>> -> memref<1x1x1x8x128xf32, #tpu.memory_space<hbm>>
          %dma_start3A_987 = tpu.memref_squeeze %dma_start3A_986 : memref<1x1x1x8x128xf32, #tpu.memory_space<hbm>> -> memref<8x128xf32, #tpu.memory_space<hbm>>
          %dma_start3A_988 = arith.constant 0 : i32
          %dma_start3A_989 = arith.constant 0 : i32
          %dma_start3A_990 = tpu.memref_slice %arg4[%add3A_976, %dma_start3A_979, %add3A_235, %dma_start3A_988, %dma_start3A_989] : memref<50x8x128x8x128xf32, #tpu.memory_space<hbm>> -> memref<1x1x1x8x128xf32, #tpu.memory_space<hbm>>
          %dma_start3A_991 = tpu.memref_squeeze %dma_start3A_990 : memref<1x1x1x8x128xf32, #tpu.memory_space<hbm>> -> memref<8x128xf32, #tpu.memory_space<hbm>>
          %dma_start3A_992 = arith.constant 0 : i32
          %dma_start3A_993 = arith.constant 0 : i32
          %dma_start3A_994 = tpu.memref_slice %arg8[%dma_start3A_977, %dma_start3A_978, %dma_start3A_992, %dma_start3A_993] : memref<2x8x8x128xf32, #tpu.memory_space<vmem>> -> memref<1x1x8x128xf32, #tpu.memory_space<vmem>>
          %dma_start3A_995 = tpu.memref_squeeze %dma_start3A_994 : memref<1x1x8x128xf32, #tpu.memory_space<vmem>> -> memref<8x128xf32, #tpu.memory_space<vmem>>
          tpu.enqueue_dma source(%dma_start3A_995 : memref<8x128xf32, #tpu.memory_space<vmem>>) target(%dma_start3A_991 : memref<8x128xf32, #tpu.memory_space<hbm>>) target_semaphore(%arg12 : memref<!tpu.dma_semaphore, #tpu.memory_space<semaphore_mem>>)
          %mul3A_996 = arith.constant 2 : i32
          %mul3A_997 = arith.muli %add3A_893, %mul3A_996 : i32
          %add3A_998 = arith.constant 0 : i32
          %add3A_999 = arith.addi %mul3A_997, %add3A_998 : i32
          %dma_start3A_1000 = arith.constant 0 : i32
          %dma_start3A_1001 = arith.constant 3 : i32
          %dma_start3A_1002 = arith.constant 3 : i32
          %dma_start3A_1003 = arith.constant 0 : i32
          %dma_start3A_1004 = arith.constant 0 : i32
          %dma_start3A_1005 = tpu.memref_slice %arg8[%dma_start3A_1000, %dma_start3A_1001, %dma_start3A_1003, %dma_start3A_1004] : memref<2x8x8x128xf32, #tpu.memory_space<vmem>> -> memref<1x1x8x128xf32, #tpu.memory_space<vmem>>
          %dma_start3A_1006 = tpu.memref_squeeze %dma_start3A_1005 : memref<1x1x8x128xf32, #tpu.memory_space<vmem>> -> memref<8x128xf32, #tpu.memory_space<vmem>>
          %dma_start3A_1007 = arith.constant 0 : i32
          %dma_start3A_1008 = arith.constant 0 : i32
          %dma_start3A_1009 = tpu.memref_slice %arg4[%add3A_999, %dma_start3A_1002, %add3A_235, %dma_start3A_1007, %dma_start3A_1008] : memref<50x8x128x8x128xf32, #tpu.memory_space<hbm>> -> memref<1x1x1x8x128xf32, #tpu.memory_space<hbm>>
          %dma_start3A_1010 = tpu.memref_squeeze %dma_start3A_1009 : memref<1x1x1x8x128xf32, #tpu.memory_space<hbm>> -> memref<8x128xf32, #tpu.memory_space<hbm>>
          %dma_start3A_1011 = arith.constant 0 : i32
          %dma_start3A_1012 = arith.constant 0 : i32
          %dma_start3A_1013 = tpu.memref_slice %arg4[%add3A_999, %dma_start3A_1002, %add3A_235, %dma_start3A_1011, %dma_start3A_1012] : memref<50x8x128x8x128xf32, #tpu.memory_space<hbm>> -> memref<1x1x1x8x128xf32, #tpu.memory_space<hbm>>
          %dma_start3A_1014 = tpu.memref_squeeze %dma_start3A_1013 : memref<1x1x1x8x128xf32, #tpu.memory_space<hbm>> -> memref<8x128xf32, #tpu.memory_space<hbm>>
          %dma_start3A_1015 = arith.constant 0 : i32
          %dma_start3A_1016 = arith.constant 0 : i32
          %dma_start3A_1017 = tpu.memref_slice %arg8[%dma_start3A_1000, %dma_start3A_1001, %dma_start3A_1015, %dma_start3A_1016] : memref<2x8x8x128xf32, #tpu.memory_space<vmem>> -> memref<1x1x8x128xf32, #tpu.memory_space<vmem>>
          %dma_start3A_1018 = tpu.memref_squeeze %dma_start3A_1017 : memref<1x1x8x128xf32, #tpu.memory_space<vmem>> -> memref<8x128xf32, #tpu.memory_space<vmem>>
          tpu.enqueue_dma source(%dma_start3A_1018 : memref<8x128xf32, #tpu.memory_space<vmem>>) target(%dma_start3A_1014 : memref<8x128xf32, #tpu.memory_space<hbm>>) target_semaphore(%arg12 : memref<!tpu.dma_semaphore, #tpu.memory_space<semaphore_mem>>)
          %mul3A_1019 = arith.constant 2 : i32
          %mul3A_1020 = arith.muli %add3A_893, %mul3A_1019 : i32
          %add3A_1021 = arith.constant 0 : i32
          %add3A_1022 = arith.addi %mul3A_1020, %add3A_1021 : i32
          %dma_start3A_1023 = arith.constant 0 : i32
          %dma_start3A_1024 = arith.constant 4 : i32
          %dma_start3A_1025 = arith.constant 4 : i32
          %dma_start3A_1026 = arith.constant 0 : i32
          %dma_start3A_1027 = arith.constant 0 : i32
          %dma_start3A_1028 = tpu.memref_slice %arg8[%dma_start3A_1023, %dma_start3A_1024, %dma_start3A_1026, %dma_start3A_1027] : memref<2x8x8x128xf32, #tpu.memory_space<vmem>> -> memref<1x1x8x128xf32, #tpu.memory_space<vmem>>
          %dma_start3A_1029 = tpu.memref_squeeze %dma_start3A_1028 : memref<1x1x8x128xf32, #tpu.memory_space<vmem>> -> memref<8x128xf32, #tpu.memory_space<vmem>>
          %dma_start3A_1030 = arith.constant 0 : i32
          %dma_start3A_1031 = arith.constant 0 : i32
          %dma_start3A_1032 = tpu.memref_slice %arg4[%add3A_1022, %dma_start3A_1025, %add3A_235, %dma_start3A_1030, %dma_start3A_1031] : memref<50x8x128x8x128xf32, #tpu.memory_space<hbm>> -> memref<1x1x1x8x128xf32, #tpu.memory_space<hbm>>
          %dma_start3A_1033 = tpu.memref_squeeze %dma_start3A_1032 : memref<1x1x1x8x128xf32, #tpu.memory_space<hbm>> -> memref<8x128xf32, #tpu.memory_space<hbm>>
          %dma_start3A_1034 = arith.constant 0 : i32
          %dma_start3A_1035 = arith.constant 0 : i32
          %dma_start3A_1036 = tpu.memref_slice %arg4[%add3A_1022, %dma_start3A_1025, %add3A_235, %dma_start3A_1034, %dma_start3A_1035] : memref<50x8x128x8x128xf32, #tpu.memory_space<hbm>> -> memref<1x1x1x8x128xf32, #tpu.memory_space<hbm>>
          %dma_start3A_1037 = tpu.memref_squeeze %dma_start3A_1036 : memref<1x1x1x8x128xf32, #tpu.memory_space<hbm>> -> memref<8x128xf32, #tpu.memory_space<hbm>>
          %dma_start3A_1038 = arith.constant 0 : i32
          %dma_start3A_1039 = arith.constant 0 : i32
          %dma_start3A_1040 = tpu.memref_slice %arg8[%dma_start3A_1023, %dma_start3A_1024, %dma_start3A_1038, %dma_start3A_1039] : memref<2x8x8x128xf32, #tpu.memory_space<vmem>> -> memref<1x1x8x128xf32, #tpu.memory_space<vmem>>
          %dma_start3A_1041 = tpu.memref_squeeze %dma_start3A_1040 : memref<1x1x8x128xf32, #tpu.memory_space<vmem>> -> memref<8x128xf32, #tpu.memory_space<vmem>>
          tpu.enqueue_dma source(%dma_start3A_1041 : memref<8x128xf32, #tpu.memory_space<vmem>>) target(%dma_start3A_1037 : memref<8x128xf32, #tpu.memory_space<hbm>>) target_semaphore(%arg12 : memref<!tpu.dma_semaphore, #tpu.memory_space<semaphore_mem>>)
          %mul3A_1042 = arith.constant 2 : i32
          %mul3A_1043 = arith.muli %add3A_893, %mul3A_1042 : i32
          %add3A_1044 = arith.constant 0 : i32
          %add3A_1045 = arith.addi %mul3A_1043, %add3A_1044 : i32
          %dma_start3A_1046 = arith.constant 0 : i32
          %dma_start3A_1047 = arith.constant 5 : i32
          %dma_start3A_1048 = arith.constant 5 : i32
          %dma_start3A_1049 = arith.constant 0 : i32
          %dma_start3A_1050 = arith.constant 0 : i32
          %dma_start3A_1051 = tpu.memref_slice %arg8[%dma_start3A_1046, %dma_start3A_1047, %dma_start3A_1049, %dma_start3A_1050] : memref<2x8x8x128xf32, #tpu.memory_space<vmem>> -> memref<1x1x8x128xf32, #tpu.memory_space<vmem>>
          %dma_start3A_1052 = tpu.memref_squeeze %dma_start3A_1051 : memref<1x1x8x128xf32, #tpu.memory_space<vmem>> -> memref<8x128xf32, #tpu.memory_space<vmem>>
          %dma_start3A_1053 = arith.constant 0 : i32
          %dma_start3A_1054 = arith.constant 0 : i32
          %dma_start3A_1055 = tpu.memref_slice %arg4[%add3A_1045, %dma_start3A_1048, %add3A_235, %dma_start3A_1053, %dma_start3A_1054] : memref<50x8x128x8x128xf32, #tpu.memory_space<hbm>> -> memref<1x1x1x8x128xf32, #tpu.memory_space<hbm>>
          %dma_start3A_1056 = tpu.memref_squeeze %dma_start3A_1055 : memref<1x1x1x8x128xf32, #tpu.memory_space<hbm>> -> memref<8x128xf32, #tpu.memory_space<hbm>>
          %dma_start3A_1057 = arith.constant 0 : i32
          %dma_start3A_1058 = arith.constant 0 : i32
          %dma_start3A_1059 = tpu.memref_slice %arg4[%add3A_1045, %dma_start3A_1048, %add3A_235, %dma_start3A_1057, %dma_start3A_1058] : memref<50x8x128x8x128xf32, #tpu.memory_space<hbm>> -> memref<1x1x1x8x128xf32, #tpu.memory_space<hbm>>
          %dma_start3A_1060 = tpu.memref_squeeze %dma_start3A_1059 : memref<1x1x1x8x128xf32, #tpu.memory_space<hbm>> -> memref<8x128xf32, #tpu.memory_space<hbm>>
          %dma_start3A_1061 = arith.constant 0 : i32
          %dma_start3A_1062 = arith.constant 0 : i32
          %dma_start3A_1063 = tpu.memref_slice %arg8[%dma_start3A_1046, %dma_start3A_1047, %dma_start3A_1061, %dma_start3A_1062] : memref<2x8x8x128xf32, #tpu.memory_space<vmem>> -> memref<1x1x8x128xf32, #tpu.memory_space<vmem>>
          %dma_start3A_1064 = tpu.memref_squeeze %dma_start3A_1063 : memref<1x1x8x128xf32, #tpu.memory_space<vmem>> -> memref<8x128xf32, #tpu.memory_space<vmem>>
          tpu.enqueue_dma source(%dma_start3A_1064 : memref<8x128xf32, #tpu.memory_space<vmem>>) target(%dma_start3A_1060 : memref<8x128xf32, #tpu.memory_space<hbm>>) target_semaphore(%arg12 : memref<!tpu.dma_semaphore, #tpu.memory_space<semaphore_mem>>)
          %mul3A_1065 = arith.constant 2 : i32
          %mul3A_1066 = arith.muli %add3A_893, %mul3A_1065 : i32
          %add3A_1067 = arith.constant 0 : i32
          %add3A_1068 = arith.addi %mul3A_1066, %add3A_1067 : i32
          %dma_start3A_1069 = arith.constant 0 : i32
          %dma_start3A_1070 = arith.constant 6 : i32
          %dma_start3A_1071 = arith.constant 6 : i32
          %dma_start3A_1072 = arith.constant 0 : i32
          %dma_start3A_1073 = arith.constant 0 : i32
          %dma_start3A_1074 = tpu.memref_slice %arg8[%dma_start3A_1069, %dma_start3A_1070, %dma_start3A_1072, %dma_start3A_1073] : memref<2x8x8x128xf32, #tpu.memory_space<vmem>> -> memref<1x1x8x128xf32, #tpu.memory_space<vmem>>
          %dma_start3A_1075 = tpu.memref_squeeze %dma_start3A_1074 : memref<1x1x8x128xf32, #tpu.memory_space<vmem>> -> memref<8x128xf32, #tpu.memory_space<vmem>>
          %dma_start3A_1076 = arith.constant 0 : i32
          %dma_start3A_1077 = arith.constant 0 : i32
          %dma_start3A_1078 = tpu.memref_slice %arg4[%add3A_1068, %dma_start3A_1071, %add3A_235, %dma_start3A_1076, %dma_start3A_1077] : memref<50x8x128x8x128xf32, #tpu.memory_space<hbm>> -> memref<1x1x1x8x128xf32, #tpu.memory_space<hbm>>
          %dma_start3A_1079 = tpu.memref_squeeze %dma_start3A_1078 : memref<1x1x1x8x128xf32, #tpu.memory_space<hbm>> -> memref<8x128xf32, #tpu.memory_space<hbm>>
          %dma_start3A_1080 = arith.constant 0 : i32
          %dma_start3A_1081 = arith.constant 0 : i32
          %dma_start3A_1082 = tpu.memref_slice %arg4[%add3A_1068, %dma_start3A_1071, %add3A_235, %dma_start3A_1080, %dma_start3A_1081] : memref<50x8x128x8x128xf32, #tpu.memory_space<hbm>> -> memref<1x1x1x8x128xf32, #tpu.memory_space<hbm>>
          %dma_start3A_1083 = tpu.memref_squeeze %dma_start3A_1082 : memref<1x1x1x8x128xf32, #tpu.memory_space<hbm>> -> memref<8x128xf32, #tpu.memory_space<hbm>>
          %dma_start3A_1084 = arith.constant 0 : i32
          %dma_start3A_1085 = arith.constant 0 : i32
          %dma_start3A_1086 = tpu.memref_slice %arg8[%dma_start3A_1069, %dma_start3A_1070, %dma_start3A_1084, %dma_start3A_1085] : memref<2x8x8x128xf32, #tpu.memory_space<vmem>> -> memref<1x1x8x128xf32, #tpu.memory_space<vmem>>
          %dma_start3A_1087 = tpu.memref_squeeze %dma_start3A_1086 : memref<1x1x8x128xf32, #tpu.memory_space<vmem>> -> memref<8x128xf32, #tpu.memory_space<vmem>>
          tpu.enqueue_dma source(%dma_start3A_1087 : memref<8x128xf32, #tpu.memory_space<vmem>>) target(%dma_start3A_1083 : memref<8x128xf32, #tpu.memory_space<hbm>>) target_semaphore(%arg12 : memref<!tpu.dma_semaphore, #tpu.memory_space<semaphore_mem>>)
          %mul3A_1088 = arith.constant 2 : i32
          %mul3A_1089 = arith.muli %add3A_893, %mul3A_1088 : i32
          %add3A_1090 = arith.constant 0 : i32
          %add3A_1091 = arith.addi %mul3A_1089, %add3A_1090 : i32
          %dma_start3A_1092 = arith.constant 0 : i32
          %dma_start3A_1093 = arith.constant 7 : i32
          %dma_start3A_1094 = arith.constant 7 : i32
          %dma_start3A_1095 = arith.constant 0 : i32
          %dma_start3A_1096 = arith.constant 0 : i32
          %dma_start3A_1097 = tpu.memref_slice %arg8[%dma_start3A_1092, %dma_start3A_1093, %dma_start3A_1095, %dma_start3A_1096] : memref<2x8x8x128xf32, #tpu.memory_space<vmem>> -> memref<1x1x8x128xf32, #tpu.memory_space<vmem>>
          %dma_start3A_1098 = tpu.memref_squeeze %dma_start3A_1097 : memref<1x1x8x128xf32, #tpu.memory_space<vmem>> -> memref<8x128xf32, #tpu.memory_space<vmem>>
          %dma_start3A_1099 = arith.constant 0 : i32
          %dma_start3A_1100 = arith.constant 0 : i32
          %dma_start3A_1101 = tpu.memref_slice %arg4[%add3A_1091, %dma_start3A_1094, %add3A_235, %dma_start3A_1099, %dma_start3A_1100] : memref<50x8x128x8x128xf32, #tpu.memory_space<hbm>> -> memref<1x1x1x8x128xf32, #tpu.memory_space<hbm>>
          %dma_start3A_1102 = tpu.memref_squeeze %dma_start3A_1101 : memref<1x1x1x8x128xf32, #tpu.memory_space<hbm>> -> memref<8x128xf32, #tpu.memory_space<hbm>>
          %dma_start3A_1103 = arith.constant 0 : i32
          %dma_start3A_1104 = arith.constant 0 : i32
          %dma_start3A_1105 = tpu.memref_slice %arg4[%add3A_1091, %dma_start3A_1094, %add3A_235, %dma_start3A_1103, %dma_start3A_1104] : memref<50x8x128x8x128xf32, #tpu.memory_space<hbm>> -> memref<1x1x1x8x128xf32, #tpu.memory_space<hbm>>
          %dma_start3A_1106 = tpu.memref_squeeze %dma_start3A_1105 : memref<1x1x1x8x128xf32, #tpu.memory_space<hbm>> -> memref<8x128xf32, #tpu.memory_space<hbm>>
          %dma_start3A_1107 = arith.constant 0 : i32
          %dma_start3A_1108 = arith.constant 0 : i32
          %dma_start3A_1109 = tpu.memref_slice %arg8[%dma_start3A_1092, %dma_start3A_1093, %dma_start3A_1107, %dma_start3A_1108] : memref<2x8x8x128xf32, #tpu.memory_space<vmem>> -> memref<1x1x8x128xf32, #tpu.memory_space<vmem>>
          %dma_start3A_1110 = tpu.memref_squeeze %dma_start3A_1109 : memref<1x1x8x128xf32, #tpu.memory_space<vmem>> -> memref<8x128xf32, #tpu.memory_space<vmem>>
          tpu.enqueue_dma source(%dma_start3A_1110 : memref<8x128xf32, #tpu.memory_space<vmem>>) target(%dma_start3A_1106 : memref<8x128xf32, #tpu.memory_space<hbm>>) target_semaphore(%arg12 : memref<!tpu.dma_semaphore, #tpu.memory_space<semaphore_mem>>)
          %mul3A_1111 = arith.constant 2 : i32
          %mul3A_1112 = arith.muli %add3A_893, %mul3A_1111 : i32
          %add3A_1113 = arith.constant 1 : i32
          %add3A_1114 = arith.addi %mul3A_1112, %add3A_1113 : i32
          %dma_start3A_1115 = arith.constant 1 : i32
          %dma_start3A_1116 = arith.constant 0 : i32
          %dma_start3A_1117 = arith.constant 0 : i32
          %dma_start3A_1118 = arith.constant 0 : i32
          %dma_start3A_1119 = arith.constant 0 : i32
          %dma_start3A_1120 = tpu.memref_slice %arg8[%dma_start3A_1115, %dma_start3A_1116, %dma_start3A_1118, %dma_start3A_1119] : memref<2x8x8x128xf32, #tpu.memory_space<vmem>> -> memref<1x1x8x128xf32, #tpu.memory_space<vmem>>
          %dma_start3A_1121 = tpu.memref_squeeze %dma_start3A_1120 : memref<1x1x8x128xf32, #tpu.memory_space<vmem>> -> memref<8x128xf32, #tpu.memory_space<vmem>>
          %dma_start3A_1122 = arith.constant 0 : i32
          %dma_start3A_1123 = arith.constant 0 : i32
          %dma_start3A_1124 = tpu.memref_slice %arg4[%add3A_1114, %dma_start3A_1117, %add3A_235, %dma_start3A_1122, %dma_start3A_1123] : memref<50x8x128x8x128xf32, #tpu.memory_space<hbm>> -> memref<1x1x1x8x128xf32, #tpu.memory_space<hbm>>
          %dma_start3A_1125 = tpu.memref_squeeze %dma_start3A_1124 : memref<1x1x1x8x128xf32, #tpu.memory_space<hbm>> -> memref<8x128xf32, #tpu.memory_space<hbm>>
          %dma_start3A_1126 = arith.constant 0 : i32
          %dma_start3A_1127 = arith.constant 0 : i32
          %dma_start3A_1128 = tpu.memref_slice %arg4[%add3A_1114, %dma_start3A_1117, %add3A_235, %dma_start3A_1126, %dma_start3A_1127] : memref<50x8x128x8x128xf32, #tpu.memory_space<hbm>> -> memref<1x1x1x8x128xf32, #tpu.memory_space<hbm>>
          %dma_start3A_1129 = tpu.memref_squeeze %dma_start3A_1128 : memref<1x1x1x8x128xf32, #tpu.memory_space<hbm>> -> memref<8x128xf32, #tpu.memory_space<hbm>>
          %dma_start3A_1130 = arith.constant 0 : i32
          %dma_start3A_1131 = arith.constant 0 : i32
          %dma_start3A_1132 = tpu.memref_slice %arg8[%dma_start3A_1115, %dma_start3A_1116, %dma_start3A_1130, %dma_start3A_1131] : memref<2x8x8x128xf32, #tpu.memory_space<vmem>> -> memref<1x1x8x128xf32, #tpu.memory_space<vmem>>
          %dma_start3A_1133 = tpu.memref_squeeze %dma_start3A_1132 : memref<1x1x8x128xf32, #tpu.memory_space<vmem>> -> memref<8x128xf32, #tpu.memory_space<vmem>>
          tpu.enqueue_dma source(%dma_start3A_1133 : memref<8x128xf32, #tpu.memory_space<vmem>>) target(%dma_start3A_1129 : memref<8x128xf32, #tpu.memory_space<hbm>>) target_semaphore(%arg12 : memref<!tpu.dma_semaphore, #tpu.memory_space<semaphore_mem>>)
          %mul3A_1134 = arith.constant 2 : i32
          %mul3A_1135 = arith.muli %add3A_893, %mul3A_1134 : i32
          %add3A_1136 = arith.constant 1 : i32
          %add3A_1137 = arith.addi %mul3A_1135, %add3A_1136 : i32
          %dma_start3A_1138 = arith.constant 1 : i32
          %dma_start3A_1139 = arith.constant 1 : i32
          %dma_start3A_1140 = arith.constant 1 : i32
          %dma_start3A_1141 = arith.constant 0 : i32
          %dma_start3A_1142 = arith.constant 0 : i32
          %dma_start3A_1143 = tpu.memref_slice %arg8[%dma_start3A_1138, %dma_start3A_1139, %dma_start3A_1141, %dma_start3A_1142] : memref<2x8x8x128xf32, #tpu.memory_space<vmem>> -> memref<1x1x8x128xf32, #tpu.memory_space<vmem>>
          %dma_start3A_1144 = tpu.memref_squeeze %dma_start3A_1143 : memref<1x1x8x128xf32, #tpu.memory_space<vmem>> -> memref<8x128xf32, #tpu.memory_space<vmem>>
          %dma_start3A_1145 = arith.constant 0 : i32
          %dma_start3A_1146 = arith.constant 0 : i32
          %dma_start3A_1147 = tpu.memref_slice %arg4[%add3A_1137, %dma_start3A_1140, %add3A_235, %dma_start3A_1145, %dma_start3A_1146] : memref<50x8x128x8x128xf32, #tpu.memory_space<hbm>> -> memref<1x1x1x8x128xf32, #tpu.memory_space<hbm>>
          %dma_start3A_1148 = tpu.memref_squeeze %dma_start3A_1147 : memref<1x1x1x8x128xf32, #tpu.memory_space<hbm>> -> memref<8x128xf32, #tpu.memory_space<hbm>>
          %dma_start3A_1149 = arith.constant 0 : i32
          %dma_start3A_1150 = arith.constant 0 : i32
          %dma_start3A_1151 = tpu.memref_slice %arg4[%add3A_1137, %dma_start3A_1140, %add3A_235, %dma_start3A_1149, %dma_start3A_1150] : memref<50x8x128x8x128xf32, #tpu.memory_space<hbm>> -> memref<1x1x1x8x128xf32, #tpu.memory_space<hbm>>
          %dma_start3A_1152 = tpu.memref_squeeze %dma_start3A_1151 : memref<1x1x1x8x128xf32, #tpu.memory_space<hbm>> -> memref<8x128xf32, #tpu.memory_space<hbm>>
          %dma_start3A_1153 = arith.constant 0 : i32
          %dma_start3A_1154 = arith.constant 0 : i32
          %dma_start3A_1155 = tpu.memref_slice %arg8[%dma_start3A_1138, %dma_start3A_1139, %dma_start3A_1153, %dma_start3A_1154] : memref<2x8x8x128xf32, #tpu.memory_space<vmem>> -> memref<1x1x8x128xf32, #tpu.memory_space<vmem>>
          %dma_start3A_1156 = tpu.memref_squeeze %dma_start3A_1155 : memref<1x1x8x128xf32, #tpu.memory_space<vmem>> -> memref<8x128xf32, #tpu.memory_space<vmem>>
          tpu.enqueue_dma source(%dma_start3A_1156 : memref<8x128xf32, #tpu.memory_space<vmem>>) target(%dma_start3A_1152 : memref<8x128xf32, #tpu.memory_space<hbm>>) target_semaphore(%arg12 : memref<!tpu.dma_semaphore, #tpu.memory_space<semaphore_mem>>)
          %mul3A_1157 = arith.constant 2 : i32
          %mul3A_1158 = arith.muli %add3A_893, %mul3A_1157 : i32
          %add3A_1159 = arith.constant 1 : i32
          %add3A_1160 = arith.addi %mul3A_1158, %add3A_1159 : i32
          %dma_start3A_1161 = arith.constant 1 : i32
          %dma_start3A_1162 = arith.constant 2 : i32
          %dma_start3A_1163 = arith.constant 2 : i32
          %dma_start3A_1164 = arith.constant 0 : i32
          %dma_start3A_1165 = arith.constant 0 : i32
          %dma_start3A_1166 = tpu.memref_slice %arg8[%dma_start3A_1161, %dma_start3A_1162, %dma_start3A_1164, %dma_start3A_1165] : memref<2x8x8x128xf32, #tpu.memory_space<vmem>> -> memref<1x1x8x128xf32, #tpu.memory_space<vmem>>
          %dma_start3A_1167 = tpu.memref_squeeze %dma_start3A_1166 : memref<1x1x8x128xf32, #tpu.memory_space<vmem>> -> memref<8x128xf32, #tpu.memory_space<vmem>>
          %dma_start3A_1168 = arith.constant 0 : i32
          %dma_start3A_1169 = arith.constant 0 : i32
          %dma_start3A_1170 = tpu.memref_slice %arg4[%add3A_1160, %dma_start3A_1163, %add3A_235, %dma_start3A_1168, %dma_start3A_1169] : memref<50x8x128x8x128xf32, #tpu.memory_space<hbm>> -> memref<1x1x1x8x128xf32, #tpu.memory_space<hbm>>
          %dma_start3A_1171 = tpu.memref_squeeze %dma_start3A_1170 : memref<1x1x1x8x128xf32, #tpu.memory_space<hbm>> -> memref<8x128xf32, #tpu.memory_space<hbm>>
          %dma_start3A_1172 = arith.constant 0 : i32
          %dma_start3A_1173 = arith.constant 0 : i32
          %dma_start3A_1174 = tpu.memref_slice %arg4[%add3A_1160, %dma_start3A_1163, %add3A_235, %dma_start3A_1172, %dma_start3A_1173] : memref<50x8x128x8x128xf32, #tpu.memory_space<hbm>> -> memref<1x1x1x8x128xf32, #tpu.memory_space<hbm>>
          %dma_start3A_1175 = tpu.memref_squeeze %dma_start3A_1174 : memref<1x1x1x8x128xf32, #tpu.memory_space<hbm>> -> memref<8x128xf32, #tpu.memory_space<hbm>>
          %dma_start3A_1176 = arith.constant 0 : i32
          %dma_start3A_1177 = arith.constant 0 : i32
          %dma_start3A_1178 = tpu.memref_slice %arg8[%dma_start3A_1161, %dma_start3A_1162, %dma_start3A_1176, %dma_start3A_1177] : memref<2x8x8x128xf32, #tpu.memory_space<vmem>> -> memref<1x1x8x128xf32, #tpu.memory_space<vmem>>
          %dma_start3A_1179 = tpu.memref_squeeze %dma_start3A_1178 : memref<1x1x8x128xf32, #tpu.memory_space<vmem>> -> memref<8x128xf32, #tpu.memory_space<vmem>>
          tpu.enqueue_dma source(%dma_start3A_1179 : memref<8x128xf32, #tpu.memory_space<vmem>>) target(%dma_start3A_1175 : memref<8x128xf32, #tpu.memory_space<hbm>>) target_semaphore(%arg12 : memref<!tpu.dma_semaphore, #tpu.memory_space<semaphore_mem>>)
          %mul3A_1180 = arith.constant 2 : i32
          %mul3A_1181 = arith.muli %add3A_893, %mul3A_1180 : i32
          %add3A_1182 = arith.constant 1 : i32
          %add3A_1183 = arith.addi %mul3A_1181, %add3A_1182 : i32
          %dma_start3A_1184 = arith.constant 1 : i32
          %dma_start3A_1185 = arith.constant 3 : i32
          %dma_start3A_1186 = arith.constant 3 : i32
          %dma_start3A_1187 = arith.constant 0 : i32
          %dma_start3A_1188 = arith.constant 0 : i32
          %dma_start3A_1189 = tpu.memref_slice %arg8[%dma_start3A_1184, %dma_start3A_1185, %dma_start3A_1187, %dma_start3A_1188] : memref<2x8x8x128xf32, #tpu.memory_space<vmem>> -> memref<1x1x8x128xf32, #tpu.memory_space<vmem>>
          %dma_start3A_1190 = tpu.memref_squeeze %dma_start3A_1189 : memref<1x1x8x128xf32, #tpu.memory_space<vmem>> -> memref<8x128xf32, #tpu.memory_space<vmem>>
          %dma_start3A_1191 = arith.constant 0 : i32
          %dma_start3A_1192 = arith.constant 0 : i32
          %dma_start3A_1193 = tpu.memref_slice %arg4[%add3A_1183, %dma_start3A_1186, %add3A_235, %dma_start3A_1191, %dma_start3A_1192] : memref<50x8x128x8x128xf32, #tpu.memory_space<hbm>> -> memref<1x1x1x8x128xf32, #tpu.memory_space<hbm>>
          %dma_start3A_1194 = tpu.memref_squeeze %dma_start3A_1193 : memref<1x1x1x8x128xf32, #tpu.memory_space<hbm>> -> memref<8x128xf32, #tpu.memory_space<hbm>>
          %dma_start3A_1195 = arith.constant 0 : i32
          %dma_start3A_1196 = arith.constant 0 : i32
          %dma_start3A_1197 = tpu.memref_slice %arg4[%add3A_1183, %dma_start3A_1186, %add3A_235, %dma_start3A_1195, %dma_start3A_1196] : memref<50x8x128x8x128xf32, #tpu.memory_space<hbm>> -> memref<1x1x1x8x128xf32, #tpu.memory_space<hbm>>
          %dma_start3A_1198 = tpu.memref_squeeze %dma_start3A_1197 : memref<1x1x1x8x128xf32, #tpu.memory_space<hbm>> -> memref<8x128xf32, #tpu.memory_space<hbm>>
          %dma_start3A_1199 = arith.constant 0 : i32
          %dma_start3A_1200 = arith.constant 0 : i32
          %dma_start3A_1201 = tpu.memref_slice %arg8[%dma_start3A_1184, %dma_start3A_1185, %dma_start3A_1199, %dma_start3A_1200] : memref<2x8x8x128xf32, #tpu.memory_space<vmem>> -> memref<1x1x8x128xf32, #tpu.memory_space<vmem>>
          %dma_start3A_1202 = tpu.memref_squeeze %dma_start3A_1201 : memref<1x1x8x128xf32, #tpu.memory_space<vmem>> -> memref<8x128xf32, #tpu.memory_space<vmem>>
          tpu.enqueue_dma source(%dma_start3A_1202 : memref<8x128xf32, #tpu.memory_space<vmem>>) target(%dma_start3A_1198 : memref<8x128xf32, #tpu.memory_space<hbm>>) target_semaphore(%arg12 : memref<!tpu.dma_semaphore, #tpu.memory_space<semaphore_mem>>)
          %mul3A_1203 = arith.constant 2 : i32
          %mul3A_1204 = arith.muli %add3A_893, %mul3A_1203 : i32
          %add3A_1205 = arith.constant 1 : i32
          %add3A_1206 = arith.addi %mul3A_1204, %add3A_1205 : i32
          %dma_start3A_1207 = arith.constant 1 : i32
          %dma_start3A_1208 = arith.constant 4 : i32
          %dma_start3A_1209 = arith.constant 4 : i32
          %dma_start3A_1210 = arith.constant 0 : i32
          %dma_start3A_1211 = arith.constant 0 : i32
          %dma_start3A_1212 = tpu.memref_slice %arg8[%dma_start3A_1207, %dma_start3A_1208, %dma_start3A_1210, %dma_start3A_1211] : memref<2x8x8x128xf32, #tpu.memory_space<vmem>> -> memref<1x1x8x128xf32, #tpu.memory_space<vmem>>
          %dma_start3A_1213 = tpu.memref_squeeze %dma_start3A_1212 : memref<1x1x8x128xf32, #tpu.memory_space<vmem>> -> memref<8x128xf32, #tpu.memory_space<vmem>>
          %dma_start3A_1214 = arith.constant 0 : i32
          %dma_start3A_1215 = arith.constant 0 : i32
          %dma_start3A_1216 = tpu.memref_slice %arg4[%add3A_1206, %dma_start3A_1209, %add3A_235, %dma_start3A_1214, %dma_start3A_1215] : memref<50x8x128x8x128xf32, #tpu.memory_space<hbm>> -> memref<1x1x1x8x128xf32, #tpu.memory_space<hbm>>
          %dma_start3A_1217 = tpu.memref_squeeze %dma_start3A_1216 : memref<1x1x1x8x128xf32, #tpu.memory_space<hbm>> -> memref<8x128xf32, #tpu.memory_space<hbm>>
          %dma_start3A_1218 = arith.constant 0 : i32
          %dma_start3A_1219 = arith.constant 0 : i32
          %dma_start3A_1220 = tpu.memref_slice %arg4[%add3A_1206, %dma_start3A_1209, %add3A_235, %dma_start3A_1218, %dma_start3A_1219] : memref<50x8x128x8x128xf32, #tpu.memory_space<hbm>> -> memref<1x1x1x8x128xf32, #tpu.memory_space<hbm>>
          %dma_start3A_1221 = tpu.memref_squeeze %dma_start3A_1220 : memref<1x1x1x8x128xf32, #tpu.memory_space<hbm>> -> memref<8x128xf32, #tpu.memory_space<hbm>>
          %dma_start3A_1222 = arith.constant 0 : i32
          %dma_start3A_1223 = arith.constant 0 : i32
          %dma_start3A_1224 = tpu.memref_slice %arg8[%dma_start3A_1207, %dma_start3A_1208, %dma_start3A_1222, %dma_start3A_1223] : memref<2x8x8x128xf32, #tpu.memory_space<vmem>> -> memref<1x1x8x128xf32, #tpu.memory_space<vmem>>
          %dma_start3A_1225 = tpu.memref_squeeze %dma_start3A_1224 : memref<1x1x8x128xf32, #tpu.memory_space<vmem>> -> memref<8x128xf32, #tpu.memory_space<vmem>>
          tpu.enqueue_dma source(%dma_start3A_1225 : memref<8x128xf32, #tpu.memory_space<vmem>>) target(%dma_start3A_1221 : memref<8x128xf32, #tpu.memory_space<hbm>>) target_semaphore(%arg12 : memref<!tpu.dma_semaphore, #tpu.memory_space<semaphore_mem>>)
          %mul3A_1226 = arith.constant 2 : i32
          %mul3A_1227 = arith.muli %add3A_893, %mul3A_1226 : i32
          %add3A_1228 = arith.constant 1 : i32
          %add3A_1229 = arith.addi %mul3A_1227, %add3A_1228 : i32
          %dma_start3A_1230 = arith.constant 1 : i32
          %dma_start3A_1231 = arith.constant 5 : i32
          %dma_start3A_1232 = arith.constant 5 : i32
          %dma_start3A_1233 = arith.constant 0 : i32
          %dma_start3A_1234 = arith.constant 0 : i32
          %dma_start3A_1235 = tpu.memref_slice %arg8[%dma_start3A_1230, %dma_start3A_1231, %dma_start3A_1233, %dma_start3A_1234] : memref<2x8x8x128xf32, #tpu.memory_space<vmem>> -> memref<1x1x8x128xf32, #tpu.memory_space<vmem>>
          %dma_start3A_1236 = tpu.memref_squeeze %dma_start3A_1235 : memref<1x1x8x128xf32, #tpu.memory_space<vmem>> -> memref<8x128xf32, #tpu.memory_space<vmem>>
          %dma_start3A_1237 = arith.constant 0 : i32
          %dma_start3A_1238 = arith.constant 0 : i32
          %dma_start3A_1239 = tpu.memref_slice %arg4[%add3A_1229, %dma_start3A_1232, %add3A_235, %dma_start3A_1237, %dma_start3A_1238] : memref<50x8x128x8x128xf32, #tpu.memory_space<hbm>> -> memref<1x1x1x8x128xf32, #tpu.memory_space<hbm>>
          %dma_start3A_1240 = tpu.memref_squeeze %dma_start3A_1239 : memref<1x1x1x8x128xf32, #tpu.memory_space<hbm>> -> memref<8x128xf32, #tpu.memory_space<hbm>>
          %dma_start3A_1241 = arith.constant 0 : i32
          %dma_start3A_1242 = arith.constant 0 : i32
          %dma_start3A_1243 = tpu.memref_slice %arg4[%add3A_1229, %dma_start3A_1232, %add3A_235, %dma_start3A_1241, %dma_start3A_1242] : memref<50x8x128x8x128xf32, #tpu.memory_space<hbm>> -> memref<1x1x1x8x128xf32, #tpu.memory_space<hbm>>
          %dma_start3A_1244 = tpu.memref_squeeze %dma_start3A_1243 : memref<1x1x1x8x128xf32, #tpu.memory_space<hbm>> -> memref<8x128xf32, #tpu.memory_space<hbm>>
          %dma_start3A_1245 = arith.constant 0 : i32
          %dma_start3A_1246 = arith.constant 0 : i32
          %dma_start3A_1247 = tpu.memref_slice %arg8[%dma_start3A_1230, %dma_start3A_1231, %dma_start3A_1245, %dma_start3A_1246] : memref<2x8x8x128xf32, #tpu.memory_space<vmem>> -> memref<1x1x8x128xf32, #tpu.memory_space<vmem>>
          %dma_start3A_1248 = tpu.memref_squeeze %dma_start3A_1247 : memref<1x1x8x128xf32, #tpu.memory_space<vmem>> -> memref<8x128xf32, #tpu.memory_space<vmem>>
          tpu.enqueue_dma source(%dma_start3A_1248 : memref<8x128xf32, #tpu.memory_space<vmem>>) target(%dma_start3A_1244 : memref<8x128xf32, #tpu.memory_space<hbm>>) target_semaphore(%arg12 : memref<!tpu.dma_semaphore, #tpu.memory_space<semaphore_mem>>)
          %mul3A_1249 = arith.constant 2 : i32
          %mul3A_1250 = arith.muli %add3A_893, %mul3A_1249 : i32
          %add3A_1251 = arith.constant 1 : i32
          %add3A_1252 = arith.addi %mul3A_1250, %add3A_1251 : i32
          %dma_start3A_1253 = arith.constant 1 : i32
          %dma_start3A_1254 = arith.constant 6 : i32
          %dma_start3A_1255 = arith.constant 6 : i32
          %dma_start3A_1256 = arith.constant 0 : i32
          %dma_start3A_1257 = arith.constant 0 : i32
          %dma_start3A_1258 = tpu.memref_slice %arg8[%dma_start3A_1253, %dma_start3A_1254, %dma_start3A_1256, %dma_start3A_1257] : memref<2x8x8x128xf32, #tpu.memory_space<vmem>> -> memref<1x1x8x128xf32, #tpu.memory_space<vmem>>
          %dma_start3A_1259 = tpu.memref_squeeze %dma_start3A_1258 : memref<1x1x8x128xf32, #tpu.memory_space<vmem>> -> memref<8x128xf32, #tpu.memory_space<vmem>>
          %dma_start3A_1260 = arith.constant 0 : i32
          %dma_start3A_1261 = arith.constant 0 : i32
          %dma_start3A_1262 = tpu.memref_slice %arg4[%add3A_1252, %dma_start3A_1255, %add3A_235, %dma_start3A_1260, %dma_start3A_1261] : memref<50x8x128x8x128xf32, #tpu.memory_space<hbm>> -> memref<1x1x1x8x128xf32, #tpu.memory_space<hbm>>
          %dma_start3A_1263 = tpu.memref_squeeze %dma_start3A_1262 : memref<1x1x1x8x128xf32, #tpu.memory_space<hbm>> -> memref<8x128xf32, #tpu.memory_space<hbm>>
          %dma_start3A_1264 = arith.constant 0 : i32
          %dma_start3A_1265 = arith.constant 0 : i32
          %dma_start3A_1266 = tpu.memref_slice %arg4[%add3A_1252, %dma_start3A_1255, %add3A_235, %dma_start3A_1264, %dma_start3A_1265] : memref<50x8x128x8x128xf32, #tpu.memory_space<hbm>> -> memref<1x1x1x8x128xf32, #tpu.memory_space<hbm>>
          %dma_start3A_1267 = tpu.memref_squeeze %dma_start3A_1266 : memref<1x1x1x8x128xf32, #tpu.memory_space<hbm>> -> memref<8x128xf32, #tpu.memory_space<hbm>>
          %dma_start3A_1268 = arith.constant 0 : i32
          %dma_start3A_1269 = arith.constant 0 : i32
          %dma_start3A_1270 = tpu.memref_slice %arg8[%dma_start3A_1253, %dma_start3A_1254, %dma_start3A_1268, %dma_start3A_1269] : memref<2x8x8x128xf32, #tpu.memory_space<vmem>> -> memref<1x1x8x128xf32, #tpu.memory_space<vmem>>
          %dma_start3A_1271 = tpu.memref_squeeze %dma_start3A_1270 : memref<1x1x8x128xf32, #tpu.memory_space<vmem>> -> memref<8x128xf32, #tpu.memory_space<vmem>>
          tpu.enqueue_dma source(%dma_start3A_1271 : memref<8x128xf32, #tpu.memory_space<vmem>>) target(%dma_start3A_1267 : memref<8x128xf32, #tpu.memory_space<hbm>>) target_semaphore(%arg12 : memref<!tpu.dma_semaphore, #tpu.memory_space<semaphore_mem>>)
          %mul3A_1272 = arith.constant 2 : i32
          %mul3A_1273 = arith.muli %add3A_893, %mul3A_1272 : i32
          %add3A_1274 = arith.constant 1 : i32
          %add3A_1275 = arith.addi %mul3A_1273, %add3A_1274 : i32
          %dma_start3A_1276 = arith.constant 1 : i32
          %dma_start3A_1277 = arith.constant 7 : i32
          %dma_start3A_1278 = arith.constant 7 : i32
          %dma_start3A_1279 = arith.constant 0 : i32
          %dma_start3A_1280 = arith.constant 0 : i32
          %dma_start3A_1281 = tpu.memref_slice %arg8[%dma_start3A_1276, %dma_start3A_1277, %dma_start3A_1279, %dma_start3A_1280] : memref<2x8x8x128xf32, #tpu.memory_space<vmem>> -> memref<1x1x8x128xf32, #tpu.memory_space<vmem>>
          %dma_start3A_1282 = tpu.memref_squeeze %dma_start3A_1281 : memref<1x1x8x128xf32, #tpu.memory_space<vmem>> -> memref<8x128xf32, #tpu.memory_space<vmem>>
          %dma_start3A_1283 = arith.constant 0 : i32
          %dma_start3A_1284 = arith.constant 0 : i32
          %dma_start3A_1285 = tpu.memref_slice %arg4[%add3A_1275, %dma_start3A_1278, %add3A_235, %dma_start3A_1283, %dma_start3A_1284] : memref<50x8x128x8x128xf32, #tpu.memory_space<hbm>> -> memref<1x1x1x8x128xf32, #tpu.memory_space<hbm>>
          %dma_start3A_1286 = tpu.memref_squeeze %dma_start3A_1285 : memref<1x1x1x8x128xf32, #tpu.memory_space<hbm>> -> memref<8x128xf32, #tpu.memory_space<hbm>>
          %dma_start3A_1287 = arith.constant 0 : i32
          %dma_start3A_1288 = arith.constant 0 : i32
          %dma_start3A_1289 = tpu.memref_slice %arg4[%add3A_1275, %dma_start3A_1278, %add3A_235, %dma_start3A_1287, %dma_start3A_1288] : memref<50x8x128x8x128xf32, #tpu.memory_space<hbm>> -> memref<1x1x1x8x128xf32, #tpu.memory_space<hbm>>
          %dma_start3A_1290 = tpu.memref_squeeze %dma_start3A_1289 : memref<1x1x1x8x128xf32, #tpu.memory_space<hbm>> -> memref<8x128xf32, #tpu.memory_space<hbm>>
          %dma_start3A_1291 = arith.constant 0 : i32
          %dma_start3A_1292 = arith.constant 0 : i32
          %dma_start3A_1293 = tpu.memref_slice %arg8[%dma_start3A_1276, %dma_start3A_1277, %dma_start3A_1291, %dma_start3A_1292] : memref<2x8x8x128xf32, #tpu.memory_space<vmem>> -> memref<1x1x8x128xf32, #tpu.memory_space<vmem>>
          %dma_start3A_1294 = tpu.memref_squeeze %dma_start3A_1293 : memref<1x1x8x128xf32, #tpu.memory_space<vmem>> -> memref<8x128xf32, #tpu.memory_space<vmem>>
          tpu.enqueue_dma source(%dma_start3A_1294 : memref<8x128xf32, #tpu.memory_space<vmem>>) target(%dma_start3A_1290 : memref<8x128xf32, #tpu.memory_space<hbm>>) target_semaphore(%arg12 : memref<!tpu.dma_semaphore, #tpu.memory_space<semaphore_mem>>)
        } else {
        }
        %mul3A_897 = arith.constant 2 : i32
        %mul3A_898 = arith.muli %mul3A_897, %scan3A_889 : i32
        %add3A_899 = arith.constant 1 : i32
        %add3A_900 = arith.addi %mul3A_898, %add3A_899 : i32
        %lt3A_901 = arith.constant 25 : i32
        %lt3A_902 = arith.cmpi slt, %add3A_900, %lt3A_901 : i32
        %convert_element_type3A_903 = arith.extui %lt3A_902 : i1 to i32
        %cond3A_904 = arith.constant 0 : i32
        %cond3A_905 = arith.cmpi ne, %convert_element_type3A_903, %cond3A_904 : i32
        scf.if %cond3A_905 {
          %add3A_906 = arith.constant 1 : i32
          %add3A_907 = arith.addi %add3A_900, %add3A_906 : i32
          %lt3A_908 = arith.constant 25 : i32
          %lt3A_909 = arith.cmpi slt, %add3A_907, %lt3A_908 : i32
          %convert_element_type3A_910 = arith.extui %lt3A_909 : i1 to i32
          %cond3A_911 = arith.constant 0 : i32
          %cond3A_912 = arith.cmpi ne, %convert_element_type3A_910, %cond3A_911 : i32
          scf.if %cond3A_912 {
            %add3A_1295 = arith.constant 1 : i32
            %add3A_1296 = arith.addi %add3A_900, %add3A_1295 : i32
            %mul3A_1297 = arith.constant 2 : i32
            %mul3A_1298 = arith.muli %add3A_1296, %mul3A_1297 : i32
            %mul3A_1299 = arith.constant 128 : i32
            %mul3A_1300 = arith.muli %mul3A_1298, %mul3A_1299 : i32
            %dma_start3A_1301 = tpu.memref_slice %arg5[%mul3A_1300] : memref<6400xi32, #tpu.memory_space<vmem>> -> memref<256xi32, #tpu.memory_space<vmem>>
            %dma_start3A_1302 = arith.constant 0 : i32
            %dma_start3A_1303 = arith.constant 0 : i32
            %dma_start3A_1304 = tpu.memref_slice %arg3[%dma_start3A_1302, %dma_start3A_1303] : memref<1000000x64xf32, #tpu.memory_space<hbm>> -> memref<1000000x64xf32, #tpu.memory_space<hbm>>
            tpu.enqueue_indirect_dma source(%dma_start3A_1304 : memref<1000000x64xf32, #tpu.memory_space<hbm>>) target(%arg6 : memref<256x64xf32, #tpu.memory_space<vmem>>) offsets(%dma_start3A_1301 : memref<256xi32, #tpu.memory_space<vmem>>) semaphore(%arg10 : memref<!tpu.dma_semaphore, #tpu.memory_space<semaphore_mem>>)
          } else {
          }
          %ge3A = arith.constant 2 : i32
          %ge3A_913 = arith.cmpi sge, %add3A_900, %ge3A : i32
          %convert_element_type3A_914 = arith.extui %ge3A_913 : i1 to i32
          %cond3A_915 = arith.constant 0 : i32
          %cond3A_916 = arith.cmpi ne, %convert_element_type3A_914, %cond3A_915 : i32
          scf.if %cond3A_916 {
            %sub3A_1295 = arith.constant 2 : i32
            %sub3A_1296 = arith.subi %add3A_900, %sub3A_1295 : i32
            %mul3A_1297 = arith.constant 2 : i32
            %mul3A_1298 = arith.muli %sub3A_1296, %mul3A_1297 : i32
            %add3A_1299 = arith.constant 0 : i32
            %add3A_1300 = arith.addi %mul3A_1298, %add3A_1299 : i32
            %dma_wait3A_1301 = arith.constant 0 : i32
            %dma_wait3A_1302 = arith.constant 0 : i32
            %dma_wait3A_1303 = arith.constant 0 : i32
            %dma_wait3A_1304 = arith.constant 0 : i32
            %dma_wait3A_1305 = arith.constant 0 : i32
            %dma_wait3A_1306 = tpu.memref_slice %arg9[%dma_wait3A_1301, %dma_wait3A_1302, %dma_wait3A_1304, %dma_wait3A_1305] : memref<2x8x8x128xf32, #tpu.memory_space<vmem>> -> memref<1x1x8x128xf32, #tpu.memory_space<vmem>>
            %dma_wait3A_1307 = tpu.memref_squeeze %dma_wait3A_1306 : memref<1x1x8x128xf32, #tpu.memory_space<vmem>> -> memref<8x128xf32, #tpu.memory_space<vmem>>
            %dma_wait3A_1308 = arith.constant 0 : i32
            %dma_wait3A_1309 = arith.constant 0 : i32
            %dma_wait3A_1310 = tpu.memref_slice %arg4[%add3A_1300, %dma_wait3A_1303, %add3A_235, %dma_wait3A_1308, %dma_wait3A_1309] : memref<50x8x128x8x128xf32, #tpu.memory_space<hbm>> -> memref<1x1x1x8x128xf32, #tpu.memory_space<hbm>>
            %dma_wait3A_1311 = tpu.memref_squeeze %dma_wait3A_1310 : memref<1x1x1x8x128xf32, #tpu.memory_space<hbm>> -> memref<8x128xf32, #tpu.memory_space<hbm>>
            %dma_wait3A_1312 = arith.constant 0 : i32
            %dma_wait3A_1313 = arith.constant 0 : i32
            %dma_wait3A_1314 = tpu.memref_slice %arg4[%add3A_1300, %dma_wait3A_1303, %add3A_235, %dma_wait3A_1312, %dma_wait3A_1313] : memref<50x8x128x8x128xf32, #tpu.memory_space<hbm>> -> memref<1x1x1x8x128xf32, #tpu.memory_space<hbm>>
            %dma_wait3A_1315 = tpu.memref_squeeze %dma_wait3A_1314 : memref<1x1x1x8x128xf32, #tpu.memory_space<hbm>> -> memref<8x128xf32, #tpu.memory_space<hbm>>
            %dma_wait3A_1316 = arith.constant 0 : i32
            %dma_wait3A_1317 = arith.constant 0 : i32
            %dma_wait3A_1318 = tpu.memref_slice %arg9[%dma_wait3A_1301, %dma_wait3A_1302, %dma_wait3A_1316, %dma_wait3A_1317] : memref<2x8x8x128xf32, #tpu.memory_space<vmem>> -> memref<1x1x8x128xf32, #tpu.memory_space<vmem>>
            %dma_wait3A_1319 = tpu.memref_squeeze %dma_wait3A_1318 : memref<1x1x8x128xf32, #tpu.memory_space<vmem>> -> memref<8x128xf32, #tpu.memory_space<vmem>>
            tpu.wait_dma2 semaphore(%arg13 : memref<!tpu.dma_semaphore, #tpu.memory_space<semaphore_mem>>) src(%dma_wait3A_1319 : memref<8x128xf32, #tpu.memory_space<vmem>>) dst(%dma_wait3A_1315 : memref<8x128xf32, #tpu.memory_space<hbm>>)
            %mul3A_1320 = arith.constant 2 : i32
            %mul3A_1321 = arith.muli %sub3A_1296, %mul3A_1320 : i32
            %add3A_1322 = arith.constant 0 : i32
            %add3A_1323 = arith.addi %mul3A_1321, %add3A_1322 : i32
            %dma_wait3A_1324 = arith.constant 0 : i32
            %dma_wait3A_1325 = arith.constant 1 : i32
            %dma_wait3A_1326 = arith.constant 1 : i32
            %dma_wait3A_1327 = arith.constant 0 : i32
            %dma_wait3A_1328 = arith.constant 0 : i32
            %dma_wait3A_1329 = tpu.memref_slice %arg9[%dma_wait3A_1324, %dma_wait3A_1325, %dma_wait3A_1327, %dma_wait3A_1328] : memref<2x8x8x128xf32, #tpu.memory_space<vmem>> -> memref<1x1x8x128xf32, #tpu.memory_space<vmem>>
            %dma_wait3A_1330 = tpu.memref_squeeze %dma_wait3A_1329 : memref<1x1x8x128xf32, #tpu.memory_space<vmem>> -> memref<8x128xf32, #tpu.memory_space<vmem>>
            %dma_wait3A_1331 = arith.constant 0 : i32
            %dma_wait3A_1332 = arith.constant 0 : i32
            %dma_wait3A_1333 = tpu.memref_slice %arg4[%add3A_1323, %dma_wait3A_1326, %add3A_235, %dma_wait3A_1331, %dma_wait3A_1332] : memref<50x8x128x8x128xf32, #tpu.memory_space<hbm>> -> memref<1x1x1x8x128xf32, #tpu.memory_space<hbm>>
            %dma_wait3A_1334 = tpu.memref_squeeze %dma_wait3A_1333 : memref<1x1x1x8x128xf32, #tpu.memory_space<hbm>> -> memref<8x128xf32, #tpu.memory_space<hbm>>
            %dma_wait3A_1335 = arith.constant 0 : i32
            %dma_wait3A_1336 = arith.constant 0 : i32
            %dma_wait3A_1337 = tpu.memref_slice %arg4[%add3A_1323, %dma_wait3A_1326, %add3A_235, %dma_wait3A_1335, %dma_wait3A_1336] : memref<50x8x128x8x128xf32, #tpu.memory_space<hbm>> -> memref<1x1x1x8x128xf32, #tpu.memory_space<hbm>>
            %dma_wait3A_1338 = tpu.memref_squeeze %dma_wait3A_1337 : memref<1x1x1x8x128xf32, #tpu.memory_space<hbm>> -> memref<8x128xf32, #tpu.memory_space<hbm>>
            %dma_wait3A_1339 = arith.constant 0 : i32
            %dma_wait3A_1340 = arith.constant 0 : i32
            %dma_wait3A_1341 = tpu.memref_slice %arg9[%dma_wait3A_1324, %dma_wait3A_1325, %dma_wait3A_1339, %dma_wait3A_1340] : memref<2x8x8x128xf32, #tpu.memory_space<vmem>> -> memref<1x1x8x128xf32, #tpu.memory_space<vmem>>
            %dma_wait3A_1342 = tpu.memref_squeeze %dma_wait3A_1341 : memref<1x1x8x128xf32, #tpu.memory_space<vmem>> -> memref<8x128xf32, #tpu.memory_space<vmem>>
            tpu.wait_dma2 semaphore(%arg13 : memref<!tpu.dma_semaphore, #tpu.memory_space<semaphore_mem>>) src(%dma_wait3A_1342 : memref<8x128xf32, #tpu.memory_space<vmem>>) dst(%dma_wait3A_1338 : memref<8x128xf32, #tpu.memory_space<hbm>>)
            %mul3A_1343 = arith.constant 2 : i32
            %mul3A_1344 = arith.muli %sub3A_1296, %mul3A_1343 : i32
            %add3A_1345 = arith.constant 0 : i32
            %add3A_1346 = arith.addi %mul3A_1344, %add3A_1345 : i32
            %dma_wait3A_1347 = arith.constant 0 : i32
            %dma_wait3A_1348 = arith.constant 2 : i32
            %dma_wait3A_1349 = arith.constant 2 : i32
            %dma_wait3A_1350 = arith.constant 0 : i32
            %dma_wait3A_1351 = arith.constant 0 : i32
            %dma_wait3A_1352 = tpu.memref_slice %arg9[%dma_wait3A_1347, %dma_wait3A_1348, %dma_wait3A_1350, %dma_wait3A_1351] : memref<2x8x8x128xf32, #tpu.memory_space<vmem>> -> memref<1x1x8x128xf32, #tpu.memory_space<vmem>>
            %dma_wait3A_1353 = tpu.memref_squeeze %dma_wait3A_1352 : memref<1x1x8x128xf32, #tpu.memory_space<vmem>> -> memref<8x128xf32, #tpu.memory_space<vmem>>
            %dma_wait3A_1354 = arith.constant 0 : i32
            %dma_wait3A_1355 = arith.constant 0 : i32
            %dma_wait3A_1356 = tpu.memref_slice %arg4[%add3A_1346, %dma_wait3A_1349, %add3A_235, %dma_wait3A_1354, %dma_wait3A_1355] : memref<50x8x128x8x128xf32, #tpu.memory_space<hbm>> -> memref<1x1x1x8x128xf32, #tpu.memory_space<hbm>>
            %dma_wait3A_1357 = tpu.memref_squeeze %dma_wait3A_1356 : memref<1x1x1x8x128xf32, #tpu.memory_space<hbm>> -> memref<8x128xf32, #tpu.memory_space<hbm>>
            %dma_wait3A_1358 = arith.constant 0 : i32
            %dma_wait3A_1359 = arith.constant 0 : i32
            %dma_wait3A_1360 = tpu.memref_slice %arg4[%add3A_1346, %dma_wait3A_1349, %add3A_235, %dma_wait3A_1358, %dma_wait3A_1359] : memref<50x8x128x8x128xf32, #tpu.memory_space<hbm>> -> memref<1x1x1x8x128xf32, #tpu.memory_space<hbm>>
            %dma_wait3A_1361 = tpu.memref_squeeze %dma_wait3A_1360 : memref<1x1x1x8x128xf32, #tpu.memory_space<hbm>> -> memref<8x128xf32, #tpu.memory_space<hbm>>
            %dma_wait3A_1362 = arith.constant 0 : i32
            %dma_wait3A_1363 = arith.constant 0 : i32
            %dma_wait3A_1364 = tpu.memref_slice %arg9[%dma_wait3A_1347, %dma_wait3A_1348, %dma_wait3A_1362, %dma_wait3A_1363] : memref<2x8x8x128xf32, #tpu.memory_space<vmem>> -> memref<1x1x8x128xf32, #tpu.memory_space<vmem>>
            %dma_wait3A_1365 = tpu.memref_squeeze %dma_wait3A_1364 : memref<1x1x8x128xf32, #tpu.memory_space<vmem>> -> memref<8x128xf32, #tpu.memory_space<vmem>>
            tpu.wait_dma2 semaphore(%arg13 : memref<!tpu.dma_semaphore, #tpu.memory_space<semaphore_mem>>) src(%dma_wait3A_1365 : memref<8x128xf32, #tpu.memory_space<vmem>>) dst(%dma_wait3A_1361 : memref<8x128xf32, #tpu.memory_space<hbm>>)
            %mul3A_1366 = arith.constant 2 : i32
            %mul3A_1367 = arith.muli %sub3A_1296, %mul3A_1366 : i32
            %add3A_1368 = arith.constant 0 : i32
            %add3A_1369 = arith.addi %mul3A_1367, %add3A_1368 : i32
            %dma_wait3A_1370 = arith.constant 0 : i32
            %dma_wait3A_1371 = arith.constant 3 : i32
            %dma_wait3A_1372 = arith.constant 3 : i32
            %dma_wait3A_1373 = arith.constant 0 : i32
            %dma_wait3A_1374 = arith.constant 0 : i32
            %dma_wait3A_1375 = tpu.memref_slice %arg9[%dma_wait3A_1370, %dma_wait3A_1371, %dma_wait3A_1373, %dma_wait3A_1374] : memref<2x8x8x128xf32, #tpu.memory_space<vmem>> -> memref<1x1x8x128xf32, #tpu.memory_space<vmem>>
            %dma_wait3A_1376 = tpu.memref_squeeze %dma_wait3A_1375 : memref<1x1x8x128xf32, #tpu.memory_space<vmem>> -> memref<8x128xf32, #tpu.memory_space<vmem>>
            %dma_wait3A_1377 = arith.constant 0 : i32
            %dma_wait3A_1378 = arith.constant 0 : i32
            %dma_wait3A_1379 = tpu.memref_slice %arg4[%add3A_1369, %dma_wait3A_1372, %add3A_235, %dma_wait3A_1377, %dma_wait3A_1378] : memref<50x8x128x8x128xf32, #tpu.memory_space<hbm>> -> memref<1x1x1x8x128xf32, #tpu.memory_space<hbm>>
            %dma_wait3A_1380 = tpu.memref_squeeze %dma_wait3A_1379 : memref<1x1x1x8x128xf32, #tpu.memory_space<hbm>> -> memref<8x128xf32, #tpu.memory_space<hbm>>
            %dma_wait3A_1381 = arith.constant 0 : i32
            %dma_wait3A_1382 = arith.constant 0 : i32
            %dma_wait3A_1383 = tpu.memref_slice %arg4[%add3A_1369, %dma_wait3A_1372, %add3A_235, %dma_wait3A_1381, %dma_wait3A_1382] : memref<50x8x128x8x128xf32, #tpu.memory_space<hbm>> -> memref<1x1x1x8x128xf32, #tpu.memory_space<hbm>>
            %dma_wait3A_1384 = tpu.memref_squeeze %dma_wait3A_1383 : memref<1x1x1x8x128xf32, #tpu.memory_space<hbm>> -> memref<8x128xf32, #tpu.memory_space<hbm>>
            %dma_wait3A_1385 = arith.constant 0 : i32
            %dma_wait3A_1386 = arith.constant 0 : i32
            %dma_wait3A_1387 = tpu.memref_slice %arg9[%dma_wait3A_1370, %dma_wait3A_1371, %dma_wait3A_1385, %dma_wait3A_1386] : memref<2x8x8x128xf32, #tpu.memory_space<vmem>> -> memref<1x1x8x128xf32, #tpu.memory_space<vmem>>
            %dma_wait3A_1388 = tpu.memref_squeeze %dma_wait3A_1387 : memref<1x1x8x128xf32, #tpu.memory_space<vmem>> -> memref<8x128xf32, #tpu.memory_space<vmem>>
            tpu.wait_dma2 semaphore(%arg13 : memref<!tpu.dma_semaphore, #tpu.memory_space<semaphore_mem>>) src(%dma_wait3A_1388 : memref<8x128xf32, #tpu.memory_space<vmem>>) dst(%dma_wait3A_1384 : memref<8x128xf32, #tpu.memory_space<hbm>>)
            %mul3A_1389 = arith.constant 2 : i32
            %mul3A_1390 = arith.muli %sub3A_1296, %mul3A_1389 : i32
            %add3A_1391 = arith.constant 0 : i32
            %add3A_1392 = arith.addi %mul3A_1390, %add3A_1391 : i32
            %dma_wait3A_1393 = arith.constant 0 : i32
            %dma_wait3A_1394 = arith.constant 4 : i32
            %dma_wait3A_1395 = arith.constant 4 : i32
            %dma_wait3A_1396 = arith.constant 0 : i32
            %dma_wait3A_1397 = arith.constant 0 : i32
            %dma_wait3A_1398 = tpu.memref_slice %arg9[%dma_wait3A_1393, %dma_wait3A_1394, %dma_wait3A_1396, %dma_wait3A_1397] : memref<2x8x8x128xf32, #tpu.memory_space<vmem>> -> memref<1x1x8x128xf32, #tpu.memory_space<vmem>>
            %dma_wait3A_1399 = tpu.memref_squeeze %dma_wait3A_1398 : memref<1x1x8x128xf32, #tpu.memory_space<vmem>> -> memref<8x128xf32, #tpu.memory_space<vmem>>
            %dma_wait3A_1400 = arith.constant 0 : i32
            %dma_wait3A_1401 = arith.constant 0 : i32
            %dma_wait3A_1402 = tpu.memref_slice %arg4[%add3A_1392, %dma_wait3A_1395, %add3A_235, %dma_wait3A_1400, %dma_wait3A_1401] : memref<50x8x128x8x128xf32, #tpu.memory_space<hbm>> -> memref<1x1x1x8x128xf32, #tpu.memory_space<hbm>>
            %dma_wait3A_1403 = tpu.memref_squeeze %dma_wait3A_1402 : memref<1x1x1x8x128xf32, #tpu.memory_space<hbm>> -> memref<8x128xf32, #tpu.memory_space<hbm>>
            %dma_wait3A_1404 = arith.constant 0 : i32
            %dma_wait3A_1405 = arith.constant 0 : i32
            %dma_wait3A_1406 = tpu.memref_slice %arg4[%add3A_1392, %dma_wait3A_1395, %add3A_235, %dma_wait3A_1404, %dma_wait3A_1405] : memref<50x8x128x8x128xf32, #tpu.memory_space<hbm>> -> memref<1x1x1x8x128xf32, #tpu.memory_space<hbm>>
            %dma_wait3A_1407 = tpu.memref_squeeze %dma_wait3A_1406 : memref<1x1x1x8x128xf32, #tpu.memory_space<hbm>> -> memref<8x128xf32, #tpu.memory_space<hbm>>
            %dma_wait3A_1408 = arith.constant 0 : i32
            %dma_wait3A_1409 = arith.constant 0 : i32
            %dma_wait3A_1410 = tpu.memref_slice %arg9[%dma_wait3A_1393, %dma_wait3A_1394, %dma_wait3A_1408, %dma_wait3A_1409] : memref<2x8x8x128xf32, #tpu.memory_space<vmem>> -> memref<1x1x8x128xf32, #tpu.memory_space<vmem>>
            %dma_wait3A_1411 = tpu.memref_squeeze %dma_wait3A_1410 : memref<1x1x8x128xf32, #tpu.memory_space<vmem>> -> memref<8x128xf32, #tpu.memory_space<vmem>>
            tpu.wait_dma2 semaphore(%arg13 : memref<!tpu.dma_semaphore, #tpu.memory_space<semaphore_mem>>) src(%dma_wait3A_1411 : memref<8x128xf32, #tpu.memory_space<vmem>>) dst(%dma_wait3A_1407 : memref<8x128xf32, #tpu.memory_space<hbm>>)
            %mul3A_1412 = arith.constant 2 : i32
            %mul3A_1413 = arith.muli %sub3A_1296, %mul3A_1412 : i32
            %add3A_1414 = arith.constant 0 : i32
            %add3A_1415 = arith.addi %mul3A_1413, %add3A_1414 : i32
            %dma_wait3A_1416 = arith.constant 0 : i32
            %dma_wait3A_1417 = arith.constant 5 : i32
            %dma_wait3A_1418 = arith.constant 5 : i32
            %dma_wait3A_1419 = arith.constant 0 : i32
            %dma_wait3A_1420 = arith.constant 0 : i32
            %dma_wait3A_1421 = tpu.memref_slice %arg9[%dma_wait3A_1416, %dma_wait3A_1417, %dma_wait3A_1419, %dma_wait3A_1420] : memref<2x8x8x128xf32, #tpu.memory_space<vmem>> -> memref<1x1x8x128xf32, #tpu.memory_space<vmem>>
            %dma_wait3A_1422 = tpu.memref_squeeze %dma_wait3A_1421 : memref<1x1x8x128xf32, #tpu.memory_space<vmem>> -> memref<8x128xf32, #tpu.memory_space<vmem>>
            %dma_wait3A_1423 = arith.constant 0 : i32
            %dma_wait3A_1424 = arith.constant 0 : i32
            %dma_wait3A_1425 = tpu.memref_slice %arg4[%add3A_1415, %dma_wait3A_1418, %add3A_235, %dma_wait3A_1423, %dma_wait3A_1424] : memref<50x8x128x8x128xf32, #tpu.memory_space<hbm>> -> memref<1x1x1x8x128xf32, #tpu.memory_space<hbm>>
            %dma_wait3A_1426 = tpu.memref_squeeze %dma_wait3A_1425 : memref<1x1x1x8x128xf32, #tpu.memory_space<hbm>> -> memref<8x128xf32, #tpu.memory_space<hbm>>
            %dma_wait3A_1427 = arith.constant 0 : i32
            %dma_wait3A_1428 = arith.constant 0 : i32
            %dma_wait3A_1429 = tpu.memref_slice %arg4[%add3A_1415, %dma_wait3A_1418, %add3A_235, %dma_wait3A_1427, %dma_wait3A_1428] : memref<50x8x128x8x128xf32, #tpu.memory_space<hbm>> -> memref<1x1x1x8x128xf32, #tpu.memory_space<hbm>>
            %dma_wait3A_1430 = tpu.memref_squeeze %dma_wait3A_1429 : memref<1x1x1x8x128xf32, #tpu.memory_space<hbm>> -> memref<8x128xf32, #tpu.memory_space<hbm>>
            %dma_wait3A_1431 = arith.constant 0 : i32
            %dma_wait3A_1432 = arith.constant 0 : i32
            %dma_wait3A_1433 = tpu.memref_slice %arg9[%dma_wait3A_1416, %dma_wait3A_1417, %dma_wait3A_1431, %dma_wait3A_1432] : memref<2x8x8x128xf32, #tpu.memory_space<vmem>> -> memref<1x1x8x128xf32, #tpu.memory_space<vmem>>
            %dma_wait3A_1434 = tpu.memref_squeeze %dma_wait3A_1433 : memref<1x1x8x128xf32, #tpu.memory_space<vmem>> -> memref<8x128xf32, #tpu.memory_space<vmem>>
            tpu.wait_dma2 semaphore(%arg13 : memref<!tpu.dma_semaphore, #tpu.memory_space<semaphore_mem>>) src(%dma_wait3A_1434 : memref<8x128xf32, #tpu.memory_space<vmem>>) dst(%dma_wait3A_1430 : memref<8x128xf32, #tpu.memory_space<hbm>>)
            %mul3A_1435 = arith.constant 2 : i32
            %mul3A_1436 = arith.muli %sub3A_1296, %mul3A_1435 : i32
            %add3A_1437 = arith.constant 0 : i32
            %add3A_1438 = arith.addi %mul3A_1436, %add3A_1437 : i32
            %dma_wait3A_1439 = arith.constant 0 : i32
            %dma_wait3A_1440 = arith.constant 6 : i32
            %dma_wait3A_1441 = arith.constant 6 : i32
            %dma_wait3A_1442 = arith.constant 0 : i32
            %dma_wait3A_1443 = arith.constant 0 : i32
            %dma_wait3A_1444 = tpu.memref_slice %arg9[%dma_wait3A_1439, %dma_wait3A_1440, %dma_wait3A_1442, %dma_wait3A_1443] : memref<2x8x8x128xf32, #tpu.memory_space<vmem>> -> memref<1x1x8x128xf32, #tpu.memory_space<vmem>>
            %dma_wait3A_1445 = tpu.memref_squeeze %dma_wait3A_1444 : memref<1x1x8x128xf32, #tpu.memory_space<vmem>> -> memref<8x128xf32, #tpu.memory_space<vmem>>
            %dma_wait3A_1446 = arith.constant 0 : i32
            %dma_wait3A_1447 = arith.constant 0 : i32
            %dma_wait3A_1448 = tpu.memref_slice %arg4[%add3A_1438, %dma_wait3A_1441, %add3A_235, %dma_wait3A_1446, %dma_wait3A_1447] : memref<50x8x128x8x128xf32, #tpu.memory_space<hbm>> -> memref<1x1x1x8x128xf32, #tpu.memory_space<hbm>>
            %dma_wait3A_1449 = tpu.memref_squeeze %dma_wait3A_1448 : memref<1x1x1x8x128xf32, #tpu.memory_space<hbm>> -> memref<8x128xf32, #tpu.memory_space<hbm>>
            %dma_wait3A_1450 = arith.constant 0 : i32
            %dma_wait3A_1451 = arith.constant 0 : i32
            %dma_wait3A_1452 = tpu.memref_slice %arg4[%add3A_1438, %dma_wait3A_1441, %add3A_235, %dma_wait3A_1450, %dma_wait3A_1451] : memref<50x8x128x8x128xf32, #tpu.memory_space<hbm>> -> memref<1x1x1x8x128xf32, #tpu.memory_space<hbm>>
            %dma_wait3A_1453 = tpu.memref_squeeze %dma_wait3A_1452 : memref<1x1x1x8x128xf32, #tpu.memory_space<hbm>> -> memref<8x128xf32, #tpu.memory_space<hbm>>
            %dma_wait3A_1454 = arith.constant 0 : i32
            %dma_wait3A_1455 = arith.constant 0 : i32
            %dma_wait3A_1456 = tpu.memref_slice %arg9[%dma_wait3A_1439, %dma_wait3A_1440, %dma_wait3A_1454, %dma_wait3A_1455] : memref<2x8x8x128xf32, #tpu.memory_space<vmem>> -> memref<1x1x8x128xf32, #tpu.memory_space<vmem>>
            %dma_wait3A_1457 = tpu.memref_squeeze %dma_wait3A_1456 : memref<1x1x8x128xf32, #tpu.memory_space<vmem>> -> memref<8x128xf32, #tpu.memory_space<vmem>>
            tpu.wait_dma2 semaphore(%arg13 : memref<!tpu.dma_semaphore, #tpu.memory_space<semaphore_mem>>) src(%dma_wait3A_1457 : memref<8x128xf32, #tpu.memory_space<vmem>>) dst(%dma_wait3A_1453 : memref<8x128xf32, #tpu.memory_space<hbm>>)
            %mul3A_1458 = arith.constant 2 : i32
            %mul3A_1459 = arith.muli %sub3A_1296, %mul3A_1458 : i32
            %add3A_1460 = arith.constant 0 : i32
            %add3A_1461 = arith.addi %mul3A_1459, %add3A_1460 : i32
            %dma_wait3A_1462 = arith.constant 0 : i32
            %dma_wait3A_1463 = arith.constant 7 : i32
            %dma_wait3A_1464 = arith.constant 7 : i32
            %dma_wait3A_1465 = arith.constant 0 : i32
            %dma_wait3A_1466 = arith.constant 0 : i32
            %dma_wait3A_1467 = tpu.memref_slice %arg9[%dma_wait3A_1462, %dma_wait3A_1463, %dma_wait3A_1465, %dma_wait3A_1466] : memref<2x8x8x128xf32, #tpu.memory_space<vmem>> -> memref<1x1x8x128xf32, #tpu.memory_space<vmem>>
            %dma_wait3A_1468 = tpu.memref_squeeze %dma_wait3A_1467 : memref<1x1x8x128xf32, #tpu.memory_space<vmem>> -> memref<8x128xf32, #tpu.memory_space<vmem>>
            %dma_wait3A_1469 = arith.constant 0 : i32
            %dma_wait3A_1470 = arith.constant 0 : i32
            %dma_wait3A_1471 = tpu.memref_slice %arg4[%add3A_1461, %dma_wait3A_1464, %add3A_235, %dma_wait3A_1469, %dma_wait3A_1470] : memref<50x8x128x8x128xf32, #tpu.memory_space<hbm>> -> memref<1x1x1x8x128xf32, #tpu.memory_space<hbm>>
            %dma_wait3A_1472 = tpu.memref_squeeze %dma_wait3A_1471 : memref<1x1x1x8x128xf32, #tpu.memory_space<hbm>> -> memref<8x128xf32, #tpu.memory_space<hbm>>
            %dma_wait3A_1473 = arith.constant 0 : i32
            %dma_wait3A_1474 = arith.constant 0 : i32
            %dma_wait3A_1475 = tpu.memref_slice %arg4[%add3A_1461, %dma_wait3A_1464, %add3A_235, %dma_wait3A_1473, %dma_wait3A_1474] : memref<50x8x128x8x128xf32, #tpu.memory_space<hbm>> -> memref<1x1x1x8x128xf32, #tpu.memory_space<hbm>>
            %dma_wait3A_1476 = tpu.memref_squeeze %dma_wait3A_1475 : memref<1x1x1x8x128xf32, #tpu.memory_space<hbm>> -> memref<8x128xf32, #tpu.memory_space<hbm>>
            %dma_wait3A_1477 = arith.constant 0 : i32
            %dma_wait3A_1478 = arith.constant 0 : i32
            %dma_wait3A_1479 = tpu.memref_slice %arg9[%dma_wait3A_1462, %dma_wait3A_1463, %dma_wait3A_1477, %dma_wait3A_1478] : memref<2x8x8x128xf32, #tpu.memory_space<vmem>> -> memref<1x1x8x128xf32, #tpu.memory_space<vmem>>
            %dma_wait3A_1480 = tpu.memref_squeeze %dma_wait3A_1479 : memref<1x1x8x128xf32, #tpu.memory_space<vmem>> -> memref<8x128xf32, #tpu.memory_space<vmem>>
            tpu.wait_dma2 semaphore(%arg13 : memref<!tpu.dma_semaphore, #tpu.memory_space<semaphore_mem>>) src(%dma_wait3A_1480 : memref<8x128xf32, #tpu.memory_space<vmem>>) dst(%dma_wait3A_1476 : memref<8x128xf32, #tpu.memory_space<hbm>>)
            %mul3A_1481 = arith.constant 2 : i32
            %mul3A_1482 = arith.muli %sub3A_1296, %mul3A_1481 : i32
            %add3A_1483 = arith.constant 1 : i32
            %add3A_1484 = arith.addi %mul3A_1482, %add3A_1483 : i32
            %dma_wait3A_1485 = arith.constant 1 : i32
            %dma_wait3A_1486 = arith.constant 0 : i32
            %dma_wait3A_1487 = arith.constant 0 : i32
            %dma_wait3A_1488 = arith.constant 0 : i32
            %dma_wait3A_1489 = arith.constant 0 : i32
            %dma_wait3A_1490 = tpu.memref_slice %arg9[%dma_wait3A_1485, %dma_wait3A_1486, %dma_wait3A_1488, %dma_wait3A_1489] : memref<2x8x8x128xf32, #tpu.memory_space<vmem>> -> memref<1x1x8x128xf32, #tpu.memory_space<vmem>>
            %dma_wait3A_1491 = tpu.memref_squeeze %dma_wait3A_1490 : memref<1x1x8x128xf32, #tpu.memory_space<vmem>> -> memref<8x128xf32, #tpu.memory_space<vmem>>
            %dma_wait3A_1492 = arith.constant 0 : i32
            %dma_wait3A_1493 = arith.constant 0 : i32
            %dma_wait3A_1494 = tpu.memref_slice %arg4[%add3A_1484, %dma_wait3A_1487, %add3A_235, %dma_wait3A_1492, %dma_wait3A_1493] : memref<50x8x128x8x128xf32, #tpu.memory_space<hbm>> -> memref<1x1x1x8x128xf32, #tpu.memory_space<hbm>>
            %dma_wait3A_1495 = tpu.memref_squeeze %dma_wait3A_1494 : memref<1x1x1x8x128xf32, #tpu.memory_space<hbm>> -> memref<8x128xf32, #tpu.memory_space<hbm>>
            %dma_wait3A_1496 = arith.constant 0 : i32
            %dma_wait3A_1497 = arith.constant 0 : i32
            %dma_wait3A_1498 = tpu.memref_slice %arg4[%add3A_1484, %dma_wait3A_1487, %add3A_235, %dma_wait3A_1496, %dma_wait3A_1497] : memref<50x8x128x8x128xf32, #tpu.memory_space<hbm>> -> memref<1x1x1x8x128xf32, #tpu.memory_space<hbm>>
            %dma_wait3A_1499 = tpu.memref_squeeze %dma_wait3A_1498 : memref<1x1x1x8x128xf32, #tpu.memory_space<hbm>> -> memref<8x128xf32, #tpu.memory_space<hbm>>
            %dma_wait3A_1500 = arith.constant 0 : i32
            %dma_wait3A_1501 = arith.constant 0 : i32
            %dma_wait3A_1502 = tpu.memref_slice %arg9[%dma_wait3A_1485, %dma_wait3A_1486, %dma_wait3A_1500, %dma_wait3A_1501] : memref<2x8x8x128xf32, #tpu.memory_space<vmem>> -> memref<1x1x8x128xf32, #tpu.memory_space<vmem>>
            %dma_wait3A_1503 = tpu.memref_squeeze %dma_wait3A_1502 : memref<1x1x8x128xf32, #tpu.memory_space<vmem>> -> memref<8x128xf32, #tpu.memory_space<vmem>>
            tpu.wait_dma2 semaphore(%arg13 : memref<!tpu.dma_semaphore, #tpu.memory_space<semaphore_mem>>) src(%dma_wait3A_1503 : memref<8x128xf32, #tpu.memory_space<vmem>>) dst(%dma_wait3A_1499 : memref<8x128xf32, #tpu.memory_space<hbm>>)
            %mul3A_1504 = arith.constant 2 : i32
            %mul3A_1505 = arith.muli %sub3A_1296, %mul3A_1504 : i32
            %add3A_1506 = arith.constant 1 : i32
            %add3A_1507 = arith.addi %mul3A_1505, %add3A_1506 : i32
            %dma_wait3A_1508 = arith.constant 1 : i32
            %dma_wait3A_1509 = arith.constant 1 : i32
            %dma_wait3A_1510 = arith.constant 1 : i32
            %dma_wait3A_1511 = arith.constant 0 : i32
            %dma_wait3A_1512 = arith.constant 0 : i32
            %dma_wait3A_1513 = tpu.memref_slice %arg9[%dma_wait3A_1508, %dma_wait3A_1509, %dma_wait3A_1511, %dma_wait3A_1512] : memref<2x8x8x128xf32, #tpu.memory_space<vmem>> -> memref<1x1x8x128xf32, #tpu.memory_space<vmem>>
            %dma_wait3A_1514 = tpu.memref_squeeze %dma_wait3A_1513 : memref<1x1x8x128xf32, #tpu.memory_space<vmem>> -> memref<8x128xf32, #tpu.memory_space<vmem>>
            %dma_wait3A_1515 = arith.constant 0 : i32
            %dma_wait3A_1516 = arith.constant 0 : i32
            %dma_wait3A_1517 = tpu.memref_slice %arg4[%add3A_1507, %dma_wait3A_1510, %add3A_235, %dma_wait3A_1515, %dma_wait3A_1516] : memref<50x8x128x8x128xf32, #tpu.memory_space<hbm>> -> memref<1x1x1x8x128xf32, #tpu.memory_space<hbm>>
            %dma_wait3A_1518 = tpu.memref_squeeze %dma_wait3A_1517 : memref<1x1x1x8x128xf32, #tpu.memory_space<hbm>> -> memref<8x128xf32, #tpu.memory_space<hbm>>
            %dma_wait3A_1519 = arith.constant 0 : i32
            %dma_wait3A_1520 = arith.constant 0 : i32
            %dma_wait3A_1521 = tpu.memref_slice %arg4[%add3A_1507, %dma_wait3A_1510, %add3A_235, %dma_wait3A_1519, %dma_wait3A_1520] : memref<50x8x128x8x128xf32, #tpu.memory_space<hbm>> -> memref<1x1x1x8x128xf32, #tpu.memory_space<hbm>>
            %dma_wait3A_1522 = tpu.memref_squeeze %dma_wait3A_1521 : memref<1x1x1x8x128xf32, #tpu.memory_space<hbm>> -> memref<8x128xf32, #tpu.memory_space<hbm>>
            %dma_wait3A_1523 = arith.constant 0 : i32
            %dma_wait3A_1524 = arith.constant 0 : i32
            %dma_wait3A_1525 = tpu.memref_slice %arg9[%dma_wait3A_1508, %dma_wait3A_1509, %dma_wait3A_1523, %dma_wait3A_1524] : memref<2x8x8x128xf32, #tpu.memory_space<vmem>> -> memref<1x1x8x128xf32, #tpu.memory_space<vmem>>
            %dma_wait3A_1526 = tpu.memref_squeeze %dma_wait3A_1525 : memref<1x1x8x128xf32, #tpu.memory_space<vmem>> -> memref<8x128xf32, #tpu.memory_space<vmem>>
            tpu.wait_dma2 semaphore(%arg13 : memref<!tpu.dma_semaphore, #tpu.memory_space<semaphore_mem>>) src(%dma_wait3A_1526 : memref<8x128xf32, #tpu.memory_space<vmem>>) dst(%dma_wait3A_1522 : memref<8x128xf32, #tpu.memory_space<hbm>>)
            %mul3A_1527 = arith.constant 2 : i32
            %mul3A_1528 = arith.muli %sub3A_1296, %mul3A_1527 : i32
            %add3A_1529 = arith.constant 1 : i32
            %add3A_1530 = arith.addi %mul3A_1528, %add3A_1529 : i32
            %dma_wait3A_1531 = arith.constant 1 : i32
            %dma_wait3A_1532 = arith.constant 2 : i32
            %dma_wait3A_1533 = arith.constant 2 : i32
            %dma_wait3A_1534 = arith.constant 0 : i32
            %dma_wait3A_1535 = arith.constant 0 : i32
            %dma_wait3A_1536 = tpu.memref_slice %arg9[%dma_wait3A_1531, %dma_wait3A_1532, %dma_wait3A_1534, %dma_wait3A_1535] : memref<2x8x8x128xf32, #tpu.memory_space<vmem>> -> memref<1x1x8x128xf32, #tpu.memory_space<vmem>>
            %dma_wait3A_1537 = tpu.memref_squeeze %dma_wait3A_1536 : memref<1x1x8x128xf32, #tpu.memory_space<vmem>> -> memref<8x128xf32, #tpu.memory_space<vmem>>
            %dma_wait3A_1538 = arith.constant 0 : i32
            %dma_wait3A_1539 = arith.constant 0 : i32
            %dma_wait3A_1540 = tpu.memref_slice %arg4[%add3A_1530, %dma_wait3A_1533, %add3A_235, %dma_wait3A_1538, %dma_wait3A_1539] : memref<50x8x128x8x128xf32, #tpu.memory_space<hbm>> -> memref<1x1x1x8x128xf32, #tpu.memory_space<hbm>>
            %dma_wait3A_1541 = tpu.memref_squeeze %dma_wait3A_1540 : memref<1x1x1x8x128xf32, #tpu.memory_space<hbm>> -> memref<8x128xf32, #tpu.memory_space<hbm>>
            %dma_wait3A_1542 = arith.constant 0 : i32
            %dma_wait3A_1543 = arith.constant 0 : i32
            %dma_wait3A_1544 = tpu.memref_slice %arg4[%add3A_1530, %dma_wait3A_1533, %add3A_235, %dma_wait3A_1542, %dma_wait3A_1543] : memref<50x8x128x8x128xf32, #tpu.memory_space<hbm>> -> memref<1x1x1x8x128xf32, #tpu.memory_space<hbm>>
            %dma_wait3A_1545 = tpu.memref_squeeze %dma_wait3A_1544 : memref<1x1x1x8x128xf32, #tpu.memory_space<hbm>> -> memref<8x128xf32, #tpu.memory_space<hbm>>
            %dma_wait3A_1546 = arith.constant 0 : i32
            %dma_wait3A_1547 = arith.constant 0 : i32
            %dma_wait3A_1548 = tpu.memref_slice %arg9[%dma_wait3A_1531, %dma_wait3A_1532, %dma_wait3A_1546, %dma_wait3A_1547] : memref<2x8x8x128xf32, #tpu.memory_space<vmem>> -> memref<1x1x8x128xf32, #tpu.memory_space<vmem>>
            %dma_wait3A_1549 = tpu.memref_squeeze %dma_wait3A_1548 : memref<1x1x8x128xf32, #tpu.memory_space<vmem>> -> memref<8x128xf32, #tpu.memory_space<vmem>>
            tpu.wait_dma2 semaphore(%arg13 : memref<!tpu.dma_semaphore, #tpu.memory_space<semaphore_mem>>) src(%dma_wait3A_1549 : memref<8x128xf32, #tpu.memory_space<vmem>>) dst(%dma_wait3A_1545 : memref<8x128xf32, #tpu.memory_space<hbm>>)
            %mul3A_1550 = arith.constant 2 : i32
            %mul3A_1551 = arith.muli %sub3A_1296, %mul3A_1550 : i32
            %add3A_1552 = arith.constant 1 : i32
            %add3A_1553 = arith.addi %mul3A_1551, %add3A_1552 : i32
            %dma_wait3A_1554 = arith.constant 1 : i32
            %dma_wait3A_1555 = arith.constant 3 : i32
            %dma_wait3A_1556 = arith.constant 3 : i32
            %dma_wait3A_1557 = arith.constant 0 : i32
            %dma_wait3A_1558 = arith.constant 0 : i32
            %dma_wait3A_1559 = tpu.memref_slice %arg9[%dma_wait3A_1554, %dma_wait3A_1555, %dma_wait3A_1557, %dma_wait3A_1558] : memref<2x8x8x128xf32, #tpu.memory_space<vmem>> -> memref<1x1x8x128xf32, #tpu.memory_space<vmem>>
            %dma_wait3A_1560 = tpu.memref_squeeze %dma_wait3A_1559 : memref<1x1x8x128xf32, #tpu.memory_space<vmem>> -> memref<8x128xf32, #tpu.memory_space<vmem>>
            %dma_wait3A_1561 = arith.constant 0 : i32
            %dma_wait3A_1562 = arith.constant 0 : i32
            %dma_wait3A_1563 = tpu.memref_slice %arg4[%add3A_1553, %dma_wait3A_1556, %add3A_235, %dma_wait3A_1561, %dma_wait3A_1562] : memref<50x8x128x8x128xf32, #tpu.memory_space<hbm>> -> memref<1x1x1x8x128xf32, #tpu.memory_space<hbm>>
            %dma_wait3A_1564 = tpu.memref_squeeze %dma_wait3A_1563 : memref<1x1x1x8x128xf32, #tpu.memory_space<hbm>> -> memref<8x128xf32, #tpu.memory_space<hbm>>
            %dma_wait3A_1565 = arith.constant 0 : i32
            %dma_wait3A_1566 = arith.constant 0 : i32
            %dma_wait3A_1567 = tpu.memref_slice %arg4[%add3A_1553, %dma_wait3A_1556, %add3A_235, %dma_wait3A_1565, %dma_wait3A_1566] : memref<50x8x128x8x128xf32, #tpu.memory_space<hbm>> -> memref<1x1x1x8x128xf32, #tpu.memory_space<hbm>>
            %dma_wait3A_1568 = tpu.memref_squeeze %dma_wait3A_1567 : memref<1x1x1x8x128xf32, #tpu.memory_space<hbm>> -> memref<8x128xf32, #tpu.memory_space<hbm>>
            %dma_wait3A_1569 = arith.constant 0 : i32
            %dma_wait3A_1570 = arith.constant 0 : i32
            %dma_wait3A_1571 = tpu.memref_slice %arg9[%dma_wait3A_1554, %dma_wait3A_1555, %dma_wait3A_1569, %dma_wait3A_1570] : memref<2x8x8x128xf32, #tpu.memory_space<vmem>> -> memref<1x1x8x128xf32, #tpu.memory_space<vmem>>
            %dma_wait3A_1572 = tpu.memref_squeeze %dma_wait3A_1571 : memref<1x1x8x128xf32, #tpu.memory_space<vmem>> -> memref<8x128xf32, #tpu.memory_space<vmem>>
            tpu.wait_dma2 semaphore(%arg13 : memref<!tpu.dma_semaphore, #tpu.memory_space<semaphore_mem>>) src(%dma_wait3A_1572 : memref<8x128xf32, #tpu.memory_space<vmem>>) dst(%dma_wait3A_1568 : memref<8x128xf32, #tpu.memory_space<hbm>>)
            %mul3A_1573 = arith.constant 2 : i32
            %mul3A_1574 = arith.muli %sub3A_1296, %mul3A_1573 : i32
            %add3A_1575 = arith.constant 1 : i32
            %add3A_1576 = arith.addi %mul3A_1574, %add3A_1575 : i32
            %dma_wait3A_1577 = arith.constant 1 : i32
            %dma_wait3A_1578 = arith.constant 4 : i32
            %dma_wait3A_1579 = arith.constant 4 : i32
            %dma_wait3A_1580 = arith.constant 0 : i32
            %dma_wait3A_1581 = arith.constant 0 : i32
            %dma_wait3A_1582 = tpu.memref_slice %arg9[%dma_wait3A_1577, %dma_wait3A_1578, %dma_wait3A_1580, %dma_wait3A_1581] : memref<2x8x8x128xf32, #tpu.memory_space<vmem>> -> memref<1x1x8x128xf32, #tpu.memory_space<vmem>>
            %dma_wait3A_1583 = tpu.memref_squeeze %dma_wait3A_1582 : memref<1x1x8x128xf32, #tpu.memory_space<vmem>> -> memref<8x128xf32, #tpu.memory_space<vmem>>
            %dma_wait3A_1584 = arith.constant 0 : i32
            %dma_wait3A_1585 = arith.constant 0 : i32
            %dma_wait3A_1586 = tpu.memref_slice %arg4[%add3A_1576, %dma_wait3A_1579, %add3A_235, %dma_wait3A_1584, %dma_wait3A_1585] : memref<50x8x128x8x128xf32, #tpu.memory_space<hbm>> -> memref<1x1x1x8x128xf32, #tpu.memory_space<hbm>>
            %dma_wait3A_1587 = tpu.memref_squeeze %dma_wait3A_1586 : memref<1x1x1x8x128xf32, #tpu.memory_space<hbm>> -> memref<8x128xf32, #tpu.memory_space<hbm>>
            %dma_wait3A_1588 = arith.constant 0 : i32
            %dma_wait3A_1589 = arith.constant 0 : i32
            %dma_wait3A_1590 = tpu.memref_slice %arg4[%add3A_1576, %dma_wait3A_1579, %add3A_235, %dma_wait3A_1588, %dma_wait3A_1589] : memref<50x8x128x8x128xf32, #tpu.memory_space<hbm>> -> memref<1x1x1x8x128xf32, #tpu.memory_space<hbm>>
            %dma_wait3A_1591 = tpu.memref_squeeze %dma_wait3A_1590 : memref<1x1x1x8x128xf32, #tpu.memory_space<hbm>> -> memref<8x128xf32, #tpu.memory_space<hbm>>
            %dma_wait3A_1592 = arith.constant 0 : i32
            %dma_wait3A_1593 = arith.constant 0 : i32
            %dma_wait3A_1594 = tpu.memref_slice %arg9[%dma_wait3A_1577, %dma_wait3A_1578, %dma_wait3A_1592, %dma_wait3A_1593] : memref<2x8x8x128xf32, #tpu.memory_space<vmem>> -> memref<1x1x8x128xf32, #tpu.memory_space<vmem>>
            %dma_wait3A_1595 = tpu.memref_squeeze %dma_wait3A_1594 : memref<1x1x8x128xf32, #tpu.memory_space<vmem>> -> memref<8x128xf32, #tpu.memory_space<vmem>>
            tpu.wait_dma2 semaphore(%arg13 : memref<!tpu.dma_semaphore, #tpu.memory_space<semaphore_mem>>) src(%dma_wait3A_1595 : memref<8x128xf32, #tpu.memory_space<vmem>>) dst(%dma_wait3A_1591 : memref<8x128xf32, #tpu.memory_space<hbm>>)
            %mul3A_1596 = arith.constant 2 : i32
            %mul3A_1597 = arith.muli %sub3A_1296, %mul3A_1596 : i32
            %add3A_1598 = arith.constant 1 : i32
            %add3A_1599 = arith.addi %mul3A_1597, %add3A_1598 : i32
            %dma_wait3A_1600 = arith.constant 1 : i32
            %dma_wait3A_1601 = arith.constant 5 : i32
            %dma_wait3A_1602 = arith.constant 5 : i32
            %dma_wait3A_1603 = arith.constant 0 : i32
            %dma_wait3A_1604 = arith.constant 0 : i32
            %dma_wait3A_1605 = tpu.memref_slice %arg9[%dma_wait3A_1600, %dma_wait3A_1601, %dma_wait3A_1603, %dma_wait3A_1604] : memref<2x8x8x128xf32, #tpu.memory_space<vmem>> -> memref<1x1x8x128xf32, #tpu.memory_space<vmem>>
            %dma_wait3A_1606 = tpu.memref_squeeze %dma_wait3A_1605 : memref<1x1x8x128xf32, #tpu.memory_space<vmem>> -> memref<8x128xf32, #tpu.memory_space<vmem>>
            %dma_wait3A_1607 = arith.constant 0 : i32
            %dma_wait3A_1608 = arith.constant 0 : i32
            %dma_wait3A_1609 = tpu.memref_slice %arg4[%add3A_1599, %dma_wait3A_1602, %add3A_235, %dma_wait3A_1607, %dma_wait3A_1608] : memref<50x8x128x8x128xf32, #tpu.memory_space<hbm>> -> memref<1x1x1x8x128xf32, #tpu.memory_space<hbm>>
            %dma_wait3A_1610 = tpu.memref_squeeze %dma_wait3A_1609 : memref<1x1x1x8x128xf32, #tpu.memory_space<hbm>> -> memref<8x128xf32, #tpu.memory_space<hbm>>
            %dma_wait3A_1611 = arith.constant 0 : i32
            %dma_wait3A_1612 = arith.constant 0 : i32
            %dma_wait3A_1613 = tpu.memref_slice %arg4[%add3A_1599, %dma_wait3A_1602, %add3A_235, %dma_wait3A_1611, %dma_wait3A_1612] : memref<50x8x128x8x128xf32, #tpu.memory_space<hbm>> -> memref<1x1x1x8x128xf32, #tpu.memory_space<hbm>>
            %dma_wait3A_1614 = tpu.memref_squeeze %dma_wait3A_1613 : memref<1x1x1x8x128xf32, #tpu.memory_space<hbm>> -> memref<8x128xf32, #tpu.memory_space<hbm>>
            %dma_wait3A_1615 = arith.constant 0 : i32
            %dma_wait3A_1616 = arith.constant 0 : i32
            %dma_wait3A_1617 = tpu.memref_slice %arg9[%dma_wait3A_1600, %dma_wait3A_1601, %dma_wait3A_1615, %dma_wait3A_1616] : memref<2x8x8x128xf32, #tpu.memory_space<vmem>> -> memref<1x1x8x128xf32, #tpu.memory_space<vmem>>
            %dma_wait3A_1618 = tpu.memref_squeeze %dma_wait3A_1617 : memref<1x1x8x128xf32, #tpu.memory_space<vmem>> -> memref<8x128xf32, #tpu.memory_space<vmem>>
            tpu.wait_dma2 semaphore(%arg13 : memref<!tpu.dma_semaphore, #tpu.memory_space<semaphore_mem>>) src(%dma_wait3A_1618 : memref<8x128xf32, #tpu.memory_space<vmem>>) dst(%dma_wait3A_1614 : memref<8x128xf32, #tpu.memory_space<hbm>>)
            %mul3A_1619 = arith.constant 2 : i32
            %mul3A_1620 = arith.muli %sub3A_1296, %mul3A_1619 : i32
            %add3A_1621 = arith.constant 1 : i32
            %add3A_1622 = arith.addi %mul3A_1620, %add3A_1621 : i32
            %dma_wait3A_1623 = arith.constant 1 : i32
            %dma_wait3A_1624 = arith.constant 6 : i32
            %dma_wait3A_1625 = arith.constant 6 : i32
            %dma_wait3A_1626 = arith.constant 0 : i32
            %dma_wait3A_1627 = arith.constant 0 : i32
            %dma_wait3A_1628 = tpu.memref_slice %arg9[%dma_wait3A_1623, %dma_wait3A_1624, %dma_wait3A_1626, %dma_wait3A_1627] : memref<2x8x8x128xf32, #tpu.memory_space<vmem>> -> memref<1x1x8x128xf32, #tpu.memory_space<vmem>>
            %dma_wait3A_1629 = tpu.memref_squeeze %dma_wait3A_1628 : memref<1x1x8x128xf32, #tpu.memory_space<vmem>> -> memref<8x128xf32, #tpu.memory_space<vmem>>
            %dma_wait3A_1630 = arith.constant 0 : i32
            %dma_wait3A_1631 = arith.constant 0 : i32
            %dma_wait3A_1632 = tpu.memref_slice %arg4[%add3A_1622, %dma_wait3A_1625, %add3A_235, %dma_wait3A_1630, %dma_wait3A_1631] : memref<50x8x128x8x128xf32, #tpu.memory_space<hbm>> -> memref<1x1x1x8x128xf32, #tpu.memory_space<hbm>>
            %dma_wait3A_1633 = tpu.memref_squeeze %dma_wait3A_1632 : memref<1x1x1x8x128xf32, #tpu.memory_space<hbm>> -> memref<8x128xf32, #tpu.memory_space<hbm>>
            %dma_wait3A_1634 = arith.constant 0 : i32
            %dma_wait3A_1635 = arith.constant 0 : i32
            %dma_wait3A_1636 = tpu.memref_slice %arg4[%add3A_1622, %dma_wait3A_1625, %add3A_235, %dma_wait3A_1634, %dma_wait3A_1635] : memref<50x8x128x8x128xf32, #tpu.memory_space<hbm>> -> memref<1x1x1x8x128xf32, #tpu.memory_space<hbm>>
            %dma_wait3A_1637 = tpu.memref_squeeze %dma_wait3A_1636 : memref<1x1x1x8x128xf32, #tpu.memory_space<hbm>> -> memref<8x128xf32, #tpu.memory_space<hbm>>
            %dma_wait3A_1638 = arith.constant 0 : i32
            %dma_wait3A_1639 = arith.constant 0 : i32
            %dma_wait3A_1640 = tpu.memref_slice %arg9[%dma_wait3A_1623, %dma_wait3A_1624, %dma_wait3A_1638, %dma_wait3A_1639] : memref<2x8x8x128xf32, #tpu.memory_space<vmem>> -> memref<1x1x8x128xf32, #tpu.memory_space<vmem>>
            %dma_wait3A_1641 = tpu.memref_squeeze %dma_wait3A_1640 : memref<1x1x8x128xf32, #tpu.memory_space<vmem>> -> memref<8x128xf32, #tpu.memory_space<vmem>>
            tpu.wait_dma2 semaphore(%arg13 : memref<!tpu.dma_semaphore, #tpu.memory_space<semaphore_mem>>) src(%dma_wait3A_1641 : memref<8x128xf32, #tpu.memory_space<vmem>>) dst(%dma_wait3A_1637 : memref<8x128xf32, #tpu.memory_space<hbm>>)
            %mul3A_1642 = arith.constant 2 : i32
            %mul3A_1643 = arith.muli %sub3A_1296, %mul3A_1642 : i32
            %add3A_1644 = arith.constant 1 : i32
            %add3A_1645 = arith.addi %mul3A_1643, %add3A_1644 : i32
            %dma_wait3A_1646 = arith.constant 1 : i32
            %dma_wait3A_1647 = arith.constant 7 : i32
            %dma_wait3A_1648 = arith.constant 7 : i32
            %dma_wait3A_1649 = arith.constant 0 : i32
            %dma_wait3A_1650 = arith.constant 0 : i32
            %dma_wait3A_1651 = tpu.memref_slice %arg9[%dma_wait3A_1646, %dma_wait3A_1647, %dma_wait3A_1649, %dma_wait3A_1650] : memref<2x8x8x128xf32, #tpu.memory_space<vmem>> -> memref<1x1x8x128xf32, #tpu.memory_space<vmem>>
            %dma_wait3A_1652 = tpu.memref_squeeze %dma_wait3A_1651 : memref<1x1x8x128xf32, #tpu.memory_space<vmem>> -> memref<8x128xf32, #tpu.memory_space<vmem>>
            %dma_wait3A_1653 = arith.constant 0 : i32
            %dma_wait3A_1654 = arith.constant 0 : i32
            %dma_wait3A_1655 = tpu.memref_slice %arg4[%add3A_1645, %dma_wait3A_1648, %add3A_235, %dma_wait3A_1653, %dma_wait3A_1654] : memref<50x8x128x8x128xf32, #tpu.memory_space<hbm>> -> memref<1x1x1x8x128xf32, #tpu.memory_space<hbm>>
            %dma_wait3A_1656 = tpu.memref_squeeze %dma_wait3A_1655 : memref<1x1x1x8x128xf32, #tpu.memory_space<hbm>> -> memref<8x128xf32, #tpu.memory_space<hbm>>
            %dma_wait3A_1657 = arith.constant 0 : i32
            %dma_wait3A_1658 = arith.constant 0 : i32
            %dma_wait3A_1659 = tpu.memref_slice %arg4[%add3A_1645, %dma_wait3A_1648, %add3A_235, %dma_wait3A_1657, %dma_wait3A_1658] : memref<50x8x128x8x128xf32, #tpu.memory_space<hbm>> -> memref<1x1x1x8x128xf32, #tpu.memory_space<hbm>>
            %dma_wait3A_1660 = tpu.memref_squeeze %dma_wait3A_1659 : memref<1x1x1x8x128xf32, #tpu.memory_space<hbm>> -> memref<8x128xf32, #tpu.memory_space<hbm>>
            %dma_wait3A_1661 = arith.constant 0 : i32
            %dma_wait3A_1662 = arith.constant 0 : i32
            %dma_wait3A_1663 = tpu.memref_slice %arg9[%dma_wait3A_1646, %dma_wait3A_1647, %dma_wait3A_1661, %dma_wait3A_1662] : memref<2x8x8x128xf32, #tpu.memory_space<vmem>> -> memref<1x1x8x128xf32, #tpu.memory_space<vmem>>
            %dma_wait3A_1664 = tpu.memref_squeeze %dma_wait3A_1663 : memref<1x1x8x128xf32, #tpu.memory_space<vmem>> -> memref<8x128xf32, #tpu.memory_space<vmem>>
            tpu.wait_dma2 semaphore(%arg13 : memref<!tpu.dma_semaphore, #tpu.memory_space<semaphore_mem>>) src(%dma_wait3A_1664 : memref<8x128xf32, #tpu.memory_space<vmem>>) dst(%dma_wait3A_1660 : memref<8x128xf32, #tpu.memory_space<hbm>>)
          } else {
          }
          %mul3A_917 = arith.constant 2 : i32
          %mul3A_918 = arith.muli %add3A_900, %mul3A_917 : i32
          %mul3A_919 = arith.constant 128 : i32
          %mul3A_920 = arith.muli %mul3A_918, %mul3A_919 : i32
          %dma_wait3A_921 = tpu.memref_slice %arg5[%mul3A_920] : memref<6400xi32, #tpu.memory_space<vmem>> -> memref<256xi32, #tpu.memory_space<vmem>>
          %dma_wait3A_922 = arith.constant 0 : i32
          %dma_wait3A_923 = arith.constant 0 : i32
          %dma_wait3A_924 = tpu.memref_slice %arg3[%dma_wait3A_922, %dma_wait3A_923] : memref<1000000x64xf32, #tpu.memory_space<hbm>> -> memref<1000000x64xf32, #tpu.memory_space<hbm>>
          tpu.wait_indirect_dma semaphore(%arg11 : memref<!tpu.dma_semaphore, #tpu.memory_space<semaphore_mem>>) src(%dma_wait3A_924 : memref<1000000x64xf32, #tpu.memory_space<hbm>>) dst(%arg7 : memref<256x64xf32, #tpu.memory_space<vmem>>)
          %parallel_loop3A = arith.constant 0 : i32
          %parallel_loop3A_925 = arith.constant 256 : i32
          %parallel_loop3A_926 = arith.constant 1 : i32
          scf.for %parallel_loop3A_1295 = %parallel_loop3A to %parallel_loop3A_925 step %parallel_loop3A_926  : i32 {
            %parallel_loop3A_1296 = vector.broadcast %parallel_loop3A_1295 : i32 to vector<16xi32>
            %parallel_loop3A_1297 = arith.constant 128 : i32
            %parallel_loop3A_1298 = vector.broadcast %parallel_loop3A_1297 : i32 to vector<16xi32>
            %parallel_loop3A_1299 = arith.divsi %parallel_loop3A_1296, %parallel_loop3A_1298 : vector<16xi32>
            %parallel_loop3A_1300 = arith.constant 0 : i32
            %parallel_loop3A_1301 = vector.broadcast %parallel_loop3A_1300 : i32 to vector<16xi32>
            %parallel_loop3A_1302 = arith.cmpi sgt, %parallel_loop3A_1296, %parallel_loop3A_1301 : vector<16xi32>
            %parallel_loop3A_1303 = arith.extui %parallel_loop3A_1302 : vector<16xi1> to vector<16xi32>
            %parallel_loop3A_1304 = arith.constant 0 : i32
            %parallel_loop3A_1305 = vector.broadcast %parallel_loop3A_1304 : i32 to vector<16xi32>
            %parallel_loop3A_1306 = arith.cmpi slt, %parallel_loop3A_1296, %parallel_loop3A_1305 : vector<16xi32>
            %parallel_loop3A_1307 = arith.extui %parallel_loop3A_1306 : vector<16xi1> to vector<16xi32>
            %parallel_loop3A_1308 = arith.subi %parallel_loop3A_1303, %parallel_loop3A_1307 : vector<16xi32>
            %parallel_loop3A_1309 = arith.constant 0 : i32
            %parallel_loop3A_1310 = arith.cmpi sgt, %parallel_loop3A_1297, %parallel_loop3A_1309 : i32
            %parallel_loop3A_1311 = arith.extui %parallel_loop3A_1310 : i1 to i32
            %parallel_loop3A_1312 = arith.constant 0 : i32
            %parallel_loop3A_1313 = arith.cmpi slt, %parallel_loop3A_1297, %parallel_loop3A_1312 : i32
            %parallel_loop3A_1314 = arith.extui %parallel_loop3A_1313 : i1 to i32
            %parallel_loop3A_1315 = arith.subi %parallel_loop3A_1311, %parallel_loop3A_1314 : i32
            %parallel_loop3A_1316 = vector.broadcast %parallel_loop3A_1315 : i32 to vector<16xi32>
            %parallel_loop3A_1317 = arith.cmpi ne, %parallel_loop3A_1308, %parallel_loop3A_1316 : vector<16xi32>
            %parallel_loop3A_1318 = vector.broadcast %parallel_loop3A_1297 : i32 to vector<16xi32>
            %parallel_loop3A_1319 = arith.remsi %parallel_loop3A_1296, %parallel_loop3A_1318 : vector<16xi32>
            %parallel_loop3A_1320 = arith.constant 0 : i32
            %parallel_loop3A_1321 = vector.broadcast %parallel_loop3A_1320 : i32 to vector<16xi32>
            %parallel_loop3A_1322 = arith.cmpi ne, %parallel_loop3A_1319, %parallel_loop3A_1321 : vector<16xi32>
            %parallel_loop3A_1323 = arith.andi %parallel_loop3A_1317, %parallel_loop3A_1322 : vector<16xi1>
            %parallel_loop3A_1324 = arith.constant 1 : i32
            %parallel_loop3A_1325 = vector.broadcast %parallel_loop3A_1324 : i32 to vector<16xi32>
            %parallel_loop3A_1326 = arith.subi %parallel_loop3A_1299, %parallel_loop3A_1325 : vector<16xi32>
            %parallel_loop3A_1327 = arith.select %parallel_loop3A_1323, %parallel_loop3A_1326, %parallel_loop3A_1299 : vector<16xi1>, vector<16xi32>
            %parallel_loop3A_1328 = arith.constant 128 : i32
            %parallel_loop3A_1329 = arith.constant 0 : i32
            %parallel_loop3A_1330 = arith.cmpi eq, %parallel_loop3A_1328, %parallel_loop3A_1329 : i32
            %parallel_loop3A_1331 = arith.constant 1 : i32
            %parallel_loop3A_1332 = arith.select %parallel_loop3A_1330, %parallel_loop3A_1331, %parallel_loop3A_1328 : i32
            %parallel_loop3A_1333 = vector.broadcast %parallel_loop3A_1332 : i32 to vector<16xi32>
            %parallel_loop3A_1334 = arith.remsi %parallel_loop3A_1296, %parallel_loop3A_1333 : vector<16xi32>
            %parallel_loop3A_1335 = arith.constant 0 : i32
            %parallel_loop3A_1336 = vector.broadcast %parallel_loop3A_1335 : i32 to vector<16xi32>
            %parallel_loop3A_1337 = arith.cmpi ne, %parallel_loop3A_1334, %parallel_loop3A_1336 : vector<16xi32>
            %parallel_loop3A_1338 = arith.constant 0 : i32
            %parallel_loop3A_1339 = vector.broadcast %parallel_loop3A_1338 : i32 to vector<16xi32>
            %parallel_loop3A_1340 = arith.cmpi slt, %parallel_loop3A_1334, %parallel_loop3A_1339 : vector<16xi32>
            %parallel_loop3A_1341 = arith.constant 0 : i32
            %parallel_loop3A_1342 = arith.cmpi slt, %parallel_loop3A_1332, %parallel_loop3A_1341 : i32
            %parallel_loop3A_1343 = vector.broadcast %parallel_loop3A_1342 : i1 to vector<16xi1>
            %parallel_loop3A_1344 = vector.broadcast %parallel_loop3A_1343 : vector<16xi1> to vector<16xi1>
            %parallel_loop3A_1345 = arith.xori %parallel_loop3A_1340, %parallel_loop3A_1344 : vector<16xi1>
            %parallel_loop3A_1346 = arith.andi %parallel_loop3A_1345, %parallel_loop3A_1337 : vector<16xi1>
            %parallel_loop3A_1347 = vector.broadcast %parallel_loop3A_1332 : i32 to vector<16xi32>
            %parallel_loop3A_1348 = arith.addi %parallel_loop3A_1334, %parallel_loop3A_1347 : vector<16xi32>
            %parallel_loop3A_1349 = arith.select %parallel_loop3A_1346, %parallel_loop3A_1348, %parallel_loop3A_1334 : vector<16xi1>, vector<16xi32>
            %parallel_loop3A_1350 = arith.index_cast %parallel_loop3A_1295 : i32 to index
            %parallel_loop3A_1351 = arith.constant 0 : index
            %parallel_loop3A_1352 = tpu.vector_load %arg7[%parallel_loop3A_1350, %parallel_loop3A_1351] {strides = array<i32>} : memref<256x64xf32, #tpu.memory_space<vmem>>, vector<16xf32>,
            tpu.vector_store_idx %arg9[%parallel_loop3A_1327, %select_n3A, %select_n3A_151, %parallel_loop3A_1349], %parallel_loop3A_1352 : memref<2x8x8x128xf32, #tpu.memory_space<vmem>>[vector<16xi32>, vector<16xi32>, vector<16xi32>, vector<16xi32>], vector<16xf32>,
            %parallel_loop3A_1353 = arith.index_cast %parallel_loop3A_1295 : i32 to index
            %parallel_loop3A_1354 = arith.constant 16 : index
            %parallel_loop3A_1355 = tpu.vector_load %arg7[%parallel_loop3A_1353, %parallel_loop3A_1354] {strides = array<i32>} : memref<256x64xf32, #tpu.memory_space<vmem>>, vector<16xf32>,
            tpu.vector_store_idx %arg9[%parallel_loop3A_1327, %select_n3A_60, %select_n3A_176, %parallel_loop3A_1349], %parallel_loop3A_1355 : memref<2x8x8x128xf32, #tpu.memory_space<vmem>>[vector<16xi32>, vector<16xi32>, vector<16xi32>, vector<16xi32>], vector<16xf32>,
            %parallel_loop3A_1356 = arith.index_cast %parallel_loop3A_1295 : i32 to index
            %parallel_loop3A_1357 = arith.constant 32 : index
            %parallel_loop3A_1358 = tpu.vector_load %arg7[%parallel_loop3A_1356, %parallel_loop3A_1357] {strides = array<i32>} : memref<256x64xf32, #tpu.memory_space<vmem>>, vector<16xf32>,
            tpu.vector_store_idx %arg9[%parallel_loop3A_1327, %select_n3A_94, %select_n3A_201, %parallel_loop3A_1349], %parallel_loop3A_1358 : memref<2x8x8x128xf32, #tpu.memory_space<vmem>>[vector<16xi32>, vector<16xi32>, vector<16xi32>, vector<16xi32>], vector<16xf32>,
            %parallel_loop3A_1359 = arith.index_cast %parallel_loop3A_1295 : i32 to index
            %parallel_loop3A_1360 = arith.constant 48 : index
            %parallel_loop3A_1361 = tpu.vector_load %arg7[%parallel_loop3A_1359, %parallel_loop3A_1360] {strides = array<i32>} : memref<256x64xf32, #tpu.memory_space<vmem>>, vector<16xf32>,
            tpu.vector_store_idx %arg9[%parallel_loop3A_1327, %select_n3A_128, %select_n3A_226, %parallel_loop3A_1349], %parallel_loop3A_1361 : memref<2x8x8x128xf32, #tpu.memory_space<vmem>>[vector<16xi32>, vector<16xi32>, vector<16xi32>, vector<16xi32>], vector<16xf32>,
          } {sc.loop_unroll_factor = 8 : i64, sc.parallel_access}
          %mul3A_927 = arith.constant 2 : i32
          %mul3A_928 = arith.muli %add3A_900, %mul3A_927 : i32
          %add3A_929 = arith.constant 0 : i32
          %add3A_930 = arith.addi %mul3A_928, %add3A_929 : i32
          %dma_start3A_931 = arith.constant 0 : i32
          %dma_start3A_932 = arith.constant 0 : i32
          %dma_start3A_933 = arith.constant 0 : i32
          %dma_start3A_934 = arith.constant 0 : i32
          %dma_start3A_935 = arith.constant 0 : i32
          %dma_start3A_936 = tpu.memref_slice %arg9[%dma_start3A_931, %dma_start3A_932, %dma_start3A_934, %dma_start3A_935] : memref<2x8x8x128xf32, #tpu.memory_space<vmem>> -> memref<1x1x8x128xf32, #tpu.memory_space<vmem>>
          %dma_start3A_937 = tpu.memref_squeeze %dma_start3A_936 : memref<1x1x8x128xf32, #tpu.memory_space<vmem>> -> memref<8x128xf32, #tpu.memory_space<vmem>>
          %dma_start3A_938 = arith.constant 0 : i32
          %dma_start3A_939 = arith.constant 0 : i32
          %dma_start3A_940 = tpu.memref_slice %arg4[%add3A_930, %dma_start3A_933, %add3A_235, %dma_start3A_938, %dma_start3A_939] : memref<50x8x128x8x128xf32, #tpu.memory_space<hbm>> -> memref<1x1x1x8x128xf32, #tpu.memory_space<hbm>>
          %dma_start3A_941 = tpu.memref_squeeze %dma_start3A_940 : memref<1x1x1x8x128xf32, #tpu.memory_space<hbm>> -> memref<8x128xf32, #tpu.memory_space<hbm>>
          %dma_start3A_942 = arith.constant 0 : i32
          %dma_start3A_943 = arith.constant 0 : i32
          %dma_start3A_944 = tpu.memref_slice %arg4[%add3A_930, %dma_start3A_933, %add3A_235, %dma_start3A_942, %dma_start3A_943] : memref<50x8x128x8x128xf32, #tpu.memory_space<hbm>> -> memref<1x1x1x8x128xf32, #tpu.memory_space<hbm>>
          %dma_start3A_945 = tpu.memref_squeeze %dma_start3A_944 : memref<1x1x1x8x128xf32, #tpu.memory_space<hbm>> -> memref<8x128xf32, #tpu.memory_space<hbm>>
          %dma_start3A_946 = arith.constant 0 : i32
          %dma_start3A_947 = arith.constant 0 : i32
          %dma_start3A_948 = tpu.memref_slice %arg9[%dma_start3A_931, %dma_start3A_932, %dma_start3A_946, %dma_start3A_947] : memref<2x8x8x128xf32, #tpu.memory_space<vmem>> -> memref<1x1x8x128xf32, #tpu.memory_space<vmem>>
          %dma_start3A_949 = tpu.memref_squeeze %dma_start3A_948 : memref<1x1x8x128xf32, #tpu.memory_space<vmem>> -> memref<8x128xf32, #tpu.memory_space<vmem>>
          tpu.enqueue_dma source(%dma_start3A_949 : memref<8x128xf32, #tpu.memory_space<vmem>>) target(%dma_start3A_945 : memref<8x128xf32, #tpu.memory_space<hbm>>) target_semaphore(%arg13 : memref<!tpu.dma_semaphore, #tpu.memory_space<semaphore_mem>>)
          %mul3A_950 = arith.constant 2 : i32
          %mul3A_951 = arith.muli %add3A_900, %mul3A_950 : i32
          %add3A_952 = arith.constant 0 : i32
          %add3A_953 = arith.addi %mul3A_951, %add3A_952 : i32
          %dma_start3A_954 = arith.constant 0 : i32
          %dma_start3A_955 = arith.constant 1 : i32
          %dma_start3A_956 = arith.constant 1 : i32
          %dma_start3A_957 = arith.constant 0 : i32
          %dma_start3A_958 = arith.constant 0 : i32
          %dma_start3A_959 = tpu.memref_slice %arg9[%dma_start3A_954, %dma_start3A_955, %dma_start3A_957, %dma_start3A_958] : memref<2x8x8x128xf32, #tpu.memory_space<vmem>> -> memref<1x1x8x128xf32, #tpu.memory_space<vmem>>
          %dma_start3A_960 = tpu.memref_squeeze %dma_start3A_959 : memref<1x1x8x128xf32, #tpu.memory_space<vmem>> -> memref<8x128xf32, #tpu.memory_space<vmem>>
          %dma_start3A_961 = arith.constant 0 : i32
          %dma_start3A_962 = arith.constant 0 : i32
          %dma_start3A_963 = tpu.memref_slice %arg4[%add3A_953, %dma_start3A_956, %add3A_235, %dma_start3A_961, %dma_start3A_962] : memref<50x8x128x8x128xf32, #tpu.memory_space<hbm>> -> memref<1x1x1x8x128xf32, #tpu.memory_space<hbm>>
          %dma_start3A_964 = tpu.memref_squeeze %dma_start3A_963 : memref<1x1x1x8x128xf32, #tpu.memory_space<hbm>> -> memref<8x128xf32, #tpu.memory_space<hbm>>
          %dma_start3A_965 = arith.constant 0 : i32
          %dma_start3A_966 = arith.constant 0 : i32
          %dma_start3A_967 = tpu.memref_slice %arg4[%add3A_953, %dma_start3A_956, %add3A_235, %dma_start3A_965, %dma_start3A_966] : memref<50x8x128x8x128xf32, #tpu.memory_space<hbm>> -> memref<1x1x1x8x128xf32, #tpu.memory_space<hbm>>
          %dma_start3A_968 = tpu.memref_squeeze %dma_start3A_967 : memref<1x1x1x8x128xf32, #tpu.memory_space<hbm>> -> memref<8x128xf32, #tpu.memory_space<hbm>>
          %dma_start3A_969 = arith.constant 0 : i32
          %dma_start3A_970 = arith.constant 0 : i32
          %dma_start3A_971 = tpu.memref_slice %arg9[%dma_start3A_954, %dma_start3A_955, %dma_start3A_969, %dma_start3A_970] : memref<2x8x8x128xf32, #tpu.memory_space<vmem>> -> memref<1x1x8x128xf32, #tpu.memory_space<vmem>>
          %dma_start3A_972 = tpu.memref_squeeze %dma_start3A_971 : memref<1x1x8x128xf32, #tpu.memory_space<vmem>> -> memref<8x128xf32, #tpu.memory_space<vmem>>
          tpu.enqueue_dma source(%dma_start3A_972 : memref<8x128xf32, #tpu.memory_space<vmem>>) target(%dma_start3A_968 : memref<8x128xf32, #tpu.memory_space<hbm>>) target_semaphore(%arg13 : memref<!tpu.dma_semaphore, #tpu.memory_space<semaphore_mem>>)
          %mul3A_973 = arith.constant 2 : i32
          %mul3A_974 = arith.muli %add3A_900, %mul3A_973 : i32
          %add3A_975 = arith.constant 0 : i32
          %add3A_976 = arith.addi %mul3A_974, %add3A_975 : i32
          %dma_start3A_977 = arith.constant 0 : i32
          %dma_start3A_978 = arith.constant 2 : i32
          %dma_start3A_979 = arith.constant 2 : i32
          %dma_start3A_980 = arith.constant 0 : i32
          %dma_start3A_981 = arith.constant 0 : i32
          %dma_start3A_982 = tpu.memref_slice %arg9[%dma_start3A_977, %dma_start3A_978, %dma_start3A_980, %dma_start3A_981] : memref<2x8x8x128xf32, #tpu.memory_space<vmem>> -> memref<1x1x8x128xf32, #tpu.memory_space<vmem>>
          %dma_start3A_983 = tpu.memref_squeeze %dma_start3A_982 : memref<1x1x8x128xf32, #tpu.memory_space<vmem>> -> memref<8x128xf32, #tpu.memory_space<vmem>>
          %dma_start3A_984 = arith.constant 0 : i32
          %dma_start3A_985 = arith.constant 0 : i32
          %dma_start3A_986 = tpu.memref_slice %arg4[%add3A_976, %dma_start3A_979, %add3A_235, %dma_start3A_984, %dma_start3A_985] : memref<50x8x128x8x128xf32, #tpu.memory_space<hbm>> -> memref<1x1x1x8x128xf32, #tpu.memory_space<hbm>>
          %dma_start3A_987 = tpu.memref_squeeze %dma_start3A_986 : memref<1x1x1x8x128xf32, #tpu.memory_space<hbm>> -> memref<8x128xf32, #tpu.memory_space<hbm>>
          %dma_start3A_988 = arith.constant 0 : i32
          %dma_start3A_989 = arith.constant 0 : i32
          %dma_start3A_990 = tpu.memref_slice %arg4[%add3A_976, %dma_start3A_979, %add3A_235, %dma_start3A_988, %dma_start3A_989] : memref<50x8x128x8x128xf32, #tpu.memory_space<hbm>> -> memref<1x1x1x8x128xf32, #tpu.memory_space<hbm>>
          %dma_start3A_991 = tpu.memref_squeeze %dma_start3A_990 : memref<1x1x1x8x128xf32, #tpu.memory_space<hbm>> -> memref<8x128xf32, #tpu.memory_space<hbm>>
          %dma_start3A_992 = arith.constant 0 : i32
          %dma_start3A_993 = arith.constant 0 : i32
          %dma_start3A_994 = tpu.memref_slice %arg9[%dma_start3A_977, %dma_start3A_978, %dma_start3A_992, %dma_start3A_993] : memref<2x8x8x128xf32, #tpu.memory_space<vmem>> -> memref<1x1x8x128xf32, #tpu.memory_space<vmem>>
          %dma_start3A_995 = tpu.memref_squeeze %dma_start3A_994 : memref<1x1x8x128xf32, #tpu.memory_space<vmem>> -> memref<8x128xf32, #tpu.memory_space<vmem>>
          tpu.enqueue_dma source(%dma_start3A_995 : memref<8x128xf32, #tpu.memory_space<vmem>>) target(%dma_start3A_991 : memref<8x128xf32, #tpu.memory_space<hbm>>) target_semaphore(%arg13 : memref<!tpu.dma_semaphore, #tpu.memory_space<semaphore_mem>>)
          %mul3A_996 = arith.constant 2 : i32
          %mul3A_997 = arith.muli %add3A_900, %mul3A_996 : i32
          %add3A_998 = arith.constant 0 : i32
          %add3A_999 = arith.addi %mul3A_997, %add3A_998 : i32
          %dma_start3A_1000 = arith.constant 0 : i32
          %dma_start3A_1001 = arith.constant 3 : i32
          %dma_start3A_1002 = arith.constant 3 : i32
          %dma_start3A_1003 = arith.constant 0 : i32
          %dma_start3A_1004 = arith.constant 0 : i32
          %dma_start3A_1005 = tpu.memref_slice %arg9[%dma_start3A_1000, %dma_start3A_1001, %dma_start3A_1003, %dma_start3A_1004] : memref<2x8x8x128xf32, #tpu.memory_space<vmem>> -> memref<1x1x8x128xf32, #tpu.memory_space<vmem>>
          %dma_start3A_1006 = tpu.memref_squeeze %dma_start3A_1005 : memref<1x1x8x128xf32, #tpu.memory_space<vmem>> -> memref<8x128xf32, #tpu.memory_space<vmem>>
          %dma_start3A_1007 = arith.constant 0 : i32
          %dma_start3A_1008 = arith.constant 0 : i32
          %dma_start3A_1009 = tpu.memref_slice %arg4[%add3A_999, %dma_start3A_1002, %add3A_235, %dma_start3A_1007, %dma_start3A_1008] : memref<50x8x128x8x128xf32, #tpu.memory_space<hbm>> -> memref<1x1x1x8x128xf32, #tpu.memory_space<hbm>>
          %dma_start3A_1010 = tpu.memref_squeeze %dma_start3A_1009 : memref<1x1x1x8x128xf32, #tpu.memory_space<hbm>> -> memref<8x128xf32, #tpu.memory_space<hbm>>
          %dma_start3A_1011 = arith.constant 0 : i32
          %dma_start3A_1012 = arith.constant 0 : i32
          %dma_start3A_1013 = tpu.memref_slice %arg4[%add3A_999, %dma_start3A_1002, %add3A_235, %dma_start3A_1011, %dma_start3A_1012] : memref<50x8x128x8x128xf32, #tpu.memory_space<hbm>> -> memref<1x1x1x8x128xf32, #tpu.memory_space<hbm>>
          %dma_start3A_1014 = tpu.memref_squeeze %dma_start3A_1013 : memref<1x1x1x8x128xf32, #tpu.memory_space<hbm>> -> memref<8x128xf32, #tpu.memory_space<hbm>>
          %dma_start3A_1015 = arith.constant 0 : i32
          %dma_start3A_1016 = arith.constant 0 : i32
          %dma_start3A_1017 = tpu.memref_slice %arg9[%dma_start3A_1000, %dma_start3A_1001, %dma_start3A_1015, %dma_start3A_1016] : memref<2x8x8x128xf32, #tpu.memory_space<vmem>> -> memref<1x1x8x128xf32, #tpu.memory_space<vmem>>
          %dma_start3A_1018 = tpu.memref_squeeze %dma_start3A_1017 : memref<1x1x8x128xf32, #tpu.memory_space<vmem>> -> memref<8x128xf32, #tpu.memory_space<vmem>>
          tpu.enqueue_dma source(%dma_start3A_1018 : memref<8x128xf32, #tpu.memory_space<vmem>>) target(%dma_start3A_1014 : memref<8x128xf32, #tpu.memory_space<hbm>>) target_semaphore(%arg13 : memref<!tpu.dma_semaphore, #tpu.memory_space<semaphore_mem>>)
          %mul3A_1019 = arith.constant 2 : i32
          %mul3A_1020 = arith.muli %add3A_900, %mul3A_1019 : i32
          %add3A_1021 = arith.constant 0 : i32
          %add3A_1022 = arith.addi %mul3A_1020, %add3A_1021 : i32
          %dma_start3A_1023 = arith.constant 0 : i32
          %dma_start3A_1024 = arith.constant 4 : i32
          %dma_start3A_1025 = arith.constant 4 : i32
          %dma_start3A_1026 = arith.constant 0 : i32
          %dma_start3A_1027 = arith.constant 0 : i32
          %dma_start3A_1028 = tpu.memref_slice %arg9[%dma_start3A_1023, %dma_start3A_1024, %dma_start3A_1026, %dma_start3A_1027] : memref<2x8x8x128xf32, #tpu.memory_space<vmem>> -> memref<1x1x8x128xf32, #tpu.memory_space<vmem>>
          %dma_start3A_1029 = tpu.memref_squeeze %dma_start3A_1028 : memref<1x1x8x128xf32, #tpu.memory_space<vmem>> -> memref<8x128xf32, #tpu.memory_space<vmem>>
          %dma_start3A_1030 = arith.constant 0 : i32
          %dma_start3A_1031 = arith.constant 0 : i32
          %dma_start3A_1032 = tpu.memref_slice %arg4[%add3A_1022, %dma_start3A_1025, %add3A_235, %dma_start3A_1030, %dma_start3A_1031] : memref<50x8x128x8x128xf32, #tpu.memory_space<hbm>> -> memref<1x1x1x8x128xf32, #tpu.memory_space<hbm>>
          %dma_start3A_1033 = tpu.memref_squeeze %dma_start3A_1032 : memref<1x1x1x8x128xf32, #tpu.memory_space<hbm>> -> memref<8x128xf32, #tpu.memory_space<hbm>>
          %dma_start3A_1034 = arith.constant 0 : i32
          %dma_start3A_1035 = arith.constant 0 : i32
          %dma_start3A_1036 = tpu.memref_slice %arg4[%add3A_1022, %dma_start3A_1025, %add3A_235, %dma_start3A_1034, %dma_start3A_1035] : memref<50x8x128x8x128xf32, #tpu.memory_space<hbm>> -> memref<1x1x1x8x128xf32, #tpu.memory_space<hbm>>
          %dma_start3A_1037 = tpu.memref_squeeze %dma_start3A_1036 : memref<1x1x1x8x128xf32, #tpu.memory_space<hbm>> -> memref<8x128xf32, #tpu.memory_space<hbm>>
          %dma_start3A_1038 = arith.constant 0 : i32
          %dma_start3A_1039 = arith.constant 0 : i32
          %dma_start3A_1040 = tpu.memref_slice %arg9[%dma_start3A_1023, %dma_start3A_1024, %dma_start3A_1038, %dma_start3A_1039] : memref<2x8x8x128xf32, #tpu.memory_space<vmem>> -> memref<1x1x8x128xf32, #tpu.memory_space<vmem>>
          %dma_start3A_1041 = tpu.memref_squeeze %dma_start3A_1040 : memref<1x1x8x128xf32, #tpu.memory_space<vmem>> -> memref<8x128xf32, #tpu.memory_space<vmem>>
          tpu.enqueue_dma source(%dma_start3A_1041 : memref<8x128xf32, #tpu.memory_space<vmem>>) target(%dma_start3A_1037 : memref<8x128xf32, #tpu.memory_space<hbm>>) target_semaphore(%arg13 : memref<!tpu.dma_semaphore, #tpu.memory_space<semaphore_mem>>)
          %mul3A_1042 = arith.constant 2 : i32
          %mul3A_1043 = arith.muli %add3A_900, %mul3A_1042 : i32
          %add3A_1044 = arith.constant 0 : i32
          %add3A_1045 = arith.addi %mul3A_1043, %add3A_1044 : i32
          %dma_start3A_1046 = arith.constant 0 : i32
          %dma_start3A_1047 = arith.constant 5 : i32
          %dma_start3A_1048 = arith.constant 5 : i32
          %dma_start3A_1049 = arith.constant 0 : i32
          %dma_start3A_1050 = arith.constant 0 : i32
          %dma_start3A_1051 = tpu.memref_slice %arg9[%dma_start3A_1046, %dma_start3A_1047, %dma_start3A_1049, %dma_start3A_1050] : memref<2x8x8x128xf32, #tpu.memory_space<vmem>> -> memref<1x1x8x128xf32, #tpu.memory_space<vmem>>
          %dma_start3A_1052 = tpu.memref_squeeze %dma_start3A_1051 : memref<1x1x8x128xf32, #tpu.memory_space<vmem>> -> memref<8x128xf32, #tpu.memory_space<vmem>>
          %dma_start3A_1053 = arith.constant 0 : i32
          %dma_start3A_1054 = arith.constant 0 : i32
          %dma_start3A_1055 = tpu.memref_slice %arg4[%add3A_1045, %dma_start3A_1048, %add3A_235, %dma_start3A_1053, %dma_start3A_1054] : memref<50x8x128x8x128xf32, #tpu.memory_space<hbm>> -> memref<1x1x1x8x128xf32, #tpu.memory_space<hbm>>
          %dma_start3A_1056 = tpu.memref_squeeze %dma_start3A_1055 : memref<1x1x1x8x128xf32, #tpu.memory_space<hbm>> -> memref<8x128xf32, #tpu.memory_space<hbm>>
          %dma_start3A_1057 = arith.constant 0 : i32
          %dma_start3A_1058 = arith.constant 0 : i32
          %dma_start3A_1059 = tpu.memref_slice %arg4[%add3A_1045, %dma_start3A_1048, %add3A_235, %dma_start3A_1057, %dma_start3A_1058] : memref<50x8x128x8x128xf32, #tpu.memory_space<hbm>> -> memref<1x1x1x8x128xf32, #tpu.memory_space<hbm>>
          %dma_start3A_1060 = tpu.memref_squeeze %dma_start3A_1059 : memref<1x1x1x8x128xf32, #tpu.memory_space<hbm>> -> memref<8x128xf32, #tpu.memory_space<hbm>>
          %dma_start3A_1061 = arith.constant 0 : i32
          %dma_start3A_1062 = arith.constant 0 : i32
          %dma_start3A_1063 = tpu.memref_slice %arg9[%dma_start3A_1046, %dma_start3A_1047, %dma_start3A_1061, %dma_start3A_1062] : memref<2x8x8x128xf32, #tpu.memory_space<vmem>> -> memref<1x1x8x128xf32, #tpu.memory_space<vmem>>
          %dma_start3A_1064 = tpu.memref_squeeze %dma_start3A_1063 : memref<1x1x8x128xf32, #tpu.memory_space<vmem>> -> memref<8x128xf32, #tpu.memory_space<vmem>>
          tpu.enqueue_dma source(%dma_start3A_1064 : memref<8x128xf32, #tpu.memory_space<vmem>>) target(%dma_start3A_1060 : memref<8x128xf32, #tpu.memory_space<hbm>>) target_semaphore(%arg13 : memref<!tpu.dma_semaphore, #tpu.memory_space<semaphore_mem>>)
          %mul3A_1065 = arith.constant 2 : i32
          %mul3A_1066 = arith.muli %add3A_900, %mul3A_1065 : i32
          %add3A_1067 = arith.constant 0 : i32
          %add3A_1068 = arith.addi %mul3A_1066, %add3A_1067 : i32
          %dma_start3A_1069 = arith.constant 0 : i32
          %dma_start3A_1070 = arith.constant 6 : i32
          %dma_start3A_1071 = arith.constant 6 : i32
          %dma_start3A_1072 = arith.constant 0 : i32
          %dma_start3A_1073 = arith.constant 0 : i32
          %dma_start3A_1074 = tpu.memref_slice %arg9[%dma_start3A_1069, %dma_start3A_1070, %dma_start3A_1072, %dma_start3A_1073] : memref<2x8x8x128xf32, #tpu.memory_space<vmem>> -> memref<1x1x8x128xf32, #tpu.memory_space<vmem>>
          %dma_start3A_1075 = tpu.memref_squeeze %dma_start3A_1074 : memref<1x1x8x128xf32, #tpu.memory_space<vmem>> -> memref<8x128xf32, #tpu.memory_space<vmem>>
          %dma_start3A_1076 = arith.constant 0 : i32
          %dma_start3A_1077 = arith.constant 0 : i32
          %dma_start3A_1078 = tpu.memref_slice %arg4[%add3A_1068, %dma_start3A_1071, %add3A_235, %dma_start3A_1076, %dma_start3A_1077] : memref<50x8x128x8x128xf32, #tpu.memory_space<hbm>> -> memref<1x1x1x8x128xf32, #tpu.memory_space<hbm>>
          %dma_start3A_1079 = tpu.memref_squeeze %dma_start3A_1078 : memref<1x1x1x8x128xf32, #tpu.memory_space<hbm>> -> memref<8x128xf32, #tpu.memory_space<hbm>>
          %dma_start3A_1080 = arith.constant 0 : i32
          %dma_start3A_1081 = arith.constant 0 : i32
          %dma_start3A_1082 = tpu.memref_slice %arg4[%add3A_1068, %dma_start3A_1071, %add3A_235, %dma_start3A_1080, %dma_start3A_1081] : memref<50x8x128x8x128xf32, #tpu.memory_space<hbm>> -> memref<1x1x1x8x128xf32, #tpu.memory_space<hbm>>
          %dma_start3A_1083 = tpu.memref_squeeze %dma_start3A_1082 : memref<1x1x1x8x128xf32, #tpu.memory_space<hbm>> -> memref<8x128xf32, #tpu.memory_space<hbm>>
          %dma_start3A_1084 = arith.constant 0 : i32
          %dma_start3A_1085 = arith.constant 0 : i32
          %dma_start3A_1086 = tpu.memref_slice %arg9[%dma_start3A_1069, %dma_start3A_1070, %dma_start3A_1084, %dma_start3A_1085] : memref<2x8x8x128xf32, #tpu.memory_space<vmem>> -> memref<1x1x8x128xf32, #tpu.memory_space<vmem>>
          %dma_start3A_1087 = tpu.memref_squeeze %dma_start3A_1086 : memref<1x1x8x128xf32, #tpu.memory_space<vmem>> -> memref<8x128xf32, #tpu.memory_space<vmem>>
          tpu.enqueue_dma source(%dma_start3A_1087 : memref<8x128xf32, #tpu.memory_space<vmem>>) target(%dma_start3A_1083 : memref<8x128xf32, #tpu.memory_space<hbm>>) target_semaphore(%arg13 : memref<!tpu.dma_semaphore, #tpu.memory_space<semaphore_mem>>)
          %mul3A_1088 = arith.constant 2 : i32
          %mul3A_1089 = arith.muli %add3A_900, %mul3A_1088 : i32
          %add3A_1090 = arith.constant 0 : i32
          %add3A_1091 = arith.addi %mul3A_1089, %add3A_1090 : i32
          %dma_start3A_1092 = arith.constant 0 : i32
          %dma_start3A_1093 = arith.constant 7 : i32
          %dma_start3A_1094 = arith.constant 7 : i32
          %dma_start3A_1095 = arith.constant 0 : i32
          %dma_start3A_1096 = arith.constant 0 : i32
          %dma_start3A_1097 = tpu.memref_slice %arg9[%dma_start3A_1092, %dma_start3A_1093, %dma_start3A_1095, %dma_start3A_1096] : memref<2x8x8x128xf32, #tpu.memory_space<vmem>> -> memref<1x1x8x128xf32, #tpu.memory_space<vmem>>
          %dma_start3A_1098 = tpu.memref_squeeze %dma_start3A_1097 : memref<1x1x8x128xf32, #tpu.memory_space<vmem>> -> memref<8x128xf32, #tpu.memory_space<vmem>>
          %dma_start3A_1099 = arith.constant 0 : i32
          %dma_start3A_1100 = arith.constant 0 : i32
          %dma_start3A_1101 = tpu.memref_slice %arg4[%add3A_1091, %dma_start3A_1094, %add3A_235, %dma_start3A_1099, %dma_start3A_1100] : memref<50x8x128x8x128xf32, #tpu.memory_space<hbm>> -> memref<1x1x1x8x128xf32, #tpu.memory_space<hbm>>
          %dma_start3A_1102 = tpu.memref_squeeze %dma_start3A_1101 : memref<1x1x1x8x128xf32, #tpu.memory_space<hbm>> -> memref<8x128xf32, #tpu.memory_space<hbm>>
          %dma_start3A_1103 = arith.constant 0 : i32
          %dma_start3A_1104 = arith.constant 0 : i32
          %dma_start3A_1105 = tpu.memref_slice %arg4[%add3A_1091, %dma_start3A_1094, %add3A_235, %dma_start3A_1103, %dma_start3A_1104] : memref<50x8x128x8x128xf32, #tpu.memory_space<hbm>> -> memref<1x1x1x8x128xf32, #tpu.memory_space<hbm>>
          %dma_start3A_1106 = tpu.memref_squeeze %dma_start3A_1105 : memref<1x1x1x8x128xf32, #tpu.memory_space<hbm>> -> memref<8x128xf32, #tpu.memory_space<hbm>>
          %dma_start3A_1107 = arith.constant 0 : i32
          %dma_start3A_1108 = arith.constant 0 : i32
          %dma_start3A_1109 = tpu.memref_slice %arg9[%dma_start3A_1092, %dma_start3A_1093, %dma_start3A_1107, %dma_start3A_1108] : memref<2x8x8x128xf32, #tpu.memory_space<vmem>> -> memref<1x1x8x128xf32, #tpu.memory_space<vmem>>
          %dma_start3A_1110 = tpu.memref_squeeze %dma_start3A_1109 : memref<1x1x8x128xf32, #tpu.memory_space<vmem>> -> memref<8x128xf32, #tpu.memory_space<vmem>>
          tpu.enqueue_dma source(%dma_start3A_1110 : memref<8x128xf32, #tpu.memory_space<vmem>>) target(%dma_start3A_1106 : memref<8x128xf32, #tpu.memory_space<hbm>>) target_semaphore(%arg13 : memref<!tpu.dma_semaphore, #tpu.memory_space<semaphore_mem>>)
          %mul3A_1111 = arith.constant 2 : i32
          %mul3A_1112 = arith.muli %add3A_900, %mul3A_1111 : i32
          %add3A_1113 = arith.constant 1 : i32
          %add3A_1114 = arith.addi %mul3A_1112, %add3A_1113 : i32
          %dma_start3A_1115 = arith.constant 1 : i32
          %dma_start3A_1116 = arith.constant 0 : i32
          %dma_start3A_1117 = arith.constant 0 : i32
          %dma_start3A_1118 = arith.constant 0 : i32
          %dma_start3A_1119 = arith.constant 0 : i32
          %dma_start3A_1120 = tpu.memref_slice %arg9[%dma_start3A_1115, %dma_start3A_1116, %dma_start3A_1118, %dma_start3A_1119] : memref<2x8x8x128xf32, #tpu.memory_space<vmem>> -> memref<1x1x8x128xf32, #tpu.memory_space<vmem>>
          %dma_start3A_1121 = tpu.memref_squeeze %dma_start3A_1120 : memref<1x1x8x128xf32, #tpu.memory_space<vmem>> -> memref<8x128xf32, #tpu.memory_space<vmem>>
          %dma_start3A_1122 = arith.constant 0 : i32
          %dma_start3A_1123 = arith.constant 0 : i32
          %dma_start3A_1124 = tpu.memref_slice %arg4[%add3A_1114, %dma_start3A_1117, %add3A_235, %dma_start3A_1122, %dma_start3A_1123] : memref<50x8x128x8x128xf32, #tpu.memory_space<hbm>> -> memref<1x1x1x8x128xf32, #tpu.memory_space<hbm>>
          %dma_start3A_1125 = tpu.memref_squeeze %dma_start3A_1124 : memref<1x1x1x8x128xf32, #tpu.memory_space<hbm>> -> memref<8x128xf32, #tpu.memory_space<hbm>>
          %dma_start3A_1126 = arith.constant 0 : i32
          %dma_start3A_1127 = arith.constant 0 : i32
          %dma_start3A_1128 = tpu.memref_slice %arg4[%add3A_1114, %dma_start3A_1117, %add3A_235, %dma_start3A_1126, %dma_start3A_1127] : memref<50x8x128x8x128xf32, #tpu.memory_space<hbm>> -> memref<1x1x1x8x128xf32, #tpu.memory_space<hbm>>
          %dma_start3A_1129 = tpu.memref_squeeze %dma_start3A_1128 : memref<1x1x1x8x128xf32, #tpu.memory_space<hbm>> -> memref<8x128xf32, #tpu.memory_space<hbm>>
          %dma_start3A_1130 = arith.constant 0 : i32
          %dma_start3A_1131 = arith.constant 0 : i32
          %dma_start3A_1132 = tpu.memref_slice %arg9[%dma_start3A_1115, %dma_start3A_1116, %dma_start3A_1130, %dma_start3A_1131] : memref<2x8x8x128xf32, #tpu.memory_space<vmem>> -> memref<1x1x8x128xf32, #tpu.memory_space<vmem>>
          %dma_start3A_1133 = tpu.memref_squeeze %dma_start3A_1132 : memref<1x1x8x128xf32, #tpu.memory_space<vmem>> -> memref<8x128xf32, #tpu.memory_space<vmem>>
          tpu.enqueue_dma source(%dma_start3A_1133 : memref<8x128xf32, #tpu.memory_space<vmem>>) target(%dma_start3A_1129 : memref<8x128xf32, #tpu.memory_space<hbm>>) target_semaphore(%arg13 : memref<!tpu.dma_semaphore, #tpu.memory_space<semaphore_mem>>)
          %mul3A_1134 = arith.constant 2 : i32
          %mul3A_1135 = arith.muli %add3A_900, %mul3A_1134 : i32
          %add3A_1136 = arith.constant 1 : i32
          %add3A_1137 = arith.addi %mul3A_1135, %add3A_1136 : i32
          %dma_start3A_1138 = arith.constant 1 : i32
          %dma_start3A_1139 = arith.constant 1 : i32
          %dma_start3A_1140 = arith.constant 1 : i32
          %dma_start3A_1141 = arith.constant 0 : i32
          %dma_start3A_1142 = arith.constant 0 : i32
          %dma_start3A_1143 = tpu.memref_slice %arg9[%dma_start3A_1138, %dma_start3A_1139, %dma_start3A_1141, %dma_start3A_1142] : memref<2x8x8x128xf32, #tpu.memory_space<vmem>> -> memref<1x1x8x128xf32, #tpu.memory_space<vmem>>
          %dma_start3A_1144 = tpu.memref_squeeze %dma_start3A_1143 : memref<1x1x8x128xf32, #tpu.memory_space<vmem>> -> memref<8x128xf32, #tpu.memory_space<vmem>>
          %dma_start3A_1145 = arith.constant 0 : i32
          %dma_start3A_1146 = arith.constant 0 : i32
          %dma_start3A_1147 = tpu.memref_slice %arg4[%add3A_1137, %dma_start3A_1140, %add3A_235, %dma_start3A_1145, %dma_start3A_1146] : memref<50x8x128x8x128xf32, #tpu.memory_space<hbm>> -> memref<1x1x1x8x128xf32, #tpu.memory_space<hbm>>
          %dma_start3A_1148 = tpu.memref_squeeze %dma_start3A_1147 : memref<1x1x1x8x128xf32, #tpu.memory_space<hbm>> -> memref<8x128xf32, #tpu.memory_space<hbm>>
          %dma_start3A_1149 = arith.constant 0 : i32
          %dma_start3A_1150 = arith.constant 0 : i32
          %dma_start3A_1151 = tpu.memref_slice %arg4[%add3A_1137, %dma_start3A_1140, %add3A_235, %dma_start3A_1149, %dma_start3A_1150] : memref<50x8x128x8x128xf32, #tpu.memory_space<hbm>> -> memref<1x1x1x8x128xf32, #tpu.memory_space<hbm>>
          %dma_start3A_1152 = tpu.memref_squeeze %dma_start3A_1151 : memref<1x1x1x8x128xf32, #tpu.memory_space<hbm>> -> memref<8x128xf32, #tpu.memory_space<hbm>>
          %dma_start3A_1153 = arith.constant 0 : i32
          %dma_start3A_1154 = arith.constant 0 : i32
          %dma_start3A_1155 = tpu.memref_slice %arg9[%dma_start3A_1138, %dma_start3A_1139, %dma_start3A_1153, %dma_start3A_1154] : memref<2x8x8x128xf32, #tpu.memory_space<vmem>> -> memref<1x1x8x128xf32, #tpu.memory_space<vmem>>
          %dma_start3A_1156 = tpu.memref_squeeze %dma_start3A_1155 : memref<1x1x8x128xf32, #tpu.memory_space<vmem>> -> memref<8x128xf32, #tpu.memory_space<vmem>>
          tpu.enqueue_dma source(%dma_start3A_1156 : memref<8x128xf32, #tpu.memory_space<vmem>>) target(%dma_start3A_1152 : memref<8x128xf32, #tpu.memory_space<hbm>>) target_semaphore(%arg13 : memref<!tpu.dma_semaphore, #tpu.memory_space<semaphore_mem>>)
          %mul3A_1157 = arith.constant 2 : i32
          %mul3A_1158 = arith.muli %add3A_900, %mul3A_1157 : i32
          %add3A_1159 = arith.constant 1 : i32
          %add3A_1160 = arith.addi %mul3A_1158, %add3A_1159 : i32
          %dma_start3A_1161 = arith.constant 1 : i32
          %dma_start3A_1162 = arith.constant 2 : i32
          %dma_start3A_1163 = arith.constant 2 : i32
          %dma_start3A_1164 = arith.constant 0 : i32
          %dma_start3A_1165 = arith.constant 0 : i32
          %dma_start3A_1166 = tpu.memref_slice %arg9[%dma_start3A_1161, %dma_start3A_1162, %dma_start3A_1164, %dma_start3A_1165] : memref<2x8x8x128xf32, #tpu.memory_space<vmem>> -> memref<1x1x8x128xf32, #tpu.memory_space<vmem>>
          %dma_start3A_1167 = tpu.memref_squeeze %dma_start3A_1166 : memref<1x1x8x128xf32, #tpu.memory_space<vmem>> -> memref<8x128xf32, #tpu.memory_space<vmem>>
          %dma_start3A_1168 = arith.constant 0 : i32
          %dma_start3A_1169 = arith.constant 0 : i32
          %dma_start3A_1170 = tpu.memref_slice %arg4[%add3A_1160, %dma_start3A_1163, %add3A_235, %dma_start3A_1168, %dma_start3A_1169] : memref<50x8x128x8x128xf32, #tpu.memory_space<hbm>> -> memref<1x1x1x8x128xf32, #tpu.memory_space<hbm>>
          %dma_start3A_1171 = tpu.memref_squeeze %dma_start3A_1170 : memref<1x1x1x8x128xf32, #tpu.memory_space<hbm>> -> memref<8x128xf32, #tpu.memory_space<hbm>>
          %dma_start3A_1172 = arith.constant 0 : i32
          %dma_start3A_1173 = arith.constant 0 : i32
          %dma_start3A_1174 = tpu.memref_slice %arg4[%add3A_1160, %dma_start3A_1163, %add3A_235, %dma_start3A_1172, %dma_start3A_1173] : memref<50x8x128x8x128xf32, #tpu.memory_space<hbm>> -> memref<1x1x1x8x128xf32, #tpu.memory_space<hbm>>
          %dma_start3A_1175 = tpu.memref_squeeze %dma_start3A_1174 : memref<1x1x1x8x128xf32, #tpu.memory_space<hbm>> -> memref<8x128xf32, #tpu.memory_space<hbm>>
          %dma_start3A_1176 = arith.constant 0 : i32
          %dma_start3A_1177 = arith.constant 0 : i32
          %dma_start3A_1178 = tpu.memref_slice %arg9[%dma_start3A_1161, %dma_start3A_1162, %dma_start3A_1176, %dma_start3A_1177] : memref<2x8x8x128xf32, #tpu.memory_space<vmem>> -> memref<1x1x8x128xf32, #tpu.memory_space<vmem>>
          %dma_start3A_1179 = tpu.memref_squeeze %dma_start3A_1178 : memref<1x1x8x128xf32, #tpu.memory_space<vmem>> -> memref<8x128xf32, #tpu.memory_space<vmem>>
          tpu.enqueue_dma source(%dma_start3A_1179 : memref<8x128xf32, #tpu.memory_space<vmem>>) target(%dma_start3A_1175 : memref<8x128xf32, #tpu.memory_space<hbm>>) target_semaphore(%arg13 : memref<!tpu.dma_semaphore, #tpu.memory_space<semaphore_mem>>)
          %mul3A_1180 = arith.constant 2 : i32
          %mul3A_1181 = arith.muli %add3A_900, %mul3A_1180 : i32
          %add3A_1182 = arith.constant 1 : i32
          %add3A_1183 = arith.addi %mul3A_1181, %add3A_1182 : i32
          %dma_start3A_1184 = arith.constant 1 : i32
          %dma_start3A_1185 = arith.constant 3 : i32
          %dma_start3A_1186 = arith.constant 3 : i32
          %dma_start3A_1187 = arith.constant 0 : i32
          %dma_start3A_1188 = arith.constant 0 : i32
          %dma_start3A_1189 = tpu.memref_slice %arg9[%dma_start3A_1184, %dma_start3A_1185, %dma_start3A_1187, %dma_start3A_1188] : memref<2x8x8x128xf32, #tpu.memory_space<vmem>> -> memref<1x1x8x128xf32, #tpu.memory_space<vmem>>
          %dma_start3A_1190 = tpu.memref_squeeze %dma_start3A_1189 : memref<1x1x8x128xf32, #tpu.memory_space<vmem>> -> memref<8x128xf32, #tpu.memory_space<vmem>>
          %dma_start3A_1191 = arith.constant 0 : i32
          %dma_start3A_1192 = arith.constant 0 : i32
          %dma_start3A_1193 = tpu.memref_slice %arg4[%add3A_1183, %dma_start3A_1186, %add3A_235, %dma_start3A_1191, %dma_start3A_1192] : memref<50x8x128x8x128xf32, #tpu.memory_space<hbm>> -> memref<1x1x1x8x128xf32, #tpu.memory_space<hbm>>
          %dma_start3A_1194 = tpu.memref_squeeze %dma_start3A_1193 : memref<1x1x1x8x128xf32, #tpu.memory_space<hbm>> -> memref<8x128xf32, #tpu.memory_space<hbm>>
          %dma_start3A_1195 = arith.constant 0 : i32
          %dma_start3A_1196 = arith.constant 0 : i32
          %dma_start3A_1197 = tpu.memref_slice %arg4[%add3A_1183, %dma_start3A_1186, %add3A_235, %dma_start3A_1195, %dma_start3A_1196] : memref<50x8x128x8x128xf32, #tpu.memory_space<hbm>> -> memref<1x1x1x8x128xf32, #tpu.memory_space<hbm>>
          %dma_start3A_1198 = tpu.memref_squeeze %dma_start3A_1197 : memref<1x1x1x8x128xf32, #tpu.memory_space<hbm>> -> memref<8x128xf32, #tpu.memory_space<hbm>>
          %dma_start3A_1199 = arith.constant 0 : i32
          %dma_start3A_1200 = arith.constant 0 : i32
          %dma_start3A_1201 = tpu.memref_slice %arg9[%dma_start3A_1184, %dma_start3A_1185, %dma_start3A_1199, %dma_start3A_1200] : memref<2x8x8x128xf32, #tpu.memory_space<vmem>> -> memref<1x1x8x128xf32, #tpu.memory_space<vmem>>
          %dma_start3A_1202 = tpu.memref_squeeze %dma_start3A_1201 : memref<1x1x8x128xf32, #tpu.memory_space<vmem>> -> memref<8x128xf32, #tpu.memory_space<vmem>>
          tpu.enqueue_dma source(%dma_start3A_1202 : memref<8x128xf32, #tpu.memory_space<vmem>>) target(%dma_start3A_1198 : memref<8x128xf32, #tpu.memory_space<hbm>>) target_semaphore(%arg13 : memref<!tpu.dma_semaphore, #tpu.memory_space<semaphore_mem>>)
          %mul3A_1203 = arith.constant 2 : i32
          %mul3A_1204 = arith.muli %add3A_900, %mul3A_1203 : i32
          %add3A_1205 = arith.constant 1 : i32
          %add3A_1206 = arith.addi %mul3A_1204, %add3A_1205 : i32
          %dma_start3A_1207 = arith.constant 1 : i32
          %dma_start3A_1208 = arith.constant 4 : i32
          %dma_start3A_1209 = arith.constant 4 : i32
          %dma_start3A_1210 = arith.constant 0 : i32
          %dma_start3A_1211 = arith.constant 0 : i32
          %dma_start3A_1212 = tpu.memref_slice %arg9[%dma_start3A_1207, %dma_start3A_1208, %dma_start3A_1210, %dma_start3A_1211] : memref<2x8x8x128xf32, #tpu.memory_space<vmem>> -> memref<1x1x8x128xf32, #tpu.memory_space<vmem>>
          %dma_start3A_1213 = tpu.memref_squeeze %dma_start3A_1212 : memref<1x1x8x128xf32, #tpu.memory_space<vmem>> -> memref<8x128xf32, #tpu.memory_space<vmem>>
          %dma_start3A_1214 = arith.constant 0 : i32
          %dma_start3A_1215 = arith.constant 0 : i32
          %dma_start3A_1216 = tpu.memref_slice %arg4[%add3A_1206, %dma_start3A_1209, %add3A_235, %dma_start3A_1214, %dma_start3A_1215] : memref<50x8x128x8x128xf32, #tpu.memory_space<hbm>> -> memref<1x1x1x8x128xf32, #tpu.memory_space<hbm>>
          %dma_start3A_1217 = tpu.memref_squeeze %dma_start3A_1216 : memref<1x1x1x8x128xf32, #tpu.memory_space<hbm>> -> memref<8x128xf32, #tpu.memory_space<hbm>>
          %dma_start3A_1218 = arith.constant 0 : i32
          %dma_start3A_1219 = arith.constant 0 : i32
          %dma_start3A_1220 = tpu.memref_slice %arg4[%add3A_1206, %dma_start3A_1209, %add3A_235, %dma_start3A_1218, %dma_start3A_1219] : memref<50x8x128x8x128xf32, #tpu.memory_space<hbm>> -> memref<1x1x1x8x128xf32, #tpu.memory_space<hbm>>
          %dma_start3A_1221 = tpu.memref_squeeze %dma_start3A_1220 : memref<1x1x1x8x128xf32, #tpu.memory_space<hbm>> -> memref<8x128xf32, #tpu.memory_space<hbm>>
          %dma_start3A_1222 = arith.constant 0 : i32
          %dma_start3A_1223 = arith.constant 0 : i32
          %dma_start3A_1224 = tpu.memref_slice %arg9[%dma_start3A_1207, %dma_start3A_1208, %dma_start3A_1222, %dma_start3A_1223] : memref<2x8x8x128xf32, #tpu.memory_space<vmem>> -> memref<1x1x8x128xf32, #tpu.memory_space<vmem>>
          %dma_start3A_1225 = tpu.memref_squeeze %dma_start3A_1224 : memref<1x1x8x128xf32, #tpu.memory_space<vmem>> -> memref<8x128xf32, #tpu.memory_space<vmem>>
          tpu.enqueue_dma source(%dma_start3A_1225 : memref<8x128xf32, #tpu.memory_space<vmem>>) target(%dma_start3A_1221 : memref<8x128xf32, #tpu.memory_space<hbm>>) target_semaphore(%arg13 : memref<!tpu.dma_semaphore, #tpu.memory_space<semaphore_mem>>)
          %mul3A_1226 = arith.constant 2 : i32
          %mul3A_1227 = arith.muli %add3A_900, %mul3A_1226 : i32
          %add3A_1228 = arith.constant 1 : i32
          %add3A_1229 = arith.addi %mul3A_1227, %add3A_1228 : i32
          %dma_start3A_1230 = arith.constant 1 : i32
          %dma_start3A_1231 = arith.constant 5 : i32
          %dma_start3A_1232 = arith.constant 5 : i32
          %dma_start3A_1233 = arith.constant 0 : i32
          %dma_start3A_1234 = arith.constant 0 : i32
          %dma_start3A_1235 = tpu.memref_slice %arg9[%dma_start3A_1230, %dma_start3A_1231, %dma_start3A_1233, %dma_start3A_1234] : memref<2x8x8x128xf32, #tpu.memory_space<vmem>> -> memref<1x1x8x128xf32, #tpu.memory_space<vmem>>
          %dma_start3A_1236 = tpu.memref_squeeze %dma_start3A_1235 : memref<1x1x8x128xf32, #tpu.memory_space<vmem>> -> memref<8x128xf32, #tpu.memory_space<vmem>>
          %dma_start3A_1237 = arith.constant 0 : i32
          %dma_start3A_1238 = arith.constant 0 : i32
          %dma_start3A_1239 = tpu.memref_slice %arg4[%add3A_1229, %dma_start3A_1232, %add3A_235, %dma_start3A_1237, %dma_start3A_1238] : memref<50x8x128x8x128xf32, #tpu.memory_space<hbm>> -> memref<1x1x1x8x128xf32, #tpu.memory_space<hbm>>
          %dma_start3A_1240 = tpu.memref_squeeze %dma_start3A_1239 : memref<1x1x1x8x128xf32, #tpu.memory_space<hbm>> -> memref<8x128xf32, #tpu.memory_space<hbm>>
          %dma_start3A_1241 = arith.constant 0 : i32
          %dma_start3A_1242 = arith.constant 0 : i32
          %dma_start3A_1243 = tpu.memref_slice %arg4[%add3A_1229, %dma_start3A_1232, %add3A_235, %dma_start3A_1241, %dma_start3A_1242] : memref<50x8x128x8x128xf32, #tpu.memory_space<hbm>> -> memref<1x1x1x8x128xf32, #tpu.memory_space<hbm>>
          %dma_start3A_1244 = tpu.memref_squeeze %dma_start3A_1243 : memref<1x1x1x8x128xf32, #tpu.memory_space<hbm>> -> memref<8x128xf32, #tpu.memory_space<hbm>>
          %dma_start3A_1245 = arith.constant 0 : i32
          %dma_start3A_1246 = arith.constant 0 : i32
          %dma_start3A_1247 = tpu.memref_slice %arg9[%dma_start3A_1230, %dma_start3A_1231, %dma_start3A_1245, %dma_start3A_1246] : memref<2x8x8x128xf32, #tpu.memory_space<vmem>> -> memref<1x1x8x128xf32, #tpu.memory_space<vmem>>
          %dma_start3A_1248 = tpu.memref_squeeze %dma_start3A_1247 : memref<1x1x8x128xf32, #tpu.memory_space<vmem>> -> memref<8x128xf32, #tpu.memory_space<vmem>>
          tpu.enqueue_dma source(%dma_start3A_1248 : memref<8x128xf32, #tpu.memory_space<vmem>>) target(%dma_start3A_1244 : memref<8x128xf32, #tpu.memory_space<hbm>>) target_semaphore(%arg13 : memref<!tpu.dma_semaphore, #tpu.memory_space<semaphore_mem>>)
          %mul3A_1249 = arith.constant 2 : i32
          %mul3A_1250 = arith.muli %add3A_900, %mul3A_1249 : i32
          %add3A_1251 = arith.constant 1 : i32
          %add3A_1252 = arith.addi %mul3A_1250, %add3A_1251 : i32
          %dma_start3A_1253 = arith.constant 1 : i32
          %dma_start3A_1254 = arith.constant 6 : i32
          %dma_start3A_1255 = arith.constant 6 : i32
          %dma_start3A_1256 = arith.constant 0 : i32
          %dma_start3A_1257 = arith.constant 0 : i32
          %dma_start3A_1258 = tpu.memref_slice %arg9[%dma_start3A_1253, %dma_start3A_1254, %dma_start3A_1256, %dma_start3A_1257] : memref<2x8x8x128xf32, #tpu.memory_space<vmem>> -> memref<1x1x8x128xf32, #tpu.memory_space<vmem>>
          %dma_start3A_1259 = tpu.memref_squeeze %dma_start3A_1258 : memref<1x1x8x128xf32, #tpu.memory_space<vmem>> -> memref<8x128xf32, #tpu.memory_space<vmem>>
          %dma_start3A_1260 = arith.constant 0 : i32
          %dma_start3A_1261 = arith.constant 0 : i32
          %dma_start3A_1262 = tpu.memref_slice %arg4[%add3A_1252, %dma_start3A_1255, %add3A_235, %dma_start3A_1260, %dma_start3A_1261] : memref<50x8x128x8x128xf32, #tpu.memory_space<hbm>> -> memref<1x1x1x8x128xf32, #tpu.memory_space<hbm>>
          %dma_start3A_1263 = tpu.memref_squeeze %dma_start3A_1262 : memref<1x1x1x8x128xf32, #tpu.memory_space<hbm>> -> memref<8x128xf32, #tpu.memory_space<hbm>>
          %dma_start3A_1264 = arith.constant 0 : i32
          %dma_start3A_1265 = arith.constant 0 : i32
          %dma_start3A_1266 = tpu.memref_slice %arg4[%add3A_1252, %dma_start3A_1255, %add3A_235, %dma_start3A_1264, %dma_start3A_1265] : memref<50x8x128x8x128xf32, #tpu.memory_space<hbm>> -> memref<1x1x1x8x128xf32, #tpu.memory_space<hbm>>
          %dma_start3A_1267 = tpu.memref_squeeze %dma_start3A_1266 : memref<1x1x1x8x128xf32, #tpu.memory_space<hbm>> -> memref<8x128xf32, #tpu.memory_space<hbm>>
          %dma_start3A_1268 = arith.constant 0 : i32
          %dma_start3A_1269 = arith.constant 0 : i32
          %dma_start3A_1270 = tpu.memref_slice %arg9[%dma_start3A_1253, %dma_start3A_1254, %dma_start3A_1268, %dma_start3A_1269] : memref<2x8x8x128xf32, #tpu.memory_space<vmem>> -> memref<1x1x8x128xf32, #tpu.memory_space<vmem>>
          %dma_start3A_1271 = tpu.memref_squeeze %dma_start3A_1270 : memref<1x1x8x128xf32, #tpu.memory_space<vmem>> -> memref<8x128xf32, #tpu.memory_space<vmem>>
          tpu.enqueue_dma source(%dma_start3A_1271 : memref<8x128xf32, #tpu.memory_space<vmem>>) target(%dma_start3A_1267 : memref<8x128xf32, #tpu.memory_space<hbm>>) target_semaphore(%arg13 : memref<!tpu.dma_semaphore, #tpu.memory_space<semaphore_mem>>)
          %mul3A_1272 = arith.constant 2 : i32
          %mul3A_1273 = arith.muli %add3A_900, %mul3A_1272 : i32
          %add3A_1274 = arith.constant 1 : i32
          %add3A_1275 = arith.addi %mul3A_1273, %add3A_1274 : i32
          %dma_start3A_1276 = arith.constant 1 : i32
          %dma_start3A_1277 = arith.constant 7 : i32
          %dma_start3A_1278 = arith.constant 7 : i32
          %dma_start3A_1279 = arith.constant 0 : i32
          %dma_start3A_1280 = arith.constant 0 : i32
          %dma_start3A_1281 = tpu.memref_slice %arg9[%dma_start3A_1276, %dma_start3A_1277, %dma_start3A_1279, %dma_start3A_1280] : memref<2x8x8x128xf32, #tpu.memory_space<vmem>> -> memref<1x1x8x128xf32, #tpu.memory_space<vmem>>
          %dma_start3A_1282 = tpu.memref_squeeze %dma_start3A_1281 : memref<1x1x8x128xf32, #tpu.memory_space<vmem>> -> memref<8x128xf32, #tpu.memory_space<vmem>>
          %dma_start3A_1283 = arith.constant 0 : i32
          %dma_start3A_1284 = arith.constant 0 : i32
          %dma_start3A_1285 = tpu.memref_slice %arg4[%add3A_1275, %dma_start3A_1278, %add3A_235, %dma_start3A_1283, %dma_start3A_1284] : memref<50x8x128x8x128xf32, #tpu.memory_space<hbm>> -> memref<1x1x1x8x128xf32, #tpu.memory_space<hbm>>
          %dma_start3A_1286 = tpu.memref_squeeze %dma_start3A_1285 : memref<1x1x1x8x128xf32, #tpu.memory_space<hbm>> -> memref<8x128xf32, #tpu.memory_space<hbm>>
          %dma_start3A_1287 = arith.constant 0 : i32
          %dma_start3A_1288 = arith.constant 0 : i32
          %dma_start3A_1289 = tpu.memref_slice %arg4[%add3A_1275, %dma_start3A_1278, %add3A_235, %dma_start3A_1287, %dma_start3A_1288] : memref<50x8x128x8x128xf32, #tpu.memory_space<hbm>> -> memref<1x1x1x8x128xf32, #tpu.memory_space<hbm>>
          %dma_start3A_1290 = tpu.memref_squeeze %dma_start3A_1289 : memref<1x1x1x8x128xf32, #tpu.memory_space<hbm>> -> memref<8x128xf32, #tpu.memory_space<hbm>>
          %dma_start3A_1291 = arith.constant 0 : i32
          %dma_start3A_1292 = arith.constant 0 : i32
          %dma_start3A_1293 = tpu.memref_slice %arg9[%dma_start3A_1276, %dma_start3A_1277, %dma_start3A_1291, %dma_start3A_1292] : memref<2x8x8x128xf32, #tpu.memory_space<vmem>> -> memref<1x1x8x128xf32, #tpu.memory_space<vmem>>
          %dma_start3A_1294 = tpu.memref_squeeze %dma_start3A_1293 : memref<1x1x8x128xf32, #tpu.memory_space<vmem>> -> memref<8x128xf32, #tpu.memory_space<vmem>>
          tpu.enqueue_dma source(%dma_start3A_1294 : memref<8x128xf32, #tpu.memory_space<vmem>>) target(%dma_start3A_1290 : memref<8x128xf32, #tpu.memory_space<hbm>>) target_semaphore(%arg13 : memref<!tpu.dma_semaphore, #tpu.memory_space<semaphore_mem>>)
        } else {
        }
      }
      %scan3A_249 = arith.constant 13 : i32
      %dma_wait3A = arith.constant 0 : i32
      %dma_wait3A_250 = arith.constant 0 : i32
      %dma_wait3A_251 = arith.constant 46 : i32
      %dma_wait3A_252 = arith.constant 0 : i32
      %dma_wait3A_253 = arith.constant 0 : i32
      %dma_wait3A_254 = arith.constant 0 : i32
      %dma_wait3A_255 = tpu.memref_slice %arg9[%dma_wait3A, %dma_wait3A_250, %dma_wait3A_253, %dma_wait3A_254] : memref<2x8x8x128xf32, #tpu.memory_space<vmem>> -> memref<1x1x8x128xf32, #tpu.memory_space<vmem>>
      %dma_wait3A_256 = tpu.memref_squeeze %dma_wait3A_255 : memref<1x1x8x128xf32, #tpu.memory_space<vmem>> -> memref<8x128xf32, #tpu.memory_space<vmem>>
      %dma_wait3A_257 = arith.constant 0 : i32
      %dma_wait3A_258 = arith.constant 0 : i32
      %dma_wait3A_259 = tpu.memref_slice %arg4[%dma_wait3A_251, %dma_wait3A_252, %add3A_235, %dma_wait3A_257, %dma_wait3A_258] : memref<50x8x128x8x128xf32, #tpu.memory_space<hbm>> -> memref<1x1x1x8x128xf32, #tpu.memory_space<hbm>>
      %dma_wait3A_260 = tpu.memref_squeeze %dma_wait3A_259 : memref<1x1x1x8x128xf32, #tpu.memory_space<hbm>> -> memref<8x128xf32, #tpu.memory_space<hbm>>
      %dma_wait3A_261 = arith.constant 0 : i32
      %dma_wait3A_262 = arith.constant 0 : i32
      %dma_wait3A_263 = tpu.memref_slice %arg4[%dma_wait3A_251, %dma_wait3A_252, %add3A_235, %dma_wait3A_261, %dma_wait3A_262] : memref<50x8x128x8x128xf32, #tpu.memory_space<hbm>> -> memref<1x1x1x8x128xf32, #tpu.memory_space<hbm>>
      %dma_wait3A_264 = tpu.memref_squeeze %dma_wait3A_263 : memref<1x1x1x8x128xf32, #tpu.memory_space<hbm>> -> memref<8x128xf32, #tpu.memory_space<hbm>>
      %dma_wait3A_265 = arith.constant 0 : i32
      %dma_wait3A_266 = arith.constant 0 : i32
      %dma_wait3A_267 = tpu.memref_slice %arg9[%dma_wait3A, %dma_wait3A_250, %dma_wait3A_265, %dma_wait3A_266] : memref<2x8x8x128xf32, #tpu.memory_space<vmem>> -> memref<1x1x8x128xf32, #tpu.memory_space<vmem>>
      %dma_wait3A_268 = tpu.memref_squeeze %dma_wait3A_267 : memref<1x1x8x128xf32, #tpu.memory_space<vmem>> -> memref<8x128xf32, #tpu.memory_space<vmem>>
      tpu.wait_dma2 semaphore(%arg13 : memref<!tpu.dma_semaphore, #tpu.memory_space<semaphore_mem>>) src(%dma_wait3A_268 : memref<8x128xf32, #tpu.memory_space<vmem>>) dst(%dma_wait3A_264 : memref<8x128xf32, #tpu.memory_space<hbm>>)
      %dma_wait3A_269 = arith.constant 0 : i32
      %dma_wait3A_270 = arith.constant 1 : i32
      %dma_wait3A_271 = arith.constant 46 : i32
      %dma_wait3A_272 = arith.constant 1 : i32
      %dma_wait3A_273 = arith.constant 0 : i32
      %dma_wait3A_274 = arith.constant 0 : i32
      %dma_wait3A_275 = tpu.memref_slice %arg9[%dma_wait3A_269, %dma_wait3A_270, %dma_wait3A_273, %dma_wait3A_274] : memref<2x8x8x128xf32, #tpu.memory_space<vmem>> -> memref<1x1x8x128xf32, #tpu.memory_space<vmem>>
      %dma_wait3A_276 = tpu.memref_squeeze %dma_wait3A_275 : memref<1x1x8x128xf32, #tpu.memory_space<vmem>> -> memref<8x128xf32, #tpu.memory_space<vmem>>
      %dma_wait3A_277 = arith.constant 0 : i32
      %dma_wait3A_278 = arith.constant 0 : i32
      %dma_wait3A_279 = tpu.memref_slice %arg4[%dma_wait3A_271, %dma_wait3A_272, %add3A_235, %dma_wait3A_277, %dma_wait3A_278] : memref<50x8x128x8x128xf32, #tpu.memory_space<hbm>> -> memref<1x1x1x8x128xf32, #tpu.memory_space<hbm>>
      %dma_wait3A_280 = tpu.memref_squeeze %dma_wait3A_279 : memref<1x1x1x8x128xf32, #tpu.memory_space<hbm>> -> memref<8x128xf32, #tpu.memory_space<hbm>>
      %dma_wait3A_281 = arith.constant 0 : i32
      %dma_wait3A_282 = arith.constant 0 : i32
      %dma_wait3A_283 = tpu.memref_slice %arg4[%dma_wait3A_271, %dma_wait3A_272, %add3A_235, %dma_wait3A_281, %dma_wait3A_282] : memref<50x8x128x8x128xf32, #tpu.memory_space<hbm>> -> memref<1x1x1x8x128xf32, #tpu.memory_space<hbm>>
      %dma_wait3A_284 = tpu.memref_squeeze %dma_wait3A_283 : memref<1x1x1x8x128xf32, #tpu.memory_space<hbm>> -> memref<8x128xf32, #tpu.memory_space<hbm>>
      %dma_wait3A_285 = arith.constant 0 : i32
      %dma_wait3A_286 = arith.constant 0 : i32
      %dma_wait3A_287 = tpu.memref_slice %arg9[%dma_wait3A_269, %dma_wait3A_270, %dma_wait3A_285, %dma_wait3A_286] : memref<2x8x8x128xf32, #tpu.memory_space<vmem>> -> memref<1x1x8x128xf32, #tpu.memory_space<vmem>>
      %dma_wait3A_288 = tpu.memref_squeeze %dma_wait3A_287 : memref<1x1x8x128xf32, #tpu.memory_space<vmem>> -> memref<8x128xf32, #tpu.memory_space<vmem>>
      tpu.wait_dma2 semaphore(%arg13 : memref<!tpu.dma_semaphore, #tpu.memory_space<semaphore_mem>>) src(%dma_wait3A_288 : memref<8x128xf32, #tpu.memory_space<vmem>>) dst(%dma_wait3A_284 : memref<8x128xf32, #tpu.memory_space<hbm>>)
      %dma_wait3A_289 = arith.constant 0 : i32
      %dma_wait3A_290 = arith.constant 2 : i32
      %dma_wait3A_291 = arith.constant 46 : i32
      %dma_wait3A_292 = arith.constant 2 : i32
      %dma_wait3A_293 = arith.constant 0 : i32
      %dma_wait3A_294 = arith.constant 0 : i32
      %dma_wait3A_295 = tpu.memref_slice %arg9[%dma_wait3A_289, %dma_wait3A_290, %dma_wait3A_293, %dma_wait3A_294] : memref<2x8x8x128xf32, #tpu.memory_space<vmem>> -> memref<1x1x8x128xf32, #tpu.memory_space<vmem>>
      %dma_wait3A_296 = tpu.memref_squeeze %dma_wait3A_295 : memref<1x1x8x128xf32, #tpu.memory_space<vmem>> -> memref<8x128xf32, #tpu.memory_space<vmem>>
      %dma_wait3A_297 = arith.constant 0 : i32
      %dma_wait3A_298 = arith.constant 0 : i32
      %dma_wait3A_299 = tpu.memref_slice %arg4[%dma_wait3A_291, %dma_wait3A_292, %add3A_235, %dma_wait3A_297, %dma_wait3A_298] : memref<50x8x128x8x128xf32, #tpu.memory_space<hbm>> -> memref<1x1x1x8x128xf32, #tpu.memory_space<hbm>>
      %dma_wait3A_300 = tpu.memref_squeeze %dma_wait3A_299 : memref<1x1x1x8x128xf32, #tpu.memory_space<hbm>> -> memref<8x128xf32, #tpu.memory_space<hbm>>
      %dma_wait3A_301 = arith.constant 0 : i32
      %dma_wait3A_302 = arith.constant 0 : i32
      %dma_wait3A_303 = tpu.memref_slice %arg4[%dma_wait3A_291, %dma_wait3A_292, %add3A_235, %dma_wait3A_301, %dma_wait3A_302] : memref<50x8x128x8x128xf32, #tpu.memory_space<hbm>> -> memref<1x1x1x8x128xf32, #tpu.memory_space<hbm>>
      %dma_wait3A_304 = tpu.memref_squeeze %dma_wait3A_303 : memref<1x1x1x8x128xf32, #tpu.memory_space<hbm>> -> memref<8x128xf32, #tpu.memory_space<hbm>>
      %dma_wait3A_305 = arith.constant 0 : i32
      %dma_wait3A_306 = arith.constant 0 : i32
      %dma_wait3A_307 = tpu.memref_slice %arg9[%dma_wait3A_289, %dma_wait3A_290, %dma_wait3A_305, %dma_wait3A_306] : memref<2x8x8x128xf32, #tpu.memory_space<vmem>> -> memref<1x1x8x128xf32, #tpu.memory_space<vmem>>
      %dma_wait3A_308 = tpu.memref_squeeze %dma_wait3A_307 : memref<1x1x8x128xf32, #tpu.memory_space<vmem>> -> memref<8x128xf32, #tpu.memory_space<vmem>>
      tpu.wait_dma2 semaphore(%arg13 : memref<!tpu.dma_semaphore, #tpu.memory_space<semaphore_mem>>) src(%dma_wait3A_308 : memref<8x128xf32, #tpu.memory_space<vmem>>) dst(%dma_wait3A_304 : memref<8x128xf32, #tpu.memory_space<hbm>>)
      %dma_wait3A_309 = arith.constant 0 : i32
      %dma_wait3A_310 = arith.constant 3 : i32
      %dma_wait3A_311 = arith.constant 46 : i32
      %dma_wait3A_312 = arith.constant 3 : i32
      %dma_wait3A_313 = arith.constant 0 : i32
      %dma_wait3A_314 = arith.constant 0 : i32
      %dma_wait3A_315 = tpu.memref_slice %arg9[%dma_wait3A_309, %dma_wait3A_310, %dma_wait3A_313, %dma_wait3A_314] : memref<2x8x8x128xf32, #tpu.memory_space<vmem>> -> memref<1x1x8x128xf32, #tpu.memory_space<vmem>>
      %dma_wait3A_316 = tpu.memref_squeeze %dma_wait3A_315 : memref<1x1x8x128xf32, #tpu.memory_space<vmem>> -> memref<8x128xf32, #tpu.memory_space<vmem>>
      %dma_wait3A_317 = arith.constant 0 : i32
      %dma_wait3A_318 = arith.constant 0 : i32
      %dma_wait3A_319 = tpu.memref_slice %arg4[%dma_wait3A_311, %dma_wait3A_312, %add3A_235, %dma_wait3A_317, %dma_wait3A_318] : memref<50x8x128x8x128xf32, #tpu.memory_space<hbm>> -> memref<1x1x1x8x128xf32, #tpu.memory_space<hbm>>
      %dma_wait3A_320 = tpu.memref_squeeze %dma_wait3A_319 : memref<1x1x1x8x128xf32, #tpu.memory_space<hbm>> -> memref<8x128xf32, #tpu.memory_space<hbm>>
      %dma_wait3A_321 = arith.constant 0 : i32
      %dma_wait3A_322 = arith.constant 0 : i32
      %dma_wait3A_323 = tpu.memref_slice %arg4[%dma_wait3A_311, %dma_wait3A_312, %add3A_235, %dma_wait3A_321, %dma_wait3A_322] : memref<50x8x128x8x128xf32, #tpu.memory_space<hbm>> -> memref<1x1x1x8x128xf32, #tpu.memory_space<hbm>>
      %dma_wait3A_324 = tpu.memref_squeeze %dma_wait3A_323 : memref<1x1x1x8x128xf32, #tpu.memory_space<hbm>> -> memref<8x128xf32, #tpu.memory_space<hbm>>
      %dma_wait3A_325 = arith.constant 0 : i32
      %dma_wait3A_326 = arith.constant 0 : i32
      %dma_wait3A_327 = tpu.memref_slice %arg9[%dma_wait3A_309, %dma_wait3A_310, %dma_wait3A_325, %dma_wait3A_326] : memref<2x8x8x128xf32, #tpu.memory_space<vmem>> -> memref<1x1x8x128xf32, #tpu.memory_space<vmem>>
      %dma_wait3A_328 = tpu.memref_squeeze %dma_wait3A_327 : memref<1x1x8x128xf32, #tpu.memory_space<vmem>> -> memref<8x128xf32, #tpu.memory_space<vmem>>
      tpu.wait_dma2 semaphore(%arg13 : memref<!tpu.dma_semaphore, #tpu.memory_space<semaphore_mem>>) src(%dma_wait3A_328 : memref<8x128xf32, #tpu.memory_space<vmem>>) dst(%dma_wait3A_324 : memref<8x128xf32, #tpu.memory_space<hbm>>)
      %dma_wait3A_329 = arith.constant 0 : i32
      %dma_wait3A_330 = arith.constant 4 : i32
      %dma_wait3A_331 = arith.constant 46 : i32
      %dma_wait3A_332 = arith.constant 4 : i32
      %dma_wait3A_333 = arith.constant 0 : i32
      %dma_wait3A_334 = arith.constant 0 : i32
      %dma_wait3A_335 = tpu.memref_slice %arg9[%dma_wait3A_329, %dma_wait3A_330, %dma_wait3A_333, %dma_wait3A_334] : memref<2x8x8x128xf32, #tpu.memory_space<vmem>> -> memref<1x1x8x128xf32, #tpu.memory_space<vmem>>
      %dma_wait3A_336 = tpu.memref_squeeze %dma_wait3A_335 : memref<1x1x8x128xf32, #tpu.memory_space<vmem>> -> memref<8x128xf32, #tpu.memory_space<vmem>>
      %dma_wait3A_337 = arith.constant 0 : i32
      %dma_wait3A_338 = arith.constant 0 : i32
      %dma_wait3A_339 = tpu.memref_slice %arg4[%dma_wait3A_331, %dma_wait3A_332, %add3A_235, %dma_wait3A_337, %dma_wait3A_338] : memref<50x8x128x8x128xf32, #tpu.memory_space<hbm>> -> memref<1x1x1x8x128xf32, #tpu.memory_space<hbm>>
      %dma_wait3A_340 = tpu.memref_squeeze %dma_wait3A_339 : memref<1x1x1x8x128xf32, #tpu.memory_space<hbm>> -> memref<8x128xf32, #tpu.memory_space<hbm>>
      %dma_wait3A_341 = arith.constant 0 : i32
      %dma_wait3A_342 = arith.constant 0 : i32
      %dma_wait3A_343 = tpu.memref_slice %arg4[%dma_wait3A_331, %dma_wait3A_332, %add3A_235, %dma_wait3A_341, %dma_wait3A_342] : memref<50x8x128x8x128xf32, #tpu.memory_space<hbm>> -> memref<1x1x1x8x128xf32, #tpu.memory_space<hbm>>
      %dma_wait3A_344 = tpu.memref_squeeze %dma_wait3A_343 : memref<1x1x1x8x128xf32, #tpu.memory_space<hbm>> -> memref<8x128xf32, #tpu.memory_space<hbm>>
      %dma_wait3A_345 = arith.constant 0 : i32
      %dma_wait3A_346 = arith.constant 0 : i32
      %dma_wait3A_347 = tpu.memref_slice %arg9[%dma_wait3A_329, %dma_wait3A_330, %dma_wait3A_345, %dma_wait3A_346] : memref<2x8x8x128xf32, #tpu.memory_space<vmem>> -> memref<1x1x8x128xf32, #tpu.memory_space<vmem>>
      %dma_wait3A_348 = tpu.memref_squeeze %dma_wait3A_347 : memref<1x1x8x128xf32, #tpu.memory_space<vmem>> -> memref<8x128xf32, #tpu.memory_space<vmem>>
      tpu.wait_dma2 semaphore(%arg13 : memref<!tpu.dma_semaphore, #tpu.memory_space<semaphore_mem>>) src(%dma_wait3A_348 : memref<8x128xf32, #tpu.memory_space<vmem>>) dst(%dma_wait3A_344 : memref<8x128xf32, #tpu.memory_space<hbm>>)
      %dma_wait3A_349 = arith.constant 0 : i32
      %dma_wait3A_350 = arith.constant 5 : i32
      %dma_wait3A_351 = arith.constant 46 : i32
      %dma_wait3A_352 = arith.constant 5 : i32
      %dma_wait3A_353 = arith.constant 0 : i32
      %dma_wait3A_354 = arith.constant 0 : i32
      %dma_wait3A_355 = tpu.memref_slice %arg9[%dma_wait3A_349, %dma_wait3A_350, %dma_wait3A_353, %dma_wait3A_354] : memref<2x8x8x128xf32, #tpu.memory_space<vmem>> -> memref<1x1x8x128xf32, #tpu.memory_space<vmem>>
      %dma_wait3A_356 = tpu.memref_squeeze %dma_wait3A_355 : memref<1x1x8x128xf32, #tpu.memory_space<vmem>> -> memref<8x128xf32, #tpu.memory_space<vmem>>
      %dma_wait3A_357 = arith.constant 0 : i32
      %dma_wait3A_358 = arith.constant 0 : i32
      %dma_wait3A_359 = tpu.memref_slice %arg4[%dma_wait3A_351, %dma_wait3A_352, %add3A_235, %dma_wait3A_357, %dma_wait3A_358] : memref<50x8x128x8x128xf32, #tpu.memory_space<hbm>> -> memref<1x1x1x8x128xf32, #tpu.memory_space<hbm>>
      %dma_wait3A_360 = tpu.memref_squeeze %dma_wait3A_359 : memref<1x1x1x8x128xf32, #tpu.memory_space<hbm>> -> memref<8x128xf32, #tpu.memory_space<hbm>>
      %dma_wait3A_361 = arith.constant 0 : i32
      %dma_wait3A_362 = arith.constant 0 : i32
      %dma_wait3A_363 = tpu.memref_slice %arg4[%dma_wait3A_351, %dma_wait3A_352, %add3A_235, %dma_wait3A_361, %dma_wait3A_362] : memref<50x8x128x8x128xf32, #tpu.memory_space<hbm>> -> memref<1x1x1x8x128xf32, #tpu.memory_space<hbm>>
      %dma_wait3A_364 = tpu.memref_squeeze %dma_wait3A_363 : memref<1x1x1x8x128xf32, #tpu.memory_space<hbm>> -> memref<8x128xf32, #tpu.memory_space<hbm>>
      %dma_wait3A_365 = arith.constant 0 : i32
      %dma_wait3A_366 = arith.constant 0 : i32
      %dma_wait3A_367 = tpu.memref_slice %arg9[%dma_wait3A_349, %dma_wait3A_350, %dma_wait3A_365, %dma_wait3A_366] : memref<2x8x8x128xf32, #tpu.memory_space<vmem>> -> memref<1x1x8x128xf32, #tpu.memory_space<vmem>>
      %dma_wait3A_368 = tpu.memref_squeeze %dma_wait3A_367 : memref<1x1x8x128xf32, #tpu.memory_space<vmem>> -> memref<8x128xf32, #tpu.memory_space<vmem>>
      tpu.wait_dma2 semaphore(%arg13 : memref<!tpu.dma_semaphore, #tpu.memory_space<semaphore_mem>>) src(%dma_wait3A_368 : memref<8x128xf32, #tpu.memory_space<vmem>>) dst(%dma_wait3A_364 : memref<8x128xf32, #tpu.memory_space<hbm>>)
      %dma_wait3A_369 = arith.constant 0 : i32
      %dma_wait3A_370 = arith.constant 6 : i32
      %dma_wait3A_371 = arith.constant 46 : i32
      %dma_wait3A_372 = arith.constant 6 : i32
      %dma_wait3A_373 = arith.constant 0 : i32
      %dma_wait3A_374 = arith.constant 0 : i32
      %dma_wait3A_375 = tpu.memref_slice %arg9[%dma_wait3A_369, %dma_wait3A_370, %dma_wait3A_373, %dma_wait3A_374] : memref<2x8x8x128xf32, #tpu.memory_space<vmem>> -> memref<1x1x8x128xf32, #tpu.memory_space<vmem>>
      %dma_wait3A_376 = tpu.memref_squeeze %dma_wait3A_375 : memref<1x1x8x128xf32, #tpu.memory_space<vmem>> -> memref<8x128xf32, #tpu.memory_space<vmem>>
      %dma_wait3A_377 = arith.constant 0 : i32
      %dma_wait3A_378 = arith.constant 0 : i32
      %dma_wait3A_379 = tpu.memref_slice %arg4[%dma_wait3A_371, %dma_wait3A_372, %add3A_235, %dma_wait3A_377, %dma_wait3A_378] : memref<50x8x128x8x128xf32, #tpu.memory_space<hbm>> -> memref<1x1x1x8x128xf32, #tpu.memory_space<hbm>>
      %dma_wait3A_380 = tpu.memref_squeeze %dma_wait3A_379 : memref<1x1x1x8x128xf32, #tpu.memory_space<hbm>> -> memref<8x128xf32, #tpu.memory_space<hbm>>
      %dma_wait3A_381 = arith.constant 0 : i32
      %dma_wait3A_382 = arith.constant 0 : i32
      %dma_wait3A_383 = tpu.memref_slice %arg4[%dma_wait3A_371, %dma_wait3A_372, %add3A_235, %dma_wait3A_381, %dma_wait3A_382] : memref<50x8x128x8x128xf32, #tpu.memory_space<hbm>> -> memref<1x1x1x8x128xf32, #tpu.memory_space<hbm>>
      %dma_wait3A_384 = tpu.memref_squeeze %dma_wait3A_383 : memref<1x1x1x8x128xf32, #tpu.memory_space<hbm>> -> memref<8x128xf32, #tpu.memory_space<hbm>>
      %dma_wait3A_385 = arith.constant 0 : i32
      %dma_wait3A_386 = arith.constant 0 : i32
      %dma_wait3A_387 = tpu.memref_slice %arg9[%dma_wait3A_369, %dma_wait3A_370, %dma_wait3A_385, %dma_wait3A_386] : memref<2x8x8x128xf32, #tpu.memory_space<vmem>> -> memref<1x1x8x128xf32, #tpu.memory_space<vmem>>
      %dma_wait3A_388 = tpu.memref_squeeze %dma_wait3A_387 : memref<1x1x8x128xf32, #tpu.memory_space<vmem>> -> memref<8x128xf32, #tpu.memory_space<vmem>>
      tpu.wait_dma2 semaphore(%arg13 : memref<!tpu.dma_semaphore, #tpu.memory_space<semaphore_mem>>) src(%dma_wait3A_388 : memref<8x128xf32, #tpu.memory_space<vmem>>) dst(%dma_wait3A_384 : memref<8x128xf32, #tpu.memory_space<hbm>>)
      %dma_wait3A_389 = arith.constant 0 : i32
      %dma_wait3A_390 = arith.constant 7 : i32
      %dma_wait3A_391 = arith.constant 46 : i32
      %dma_wait3A_392 = arith.constant 7 : i32
      %dma_wait3A_393 = arith.constant 0 : i32
      %dma_wait3A_394 = arith.constant 0 : i32
      %dma_wait3A_395 = tpu.memref_slice %arg9[%dma_wait3A_389, %dma_wait3A_390, %dma_wait3A_393, %dma_wait3A_394] : memref<2x8x8x128xf32, #tpu.memory_space<vmem>> -> memref<1x1x8x128xf32, #tpu.memory_space<vmem>>
      %dma_wait3A_396 = tpu.memref_squeeze %dma_wait3A_395 : memref<1x1x8x128xf32, #tpu.memory_space<vmem>> -> memref<8x128xf32, #tpu.memory_space<vmem>>
      %dma_wait3A_397 = arith.constant 0 : i32
      %dma_wait3A_398 = arith.constant 0 : i32
      %dma_wait3A_399 = tpu.memref_slice %arg4[%dma_wait3A_391, %dma_wait3A_392, %add3A_235, %dma_wait3A_397, %dma_wait3A_398] : memref<50x8x128x8x128xf32, #tpu.memory_space<hbm>> -> memref<1x1x1x8x128xf32, #tpu.memory_space<hbm>>
      %dma_wait3A_400 = tpu.memref_squeeze %dma_wait3A_399 : memref<1x1x1x8x128xf32, #tpu.memory_space<hbm>> -> memref<8x128xf32, #tpu.memory_space<hbm>>
      %dma_wait3A_401 = arith.constant 0 : i32
      %dma_wait3A_402 = arith.constant 0 : i32
      %dma_wait3A_403 = tpu.memref_slice %arg4[%dma_wait3A_391, %dma_wait3A_392, %add3A_235, %dma_wait3A_401, %dma_wait3A_402] : memref<50x8x128x8x128xf32, #tpu.memory_space<hbm>> -> memref<1x1x1x8x128xf32, #tpu.memory_space<hbm>>
      %dma_wait3A_404 = tpu.memref_squeeze %dma_wait3A_403 : memref<1x1x1x8x128xf32, #tpu.memory_space<hbm>> -> memref<8x128xf32, #tpu.memory_space<hbm>>
      %dma_wait3A_405 = arith.constant 0 : i32
      %dma_wait3A_406 = arith.constant 0 : i32
      %dma_wait3A_407 = tpu.memref_slice %arg9[%dma_wait3A_389, %dma_wait3A_390, %dma_wait3A_405, %dma_wait3A_406] : memref<2x8x8x128xf32, #tpu.memory_space<vmem>> -> memref<1x1x8x128xf32, #tpu.memory_space<vmem>>
      %dma_wait3A_408 = tpu.memref_squeeze %dma_wait3A_407 : memref<1x1x8x128xf32, #tpu.memory_space<vmem>> -> memref<8x128xf32, #tpu.memory_space<vmem>>
      tpu.wait_dma2 semaphore(%arg13 : memref<!tpu.dma_semaphore, #tpu.memory_space<semaphore_mem>>) src(%dma_wait3A_408 : memref<8x128xf32, #tpu.memory_space<vmem>>) dst(%dma_wait3A_404 : memref<8x128xf32, #tpu.memory_space<hbm>>)
      %dma_wait3A_409 = arith.constant 1 : i32
      %dma_wait3A_410 = arith.constant 0 : i32
      %dma_wait3A_411 = arith.constant 47 : i32
      %dma_wait3A_412 = arith.constant 0 : i32
      %dma_wait3A_413 = arith.constant 0 : i32
      %dma_wait3A_414 = arith.constant 0 : i32
      %dma_wait3A_415 = tpu.memref_slice %arg9[%dma_wait3A_409, %dma_wait3A_410, %dma_wait3A_413, %dma_wait3A_414] : memref<2x8x8x128xf32, #tpu.memory_space<vmem>> -> memref<1x1x8x128xf32, #tpu.memory_space<vmem>>
      %dma_wait3A_416 = tpu.memref_squeeze %dma_wait3A_415 : memref<1x1x8x128xf32, #tpu.memory_space<vmem>> -> memref<8x128xf32, #tpu.memory_space<vmem>>
      %dma_wait3A_417 = arith.constant 0 : i32
      %dma_wait3A_418 = arith.constant 0 : i32
      %dma_wait3A_419 = tpu.memref_slice %arg4[%dma_wait3A_411, %dma_wait3A_412, %add3A_235, %dma_wait3A_417, %dma_wait3A_418] : memref<50x8x128x8x128xf32, #tpu.memory_space<hbm>> -> memref<1x1x1x8x128xf32, #tpu.memory_space<hbm>>
      %dma_wait3A_420 = tpu.memref_squeeze %dma_wait3A_419 : memref<1x1x1x8x128xf32, #tpu.memory_space<hbm>> -> memref<8x128xf32, #tpu.memory_space<hbm>>
      %dma_wait3A_421 = arith.constant 0 : i32
      %dma_wait3A_422 = arith.constant 0 : i32
      %dma_wait3A_423 = tpu.memref_slice %arg4[%dma_wait3A_411, %dma_wait3A_412, %add3A_235, %dma_wait3A_421, %dma_wait3A_422] : memref<50x8x128x8x128xf32, #tpu.memory_space<hbm>> -> memref<1x1x1x8x128xf32, #tpu.memory_space<hbm>>
      %dma_wait3A_424 = tpu.memref_squeeze %dma_wait3A_423 : memref<1x1x1x8x128xf32, #tpu.memory_space<hbm>> -> memref<8x128xf32, #tpu.memory_space<hbm>>
      %dma_wait3A_425 = arith.constant 0 : i32
      %dma_wait3A_426 = arith.constant 0 : i32
      %dma_wait3A_427 = tpu.memref_slice %arg9[%dma_wait3A_409, %dma_wait3A_410, %dma_wait3A_425, %dma_wait3A_426] : memref<2x8x8x128xf32, #tpu.memory_space<vmem>> -> memref<1x1x8x128xf32, #tpu.memory_space<vmem>>
      %dma_wait3A_428 = tpu.memref_squeeze %dma_wait3A_427 : memref<1x1x8x128xf32, #tpu.memory_space<vmem>> -> memref<8x128xf32, #tpu.memory_space<vmem>>
      tpu.wait_dma2 semaphore(%arg13 : memref<!tpu.dma_semaphore, #tpu.memory_space<semaphore_mem>>) src(%dma_wait3A_428 : memref<8x128xf32, #tpu.memory_space<vmem>>) dst(%dma_wait3A_424 : memref<8x128xf32, #tpu.memory_space<hbm>>)
      %dma_wait3A_429 = arith.constant 1 : i32
      %dma_wait3A_430 = arith.constant 1 : i32
      %dma_wait3A_431 = arith.constant 47 : i32
      %dma_wait3A_432 = arith.constant 1 : i32
      %dma_wait3A_433 = arith.constant 0 : i32
      %dma_wait3A_434 = arith.constant 0 : i32
      %dma_wait3A_435 = tpu.memref_slice %arg9[%dma_wait3A_429, %dma_wait3A_430, %dma_wait3A_433, %dma_wait3A_434] : memref<2x8x8x128xf32, #tpu.memory_space<vmem>> -> memref<1x1x8x128xf32, #tpu.memory_space<vmem>>
      %dma_wait3A_436 = tpu.memref_squeeze %dma_wait3A_435 : memref<1x1x8x128xf32, #tpu.memory_space<vmem>> -> memref<8x128xf32, #tpu.memory_space<vmem>>
      %dma_wait3A_437 = arith.constant 0 : i32
      %dma_wait3A_438 = arith.constant 0 : i32
      %dma_wait3A_439 = tpu.memref_slice %arg4[%dma_wait3A_431, %dma_wait3A_432, %add3A_235, %dma_wait3A_437, %dma_wait3A_438] : memref<50x8x128x8x128xf32, #tpu.memory_space<hbm>> -> memref<1x1x1x8x128xf32, #tpu.memory_space<hbm>>
      %dma_wait3A_440 = tpu.memref_squeeze %dma_wait3A_439 : memref<1x1x1x8x128xf32, #tpu.memory_space<hbm>> -> memref<8x128xf32, #tpu.memory_space<hbm>>
      %dma_wait3A_441 = arith.constant 0 : i32
      %dma_wait3A_442 = arith.constant 0 : i32
      %dma_wait3A_443 = tpu.memref_slice %arg4[%dma_wait3A_431, %dma_wait3A_432, %add3A_235, %dma_wait3A_441, %dma_wait3A_442] : memref<50x8x128x8x128xf32, #tpu.memory_space<hbm>> -> memref<1x1x1x8x128xf32, #tpu.memory_space<hbm>>
      %dma_wait3A_444 = tpu.memref_squeeze %dma_wait3A_443 : memref<1x1x1x8x128xf32, #tpu.memory_space<hbm>> -> memref<8x128xf32, #tpu.memory_space<hbm>>
      %dma_wait3A_445 = arith.constant 0 : i32
      %dma_wait3A_446 = arith.constant 0 : i32
      %dma_wait3A_447 = tpu.memref_slice %arg9[%dma_wait3A_429, %dma_wait3A_430, %dma_wait3A_445, %dma_wait3A_446] : memref<2x8x8x128xf32, #tpu.memory_space<vmem>> -> memref<1x1x8x128xf32, #tpu.memory_space<vmem>>
      %dma_wait3A_448 = tpu.memref_squeeze %dma_wait3A_447 : memref<1x1x8x128xf32, #tpu.memory_space<vmem>> -> memref<8x128xf32, #tpu.memory_space<vmem>>
      tpu.wait_dma2 semaphore(%arg13 : memref<!tpu.dma_semaphore, #tpu.memory_space<semaphore_mem>>) src(%dma_wait3A_448 : memref<8x128xf32, #tpu.memory_space<vmem>>) dst(%dma_wait3A_444 : memref<8x128xf32, #tpu.memory_space<hbm>>)
      %dma_wait3A_449 = arith.constant 1 : i32
      %dma_wait3A_450 = arith.constant 2 : i32
      %dma_wait3A_451 = arith.constant 47 : i32
      %dma_wait3A_452 = arith.constant 2 : i32
      %dma_wait3A_453 = arith.constant 0 : i32
      %dma_wait3A_454 = arith.constant 0 : i32
      %dma_wait3A_455 = tpu.memref_slice %arg9[%dma_wait3A_449, %dma_wait3A_450, %dma_wait3A_453, %dma_wait3A_454] : memref<2x8x8x128xf32, #tpu.memory_space<vmem>> -> memref<1x1x8x128xf32, #tpu.memory_space<vmem>>
      %dma_wait3A_456 = tpu.memref_squeeze %dma_wait3A_455 : memref<1x1x8x128xf32, #tpu.memory_space<vmem>> -> memref<8x128xf32, #tpu.memory_space<vmem>>
      %dma_wait3A_457 = arith.constant 0 : i32
      %dma_wait3A_458 = arith.constant 0 : i32
      %dma_wait3A_459 = tpu.memref_slice %arg4[%dma_wait3A_451, %dma_wait3A_452, %add3A_235, %dma_wait3A_457, %dma_wait3A_458] : memref<50x8x128x8x128xf32, #tpu.memory_space<hbm>> -> memref<1x1x1x8x128xf32, #tpu.memory_space<hbm>>
      %dma_wait3A_460 = tpu.memref_squeeze %dma_wait3A_459 : memref<1x1x1x8x128xf32, #tpu.memory_space<hbm>> -> memref<8x128xf32, #tpu.memory_space<hbm>>
      %dma_wait3A_461 = arith.constant 0 : i32
      %dma_wait3A_462 = arith.constant 0 : i32
      %dma_wait3A_463 = tpu.memref_slice %arg4[%dma_wait3A_451, %dma_wait3A_452, %add3A_235, %dma_wait3A_461, %dma_wait3A_462] : memref<50x8x128x8x128xf32, #tpu.memory_space<hbm>> -> memref<1x1x1x8x128xf32, #tpu.memory_space<hbm>>
      %dma_wait3A_464 = tpu.memref_squeeze %dma_wait3A_463 : memref<1x1x1x8x128xf32, #tpu.memory_space<hbm>> -> memref<8x128xf32, #tpu.memory_space<hbm>>
      %dma_wait3A_465 = arith.constant 0 : i32
      %dma_wait3A_466 = arith.constant 0 : i32
      %dma_wait3A_467 = tpu.memref_slice %arg9[%dma_wait3A_449, %dma_wait3A_450, %dma_wait3A_465, %dma_wait3A_466] : memref<2x8x8x128xf32, #tpu.memory_space<vmem>> -> memref<1x1x8x128xf32, #tpu.memory_space<vmem>>
      %dma_wait3A_468 = tpu.memref_squeeze %dma_wait3A_467 : memref<1x1x8x128xf32, #tpu.memory_space<vmem>> -> memref<8x128xf32, #tpu.memory_space<vmem>>
      tpu.wait_dma2 semaphore(%arg13 : memref<!tpu.dma_semaphore, #tpu.memory_space<semaphore_mem>>) src(%dma_wait3A_468 : memref<8x128xf32, #tpu.memory_space<vmem>>) dst(%dma_wait3A_464 : memref<8x128xf32, #tpu.memory_space<hbm>>)
      %dma_wait3A_469 = arith.constant 1 : i32
      %dma_wait3A_470 = arith.constant 3 : i32
      %dma_wait3A_471 = arith.constant 47 : i32
      %dma_wait3A_472 = arith.constant 3 : i32
      %dma_wait3A_473 = arith.constant 0 : i32
      %dma_wait3A_474 = arith.constant 0 : i32
      %dma_wait3A_475 = tpu.memref_slice %arg9[%dma_wait3A_469, %dma_wait3A_470, %dma_wait3A_473, %dma_wait3A_474] : memref<2x8x8x128xf32, #tpu.memory_space<vmem>> -> memref<1x1x8x128xf32, #tpu.memory_space<vmem>>
      %dma_wait3A_476 = tpu.memref_squeeze %dma_wait3A_475 : memref<1x1x8x128xf32, #tpu.memory_space<vmem>> -> memref<8x128xf32, #tpu.memory_space<vmem>>
      %dma_wait3A_477 = arith.constant 0 : i32
      %dma_wait3A_478 = arith.constant 0 : i32
      %dma_wait3A_479 = tpu.memref_slice %arg4[%dma_wait3A_471, %dma_wait3A_472, %add3A_235, %dma_wait3A_477, %dma_wait3A_478] : memref<50x8x128x8x128xf32, #tpu.memory_space<hbm>> -> memref<1x1x1x8x128xf32, #tpu.memory_space<hbm>>
      %dma_wait3A_480 = tpu.memref_squeeze %dma_wait3A_479 : memref<1x1x1x8x128xf32, #tpu.memory_space<hbm>> -> memref<8x128xf32, #tpu.memory_space<hbm>>
      %dma_wait3A_481 = arith.constant 0 : i32
      %dma_wait3A_482 = arith.constant 0 : i32
      %dma_wait3A_483 = tpu.memref_slice %arg4[%dma_wait3A_471, %dma_wait3A_472, %add3A_235, %dma_wait3A_481, %dma_wait3A_482] : memref<50x8x128x8x128xf32, #tpu.memory_space<hbm>> -> memref<1x1x1x8x128xf32, #tpu.memory_space<hbm>>
      %dma_wait3A_484 = tpu.memref_squeeze %dma_wait3A_483 : memref<1x1x1x8x128xf32, #tpu.memory_space<hbm>> -> memref<8x128xf32, #tpu.memory_space<hbm>>
      %dma_wait3A_485 = arith.constant 0 : i32
      %dma_wait3A_486 = arith.constant 0 : i32
      %dma_wait3A_487 = tpu.memref_slice %arg9[%dma_wait3A_469, %dma_wait3A_470, %dma_wait3A_485, %dma_wait3A_486] : memref<2x8x8x128xf32, #tpu.memory_space<vmem>> -> memref<1x1x8x128xf32, #tpu.memory_space<vmem>>
      %dma_wait3A_488 = tpu.memref_squeeze %dma_wait3A_487 : memref<1x1x8x128xf32, #tpu.memory_space<vmem>> -> memref<8x128xf32, #tpu.memory_space<vmem>>
      tpu.wait_dma2 semaphore(%arg13 : memref<!tpu.dma_semaphore, #tpu.memory_space<semaphore_mem>>) src(%dma_wait3A_488 : memref<8x128xf32, #tpu.memory_space<vmem>>) dst(%dma_wait3A_484 : memref<8x128xf32, #tpu.memory_space<hbm>>)
      %dma_wait3A_489 = arith.constant 1 : i32
      %dma_wait3A_490 = arith.constant 4 : i32
      %dma_wait3A_491 = arith.constant 47 : i32
      %dma_wait3A_492 = arith.constant 4 : i32
      %dma_wait3A_493 = arith.constant 0 : i32
      %dma_wait3A_494 = arith.constant 0 : i32
      %dma_wait3A_495 = tpu.memref_slice %arg9[%dma_wait3A_489, %dma_wait3A_490, %dma_wait3A_493, %dma_wait3A_494] : memref<2x8x8x128xf32, #tpu.memory_space<vmem>> -> memref<1x1x8x128xf32, #tpu.memory_space<vmem>>
      %dma_wait3A_496 = tpu.memref_squeeze %dma_wait3A_495 : memref<1x1x8x128xf32, #tpu.memory_space<vmem>> -> memref<8x128xf32, #tpu.memory_space<vmem>>
      %dma_wait3A_497 = arith.constant 0 : i32
      %dma_wait3A_498 = arith.constant 0 : i32
      %dma_wait3A_499 = tpu.memref_slice %arg4[%dma_wait3A_491, %dma_wait3A_492, %add3A_235, %dma_wait3A_497, %dma_wait3A_498] : memref<50x8x128x8x128xf32, #tpu.memory_space<hbm>> -> memref<1x1x1x8x128xf32, #tpu.memory_space<hbm>>
      %dma_wait3A_500 = tpu.memref_squeeze %dma_wait3A_499 : memref<1x1x1x8x128xf32, #tpu.memory_space<hbm>> -> memref<8x128xf32, #tpu.memory_space<hbm>>
      %dma_wait3A_501 = arith.constant 0 : i32
      %dma_wait3A_502 = arith.constant 0 : i32
      %dma_wait3A_503 = tpu.memref_slice %arg4[%dma_wait3A_491, %dma_wait3A_492, %add3A_235, %dma_wait3A_501, %dma_wait3A_502] : memref<50x8x128x8x128xf32, #tpu.memory_space<hbm>> -> memref<1x1x1x8x128xf32, #tpu.memory_space<hbm>>
      %dma_wait3A_504 = tpu.memref_squeeze %dma_wait3A_503 : memref<1x1x1x8x128xf32, #tpu.memory_space<hbm>> -> memref<8x128xf32, #tpu.memory_space<hbm>>
      %dma_wait3A_505 = arith.constant 0 : i32
      %dma_wait3A_506 = arith.constant 0 : i32
      %dma_wait3A_507 = tpu.memref_slice %arg9[%dma_wait3A_489, %dma_wait3A_490, %dma_wait3A_505, %dma_wait3A_506] : memref<2x8x8x128xf32, #tpu.memory_space<vmem>> -> memref<1x1x8x128xf32, #tpu.memory_space<vmem>>
      %dma_wait3A_508 = tpu.memref_squeeze %dma_wait3A_507 : memref<1x1x8x128xf32, #tpu.memory_space<vmem>> -> memref<8x128xf32, #tpu.memory_space<vmem>>
      tpu.wait_dma2 semaphore(%arg13 : memref<!tpu.dma_semaphore, #tpu.memory_space<semaphore_mem>>) src(%dma_wait3A_508 : memref<8x128xf32, #tpu.memory_space<vmem>>) dst(%dma_wait3A_504 : memref<8x128xf32, #tpu.memory_space<hbm>>)
      %dma_wait3A_509 = arith.constant 1 : i32
      %dma_wait3A_510 = arith.constant 5 : i32
      %dma_wait3A_511 = arith.constant 47 : i32
      %dma_wait3A_512 = arith.constant 5 : i32
      %dma_wait3A_513 = arith.constant 0 : i32
      %dma_wait3A_514 = arith.constant 0 : i32
      %dma_wait3A_515 = tpu.memref_slice %arg9[%dma_wait3A_509, %dma_wait3A_510, %dma_wait3A_513, %dma_wait3A_514] : memref<2x8x8x128xf32, #tpu.memory_space<vmem>> -> memref<1x1x8x128xf32, #tpu.memory_space<vmem>>
      %dma_wait3A_516 = tpu.memref_squeeze %dma_wait3A_515 : memref<1x1x8x128xf32, #tpu.memory_space<vmem>> -> memref<8x128xf32, #tpu.memory_space<vmem>>
      %dma_wait3A_517 = arith.constant 0 : i32
      %dma_wait3A_518 = arith.constant 0 : i32
      %dma_wait3A_519 = tpu.memref_slice %arg4[%dma_wait3A_511, %dma_wait3A_512, %add3A_235, %dma_wait3A_517, %dma_wait3A_518] : memref<50x8x128x8x128xf32, #tpu.memory_space<hbm>> -> memref<1x1x1x8x128xf32, #tpu.memory_space<hbm>>
      %dma_wait3A_520 = tpu.memref_squeeze %dma_wait3A_519 : memref<1x1x1x8x128xf32, #tpu.memory_space<hbm>> -> memref<8x128xf32, #tpu.memory_space<hbm>>
      %dma_wait3A_521 = arith.constant 0 : i32
      %dma_wait3A_522 = arith.constant 0 : i32
      %dma_wait3A_523 = tpu.memref_slice %arg4[%dma_wait3A_511, %dma_wait3A_512, %add3A_235, %dma_wait3A_521, %dma_wait3A_522] : memref<50x8x128x8x128xf32, #tpu.memory_space<hbm>> -> memref<1x1x1x8x128xf32, #tpu.memory_space<hbm>>
      %dma_wait3A_524 = tpu.memref_squeeze %dma_wait3A_523 : memref<1x1x1x8x128xf32, #tpu.memory_space<hbm>> -> memref<8x128xf32, #tpu.memory_space<hbm>>
      %dma_wait3A_525 = arith.constant 0 : i32
      %dma_wait3A_526 = arith.constant 0 : i32
      %dma_wait3A_527 = tpu.memref_slice %arg9[%dma_wait3A_509, %dma_wait3A_510, %dma_wait3A_525, %dma_wait3A_526] : memref<2x8x8x128xf32, #tpu.memory_space<vmem>> -> memref<1x1x8x128xf32, #tpu.memory_space<vmem>>
      %dma_wait3A_528 = tpu.memref_squeeze %dma_wait3A_527 : memref<1x1x8x128xf32, #tpu.memory_space<vmem>> -> memref<8x128xf32, #tpu.memory_space<vmem>>
      tpu.wait_dma2 semaphore(%arg13 : memref<!tpu.dma_semaphore, #tpu.memory_space<semaphore_mem>>) src(%dma_wait3A_528 : memref<8x128xf32, #tpu.memory_space<vmem>>) dst(%dma_wait3A_524 : memref<8x128xf32, #tpu.memory_space<hbm>>)
      %dma_wait3A_529 = arith.constant 1 : i32
      %dma_wait3A_530 = arith.constant 6 : i32
      %dma_wait3A_531 = arith.constant 47 : i32
      %dma_wait3A_532 = arith.constant 6 : i32
      %dma_wait3A_533 = arith.constant 0 : i32
      %dma_wait3A_534 = arith.constant 0 : i32
      %dma_wait3A_535 = tpu.memref_slice %arg9[%dma_wait3A_529, %dma_wait3A_530, %dma_wait3A_533, %dma_wait3A_534] : memref<2x8x8x128xf32, #tpu.memory_space<vmem>> -> memref<1x1x8x128xf32, #tpu.memory_space<vmem>>
      %dma_wait3A_536 = tpu.memref_squeeze %dma_wait3A_535 : memref<1x1x8x128xf32, #tpu.memory_space<vmem>> -> memref<8x128xf32, #tpu.memory_space<vmem>>
      %dma_wait3A_537 = arith.constant 0 : i32
      %dma_wait3A_538 = arith.constant 0 : i32
      %dma_wait3A_539 = tpu.memref_slice %arg4[%dma_wait3A_531, %dma_wait3A_532, %add3A_235, %dma_wait3A_537, %dma_wait3A_538] : memref<50x8x128x8x128xf32, #tpu.memory_space<hbm>> -> memref<1x1x1x8x128xf32, #tpu.memory_space<hbm>>
      %dma_wait3A_540 = tpu.memref_squeeze %dma_wait3A_539 : memref<1x1x1x8x128xf32, #tpu.memory_space<hbm>> -> memref<8x128xf32, #tpu.memory_space<hbm>>
      %dma_wait3A_541 = arith.constant 0 : i32
      %dma_wait3A_542 = arith.constant 0 : i32
      %dma_wait3A_543 = tpu.memref_slice %arg4[%dma_wait3A_531, %dma_wait3A_532, %add3A_235, %dma_wait3A_541, %dma_wait3A_542] : memref<50x8x128x8x128xf32, #tpu.memory_space<hbm>> -> memref<1x1x1x8x128xf32, #tpu.memory_space<hbm>>
      %dma_wait3A_544 = tpu.memref_squeeze %dma_wait3A_543 : memref<1x1x1x8x128xf32, #tpu.memory_space<hbm>> -> memref<8x128xf32, #tpu.memory_space<hbm>>
      %dma_wait3A_545 = arith.constant 0 : i32
      %dma_wait3A_546 = arith.constant 0 : i32
      %dma_wait3A_547 = tpu.memref_slice %arg9[%dma_wait3A_529, %dma_wait3A_530, %dma_wait3A_545, %dma_wait3A_546] : memref<2x8x8x128xf32, #tpu.memory_space<vmem>> -> memref<1x1x8x128xf32, #tpu.memory_space<vmem>>
      %dma_wait3A_548 = tpu.memref_squeeze %dma_wait3A_547 : memref<1x1x8x128xf32, #tpu.memory_space<vmem>> -> memref<8x128xf32, #tpu.memory_space<vmem>>
      tpu.wait_dma2 semaphore(%arg13 : memref<!tpu.dma_semaphore, #tpu.memory_space<semaphore_mem>>) src(%dma_wait3A_548 : memref<8x128xf32, #tpu.memory_space<vmem>>) dst(%dma_wait3A_544 : memref<8x128xf32, #tpu.memory_space<hbm>>)
      %dma_wait3A_549 = arith.constant 1 : i32
      %dma_wait3A_550 = arith.constant 7 : i32
      %dma_wait3A_551 = arith.constant 47 : i32
      %dma_wait3A_552 = arith.constant 7 : i32
      %dma_wait3A_553 = arith.constant 0 : i32
      %dma_wait3A_554 = arith.constant 0 : i32
      %dma_wait3A_555 = tpu.memref_slice %arg9[%dma_wait3A_549, %dma_wait3A_550, %dma_wait3A_553, %dma_wait3A_554] : memref<2x8x8x128xf32, #tpu.memory_space<vmem>> -> memref<1x1x8x128xf32, #tpu.memory_space<vmem>>
      %dma_wait3A_556 = tpu.memref_squeeze %dma_wait3A_555 : memref<1x1x8x128xf32, #tpu.memory_space<vmem>> -> memref<8x128xf32, #tpu.memory_space<vmem>>
      %dma_wait3A_557 = arith.constant 0 : i32
      %dma_wait3A_558 = arith.constant 0 : i32
      %dma_wait3A_559 = tpu.memref_slice %arg4[%dma_wait3A_551, %dma_wait3A_552, %add3A_235, %dma_wait3A_557, %dma_wait3A_558] : memref<50x8x128x8x128xf32, #tpu.memory_space<hbm>> -> memref<1x1x1x8x128xf32, #tpu.memory_space<hbm>>
      %dma_wait3A_560 = tpu.memref_squeeze %dma_wait3A_559 : memref<1x1x1x8x128xf32, #tpu.memory_space<hbm>> -> memref<8x128xf32, #tpu.memory_space<hbm>>
      %dma_wait3A_561 = arith.constant 0 : i32
      %dma_wait3A_562 = arith.constant 0 : i32
      %dma_wait3A_563 = tpu.memref_slice %arg4[%dma_wait3A_551, %dma_wait3A_552, %add3A_235, %dma_wait3A_561, %dma_wait3A_562] : memref<50x8x128x8x128xf32, #tpu.memory_space<hbm>> -> memref<1x1x1x8x128xf32, #tpu.memory_space<hbm>>
      %dma_wait3A_564 = tpu.memref_squeeze %dma_wait3A_563 : memref<1x1x1x8x128xf32, #tpu.memory_space<hbm>> -> memref<8x128xf32, #tpu.memory_space<hbm>>
      %dma_wait3A_565 = arith.constant 0 : i32
      %dma_wait3A_566 = arith.constant 0 : i32
      %dma_wait3A_567 = tpu.memref_slice %arg9[%dma_wait3A_549, %dma_wait3A_550, %dma_wait3A_565, %dma_wait3A_566] : memref<2x8x8x128xf32, #tpu.memory_space<vmem>> -> memref<1x1x8x128xf32, #tpu.memory_space<vmem>>
      %dma_wait3A_568 = tpu.memref_squeeze %dma_wait3A_567 : memref<1x1x8x128xf32, #tpu.memory_space<vmem>> -> memref<8x128xf32, #tpu.memory_space<vmem>>
      tpu.wait_dma2 semaphore(%arg13 : memref<!tpu.dma_semaphore, #tpu.memory_space<semaphore_mem>>) src(%dma_wait3A_568 : memref<8x128xf32, #tpu.memory_space<vmem>>) dst(%dma_wait3A_564 : memref<8x128xf32, #tpu.memory_space<hbm>>)
      %dma_wait3A_569 = arith.constant 0 : i32
      %dma_wait3A_570 = arith.constant 0 : i32
      %dma_wait3A_571 = arith.constant 48 : i32
      %dma_wait3A_572 = arith.constant 0 : i32
      %dma_wait3A_573 = arith.constant 0 : i32
      %dma_wait3A_574 = arith.constant 0 : i32
      %dma_wait3A_575 = tpu.memref_slice %arg8[%dma_wait3A_569, %dma_wait3A_570, %dma_wait3A_573, %dma_wait3A_574] : memref<2x8x8x128xf32, #tpu.memory_space<vmem>> -> memref<1x1x8x128xf32, #tpu.memory_space<vmem>>
      %dma_wait3A_576 = tpu.memref_squeeze %dma_wait3A_575 : memref<1x1x8x128xf32, #tpu.memory_space<vmem>> -> memref<8x128xf32, #tpu.memory_space<vmem>>
      %dma_wait3A_577 = arith.constant 0 : i32
      %dma_wait3A_578 = arith.constant 0 : i32
      %dma_wait3A_579 = tpu.memref_slice %arg4[%dma_wait3A_571, %dma_wait3A_572, %add3A_235, %dma_wait3A_577, %dma_wait3A_578] : memref<50x8x128x8x128xf32, #tpu.memory_space<hbm>> -> memref<1x1x1x8x128xf32, #tpu.memory_space<hbm>>
      %dma_wait3A_580 = tpu.memref_squeeze %dma_wait3A_579 : memref<1x1x1x8x128xf32, #tpu.memory_space<hbm>> -> memref<8x128xf32, #tpu.memory_space<hbm>>
      %dma_wait3A_581 = arith.constant 0 : i32
      %dma_wait3A_582 = arith.constant 0 : i32
      %dma_wait3A_583 = tpu.memref_slice %arg4[%dma_wait3A_571, %dma_wait3A_572, %add3A_235, %dma_wait3A_581, %dma_wait3A_582] : memref<50x8x128x8x128xf32, #tpu.memory_space<hbm>> -> memref<1x1x1x8x128xf32, #tpu.memory_space<hbm>>
      %dma_wait3A_584 = tpu.memref_squeeze %dma_wait3A_583 : memref<1x1x1x8x128xf32, #tpu.memory_space<hbm>> -> memref<8x128xf32, #tpu.memory_space<hbm>>
      %dma_wait3A_585 = arith.constant 0 : i32
      %dma_wait3A_586 = arith.constant 0 : i32
      %dma_wait3A_587 = tpu.memref_slice %arg8[%dma_wait3A_569, %dma_wait3A_570, %dma_wait3A_585, %dma_wait3A_586] : memref<2x8x8x128xf32, #tpu.memory_space<vmem>> -> memref<1x1x8x128xf32, #tpu.memory_space<vmem>>
      %dma_wait3A_588 = tpu.memref_squeeze %dma_wait3A_587 : memref<1x1x8x128xf32, #tpu.memory_space<vmem>> -> memref<8x128xf32, #tpu.memory_space<vmem>>
      tpu.wait_dma2 semaphore(%arg12 : memref<!tpu.dma_semaphore, #tpu.memory_space<semaphore_mem>>) src(%dma_wait3A_588 : memref<8x128xf32, #tpu.memory_space<vmem>>) dst(%dma_wait3A_584 : memref<8x128xf32, #tpu.memory_space<hbm>>)
      %dma_wait3A_589 = arith.constant 0 : i32
      %dma_wait3A_590 = arith.constant 1 : i32
      %dma_wait3A_591 = arith.constant 48 : i32
      %dma_wait3A_592 = arith.constant 1 : i32
      %dma_wait3A_593 = arith.constant 0 : i32
      %dma_wait3A_594 = arith.constant 0 : i32
      %dma_wait3A_595 = tpu.memref_slice %arg8[%dma_wait3A_589, %dma_wait3A_590, %dma_wait3A_593, %dma_wait3A_594] : memref<2x8x8x128xf32, #tpu.memory_space<vmem>> -> memref<1x1x8x128xf32, #tpu.memory_space<vmem>>
      %dma_wait3A_596 = tpu.memref_squeeze %dma_wait3A_595 : memref<1x1x8x128xf32, #tpu.memory_space<vmem>> -> memref<8x128xf32, #tpu.memory_space<vmem>>
      %dma_wait3A_597 = arith.constant 0 : i32
      %dma_wait3A_598 = arith.constant 0 : i32
      %dma_wait3A_599 = tpu.memref_slice %arg4[%dma_wait3A_591, %dma_wait3A_592, %add3A_235, %dma_wait3A_597, %dma_wait3A_598] : memref<50x8x128x8x128xf32, #tpu.memory_space<hbm>> -> memref<1x1x1x8x128xf32, #tpu.memory_space<hbm>>
      %dma_wait3A_600 = tpu.memref_squeeze %dma_wait3A_599 : memref<1x1x1x8x128xf32, #tpu.memory_space<hbm>> -> memref<8x128xf32, #tpu.memory_space<hbm>>
      %dma_wait3A_601 = arith.constant 0 : i32
      %dma_wait3A_602 = arith.constant 0 : i32
      %dma_wait3A_603 = tpu.memref_slice %arg4[%dma_wait3A_591, %dma_wait3A_592, %add3A_235, %dma_wait3A_601, %dma_wait3A_602] : memref<50x8x128x8x128xf32, #tpu.memory_space<hbm>> -> memref<1x1x1x8x128xf32, #tpu.memory_space<hbm>>
      %dma_wait3A_604 = tpu.memref_squeeze %dma_wait3A_603 : memref<1x1x1x8x128xf32, #tpu.memory_space<hbm>> -> memref<8x128xf32, #tpu.memory_space<hbm>>
      %dma_wait3A_605 = arith.constant 0 : i32
      %dma_wait3A_606 = arith.constant 0 : i32
      %dma_wait3A_607 = tpu.memref_slice %arg8[%dma_wait3A_589, %dma_wait3A_590, %dma_wait3A_605, %dma_wait3A_606] : memref<2x8x8x128xf32, #tpu.memory_space<vmem>> -> memref<1x1x8x128xf32, #tpu.memory_space<vmem>>
      %dma_wait3A_608 = tpu.memref_squeeze %dma_wait3A_607 : memref<1x1x8x128xf32, #tpu.memory_space<vmem>> -> memref<8x128xf32, #tpu.memory_space<vmem>>
      tpu.wait_dma2 semaphore(%arg12 : memref<!tpu.dma_semaphore, #tpu.memory_space<semaphore_mem>>) src(%dma_wait3A_608 : memref<8x128xf32, #tpu.memory_space<vmem>>) dst(%dma_wait3A_604 : memref<8x128xf32, #tpu.memory_space<hbm>>)
      %dma_wait3A_609 = arith.constant 0 : i32
      %dma_wait3A_610 = arith.constant 2 : i32
      %dma_wait3A_611 = arith.constant 48 : i32
      %dma_wait3A_612 = arith.constant 2 : i32
      %dma_wait3A_613 = arith.constant 0 : i32
      %dma_wait3A_614 = arith.constant 0 : i32
      %dma_wait3A_615 = tpu.memref_slice %arg8[%dma_wait3A_609, %dma_wait3A_610, %dma_wait3A_613, %dma_wait3A_614] : memref<2x8x8x128xf32, #tpu.memory_space<vmem>> -> memref<1x1x8x128xf32, #tpu.memory_space<vmem>>
      %dma_wait3A_616 = tpu.memref_squeeze %dma_wait3A_615 : memref<1x1x8x128xf32, #tpu.memory_space<vmem>> -> memref<8x128xf32, #tpu.memory_space<vmem>>
      %dma_wait3A_617 = arith.constant 0 : i32
      %dma_wait3A_618 = arith.constant 0 : i32
      %dma_wait3A_619 = tpu.memref_slice %arg4[%dma_wait3A_611, %dma_wait3A_612, %add3A_235, %dma_wait3A_617, %dma_wait3A_618] : memref<50x8x128x8x128xf32, #tpu.memory_space<hbm>> -> memref<1x1x1x8x128xf32, #tpu.memory_space<hbm>>
      %dma_wait3A_620 = tpu.memref_squeeze %dma_wait3A_619 : memref<1x1x1x8x128xf32, #tpu.memory_space<hbm>> -> memref<8x128xf32, #tpu.memory_space<hbm>>
      %dma_wait3A_621 = arith.constant 0 : i32
      %dma_wait3A_622 = arith.constant 0 : i32
      %dma_wait3A_623 = tpu.memref_slice %arg4[%dma_wait3A_611, %dma_wait3A_612, %add3A_235, %dma_wait3A_621, %dma_wait3A_622] : memref<50x8x128x8x128xf32, #tpu.memory_space<hbm>> -> memref<1x1x1x8x128xf32, #tpu.memory_space<hbm>>
      %dma_wait3A_624 = tpu.memref_squeeze %dma_wait3A_623 : memref<1x1x1x8x128xf32, #tpu.memory_space<hbm>> -> memref<8x128xf32, #tpu.memory_space<hbm>>
      %dma_wait3A_625 = arith.constant 0 : i32
      %dma_wait3A_626 = arith.constant 0 : i32
      %dma_wait3A_627 = tpu.memref_slice %arg8[%dma_wait3A_609, %dma_wait3A_610, %dma_wait3A_625, %dma_wait3A_626] : memref<2x8x8x128xf32, #tpu.memory_space<vmem>> -> memref<1x1x8x128xf32, #tpu.memory_space<vmem>>
      %dma_wait3A_628 = tpu.memref_squeeze %dma_wait3A_627 : memref<1x1x8x128xf32, #tpu.memory_space<vmem>> -> memref<8x128xf32, #tpu.memory_space<vmem>>
      tpu.wait_dma2 semaphore(%arg12 : memref<!tpu.dma_semaphore, #tpu.memory_space<semaphore_mem>>) src(%dma_wait3A_628 : memref<8x128xf32, #tpu.memory_space<vmem>>) dst(%dma_wait3A_624 : memref<8x128xf32, #tpu.memory_space<hbm>>)
      %dma_wait3A_629 = arith.constant 0 : i32
      %dma_wait3A_630 = arith.constant 3 : i32
      %dma_wait3A_631 = arith.constant 48 : i32
      %dma_wait3A_632 = arith.constant 3 : i32
      %dma_wait3A_633 = arith.constant 0 : i32
      %dma_wait3A_634 = arith.constant 0 : i32
      %dma_wait3A_635 = tpu.memref_slice %arg8[%dma_wait3A_629, %dma_wait3A_630, %dma_wait3A_633, %dma_wait3A_634] : memref<2x8x8x128xf32, #tpu.memory_space<vmem>> -> memref<1x1x8x128xf32, #tpu.memory_space<vmem>>
      %dma_wait3A_636 = tpu.memref_squeeze %dma_wait3A_635 : memref<1x1x8x128xf32, #tpu.memory_space<vmem>> -> memref<8x128xf32, #tpu.memory_space<vmem>>
      %dma_wait3A_637 = arith.constant 0 : i32
      %dma_wait3A_638 = arith.constant 0 : i32
      %dma_wait3A_639 = tpu.memref_slice %arg4[%dma_wait3A_631, %dma_wait3A_632, %add3A_235, %dma_wait3A_637, %dma_wait3A_638] : memref<50x8x128x8x128xf32, #tpu.memory_space<hbm>> -> memref<1x1x1x8x128xf32, #tpu.memory_space<hbm>>
      %dma_wait3A_640 = tpu.memref_squeeze %dma_wait3A_639 : memref<1x1x1x8x128xf32, #tpu.memory_space<hbm>> -> memref<8x128xf32, #tpu.memory_space<hbm>>
      %dma_wait3A_641 = arith.constant 0 : i32
      %dma_wait3A_642 = arith.constant 0 : i32
      %dma_wait3A_643 = tpu.memref_slice %arg4[%dma_wait3A_631, %dma_wait3A_632, %add3A_235, %dma_wait3A_641, %dma_wait3A_642] : memref<50x8x128x8x128xf32, #tpu.memory_space<hbm>> -> memref<1x1x1x8x128xf32, #tpu.memory_space<hbm>>
      %dma_wait3A_644 = tpu.memref_squeeze %dma_wait3A_643 : memref<1x1x1x8x128xf32, #tpu.memory_space<hbm>> -> memref<8x128xf32, #tpu.memory_space<hbm>>
      %dma_wait3A_645 = arith.constant 0 : i32
      %dma_wait3A_646 = arith.constant 0 : i32
      %dma_wait3A_647 = tpu.memref_slice %arg8[%dma_wait3A_629, %dma_wait3A_630, %dma_wait3A_645, %dma_wait3A_646] : memref<2x8x8x128xf32, #tpu.memory_space<vmem>> -> memref<1x1x8x128xf32, #tpu.memory_space<vmem>>
      %dma_wait3A_648 = tpu.memref_squeeze %dma_wait3A_647 : memref<1x1x8x128xf32, #tpu.memory_space<vmem>> -> memref<8x128xf32, #tpu.memory_space<vmem>>
      tpu.wait_dma2 semaphore(%arg12 : memref<!tpu.dma_semaphore, #tpu.memory_space<semaphore_mem>>) src(%dma_wait3A_648 : memref<8x128xf32, #tpu.memory_space<vmem>>) dst(%dma_wait3A_644 : memref<8x128xf32, #tpu.memory_space<hbm>>)
      %dma_wait3A_649 = arith.constant 0 : i32
      %dma_wait3A_650 = arith.constant 4 : i32
      %dma_wait3A_651 = arith.constant 48 : i32
      %dma_wait3A_652 = arith.constant 4 : i32
      %dma_wait3A_653 = arith.constant 0 : i32
      %dma_wait3A_654 = arith.constant 0 : i32
      %dma_wait3A_655 = tpu.memref_slice %arg8[%dma_wait3A_649, %dma_wait3A_650, %dma_wait3A_653, %dma_wait3A_654] : memref<2x8x8x128xf32, #tpu.memory_space<vmem>> -> memref<1x1x8x128xf32, #tpu.memory_space<vmem>>
      %dma_wait3A_656 = tpu.memref_squeeze %dma_wait3A_655 : memref<1x1x8x128xf32, #tpu.memory_space<vmem>> -> memref<8x128xf32, #tpu.memory_space<vmem>>
      %dma_wait3A_657 = arith.constant 0 : i32
      %dma_wait3A_658 = arith.constant 0 : i32
      %dma_wait3A_659 = tpu.memref_slice %arg4[%dma_wait3A_651, %dma_wait3A_652, %add3A_235, %dma_wait3A_657, %dma_wait3A_658] : memref<50x8x128x8x128xf32, #tpu.memory_space<hbm>> -> memref<1x1x1x8x128xf32, #tpu.memory_space<hbm>>
      %dma_wait3A_660 = tpu.memref_squeeze %dma_wait3A_659 : memref<1x1x1x8x128xf32, #tpu.memory_space<hbm>> -> memref<8x128xf32, #tpu.memory_space<hbm>>
      %dma_wait3A_661 = arith.constant 0 : i32
      %dma_wait3A_662 = arith.constant 0 : i32
      %dma_wait3A_663 = tpu.memref_slice %arg4[%dma_wait3A_651, %dma_wait3A_652, %add3A_235, %dma_wait3A_661, %dma_wait3A_662] : memref<50x8x128x8x128xf32, #tpu.memory_space<hbm>> -> memref<1x1x1x8x128xf32, #tpu.memory_space<hbm>>
      %dma_wait3A_664 = tpu.memref_squeeze %dma_wait3A_663 : memref<1x1x1x8x128xf32, #tpu.memory_space<hbm>> -> memref<8x128xf32, #tpu.memory_space<hbm>>
      %dma_wait3A_665 = arith.constant 0 : i32
      %dma_wait3A_666 = arith.constant 0 : i32
      %dma_wait3A_667 = tpu.memref_slice %arg8[%dma_wait3A_649, %dma_wait3A_650, %dma_wait3A_665, %dma_wait3A_666] : memref<2x8x8x128xf32, #tpu.memory_space<vmem>> -> memref<1x1x8x128xf32, #tpu.memory_space<vmem>>
      %dma_wait3A_668 = tpu.memref_squeeze %dma_wait3A_667 : memref<1x1x8x128xf32, #tpu.memory_space<vmem>> -> memref<8x128xf32, #tpu.memory_space<vmem>>
      tpu.wait_dma2 semaphore(%arg12 : memref<!tpu.dma_semaphore, #tpu.memory_space<semaphore_mem>>) src(%dma_wait3A_668 : memref<8x128xf32, #tpu.memory_space<vmem>>) dst(%dma_wait3A_664 : memref<8x128xf32, #tpu.memory_space<hbm>>)
      %dma_wait3A_669 = arith.constant 0 : i32
      %dma_wait3A_670 = arith.constant 5 : i32
      %dma_wait3A_671 = arith.constant 48 : i32
      %dma_wait3A_672 = arith.constant 5 : i32
      %dma_wait3A_673 = arith.constant 0 : i32
      %dma_wait3A_674 = arith.constant 0 : i32
      %dma_wait3A_675 = tpu.memref_slice %arg8[%dma_wait3A_669, %dma_wait3A_670, %dma_wait3A_673, %dma_wait3A_674] : memref<2x8x8x128xf32, #tpu.memory_space<vmem>> -> memref<1x1x8x128xf32, #tpu.memory_space<vmem>>
      %dma_wait3A_676 = tpu.memref_squeeze %dma_wait3A_675 : memref<1x1x8x128xf32, #tpu.memory_space<vmem>> -> memref<8x128xf32, #tpu.memory_space<vmem>>
      %dma_wait3A_677 = arith.constant 0 : i32
      %dma_wait3A_678 = arith.constant 0 : i32
      %dma_wait3A_679 = tpu.memref_slice %arg4[%dma_wait3A_671, %dma_wait3A_672, %add3A_235, %dma_wait3A_677, %dma_wait3A_678] : memref<50x8x128x8x128xf32, #tpu.memory_space<hbm>> -> memref<1x1x1x8x128xf32, #tpu.memory_space<hbm>>
      %dma_wait3A_680 = tpu.memref_squeeze %dma_wait3A_679 : memref<1x1x1x8x128xf32, #tpu.memory_space<hbm>> -> memref<8x128xf32, #tpu.memory_space<hbm>>
      %dma_wait3A_681 = arith.constant 0 : i32
      %dma_wait3A_682 = arith.constant 0 : i32
      %dma_wait3A_683 = tpu.memref_slice %arg4[%dma_wait3A_671, %dma_wait3A_672, %add3A_235, %dma_wait3A_681, %dma_wait3A_682] : memref<50x8x128x8x128xf32, #tpu.memory_space<hbm>> -> memref<1x1x1x8x128xf32, #tpu.memory_space<hbm>>
      %dma_wait3A_684 = tpu.memref_squeeze %dma_wait3A_683 : memref<1x1x1x8x128xf32, #tpu.memory_space<hbm>> -> memref<8x128xf32, #tpu.memory_space<hbm>>
      %dma_wait3A_685 = arith.constant 0 : i32
      %dma_wait3A_686 = arith.constant 0 : i32
      %dma_wait3A_687 = tpu.memref_slice %arg8[%dma_wait3A_669, %dma_wait3A_670, %dma_wait3A_685, %dma_wait3A_686] : memref<2x8x8x128xf32, #tpu.memory_space<vmem>> -> memref<1x1x8x128xf32, #tpu.memory_space<vmem>>
      %dma_wait3A_688 = tpu.memref_squeeze %dma_wait3A_687 : memref<1x1x8x128xf32, #tpu.memory_space<vmem>> -> memref<8x128xf32, #tpu.memory_space<vmem>>
      tpu.wait_dma2 semaphore(%arg12 : memref<!tpu.dma_semaphore, #tpu.memory_space<semaphore_mem>>) src(%dma_wait3A_688 : memref<8x128xf32, #tpu.memory_space<vmem>>) dst(%dma_wait3A_684 : memref<8x128xf32, #tpu.memory_space<hbm>>)
      %dma_wait3A_689 = arith.constant 0 : i32
      %dma_wait3A_690 = arith.constant 6 : i32
      %dma_wait3A_691 = arith.constant 48 : i32
      %dma_wait3A_692 = arith.constant 6 : i32
      %dma_wait3A_693 = arith.constant 0 : i32
      %dma_wait3A_694 = arith.constant 0 : i32
      %dma_wait3A_695 = tpu.memref_slice %arg8[%dma_wait3A_689, %dma_wait3A_690, %dma_wait3A_693, %dma_wait3A_694] : memref<2x8x8x128xf32, #tpu.memory_space<vmem>> -> memref<1x1x8x128xf32, #tpu.memory_space<vmem>>
      %dma_wait3A_696 = tpu.memref_squeeze %dma_wait3A_695 : memref<1x1x8x128xf32, #tpu.memory_space<vmem>> -> memref<8x128xf32, #tpu.memory_space<vmem>>
      %dma_wait3A_697 = arith.constant 0 : i32
      %dma_wait3A_698 = arith.constant 0 : i32
      %dma_wait3A_699 = tpu.memref_slice %arg4[%dma_wait3A_691, %dma_wait3A_692, %add3A_235, %dma_wait3A_697, %dma_wait3A_698] : memref<50x8x128x8x128xf32, #tpu.memory_space<hbm>> -> memref<1x1x1x8x128xf32, #tpu.memory_space<hbm>>
      %dma_wait3A_700 = tpu.memref_squeeze %dma_wait3A_699 : memref<1x1x1x8x128xf32, #tpu.memory_space<hbm>> -> memref<8x128xf32, #tpu.memory_space<hbm>>
      %dma_wait3A_701 = arith.constant 0 : i32
      %dma_wait3A_702 = arith.constant 0 : i32
      %dma_wait3A_703 = tpu.memref_slice %arg4[%dma_wait3A_691, %dma_wait3A_692, %add3A_235, %dma_wait3A_701, %dma_wait3A_702] : memref<50x8x128x8x128xf32, #tpu.memory_space<hbm>> -> memref<1x1x1x8x128xf32, #tpu.memory_space<hbm>>
      %dma_wait3A_704 = tpu.memref_squeeze %dma_wait3A_703 : memref<1x1x1x8x128xf32, #tpu.memory_space<hbm>> -> memref<8x128xf32, #tpu.memory_space<hbm>>
      %dma_wait3A_705 = arith.constant 0 : i32
      %dma_wait3A_706 = arith.constant 0 : i32
      %dma_wait3A_707 = tpu.memref_slice %arg8[%dma_wait3A_689, %dma_wait3A_690, %dma_wait3A_705, %dma_wait3A_706] : memref<2x8x8x128xf32, #tpu.memory_space<vmem>> -> memref<1x1x8x128xf32, #tpu.memory_space<vmem>>
      %dma_wait3A_708 = tpu.memref_squeeze %dma_wait3A_707 : memref<1x1x8x128xf32, #tpu.memory_space<vmem>> -> memref<8x128xf32, #tpu.memory_space<vmem>>
      tpu.wait_dma2 semaphore(%arg12 : memref<!tpu.dma_semaphore, #tpu.memory_space<semaphore_mem>>) src(%dma_wait3A_708 : memref<8x128xf32, #tpu.memory_space<vmem>>) dst(%dma_wait3A_704 : memref<8x128xf32, #tpu.memory_space<hbm>>)
      %dma_wait3A_709 = arith.constant 0 : i32
      %dma_wait3A_710 = arith.constant 7 : i32
      %dma_wait3A_711 = arith.constant 48 : i32
      %dma_wait3A_712 = arith.constant 7 : i32
      %dma_wait3A_713 = arith.constant 0 : i32
      %dma_wait3A_714 = arith.constant 0 : i32
      %dma_wait3A_715 = tpu.memref_slice %arg8[%dma_wait3A_709, %dma_wait3A_710, %dma_wait3A_713, %dma_wait3A_714] : memref<2x8x8x128xf32, #tpu.memory_space<vmem>> -> memref<1x1x8x128xf32, #tpu.memory_space<vmem>>
      %dma_wait3A_716 = tpu.memref_squeeze %dma_wait3A_715 : memref<1x1x8x128xf32, #tpu.memory_space<vmem>> -> memref<8x128xf32, #tpu.memory_space<vmem>>
      %dma_wait3A_717 = arith.constant 0 : i32
      %dma_wait3A_718 = arith.constant 0 : i32
      %dma_wait3A_719 = tpu.memref_slice %arg4[%dma_wait3A_711, %dma_wait3A_712, %add3A_235, %dma_wait3A_717, %dma_wait3A_718] : memref<50x8x128x8x128xf32, #tpu.memory_space<hbm>> -> memref<1x1x1x8x128xf32, #tpu.memory_space<hbm>>
      %dma_wait3A_720 = tpu.memref_squeeze %dma_wait3A_719 : memref<1x1x1x8x128xf32, #tpu.memory_space<hbm>> -> memref<8x128xf32, #tpu.memory_space<hbm>>
      %dma_wait3A_721 = arith.constant 0 : i32
      %dma_wait3A_722 = arith.constant 0 : i32
      %dma_wait3A_723 = tpu.memref_slice %arg4[%dma_wait3A_711, %dma_wait3A_712, %add3A_235, %dma_wait3A_721, %dma_wait3A_722] : memref<50x8x128x8x128xf32, #tpu.memory_space<hbm>> -> memref<1x1x1x8x128xf32, #tpu.memory_space<hbm>>
      %dma_wait3A_724 = tpu.memref_squeeze %dma_wait3A_723 : memref<1x1x1x8x128xf32, #tpu.memory_space<hbm>> -> memref<8x128xf32, #tpu.memory_space<hbm>>
      %dma_wait3A_725 = arith.constant 0 : i32
      %dma_wait3A_726 = arith.constant 0 : i32
      %dma_wait3A_727 = tpu.memref_slice %arg8[%dma_wait3A_709, %dma_wait3A_710, %dma_wait3A_725, %dma_wait3A_726] : memref<2x8x8x128xf32, #tpu.memory_space<vmem>> -> memref<1x1x8x128xf32, #tpu.memory_space<vmem>>
      %dma_wait3A_728 = tpu.memref_squeeze %dma_wait3A_727 : memref<1x1x8x128xf32, #tpu.memory_space<vmem>> -> memref<8x128xf32, #tpu.memory_space<vmem>>
      tpu.wait_dma2 semaphore(%arg12 : memref<!tpu.dma_semaphore, #tpu.memory_space<semaphore_mem>>) src(%dma_wait3A_728 : memref<8x128xf32, #tpu.memory_space<vmem>>) dst(%dma_wait3A_724 : memref<8x128xf32, #tpu.memory_space<hbm>>)
      %dma_wait3A_729 = arith.constant 1 : i32
      %dma_wait3A_730 = arith.constant 0 : i32
      %dma_wait3A_731 = arith.constant 49 : i32
      %dma_wait3A_732 = arith.constant 0 : i32
      %dma_wait3A_733 = arith.constant 0 : i32
      %dma_wait3A_734 = arith.constant 0 : i32
      %dma_wait3A_735 = tpu.memref_slice %arg8[%dma_wait3A_729, %dma_wait3A_730, %dma_wait3A_733, %dma_wait3A_734] : memref<2x8x8x128xf32, #tpu.memory_space<vmem>> -> memref<1x1x8x128xf32, #tpu.memory_space<vmem>>
      %dma_wait3A_736 = tpu.memref_squeeze %dma_wait3A_735 : memref<1x1x8x128xf32, #tpu.memory_space<vmem>> -> memref<8x128xf32, #tpu.memory_space<vmem>>
      %dma_wait3A_737 = arith.constant 0 : i32
      %dma_wait3A_738 = arith.constant 0 : i32
      %dma_wait3A_739 = tpu.memref_slice %arg4[%dma_wait3A_731, %dma_wait3A_732, %add3A_235, %dma_wait3A_737, %dma_wait3A_738] : memref<50x8x128x8x128xf32, #tpu.memory_space<hbm>> -> memref<1x1x1x8x128xf32, #tpu.memory_space<hbm>>
      %dma_wait3A_740 = tpu.memref_squeeze %dma_wait3A_739 : memref<1x1x1x8x128xf32, #tpu.memory_space<hbm>> -> memref<8x128xf32, #tpu.memory_space<hbm>>
      %dma_wait3A_741 = arith.constant 0 : i32
      %dma_wait3A_742 = arith.constant 0 : i32
      %dma_wait3A_743 = tpu.memref_slice %arg4[%dma_wait3A_731, %dma_wait3A_732, %add3A_235, %dma_wait3A_741, %dma_wait3A_742] : memref<50x8x128x8x128xf32, #tpu.memory_space<hbm>> -> memref<1x1x1x8x128xf32, #tpu.memory_space<hbm>>
      %dma_wait3A_744 = tpu.memref_squeeze %dma_wait3A_743 : memref<1x1x1x8x128xf32, #tpu.memory_space<hbm>> -> memref<8x128xf32, #tpu.memory_space<hbm>>
      %dma_wait3A_745 = arith.constant 0 : i32
      %dma_wait3A_746 = arith.constant 0 : i32
      %dma_wait3A_747 = tpu.memref_slice %arg8[%dma_wait3A_729, %dma_wait3A_730, %dma_wait3A_745, %dma_wait3A_746] : memref<2x8x8x128xf32, #tpu.memory_space<vmem>> -> memref<1x1x8x128xf32, #tpu.memory_space<vmem>>
      %dma_wait3A_748 = tpu.memref_squeeze %dma_wait3A_747 : memref<1x1x8x128xf32, #tpu.memory_space<vmem>> -> memref<8x128xf32, #tpu.memory_space<vmem>>
      tpu.wait_dma2 semaphore(%arg12 : memref<!tpu.dma_semaphore, #tpu.memory_space<semaphore_mem>>) src(%dma_wait3A_748 : memref<8x128xf32, #tpu.memory_space<vmem>>) dst(%dma_wait3A_744 : memref<8x128xf32, #tpu.memory_space<hbm>>)
      %dma_wait3A_749 = arith.constant 1 : i32
      %dma_wait3A_750 = arith.constant 1 : i32
      %dma_wait3A_751 = arith.constant 49 : i32
      %dma_wait3A_752 = arith.constant 1 : i32
      %dma_wait3A_753 = arith.constant 0 : i32
      %dma_wait3A_754 = arith.constant 0 : i32
      %dma_wait3A_755 = tpu.memref_slice %arg8[%dma_wait3A_749, %dma_wait3A_750, %dma_wait3A_753, %dma_wait3A_754] : memref<2x8x8x128xf32, #tpu.memory_space<vmem>> -> memref<1x1x8x128xf32, #tpu.memory_space<vmem>>
      %dma_wait3A_756 = tpu.memref_squeeze %dma_wait3A_755 : memref<1x1x8x128xf32, #tpu.memory_space<vmem>> -> memref<8x128xf32, #tpu.memory_space<vmem>>
      %dma_wait3A_757 = arith.constant 0 : i32
      %dma_wait3A_758 = arith.constant 0 : i32
      %dma_wait3A_759 = tpu.memref_slice %arg4[%dma_wait3A_751, %dma_wait3A_752, %add3A_235, %dma_wait3A_757, %dma_wait3A_758] : memref<50x8x128x8x128xf32, #tpu.memory_space<hbm>> -> memref<1x1x1x8x128xf32, #tpu.memory_space<hbm>>
      %dma_wait3A_760 = tpu.memref_squeeze %dma_wait3A_759 : memref<1x1x1x8x128xf32, #tpu.memory_space<hbm>> -> memref<8x128xf32, #tpu.memory_space<hbm>>
      %dma_wait3A_761 = arith.constant 0 : i32
      %dma_wait3A_762 = arith.constant 0 : i32
      %dma_wait3A_763 = tpu.memref_slice %arg4[%dma_wait3A_751, %dma_wait3A_752, %add3A_235, %dma_wait3A_761, %dma_wait3A_762] : memref<50x8x128x8x128xf32, #tpu.memory_space<hbm>> -> memref<1x1x1x8x128xf32, #tpu.memory_space<hbm>>
      %dma_wait3A_764 = tpu.memref_squeeze %dma_wait3A_763 : memref<1x1x1x8x128xf32, #tpu.memory_space<hbm>> -> memref<8x128xf32, #tpu.memory_space<hbm>>
      %dma_wait3A_765 = arith.constant 0 : i32
      %dma_wait3A_766 = arith.constant 0 : i32
      %dma_wait3A_767 = tpu.memref_slice %arg8[%dma_wait3A_749, %dma_wait3A_750, %dma_wait3A_765, %dma_wait3A_766] : memref<2x8x8x128xf32, #tpu.memory_space<vmem>> -> memref<1x1x8x128xf32, #tpu.memory_space<vmem>>
      %dma_wait3A_768 = tpu.memref_squeeze %dma_wait3A_767 : memref<1x1x8x128xf32, #tpu.memory_space<vmem>> -> memref<8x128xf32, #tpu.memory_space<vmem>>
      tpu.wait_dma2 semaphore(%arg12 : memref<!tpu.dma_semaphore, #tpu.memory_space<semaphore_mem>>) src(%dma_wait3A_768 : memref<8x128xf32, #tpu.memory_space<vmem>>) dst(%dma_wait3A_764 : memref<8x128xf32, #tpu.memory_space<hbm>>)
      %dma_wait3A_769 = arith.constant 1 : i32
      %dma_wait3A_770 = arith.constant 2 : i32
      %dma_wait3A_771 = arith.constant 49 : i32
      %dma_wait3A_772 = arith.constant 2 : i32
      %dma_wait3A_773 = arith.constant 0 : i32
      %dma_wait3A_774 = arith.constant 0 : i32
      %dma_wait3A_775 = tpu.memref_slice %arg8[%dma_wait3A_769, %dma_wait3A_770, %dma_wait3A_773, %dma_wait3A_774] : memref<2x8x8x128xf32, #tpu.memory_space<vmem>> -> memref<1x1x8x128xf32, #tpu.memory_space<vmem>>
      %dma_wait3A_776 = tpu.memref_squeeze %dma_wait3A_775 : memref<1x1x8x128xf32, #tpu.memory_space<vmem>> -> memref<8x128xf32, #tpu.memory_space<vmem>>
      %dma_wait3A_777 = arith.constant 0 : i32
      %dma_wait3A_778 = arith.constant 0 : i32
      %dma_wait3A_779 = tpu.memref_slice %arg4[%dma_wait3A_771, %dma_wait3A_772, %add3A_235, %dma_wait3A_777, %dma_wait3A_778] : memref<50x8x128x8x128xf32, #tpu.memory_space<hbm>> -> memref<1x1x1x8x128xf32, #tpu.memory_space<hbm>>
      %dma_wait3A_780 = tpu.memref_squeeze %dma_wait3A_779 : memref<1x1x1x8x128xf32, #tpu.memory_space<hbm>> -> memref<8x128xf32, #tpu.memory_space<hbm>>
      %dma_wait3A_781 = arith.constant 0 : i32
      %dma_wait3A_782 = arith.constant 0 : i32
      %dma_wait3A_783 = tpu.memref_slice %arg4[%dma_wait3A_771, %dma_wait3A_772, %add3A_235, %dma_wait3A_781, %dma_wait3A_782] : memref<50x8x128x8x128xf32, #tpu.memory_space<hbm>> -> memref<1x1x1x8x128xf32, #tpu.memory_space<hbm>>
      %dma_wait3A_784 = tpu.memref_squeeze %dma_wait3A_783 : memref<1x1x1x8x128xf32, #tpu.memory_space<hbm>> -> memref<8x128xf32, #tpu.memory_space<hbm>>
      %dma_wait3A_785 = arith.constant 0 : i32
      %dma_wait3A_786 = arith.constant 0 : i32
      %dma_wait3A_787 = tpu.memref_slice %arg8[%dma_wait3A_769, %dma_wait3A_770, %dma_wait3A_785, %dma_wait3A_786] : memref<2x8x8x128xf32, #tpu.memory_space<vmem>> -> memref<1x1x8x128xf32, #tpu.memory_space<vmem>>
      %dma_wait3A_788 = tpu.memref_squeeze %dma_wait3A_787 : memref<1x1x8x128xf32, #tpu.memory_space<vmem>> -> memref<8x128xf32, #tpu.memory_space<vmem>>
      tpu.wait_dma2 semaphore(%arg12 : memref<!tpu.dma_semaphore, #tpu.memory_space<semaphore_mem>>) src(%dma_wait3A_788 : memref<8x128xf32, #tpu.memory_space<vmem>>) dst(%dma_wait3A_784 : memref<8x128xf32, #tpu.memory_space<hbm>>)
      %dma_wait3A_789 = arith.constant 1 : i32
      %dma_wait3A_790 = arith.constant 3 : i32
      %dma_wait3A_791 = arith.constant 49 : i32
      %dma_wait3A_792 = arith.constant 3 : i32
      %dma_wait3A_793 = arith.constant 0 : i32
      %dma_wait3A_794 = arith.constant 0 : i32
      %dma_wait3A_795 = tpu.memref_slice %arg8[%dma_wait3A_789, %dma_wait3A_790, %dma_wait3A_793, %dma_wait3A_794] : memref<2x8x8x128xf32, #tpu.memory_space<vmem>> -> memref<1x1x8x128xf32, #tpu.memory_space<vmem>>
      %dma_wait3A_796 = tpu.memref_squeeze %dma_wait3A_795 : memref<1x1x8x128xf32, #tpu.memory_space<vmem>> -> memref<8x128xf32, #tpu.memory_space<vmem>>
      %dma_wait3A_797 = arith.constant 0 : i32
      %dma_wait3A_798 = arith.constant 0 : i32
      %dma_wait3A_799 = tpu.memref_slice %arg4[%dma_wait3A_791, %dma_wait3A_792, %add3A_235, %dma_wait3A_797, %dma_wait3A_798] : memref<50x8x128x8x128xf32, #tpu.memory_space<hbm>> -> memref<1x1x1x8x128xf32, #tpu.memory_space<hbm>>
      %dma_wait3A_800 = tpu.memref_squeeze %dma_wait3A_799 : memref<1x1x1x8x128xf32, #tpu.memory_space<hbm>> -> memref<8x128xf32, #tpu.memory_space<hbm>>
      %dma_wait3A_801 = arith.constant 0 : i32
      %dma_wait3A_802 = arith.constant 0 : i32
      %dma_wait3A_803 = tpu.memref_slice %arg4[%dma_wait3A_791, %dma_wait3A_792, %add3A_235, %dma_wait3A_801, %dma_wait3A_802] : memref<50x8x128x8x128xf32, #tpu.memory_space<hbm>> -> memref<1x1x1x8x128xf32, #tpu.memory_space<hbm>>
      %dma_wait3A_804 = tpu.memref_squeeze %dma_wait3A_803 : memref<1x1x1x8x128xf32, #tpu.memory_space<hbm>> -> memref<8x128xf32, #tpu.memory_space<hbm>>
      %dma_wait3A_805 = arith.constant 0 : i32
      %dma_wait3A_806 = arith.constant 0 : i32
      %dma_wait3A_807 = tpu.memref_slice %arg8[%dma_wait3A_789, %dma_wait3A_790, %dma_wait3A_805, %dma_wait3A_806] : memref<2x8x8x128xf32, #tpu.memory_space<vmem>> -> memref<1x1x8x128xf32, #tpu.memory_space<vmem>>
      %dma_wait3A_808 = tpu.memref_squeeze %dma_wait3A_807 : memref<1x1x8x128xf32, #tpu.memory_space<vmem>> -> memref<8x128xf32, #tpu.memory_space<vmem>>
      tpu.wait_dma2 semaphore(%arg12 : memref<!tpu.dma_semaphore, #tpu.memory_space<semaphore_mem>>) src(%dma_wait3A_808 : memref<8x128xf32, #tpu.memory_space<vmem>>) dst(%dma_wait3A_804 : memref<8x128xf32, #tpu.memory_space<hbm>>)
      %dma_wait3A_809 = arith.constant 1 : i32
      %dma_wait3A_810 = arith.constant 4 : i32
      %dma_wait3A_811 = arith.constant 49 : i32
      %dma_wait3A_812 = arith.constant 4 : i32
      %dma_wait3A_813 = arith.constant 0 : i32
      %dma_wait3A_814 = arith.constant 0 : i32
      %dma_wait3A_815 = tpu.memref_slice %arg8[%dma_wait3A_809, %dma_wait3A_810, %dma_wait3A_813, %dma_wait3A_814] : memref<2x8x8x128xf32, #tpu.memory_space<vmem>> -> memref<1x1x8x128xf32, #tpu.memory_space<vmem>>
      %dma_wait3A_816 = tpu.memref_squeeze %dma_wait3A_815 : memref<1x1x8x128xf32, #tpu.memory_space<vmem>> -> memref<8x128xf32, #tpu.memory_space<vmem>>
      %dma_wait3A_817 = arith.constant 0 : i32
      %dma_wait3A_818 = arith.constant 0 : i32
      %dma_wait3A_819 = tpu.memref_slice %arg4[%dma_wait3A_811, %dma_wait3A_812, %add3A_235, %dma_wait3A_817, %dma_wait3A_818] : memref<50x8x128x8x128xf32, #tpu.memory_space<hbm>> -> memref<1x1x1x8x128xf32, #tpu.memory_space<hbm>>
      %dma_wait3A_820 = tpu.memref_squeeze %dma_wait3A_819 : memref<1x1x1x8x128xf32, #tpu.memory_space<hbm>> -> memref<8x128xf32, #tpu.memory_space<hbm>>
      %dma_wait3A_821 = arith.constant 0 : i32
      %dma_wait3A_822 = arith.constant 0 : i32
      %dma_wait3A_823 = tpu.memref_slice %arg4[%dma_wait3A_811, %dma_wait3A_812, %add3A_235, %dma_wait3A_821, %dma_wait3A_822] : memref<50x8x128x8x128xf32, #tpu.memory_space<hbm>> -> memref<1x1x1x8x128xf32, #tpu.memory_space<hbm>>
      %dma_wait3A_824 = tpu.memref_squeeze %dma_wait3A_823 : memref<1x1x1x8x128xf32, #tpu.memory_space<hbm>> -> memref<8x128xf32, #tpu.memory_space<hbm>>
      %dma_wait3A_825 = arith.constant 0 : i32
      %dma_wait3A_826 = arith.constant 0 : i32
      %dma_wait3A_827 = tpu.memref_slice %arg8[%dma_wait3A_809, %dma_wait3A_810, %dma_wait3A_825, %dma_wait3A_826] : memref<2x8x8x128xf32, #tpu.memory_space<vmem>> -> memref<1x1x8x128xf32, #tpu.memory_space<vmem>>
      %dma_wait3A_828 = tpu.memref_squeeze %dma_wait3A_827 : memref<1x1x8x128xf32, #tpu.memory_space<vmem>> -> memref<8x128xf32, #tpu.memory_space<vmem>>
      tpu.wait_dma2 semaphore(%arg12 : memref<!tpu.dma_semaphore, #tpu.memory_space<semaphore_mem>>) src(%dma_wait3A_828 : memref<8x128xf32, #tpu.memory_space<vmem>>) dst(%dma_wait3A_824 : memref<8x128xf32, #tpu.memory_space<hbm>>)
      %dma_wait3A_829 = arith.constant 1 : i32
      %dma_wait3A_830 = arith.constant 5 : i32
      %dma_wait3A_831 = arith.constant 49 : i32
      %dma_wait3A_832 = arith.constant 5 : i32
      %dma_wait3A_833 = arith.constant 0 : i32
      %dma_wait3A_834 = arith.constant 0 : i32
      %dma_wait3A_835 = tpu.memref_slice %arg8[%dma_wait3A_829, %dma_wait3A_830, %dma_wait3A_833, %dma_wait3A_834] : memref<2x8x8x128xf32, #tpu.memory_space<vmem>> -> memref<1x1x8x128xf32, #tpu.memory_space<vmem>>
      %dma_wait3A_836 = tpu.memref_squeeze %dma_wait3A_835 : memref<1x1x8x128xf32, #tpu.memory_space<vmem>> -> memref<8x128xf32, #tpu.memory_space<vmem>>
      %dma_wait3A_837 = arith.constant 0 : i32
      %dma_wait3A_838 = arith.constant 0 : i32
      %dma_wait3A_839 = tpu.memref_slice %arg4[%dma_wait3A_831, %dma_wait3A_832, %add3A_235, %dma_wait3A_837, %dma_wait3A_838] : memref<50x8x128x8x128xf32, #tpu.memory_space<hbm>> -> memref<1x1x1x8x128xf32, #tpu.memory_space<hbm>>
      %dma_wait3A_840 = tpu.memref_squeeze %dma_wait3A_839 : memref<1x1x1x8x128xf32, #tpu.memory_space<hbm>> -> memref<8x128xf32, #tpu.memory_space<hbm>>
      %dma_wait3A_841 = arith.constant 0 : i32
      %dma_wait3A_842 = arith.constant 0 : i32
      %dma_wait3A_843 = tpu.memref_slice %arg4[%dma_wait3A_831, %dma_wait3A_832, %add3A_235, %dma_wait3A_841, %dma_wait3A_842] : memref<50x8x128x8x128xf32, #tpu.memory_space<hbm>> -> memref<1x1x1x8x128xf32, #tpu.memory_space<hbm>>
      %dma_wait3A_844 = tpu.memref_squeeze %dma_wait3A_843 : memref<1x1x1x8x128xf32, #tpu.memory_space<hbm>> -> memref<8x128xf32, #tpu.memory_space<hbm>>
      %dma_wait3A_845 = arith.constant 0 : i32
      %dma_wait3A_846 = arith.constant 0 : i32
      %dma_wait3A_847 = tpu.memref_slice %arg8[%dma_wait3A_829, %dma_wait3A_830, %dma_wait3A_845, %dma_wait3A_846] : memref<2x8x8x128xf32, #tpu.memory_space<vmem>> -> memref<1x1x8x128xf32, #tpu.memory_space<vmem>>
      %dma_wait3A_848 = tpu.memref_squeeze %dma_wait3A_847 : memref<1x1x8x128xf32, #tpu.memory_space<vmem>> -> memref<8x128xf32, #tpu.memory_space<vmem>>
      tpu.wait_dma2 semaphore(%arg12 : memref<!tpu.dma_semaphore, #tpu.memory_space<semaphore_mem>>) src(%dma_wait3A_848 : memref<8x128xf32, #tpu.memory_space<vmem>>) dst(%dma_wait3A_844 : memref<8x128xf32, #tpu.memory_space<hbm>>)
      %dma_wait3A_849 = arith.constant 1 : i32
      %dma_wait3A_850 = arith.constant 6 : i32
      %dma_wait3A_851 = arith.constant 49 : i32
      %dma_wait3A_852 = arith.constant 6 : i32
      %dma_wait3A_853 = arith.constant 0 : i32
      %dma_wait3A_854 = arith.constant 0 : i32
      %dma_wait3A_855 = tpu.memref_slice %arg8[%dma_wait3A_849, %dma_wait3A_850, %dma_wait3A_853, %dma_wait3A_854] : memref<2x8x8x128xf32, #tpu.memory_space<vmem>> -> memref<1x1x8x128xf32, #tpu.memory_space<vmem>>
      %dma_wait3A_856 = tpu.memref_squeeze %dma_wait3A_855 : memref<1x1x8x128xf32, #tpu.memory_space<vmem>> -> memref<8x128xf32, #tpu.memory_space<vmem>>
      %dma_wait3A_857 = arith.constant 0 : i32
      %dma_wait3A_858 = arith.constant 0 : i32
      %dma_wait3A_859 = tpu.memref_slice %arg4[%dma_wait3A_851, %dma_wait3A_852, %add3A_235, %dma_wait3A_857, %dma_wait3A_858] : memref<50x8x128x8x128xf32, #tpu.memory_space<hbm>> -> memref<1x1x1x8x128xf32, #tpu.memory_space<hbm>>
      %dma_wait3A_860 = tpu.memref_squeeze %dma_wait3A_859 : memref<1x1x1x8x128xf32, #tpu.memory_space<hbm>> -> memref<8x128xf32, #tpu.memory_space<hbm>>
      %dma_wait3A_861 = arith.constant 0 : i32
      %dma_wait3A_862 = arith.constant 0 : i32
      %dma_wait3A_863 = tpu.memref_slice %arg4[%dma_wait3A_851, %dma_wait3A_852, %add3A_235, %dma_wait3A_861, %dma_wait3A_862] : memref<50x8x128x8x128xf32, #tpu.memory_space<hbm>> -> memref<1x1x1x8x128xf32, #tpu.memory_space<hbm>>
      %dma_wait3A_864 = tpu.memref_squeeze %dma_wait3A_863 : memref<1x1x1x8x128xf32, #tpu.memory_space<hbm>> -> memref<8x128xf32, #tpu.memory_space<hbm>>
      %dma_wait3A_865 = arith.constant 0 : i32
      %dma_wait3A_866 = arith.constant 0 : i32
      %dma_wait3A_867 = tpu.memref_slice %arg8[%dma_wait3A_849, %dma_wait3A_850, %dma_wait3A_865, %dma_wait3A_866] : memref<2x8x8x128xf32, #tpu.memory_space<vmem>> -> memref<1x1x8x128xf32, #tpu.memory_space<vmem>>
      %dma_wait3A_868 = tpu.memref_squeeze %dma_wait3A_867 : memref<1x1x8x128xf32, #tpu.memory_space<vmem>> -> memref<8x128xf32, #tpu.memory_space<vmem>>
      tpu.wait_dma2 semaphore(%arg12 : memref<!tpu.dma_semaphore, #tpu.memory_space<semaphore_mem>>) src(%dma_wait3A_868 : memref<8x128xf32, #tpu.memory_space<vmem>>) dst(%dma_wait3A_864 : memref<8x128xf32, #tpu.memory_space<hbm>>)
      %dma_wait3A_869 = arith.constant 1 : i32
      %dma_wait3A_870 = arith.constant 7 : i32
      %dma_wait3A_871 = arith.constant 49 : i32
      %dma_wait3A_872 = arith.constant 7 : i32
      %dma_wait3A_873 = arith.constant 0 : i32
      %dma_wait3A_874 = arith.constant 0 : i32
      %dma_wait3A_875 = tpu.memref_slice %arg8[%dma_wait3A_869, %dma_wait3A_870, %dma_wait3A_873, %dma_wait3A_874] : memref<2x8x8x128xf32, #tpu.memory_space<vmem>> -> memref<1x1x8x128xf32, #tpu.memory_space<vmem>>
      %dma_wait3A_876 = tpu.memref_squeeze %dma_wait3A_875 : memref<1x1x8x128xf32, #tpu.memory_space<vmem>> -> memref<8x128xf32, #tpu.memory_space<vmem>>
      %dma_wait3A_877 = arith.constant 0 : i32
      %dma_wait3A_878 = arith.constant 0 : i32
      %dma_wait3A_879 = tpu.memref_slice %arg4[%dma_wait3A_871, %dma_wait3A_872, %add3A_235, %dma_wait3A_877, %dma_wait3A_878] : memref<50x8x128x8x128xf32, #tpu.memory_space<hbm>> -> memref<1x1x1x8x128xf32, #tpu.memory_space<hbm>>
      %dma_wait3A_880 = tpu.memref_squeeze %dma_wait3A_879 : memref<1x1x1x8x128xf32, #tpu.memory_space<hbm>> -> memref<8x128xf32, #tpu.memory_space<hbm>>
      %dma_wait3A_881 = arith.constant 0 : i32
      %dma_wait3A_882 = arith.constant 0 : i32
      %dma_wait3A_883 = tpu.memref_slice %arg4[%dma_wait3A_871, %dma_wait3A_872, %add3A_235, %dma_wait3A_881, %dma_wait3A_882] : memref<50x8x128x8x128xf32, #tpu.memory_space<hbm>> -> memref<1x1x1x8x128xf32, #tpu.memory_space<hbm>>
      %dma_wait3A_884 = tpu.memref_squeeze %dma_wait3A_883 : memref<1x1x1x8x128xf32, #tpu.memory_space<hbm>> -> memref<8x128xf32, #tpu.memory_space<hbm>>
      %dma_wait3A_885 = arith.constant 0 : i32
      %dma_wait3A_886 = arith.constant 0 : i32
      %dma_wait3A_887 = tpu.memref_slice %arg8[%dma_wait3A_869, %dma_wait3A_870, %dma_wait3A_885, %dma_wait3A_886] : memref<2x8x8x128xf32, #tpu.memory_space<vmem>> -> memref<1x1x8x128xf32, #tpu.memory_space<vmem>>
      %dma_wait3A_888 = tpu.memref_squeeze %dma_wait3A_887 : memref<1x1x8x128xf32, #tpu.memory_space<vmem>> -> memref<8x128xf32, #tpu.memory_space<vmem>>
      tpu.wait_dma2 semaphore(%arg12 : memref<!tpu.dma_semaphore, #tpu.memory_space<semaphore_mem>>) src(%dma_wait3A_888 : memref<8x128xf32, #tpu.memory_space<vmem>>) dst(%dma_wait3A_884 : memref<8x128xf32, #tpu.memory_space<hbm>>)
    }
    %scan3A_231 = arith.constant 4 : i32
    return
  }
}

</mosaic_0001>

<sc_bundles>
// kernel: kernel.3.cloned.1.call-start
scs
__scs_entry_jumppad:
0x0: {  	(pc) =	sbr.rel $0x88, $3  }
0x1: {  	(tag) =	ssettag $0x0;
	lr =	simm.s32 $0x1  }
0x2: {  	[smem:$0x3F9E] =	sst lr;
	_ =	strace $0xD0000000  }
0x3: {  	_ = 	snop  }
0x4: {  	_ = 	snop  }
0x5: {  	_ = 	snop  }
0x6: {  	_ = 	snop  }
0x7: {  	_ = 	snop  }
__scs_overlays_trampoline_lowered:
0x8: {  	[smem:$0x3FAD] =	sst s0  }
0x9: {  	[smem:$0x3FAE] =	sst s1  }
0xa: {  	[smem:$0x3FAF] =	sst s2  }
0xb: {  	[smem:$0x3FB0] =	sst s3  }
0xc: {  	[smem:$0x3FB1] =	sst s4  }
0xd: {  	[smem:$0x3FB2] =	sst s5  }
0xe: {  	[smem:$0x3FB3] =	sst s6  }
0xf: {  	[smem:$0x3FB4] =	sst s7  }
0x10: {  	[smem:$0x3FB5] =	sst s8  }
0x11: {  	[smem:$0x3FB6] =	sst s9;
	s0 =	simm.s32 @!p0 $0x0  }
0x12: {  	s1 =	sld [smem:$0x3F9C];
	s0 =	simm.s32 @p0 $0x1  }
0x13: {  	[smem:$0x3FB7] =	sst s0;
	s0 =	simm.s32 @!p1 $0x0  }
0x14: {  	s2 =	sld [smem:$0x3F9B];
	s0 =	simm.s32 @p1 $0x1  }
0x15: {  	[smem:$0x3FB8] =	sst s0;
	s0 =	simm.s32 @!p2 $0x0  }
0x16: {  	s3 =	sld [smem:$0x3FDB];
	s0 =	simm.s32 @p2 $0x1  }
0x17: {  	s4 =	simm.s32 $0x1BF5;
	[smem:$0x3FBA] =	sst s0  }
0x18: {  	s0 =	sld [smem:$0x3F9D];
	_ =	swait.ge [sflag:s4], $0x0  }
0x19: {  	s7 =	sld [smem:$0x3F9E]  }
0x1a: {  	s8 =	sadd.s32 $0xFFFFE003, lr  }
0x1b: {  	s9 =	sadd.s32 $0xFFFFFEF7, lr;
	s5 =	simm.s32 $0xFFFFFFFF;
	p2 =	slt.u32 s8, $0xFFFFF086  }
0x1c: {  	p1 =	slt.u32 s9, $0xF7A;
	s5 =	simm.s32 @!p2 $0x0  }
0x1d: {  	s5 =	simm.s32 @p1 $0x1;
	p0 =	seq.s32 s7, s2  }
0x1e: {  	s7 =	smul.u32 @!p0 $0xF7A, s2;
	p2 =	seq.s32 @!p0 s5, $0x0  }
0x1f: {  	s9 =	smul.u32 $0xF7A, s1;
	s8 =	simm.s32 @!p0 $0x1BF5;
	p2 =	por !p2, p0  }
0x20: {  	[sflag:s8] =	ssyncset.s32 @!p0 $0xFFFFF086;
	s6 =	sadd.s32 @!p0 s3, s7;
	s7 =	simm.s32 @!p0 $0x108  }
0x21: {  	s3 =	sadd.s32 s3, s9;
	s6 =	sadd.s32 @!p0 $0x88, s6;
	s7 =	simm.s32 @p2 $0x1082  }
0x22: {  	[simem:s7], [sflag:s8] =	dma.local @!p0 [hbm:s6], $0xF7A  }
0x23: {  	s9 =	sor.u32 $0xD0000000, s2;
	s6 =	simm.s32 $0x108;
	_ =	swait.ge @!p0 [sflag:s8], $0x0  }
0x24: {  	s3 =	sadd.s32 $0x88, s3;
	s6 =	simm.s32 @!p1 $0x1082;
	[sflag:s4] =	ssyncset.s32 $0xFFFFF086  }
0x25: {  	[simem:s6], [sflag:s4] =	dma.local [hbm:s3], $0xF7A  }
0x26: {  	[smem:$0x3F9E] =	sst s1;
	(tag) =	ssettag s2;
	_ =	strace s9  }
0x27: {  	s1 =	sld [smem:$0x3FAE]  }
0x28: {  	s2 =	sld [smem:$0x3FAF]  }
0x29: {  	s4 =	sld [smem:$0x3FB1]  }
0x2a: {  	p0 =	seq.s32 s5, $0x0;
	s5 =	sld [smem:$0x3FB2]  }
0x2b: {  	s6 =	sld [smem:$0x3FB3]  }
0x2c: {  	s7 =	sld [smem:$0x3FB4]  }
0x2d: {  	s3 =	simm.s32 $0x108;
	s8 =	sld [smem:$0x3FB5]  }
0x2e: {  	s3 =	simm.s32 @!p0 $0x1082;
	s9 =	sld [smem:$0x3FB6]  }
0x2f: {  	lr =	sadd.s32 s0, s3;
	s0 =	sld [smem:$0x3FAD]  }
0x30: {  	s3 =	sld [smem:$0x3FB0]  }
0x31: {  	[smem:$0x3FB9] =	sst s10  }
0x32: {  	s10 =	sld [smem:$0x3FB7];
	_ =	sdelay $0x3  }
0x33: {  	p0 =	seq.s32 s10, $0x1;
	s10 =	sld [smem:$0x3FB9];
	_ =	sdelay $0x3  }
0x34: {  	[smem:$0x3FB9] =	sst s10  }
0x35: {  	s10 =	sld [smem:$0x3FB8];
	_ =	sdelay $0x3  }
0x36: {  	p1 =	seq.s32 s10, $0x1;
	s10 =	sld [smem:$0x3FB9];
	_ =	sdelay $0x3  }
0x37: {  	[smem:$0x3FB9] =	sst s10  }
0x38: {  	s10 =	sld [smem:$0x3FBA]  }
0x39: {  	_ = 	snop;
	(pc) =	sbr.ind lr, $3  }
0x3a: {  	_ = 	snop  }
0x3b: {  	_ = 	snop  }
0x3c: {  	p2 =	seq.s32 s10, $0x1;
	s10 =	sld [smem:$0x3FB9]  }
0x3d: {  	_ =	shalt  }
0x3e: {  	_ =	shalt  }
0x3f: {  	_ =	shalt  }
0x40: {  	_ =	shalt  }
0x41: {  	_ =	shalt  }
0x42: {  	_ =	shalt  }
0x43: {  	_ =	shalt  }
0x44: {  	_ =	shalt  }
0x45: {  	_ =	shalt  }
0x46: {  	_ =	shalt  }
0x47: {  	_ =	shalt  }
0x48: {  	_ =	shalt  }
0x49: {  	_ =	shalt  }
0x4a: {  	_ =	shalt  }
0x4b: {  	_ =	shalt  }
0x4c: {  	_ =	shalt  }
0x4d: {  	_ =	shalt  }
0x4e: {  	_ =	shalt  }
0x4f: {  	_ =	shalt  }
0x50: {  	_ =	shalt  }
0x51: {  	_ =	shalt  }
0x52: {  	_ =	shalt  }
0x53: {  	_ =	shalt  }
0x54: {  	_ =	shalt  }
0x55: {  	_ =	shalt  }
0x56: {  	_ =	shalt  }
0x57: {  	_ =	shalt  }
0x58: {  	_ =	shalt  }
0x59: {  	_ =	shalt  }
0x5a: {  	_ =	shalt  }
0x5b: {  	_ =	shalt  }
0x5c: {  	_ =	shalt  }
0x5d: {  	_ =	shalt  }
0x5e: {  	_ =	shalt  }
0x5f: {  	_ =	shalt  }
0x60: {  	_ =	shalt  }
0x61: {  	_ =	shalt  }
0x62: {  	_ =	shalt  }
0x63: {  	_ =	shalt  }
0x64: {  	_ =	shalt  }
0x65: {  	_ =	shalt  }
0x66: {  	_ =	shalt  }
0x67: {  	_ =	shalt  }
0x68: {  	_ =	shalt  }
0x69: {  	_ =	shalt  }
0x6a: {  	_ =	shalt  }
0x6b: {  	_ =	shalt  }
0x6c: {  	_ =	shalt  }
0x6d: {  	_ =	shalt  }
0x6e: {  	_ =	shalt  }
0x6f: {  	_ =	shalt  }
0x70: {  	_ =	shalt  }
0x71: {  	_ =	shalt  }
0x72: {  	_ =	shalt  }
0x73: {  	_ =	shalt  }
0x74: {  	_ =	shalt  }
0x75: {  	_ =	shalt  }
0x76: {  	_ =	shalt  }
0x77: {  	_ =	shalt  }
0x78: {  	_ =	shalt  }
0x79: {  	_ =	shalt  }
0x7a: {  	_ =	shalt  }
0x7b: {  	_ =	shalt  }
0x7c: {  	_ =	shalt  }
0x7d: {  	_ =	shalt  }
0x7e: {  	_ =	shalt  }
0x7f: {  	_ =	shalt  }
0x80: {  	_ =	shalt  }
0x81: {  	_ =	shalt  }
0x82: {  	_ =	shalt  }
0x83: {  	_ =	shalt  }
0x84: {  	_ =	shalt  }
0x85: {  	_ =	shalt  }
0x86: {  	_ =	shalt  }
0x87: {  	_ =	shalt  }
.Lfunc_end0:
.L_simem_size_0:
called_computation.1_lowered:
.L_overlay_start_0:
0x88: {  	s2 =	sld [smem:$0x3FD9]  }
0x89: {  	s3 =	sld [smem:$0x3FFE];
	_ =	sdelay $0x1  }
0x8a: {  	s1 =	srdreg.scid  }
0x8b: {  	s0 =	sand.u32 $0x1, s1  }
0x8c: {  	s17 =	sshll.u32 s0, $0xA;
	s2 =	sadd.s32 s3, s2  }
0x8d: {  	s2 =	sadd.s32 s2, s17  }
0x8e: {  	[smem:$0x3FC5] =	sst s2  }
0x8f: {  	_ = 	snop  }
0x90: {  	s2 =	sld [smem:$0x3FD0];
	(tm) =	ssettm $0x1  }
0x91: {  	s18 =	sld [smem:$0x3FFB];
	_ =	sdelay $0x3  }
0x92: {  	_ =	strace s18  }
0x93: {  	s3 =	sld [smem:$0x3FFC];
	_ =	sdelay $0x3  }
0x94: {  	_ =	strace s3  }
0x95: {  	s3 =	sld [smem:$0x3FFD];
	_ =	sdelay $0x3  }
0x96: {  	_ =	strace s3  }
0x97: {  	_ =	strace $0x8FFFFFFF  }
0x98: {  	s19 =	sld [smem:$0x3FDB];
	_ =	sdelay $0x1  }
0x99: {  	s4 =	simm.s32 $_scs_section_size  }
0x9a: {  	s5 =	simm.s32 $_size__tile_overlayer_lowered;
	s6 =	simm.s32 $_tile_overlayer_lowered  }
0x9b: {  	s22 =	simm.s32 $0x1BFF;
	s21 =	sshll.u32 s6, $0x1;
	s3 =	sadd.s32 s4, s19  }
0x9c: {  	s7 =	simm.s32 $0x0;
	s20 =	sshll.u32 s5, $0x1;
	s5 =	sadd.s32 s21, s3  }
0x9d: {  	[timem:s7], [sflag:s22] =	dma.local [hbm:s5], s20  }
0x9e: {  	_ =	swait.ge [sflag:s22], s20  }
0x9f: {  	s4 =	ssub.s32 $0x0, s20;
	[sflag:s22] =	ssyncset.done $0x0  }
0xa0: {  	[sflag:s22] =	ssyncadd.s32 s4;
	_ =	sdelay $0x1  }
0xa1: {  	s23 =	simm.s32 $0x1B8B  }
0xa2: {  	_ =	swait.ge [sflag:s23], $0x1  }
0xa3: {  	[sflag:s23] =	ssyncset.done $0x0  }
0xa4: {  	s25 =	simm.s32 $0x1B8E;
	s24 =	sld [smem:$0x3FFE];
	[sflag:s23] =	ssyncadd.s32 $0xFFFFFFFF  }
0xa5: {  	s26 =	simm.s32 $execute0_lowered;
	[smem:$0x3FD2] =	sst s25  }
0xa6: {  	s5 =	sshll.u32 s26, $0x1;
	_ =	strace $0x80000049;
	[dreg:$0x1] =	wrdreg $0xFFFFFFFF  }
0xa7: {  	s28 =	simm.s32 $_size_execute0_lowered;
	s3 =	sadd.s32 s3, s5;
	[dreg:$0x0] =	wrdreg $0x0  }
0xa8: {  	s5 =	sshll.u32 s28, $0x1;
	[dreg:$0x2] =	wrdreg s3  }
0xa9: {  	[dreg:$0x3] =	wrdreg s5  }
0xaa: {  	[dreg:$0x4] =	wrdreg $0xC0  }
0xab: {  	_ =	task [dreg:s7], $0x5FFFF  }
0xac: {  	[dreg:$0x1] =	wrdreg $0xFFFFFFFF  }
0xad: {  	[dreg:$0x0] =	wrdreg $0x60  }
0xae: {  	[dreg:$0x2] =	wrdreg s24  }
0xaf: {  	[dreg:$0x3] =	wrdreg s2  }
0xb0: {  	[dreg:$0x4] =	wrdreg $0x9  }
0xb1: {  	_ =	task.clear_ibuf [dreg:s7], $0x5FFFF;
	_ =	strace $0x90000049  }
0xb2: {  	s29 =	simm.s32 $0x9;
	_ =	strace $0x8000004B  }
0xb3: {  	_ =	swait.ge [sflag:s29], $0x1  }
0xb4: {  	[sflag:s29] =	ssyncadd.s32 $0xFFFFFFFF  }
0xb5: {  	_ =	strace $0x9000004B  }
0xb6: {  	_ =	sfence  }
0xb7: {  	s30 =	sld [smem:$0x0];
	_ =	sdelay $0x2  }
0xb8: {  	s31 =	sshll.u32 s1, $0xD;
	s1 =	sshrl.u32 s1, $0x2  }
0xb9: {  	s3 =	sand.u32 $0x4000, s31;
	s1 =	sadd.s32 s1, s30  }
0xba: {  	s0 =	sor.u32 s3, s0;
	s1 =	sshll.u32 s1, $0x11  }
0xbb: {  	s0 =	sor.u32 s1, s0  }
0xbc: {  	s0 =	sadd.s32 $0x8F2B, s0  }
0xbd: {  	[sflag:s0] =	ssyncadd.remote.s32 $0x1  }
0xbe: {  	_ =	sfence.sel $0xFFFF  }
0xbf: {  	[dreg:$0x0] =	wrdreg $0xFFFFFFFF;
	(pc) =	sbr.abs _section_cstart, $3  }
0xc0: {  	[dreg:$0x1] =	wrdreg $0xFFFFFFFF  }
0xc1: {  	_ =	task.clear_ibuf [dreg:s7], $0x2FFFF;
	_ =	strace $0x9FFFFFFF  }
0xc2: {  	(tm) =	ssettm $0x7FFFFFFF  }
0xc3: {  	_ =	shalt  }
tec
execute0_lowered:
.L_overlay_start_1:
0x0: {  	(tag) =	ssettag $0x1  }
0x1: {  	s0 =	rddreg [dreg:$0x0]  }
0x2: {  	s1 =	rddreg [dreg:$0x1];
	s2 =	simm.s32 $0x0;
	v0 =	vlaneseq.u32  }
0x3: {  	s3 =	srdreg.scid;
	s12 =	simm.s32 $0x9900;
	s14 =	simm.s32 $0xA100;
	v55 =	vmul.u32 $0x80, v0  }
0x4: {  	s15 =	simm.s32 $0xA500;
	s16 =	simm.s32 $0xA900;
	s17 =	simm.s32 $0xAD00  }
0x5: {  	s18 =	simm.s32 $0xB100;
	s19 =	simm.s32 $0xB500;
	[smem:$0x7FF] =	sst s2;
	v56 =	vor.u32 $0x800, v55  }
0x6: {  	s6 =	stileid.u32;
	s20 =	simm.s32 $0xB900;
	_ =	strace $0x8000004A;
	v0 =	vor.u32 $0x1000, v55;
	v7 =	vor.u32 $0x1800, v55;
	v8 =	vor.u32 $0x1, v55;
	[tilespmem:$0x1FFE0] =	vst v55  }
0x7: {  	s11 =	simm.s32 $0x1;
	s21 =	simm.s32 $0xBD00;
	s22 =	simm.s32 $0xC100;
	v57 =	vor.u32 $0x801, v55;
	v11 =	vor.u32 $0x1001, v55;
	v2 =	vor.u32 $0x1803, v55;
	[tilespmem:$0x1FF60] =	vst v0  }
0x8: {  	s23 =	simm.s32 $0xC500;
	s24 =	simm.s32 $0xC900;
	s28 =	simm.s32 $0xD500;
	v12 =	vor.u32 $0x2, v55;
	v13 =	vor.u32 $0x802, v55;
	v3 =	vor.u32 $0x1804, v55;
	[tilespmem:$0x1FF70] =	vst v2  }
0x9: {  	s29 =	simm.s32 $0x2;
	s30 =	simm.s32 $0xD900;
	s3 =	sand.u32 $0x1, s3;
	v61 =	vor.u32 $0x1002, v55;
	v1 =	vor.u32 $0x1802, v55;
	v16 =	vor.u32 $0x3, v55;
	[tilespmem:$0x1FF80] =	vst v3  }
0xa: {  	s4 =	sadd.s32 $0x16E4200, s0;
	s5 =	sadd.s32 $0xA00, s0;
	s31 =	sshll.u32 s6, $0x3;
	v17 =	vor.u32 $0x803, v55;
	v18 =	vor.u32 $0x1003, v55;
	v63 =	vor.u32 $0x4, v55;
	[tilespmem:$0x1FFA0] =	vst v1  }
.Ltmp0:
0xb: {  	s25 =	ssub.s32 $0x2, s3;
	s3 =	sshll.u32 s3, $0x2;
	v20 =	vor.u32 $0x804, v55;
	v28 =	vor.u32 $0x1004, v55;
	v15 =	vor.u32 $0x1807, v55;
	[tilespmem:$0x1FFB0] =	vst v12;
	(pc) =	sbr.rel .LBB2_1-.Ltmp0, $4  }
0xc: {  	[dreg:$0x3] =	wrdreg s4;
	s26 =	sshrl.u32 s25, $0x1;
	s3 =	sor.u32 s3, s31;
	v31 =	vor.u32 $0x5, v55;
	v9 =	vor.u32 $0x805, v55;
	v26 =	vor.u32 $0x1005, v55;
	[tilespmem:$0x1FFC0] =	vst v15  }
0xd: {  	s6 =	simm.s32 $0x0;
	v24 =	vor.u32 $0x6, v55;
	v23 =	vor.u32 $0x806, v55;
	s0 =	ssub.s32 s25, s26;
	[dreg:$0x4] =	wrdreg s3;
	v3 =	vor.u32 $0x1805, v55;
	[tilespmem:$0x1FFF0] =	vst v56  }
0xe: {  	v27 =	vor.u32 $0x1006, v55;
	v14 =	vor.u32 $0x1806, v55;
	s25 =	simm.s32 $0xCD00;
	s26 =	simm.s32 $0xD100;
	s0 =	smax.u32 s0, $0x1;
	[tilespmem:$0x1FF90] =	vst v3;
	v3 =	vor.u32 $0x1007, v55  }
0xf: {  	v4 =	vor.u32 $0x7, v55;
	v53 =	vor.u32 $0x807, v55;
	v0 =	vor.u32 $0x1801, v55;
	s3 =	simm.s32 $0x3;
	[dreg:$0x5] =	wrdreg s0;
	s0 =	simm.s32 $0x4;
	[tilespmem:$0x1FFD0] =	vst v3  }
.LBB2_11:
0x10: {  	s6 =	rddreg [dreg:$0x6]  }
0x11: {  	s4 =	rddreg [dreg:$0x5];
	s6 =	sadd.s32 $0x1, s6  }
0x12: {  	p0 =	sne.s32 s6, s4  }
.Ltmp1:
0x13: {  	_ = 	snop;
	(pc) =	sbr.rel @!p0 .LBB2_12-.Ltmp1, $1  }
0x14: {  	_ =	sdelay $0x3  }
.LBB2_1:
.Ltmp2:
0x15: {  	(pc) =	sbr.rel .LBB2_2-.Ltmp2, $2  }
0x16: {  	_ =	sdelay $0x2  }
0x17: {  	[dreg:$0x6] =	wrdreg s6;
	s6 =	simm.s32 $0x0  }
.LBB2_10:
0x18: {  	_ =	swait.ge [sflag:s0], $0x400  }
0x19: {  	[sflag:s0] =	ssyncset.done $0x0  }
0x1a: {  	[sflag:s0] =	ssyncadd.s32 $0xFFFFFC00  }
0x1b: {  	_ =	swait.ge [sflag:s0], $0x400  }
0x1c: {  	[sflag:s0] =	ssyncset.done $0x0  }
0x1d: {  	[sflag:s0] =	ssyncadd.s32 $0xFFFFFC00  }
0x1e: {  	_ =	swait.ge [sflag:s0], $0x400  }
0x1f: {  	[sflag:s0] =	ssyncset.done $0x0  }
0x20: {  	[sflag:s0] =	ssyncadd.s32 $0xFFFFFC00  }
0x21: {  	_ =	swait.ge [sflag:s0], $0x400  }
0x22: {  	[sflag:s0] =	ssyncset.done $0x0  }
0x23: {  	[sflag:s0] =	ssyncadd.s32 $0xFFFFFC00  }
0x24: {  	_ =	swait.ge [sflag:s0], $0x400  }
0x25: {  	[sflag:s0] =	ssyncset.done $0x0  }
0x26: {  	[sflag:s0] =	ssyncadd.s32 $0xFFFFFC00  }
0x27: {  	_ =	swait.ge [sflag:s0], $0x400  }
0x28: {  	[sflag:s0] =	ssyncset.done $0x0  }
0x29: {  	[sflag:s0] =	ssyncadd.s32 $0xFFFFFC00  }
0x2a: {  	_ =	swait.ge [sflag:s0], $0x400  }
0x2b: {  	[sflag:s0] =	ssyncset.done $0x0  }
0x2c: {  	[sflag:s0] =	ssyncadd.s32 $0xFFFFFC00  }
0x2d: {  	_ =	swait.ge [sflag:s0], $0x400  }
0x2e: {  	[sflag:s0] =	ssyncset.done $0x0  }
0x2f: {  	[sflag:s0] =	ssyncadd.s32 $0xFFFFFC00  }
0x30: {  	_ =	swait.ge [sflag:s0], $0x400  }
0x31: {  	[sflag:s0] =	ssyncset.done $0x0  }
0x32: {  	[sflag:s0] =	ssyncadd.s32 $0xFFFFFC00  }
0x33: {  	_ =	swait.ge [sflag:s0], $0x400  }
0x34: {  	[sflag:s0] =	ssyncset.done $0x0  }
0x35: {  	[sflag:s0] =	ssyncadd.s32 $0xFFFFFC00  }
0x36: {  	_ =	swait.ge [sflag:s0], $0x400  }
0x37: {  	[sflag:s0] =	ssyncset.done $0x0  }
0x38: {  	[sflag:s0] =	ssyncadd.s32 $0xFFFFFC00  }
0x39: {  	_ =	swait.ge [sflag:s0], $0x400  }
0x3a: {  	[sflag:s0] =	ssyncset.done $0x0  }
0x3b: {  	[sflag:s0] =	ssyncadd.s32 $0xFFFFFC00  }
0x3c: {  	_ =	swait.ge [sflag:s0], $0x400  }
0x3d: {  	[sflag:s0] =	ssyncset.done $0x0  }
0x3e: {  	[sflag:s0] =	ssyncadd.s32 $0xFFFFFC00  }
0x3f: {  	_ =	swait.ge [sflag:s0], $0x400  }
0x40: {  	[sflag:s0] =	ssyncset.done $0x0  }
0x41: {  	[sflag:s0] =	ssyncadd.s32 $0xFFFFFC00  }
0x42: {  	_ =	swait.ge [sflag:s0], $0x400  }
0x43: {  	[sflag:s0] =	ssyncset.done $0x0  }
0x44: {  	[sflag:s0] =	ssyncadd.s32 $0xFFFFFC00  }
0x45: {  	_ =	swait.ge [sflag:s0], $0x400  }
0x46: {  	[sflag:s0] =	ssyncset.done $0x0  }
0x47: {  	[sflag:s0] =	ssyncadd.s32 $0xFFFFFC00  }
0x48: {  	_ =	swait.ge [sflag:s3], $0x400  }
0x49: {  	[sflag:s3] =	ssyncset.done $0x0  }
0x4a: {  	[sflag:s3] =	ssyncadd.s32 $0xFFFFFC00  }
0x4b: {  	_ =	swait.ge [sflag:s3], $0x400  }
0x4c: {  	[sflag:s3] =	ssyncset.done $0x0  }
0x4d: {  	[sflag:s3] =	ssyncadd.s32 $0xFFFFFC00  }
0x4e: {  	_ =	swait.ge [sflag:s3], $0x400  }
0x4f: {  	[sflag:s3] =	ssyncset.done $0x0  }
0x50: {  	[sflag:s3] =	ssyncadd.s32 $0xFFFFFC00  }
0x51: {  	_ =	swait.ge [sflag:s3], $0x400  }
0x52: {  	[sflag:s3] =	ssyncset.done $0x0  }
0x53: {  	[sflag:s3] =	ssyncadd.s32 $0xFFFFFC00  }
0x54: {  	_ =	swait.ge [sflag:s3], $0x400  }
0x55: {  	[sflag:s3] =	ssyncset.done $0x0  }
0x56: {  	[sflag:s3] =	ssyncadd.s32 $0xFFFFFC00  }
0x57: {  	_ =	swait.ge [sflag:s3], $0x400  }
0x58: {  	[sflag:s3] =	ssyncset.done $0x0  }
0x59: {  	[sflag:s3] =	ssyncadd.s32 $0xFFFFFC00  }
0x5a: {  	_ =	swait.ge [sflag:s3], $0x400  }
0x5b: {  	[sflag:s3] =	ssyncset.done $0x0  }
0x5c: {  	[sflag:s3] =	ssyncadd.s32 $0xFFFFFC00  }
0x5d: {  	_ =	swait.ge [sflag:s3], $0x400  }
0x5e: {  	[sflag:s3] =	ssyncset.done $0x0  }
0x5f: {  	[sflag:s3] =	ssyncadd.s32 $0xFFFFFC00  }
0x60: {  	_ =	swait.ge [sflag:s3], $0x400  }
0x61: {  	[sflag:s3] =	ssyncset.done $0x0  }
0x62: {  	[sflag:s3] =	ssyncadd.s32 $0xFFFFFC00  }
0x63: {  	_ =	swait.ge [sflag:s3], $0x400  }
0x64: {  	[sflag:s3] =	ssyncset.done $0x0  }
0x65: {  	[sflag:s3] =	ssyncadd.s32 $0xFFFFFC00  }
0x66: {  	_ =	swait.ge [sflag:s3], $0x400  }
0x67: {  	[sflag:s3] =	ssyncset.done $0x0  }
0x68: {  	[sflag:s3] =	ssyncadd.s32 $0xFFFFFC00  }
0x69: {  	_ =	swait.ge [sflag:s3], $0x400  }
0x6a: {  	[sflag:s3] =	ssyncset.done $0x0  }
0x6b: {  	[sflag:s3] =	ssyncadd.s32 $0xFFFFFC00  }
0x6c: {  	_ =	swait.ge [sflag:s3], $0x400  }
0x6d: {  	[sflag:s3] =	ssyncset.done $0x0  }
0x6e: {  	[sflag:s3] =	ssyncadd.s32 $0xFFFFFC00  }
0x6f: {  	_ =	swait.ge [sflag:s3], $0x400  }
0x70: {  	[sflag:s3] =	ssyncset.done $0x0  }
0x71: {  	[sflag:s3] =	ssyncadd.s32 $0xFFFFFC00  }
0x72: {  	_ =	swait.ge [sflag:s3], $0x400  }
0x73: {  	[sflag:s3] =	ssyncset.done $0x0  }
0x74: {  	[sflag:s3] =	ssyncadd.s32 $0xFFFFFC00  }
0x75: {  	_ =	swait.ge [sflag:s3], $0x400  }
0x76: {  	s6 =	rddreg [dreg:$0x7]  }
0x77: {  	s6 =	sadd.s32 $0x1, s6  }
0x78: {  	p0 =	sne.s32 s6, $0x4  }
.Ltmp3:
0x79: {  	_ = 	snop;
	(pc) =	sbr.rel @!p0 .LBB2_11-.Ltmp3, $3  }
0x7a: {  	_ =	sdelay $0x1  }
0x7b: {  	[sflag:s3] =	ssyncset.done $0x0  }
0x7c: {  	[sflag:s3] =	ssyncadd.s32 $0xFFFFFC00  }
.LBB2_2:
0x7d: {  	s4 =	rddreg [dreg:$0x4]  }
0x7e: {  	s10 =	sadd.s32 s4, s6  }
0x7f: {  	[dreg:$0x7] =	wrdreg s6;
	s4 =	smul.u32 $0x320, s10  }
0x80: {  	s7 =	rddreg [dreg:$0x3]  }
0x81: {  	s13 =	simm.s32 $0x5;
	s7 =	sadd.s32 s7, s4;
	s4 =	simm.s32 $0x0  }
0x82: {  	[tilespmem:s4], [sflag:$0x5] =	stream.linear.gather [hbm4b:s7+s4], $0x1900, $0x38;
	[tilespmem:$0x11900] =	vst v63  }
.Ltmp4:
0x83: {  	_ =	swait.ge [sflag:s13], $0x1900;
	(pc) =	sbr.rel .LBB2_3-.Ltmp4, $4  }
0x84: {  	[sflag:s13] =	ssyncset.done $0x0  }
0x85: {  	s31 =	simm.s32 $0x100;
	s8 =	simm.s32 $0x1900;
	[sflag:s13] =	ssyncadd.s32 $0xFFFFE700  }
0x86: {  	[tilespmem:s8], [sflag:$0x1] =	stream.indirect.gather [hbm4b:s5+s31], $0x40, s4, s31, $0xb8;
	[tilespmem:$0x11900] =	vst v63  }
0x87: {  	s6 =	sshll.u32 s10, $0xA;
	s8 =	simm.s32 $0x0  }
.LBB2_8:
0x88: {  	_ =	sdelay $0x3  }
0x89: {  	v0 =	vshll.u32 v48, $0x6;
	v1 =	vmov s10;
	v2 =	vld [tilespmem:s9+$0x30];
	v3 =	vor.u32 v22, v33;
	[tilespmem:v53+s30+$0x0] =	vst.idx.msk $0xffff, v50  }
0x8a: {  	v33 =	vshll.u32 v49, $0x6;
	[tilespmem:v58+s30+$0x0] =	vst.idx.msk $0xffff, v56;
	v61 =	vld [tilespmem:s9+$0x70];
	v34 =	vor.u32 v25, v34;
	v53 =	vshll.u32 v1, $0x6  }
0x8b: {  	[tilespmem:v59+s30+$0x0] =	vst.idx.msk $0xffff, v57;
	v35 =	vor.u32 v14, v35;
	v1 =	vand.u32 $0x78, v1;
	v50 =	vld [tilespmem:s9+$0xB0];
	v48 =	vand.u32 $0x2000, v53  }
0x8c: {  	v46 =	vshll.u32 v46, $0x6;
	v32 =	vor.u32 v30, v32;
	[tilespmem:v54+s30+$0x0] =	vst.idx.msk $0xffff, v51;
	s7 =	sadd.s32 $0x200, s9;
	v62 =	vld [tilespmem:s9+$0xFFFFFF30];
	v1 =	vor.u32 v1, v48  }
0x8d: {  	v38 =	vor.u32 v38, v47;
	v63 =	vand.u32 $0x2000, v52;
	[tilespmem:v41+s30+$0x0] =	vst.idx.msk $0xffff, v55;
	v51 =	vld [tilespmem:s7+$0xC0];
	v52 =	vor.u32 v28, v1  }
0x8e: {  	v41 =	vld [tilespmem:s7+$0xFFFFFF00];
	v45 =	vor.u32 v45, v63;
	v33 =	vand.u32 $0x2000, v33;
	v53 =	vor.u32 v8, v38;
	[tilespmem:v3+s30+$0x0] =	vst.idx.msk $0xffff, v2  }
0x8f: {  	v56 =	vand.u32 $0x2000, v46;
	v33 =	vor.u32 v43, v33;
	v2 =	vld [tilespmem:s7+$0xFFFFFF40];
	v3 =	vor.u32 v6, v45;
	[tilespmem:v34+s30+$0x0] =	vst.idx.msk $0xffff, v61  }
0x90: {  	v0 =	vand.u32 $0x2000, v0;
	v57 =	vld [tilespmem:s7+$0xFFFFFFC0];
	v42 =	vor.u32 v42, v56;
	v58 =	vor.u32 v16, v33;
	[tilespmem:v35+s30+$0x0] =	vst.idx.msk $0xffff, v50  }
0x91: {  	v37 =	vshll.u32 v37, $0x6;
	v59 =	vld [tilespmem:s7+$0x0];
	v0 =	vor.u32 v44, v0;
	v43 =	vor.u32 v4, v42;
	[tilespmem:v32+s30+$0x0] =	vst.idx.msk $0xffff, v62  }
0x92: {  	v37 =	vand.u32 $0x2000, v37;
	v44 =	vor.u32 v9, v0;
	v34 =	vld [tilespmem:s7+$0xFFFFFF80];
	[tilespmem:v52+s30+$0x0] =	vst.idx.msk $0xffff, v51  }
0x93: {  	v37 =	vor.u32 v40, v37;
	[tilespmem:v53+s30+$0x0] =	vst.idx.msk $0xffff, v41;
	v52 =	vor.u32 v29, v1;
	v62 =	vld [tilespmem:s7+$0xD0]  }
0x94: {  	[tilespmem:v3+s30+$0x0] =	vst.idx.msk $0xffff, v2;
	v2 =	vld [tilespmem:s7+$0x40];
	v3 =	vor.u32 v20, v37  }
0x95: {  	[tilespmem:v58+s30+$0x0] =	vst.idx.msk $0xffff, v57  }
0x96: {  	[tilespmem:v43+s30+$0x0] =	vst.idx.msk $0xffff, v59  }
0x97: {  	v36 =	vshll.u32 v36, $0x6;
	[tilespmem:v44+s30+$0x0] =	vst.idx.msk $0xffff, v34  }
0x98: {  	v36 =	vand.u32 $0x2000, v36;
	[tilespmem:v52+s30+$0x0] =	vst.idx.msk $0xffff, v62  }
0x99: {  	v54 =	vld [tilespmem:s7+$0x80];
	v36 =	vor.u32 v39, v36;
	[tilespmem:v3+s30+$0x0] =	vst.idx.msk $0xffff, v2  }
0x9a: {  	v39 =	vor.u32 v24, v36;
	v48 =	vmov v10;
	v57 =	vor.u32 v10, v0;
	v10 =	vld [tilespmem:$0x1FFD0]  }
0x9b: {  	v47 =	vor.u32 v5, v45;
	v55 =	vld [tilespmem:s7+$0xFFFFFF50]  }
0x9c: {  	v56 =	vld [tilespmem:s7+$0xFFFFFF90]  }
0x9d: {  	v59 =	vor.u32 v13, v33;
	v58 =	vld [tilespmem:s7+$0xFFFFFFD0]  }
0x9e: {  	v61 =	vld [tilespmem:s7+$0x10];
	v62 =	vor.u32 v18, v42  }
0x9f: {  	v2 =	vld [tilespmem:s7+$0xE0];
	[tilespmem:v39+s30+$0x0] =	vst.idx.msk $0xffff, v54;
	v3 =	vor.u32 v10, v1  }
0xa0: {  	[tilespmem:v47+s30+$0x0] =	vst.idx.msk $0xffff, v55  }
0xa1: {  	[tilespmem:v57+s30+$0x0] =	vst.idx.msk $0xffff, v56  }
0xa2: {  	[tilespmem:v59+s30+$0x0] =	vst.idx.msk $0xffff, v58  }
0xa3: {  	v34 =	vld [tilespmem:s7+$0x50];
	[tilespmem:v62+s30+$0x0] =	vst.idx.msk $0xffff, v61  }
0xa4: {  	v39 =	vor.u32 v21, v37;
	v35 =	vld [tilespmem:s7+$0x90];
	[tilespmem:v3+s30+$0x0] =	vst.idx.msk $0xffff, v2  }
0xa5: {  	v44 =	vor.u32 v23, v36;
	v54 =	vld [tilespmem:$0x1FFC0]  }
0xa6: {  	v50 =	vld [tilespmem:s7+$0xFFFFFF10];
	v51 =	vor.u32 v17, v38  }
0xa7: {  	v58 =	vor.u32 v7, v45;
	v57 =	vld [tilespmem:s7+$0xFFFFFF60]  }
0xa8: {  	v59 =	vor.u32 v11, v0;
	v3 =	vld [tilespmem:s7+$0xFFFFFFA0]  }
0xa9: {  	[tilespmem:v39+s30+$0x0] =	vst.idx.msk $0xffff, v34;
	v34 =	vld [tilespmem:s7+$0xFFFFFFE0];
	v39 =	vor.u32 v12, v33  }
0xaa: {  	v2 =	vld [tilespmem:s7+$0xF0];
	[tilespmem:v44+s30+$0x0] =	vst.idx.msk $0xffff, v35;
	v1 =	vor.u32 v54, v1  }
0xab: {  	v62 =	vor.u32 v19, v42;
	[tilespmem:v51+s30+$0x0] =	vst.idx.msk $0xffff, v50;
	v35 =	vld [tilespmem:s7+$0x20]  }
0xac: {  	[tilespmem:v58+s30+$0x0] =	vst.idx.msk $0xffff, v57;
	v51 =	vor.u32 v26, v37;
	v50 =	vld [tilespmem:s7+$0x60]  }
0xad: {  	v52 =	vor.u32 v27, v36;
	v44 =	vld [tilespmem:s7+$0xA0];
	[tilespmem:v59+s30+$0x0] =	vst.idx.msk $0xffff, v3  }
0xae: {  	v55 =	vor.u32 v15, v45;
	v3 =	vld [tilespmem:s7+$0xFFFFFF70];
	[tilespmem:v39+s30+$0x0] =	vst.idx.msk $0xffff, v34  }
0xaf: {  	[tilespmem:v1+s30+$0x0] =	vst.idx.msk $0xffff, v2;
	v1 =	vld [tilespmem:s7+$0xFFFFFF20];
	v2 =	vor.u32 v31, v38  }
0xb0: {  	v59 =	vmov v15;
	v15 =	vld [tilespmem:$0x1FFA0];
	[tilespmem:v62+s30+$0x0] =	vst.idx.msk $0xffff, v35  }
0xb1: {  	v60 =	vmov v22;
	v63 =	vmov v4;
	v4 =	vld [tilespmem:$0x1FF70];
	[tilespmem:v51+s30+$0x0] =	vst.idx.msk $0xffff, v50  }
0xb2: {  	v60 =	vor.u32 v60, v42;
	v58 =	vld [tilespmem:s7+$0x30];
	[tilespmem:v52+s30+$0x0] =	vst.idx.msk $0xffff, v44  }
0xb3: {  	v36 =	vor.u32 v14, v36;
	[tilespmem:v55+s30+$0x0] =	vst.idx.msk $0xffff, v3;
	v3 =	vld [tilespmem:s7+$0xB0]  }
0xb4: {  	[tilespmem:v2+s30+$0x0] =	vst.idx.msk $0xffff, v1;
	v1 =	vld [tilespmem:s7+$0x70];
	v2 =	vor.u32 v25, v37  }
0xb5: {  	v56 =	vld [tilespmem:s7+$0xFFFFFFB0];
	v0 =	vor.u32 v15, v0  }
0xb6: {  	v38 =	vor.u32 v30, v38;
	v62 =	vld [tilespmem:s7+$0xFFFFFF30]  }
0xb7: {  	v57 =	vld [tilespmem:s7+$0xFFFFFFF0];
	v33 =	vor.u32 v4, v33;
	[tilespmem:v60+s30+$0x0] =	vst.idx.msk $0xffff, v58  }
0xb8: {  	[tilespmem:v36+s30+$0x0] =	vst.idx.msk $0xffff, v3  }
0xb9: {  	s9 =	sshll.u32 s31, $0x15;
	[tilespmem:v2+s30+$0x0] =	vst.idx.msk $0xffff, v1  }
0xba: {  	s7 =	sadd.s32 s6, s9;
	[tilespmem:v0+s30+$0x0] =	vst.idx.msk $0xffff, v56  }
0xbb: {  	s7 =	sshrl.u32 s7, $0x3;
	[tilespmem:v38+s30+$0x0] =	vst.idx.msk $0xffff, v62  }
0xbc: {  	s10 =	sadd.s32 s1, s7;
	s13 =	sor.u32 $0x4000, s7;
	[tilespmem:v33+s30+$0x0] =	vst.idx.msk $0xffff, v57  }
0xbd: {  	[hbm4b:s10+s2] =	stream.linear.scatter [tilespmem:s30], [sflag:$0x4], $0x400, $0x38;
	[tilespmem:$0x11900] =	vst v63  }
0xbe: {  	s31 =	simm.s32 $0xDD00;
	s9 =	sadd.s32 s1, s13;
	s13 =	sor.u32 $0x8000, s7  }
0xbf: {  	[hbm4b:s9+s2] =	stream.linear.scatter [tilespmem:s31], [sflag:$0x4], $0x400, $0x38;
	[tilespmem:$0x11900] =	vst v63  }
0xc0: {  	s9 =	sadd.s32 s1, s13;
	s31 =	simm.s32 $0xE100;
	s13 =	sor.u32 $0xC000, s7  }
0xc1: {  	[hbm4b:s9+s2] =	stream.linear.scatter [tilespmem:s31], [sflag:$0x4], $0x400, $0x38;
	[tilespmem:$0x11900] =	vst v63  }
0xc2: {  	s9 =	sadd.s32 s1, s13;
	s31 =	simm.s32 $0xE500;
	s13 =	sor.u32 $0x10000, s7  }
0xc3: {  	[hbm4b:s9+s2] =	stream.linear.scatter [tilespmem:s31], [sflag:$0x4], $0x400, $0x38;
	[tilespmem:$0x11900] =	vst v63  }
0xc4: {  	s9 =	sadd.s32 s1, s13;
	s31 =	simm.s32 $0xE900;
	s13 =	sor.u32 $0x14000, s7  }
0xc5: {  	[hbm4b:s9+s2] =	stream.linear.scatter [tilespmem:s31], [sflag:$0x4], $0x400, $0x38;
	[tilespmem:$0x11900] =	vst v63  }
0xc6: {  	s9 =	sadd.s32 s1, s13;
	s31 =	simm.s32 $0xED00;
	s13 =	sor.u32 $0x18000, s7  }
0xc7: {  	[hbm4b:s9+s2] =	stream.linear.scatter [tilespmem:s31], [sflag:$0x4], $0x400, $0x38;
	[tilespmem:$0x11900] =	vst v63  }
0xc8: {  	s9 =	sadd.s32 s1, s13;
	s31 =	simm.s32 $0xF100;
	s13 =	sor.u32 $0x1C000, s7  }
0xc9: {  	[hbm4b:s9+s2] =	stream.linear.scatter [tilespmem:s31], [sflag:$0x4], $0x400, $0x38;
	[tilespmem:$0x11900] =	vst v63  }
0xca: {  	s9 =	sadd.s32 s1, s13;
	s31 =	simm.s32 $0xF500;
	s13 =	sor.u32 $0x20000, s7  }
0xcb: {  	[hbm4b:s9+s2] =	stream.linear.scatter [tilespmem:s31], [sflag:$0x4], $0x400, $0x38;
	[tilespmem:$0x11900] =	vst v63  }
0xcc: {  	s9 =	sadd.s32 s1, s13;
	s31 =	simm.s32 $0xF900;
	s13 =	sor.u32 $0x24000, s7  }
0xcd: {  	[hbm4b:s9+s2] =	stream.linear.scatter [tilespmem:s31], [sflag:$0x4], $0x400, $0x38;
	[tilespmem:$0x11900] =	vst v63  }
0xce: {  	s9 =	sadd.s32 s1, s13;
	s31 =	simm.s32 $0xFD00;
	s13 =	sor.u32 $0x28000, s7  }
0xcf: {  	[hbm4b:s9+s2] =	stream.linear.scatter [tilespmem:s31], [sflag:$0x4], $0x400, $0x38;
	[tilespmem:$0x11900] =	vst v63  }
0xd0: {  	s9 =	sadd.s32 s1, s13;
	s31 =	simm.s32 $0x10100;
	s13 =	sor.u32 $0x2C000, s7  }
0xd1: {  	[hbm4b:s9+s2] =	stream.linear.scatter [tilespmem:s31], [sflag:$0x4], $0x400, $0x38;
	[tilespmem:$0x11900] =	vst v63  }
0xd2: {  	s9 =	sadd.s32 s1, s13;
	s31 =	simm.s32 $0x10500;
	s13 =	sor.u32 $0x30000, s7  }
0xd3: {  	[hbm4b:s9+s2] =	stream.linear.scatter [tilespmem:s31], [sflag:$0x4], $0x400, $0x38;
	[tilespmem:$0x11900] =	vst v63  }
0xd4: {  	s9 =	sadd.s32 s1, s13;
	s31 =	simm.s32 $0x10900;
	s13 =	sor.u32 $0x34000, s7  }
0xd5: {  	[hbm4b:s9+s2] =	stream.linear.scatter [tilespmem:s31], [sflag:$0x4], $0x400, $0x38;
	[tilespmem:$0x11900] =	vst v63  }
0xd6: {  	v49 =	vmov v9;
	v9 =	vmov v7;
	s10 =	sor.u32 $0x38000, s7;
	s9 =	sadd.s32 s1, s13;
	s31 =	simm.s32 $0x10D00  }
0xd7: {  	v22 =	vmov v13;
	[hbm4b:s9+s2] =	stream.linear.scatter [tilespmem:s31], [sflag:$0x4], $0x400, $0x38;
	[tilespmem:$0x11900] =	vst v63  }
0xd8: {  	v53 =	vmovc v29;
	v13 =	vmovc v48;
	v29 =	vmov v20;
	v20 =	vmov v18;
	v18 =	vmov v12;
	s7 =	sor.u32 $0x3C000, s7;
	s13 =	simm.s32 $0x11100;
	s9 =	sadd.s32 s1, s10  }
0xd9: {  	v7 =	vmovc v30;
	v61 =	vmovc v11;
	v11 =	vmov v9;
	v9 =	vmov v21;
	v12 =	vmov v49;
	[hbm4b:s9+s2] =	stream.linear.scatter [tilespmem:s13], [sflag:$0x4], $0x400, $0x38;
	[tilespmem:$0x11900] =	vst v63  }
0xda: {  	v31 =	vmovc v29;
	v55 =	vmovc v8;
	v8 =	vmov v6;
	v15 =	vmov v54;
	v58 =	vmov v19;
	s7 =	sadd.s32 s1, s7;
	s31 =	simm.s32 $0x11500  }
0xdb: {  	v4 =	vmovc v28;
	v3 =	vmovc v10;
	v56 =	vmov v17;
	v17 =	vmov v22;
	v57 =	vmov v5;
	[hbm4b:s7+s2] =	stream.linear.scatter [tilespmem:s31], [sflag:$0x4], $0x400, $0x38;
	[tilespmem:$0x11900] =	vst v63  }
.LBB2_9:
0xdc: {  	s8 =	sadd.s32 $0x1, s8  }
0xdd: {  	p0 =	sne.s32 s8, $0xD  }
.Ltmp5:
0xde: {  	_ = 	snop;
	(pc) =	sbr.rel @!p0 .LBB2_10-.Ltmp5, $2  }
0xdf: {  	_ =	sdelay $0x2  }
0xe0: {  	v0 =	vmov v59;
	v1 =	vld [tilespmem:$0x1FFA0];
	v28 =	vmov v58  }
.LBB2_3:
0xe1: {  	s31 =	sshllo.u32 s8, $0x1  }
0xe2: {  	p1 =	sgt.u32 s31, $0x18  }
0xe3: {  	p0 =	seq.s32 s8, $0x0;
	s7 =	sshll.u32 @!p1 s31, $0x8  }
0xe4: {  	s9 =	simm.s32 @!p1 $0x100;
	s10 =	simm.s32 @!p1 $0x5900;
	s7 =	sand.u32 @!p1 $0x3FFFFF00, s7  }
0xe5: {  	[tilespmem:s10], [sflag:$0x2] =	stream.indirect.gather @!p1 [hbm4b:s5+s9], $0x40, s7, s9, $0xb8;
	[tilespmem:$0x11900] =	vst v63  }
0xe6: {  	s7 =	simm.s32 @!p0 $0x3  }
0xe7: {  	_ =	swait.ge @!p0 [sflag:s7], $0x400  }
0xe8: {  	[sflag:s7] =	ssyncset.done @!p0 $0x0  }
0xe9: {  	[sflag:s7] =	ssyncadd.s32 @!p0 $0xFFFFFC00  }
0xea: {  	_ =	swait.ge @!p0 [sflag:s7], $0x400  }
0xeb: {  	[sflag:s7] =	ssyncset.done @!p0 $0x0  }
0xec: {  	[sflag:s7] =	ssyncadd.s32 @!p0 $0xFFFFFC00  }
0xed: {  	_ =	swait.ge @!p0 [sflag:s7], $0x400  }
0xee: {  	[sflag:s7] =	ssyncset.done @!p0 $0x0  }
0xef: {  	[sflag:s7] =	ssyncadd.s32 @!p0 $0xFFFFFC00  }
0xf0: {  	_ =	swait.ge @!p0 [sflag:s7], $0x400  }
0xf1: {  	[sflag:s7] =	ssyncset.done @!p0 $0x0  }
0xf2: {  	[sflag:s7] =	ssyncadd.s32 @!p0 $0xFFFFFC00  }
0xf3: {  	_ =	swait.ge @!p0 [sflag:s7], $0x400  }
0xf4: {  	[sflag:s7] =	ssyncset.done @!p0 $0x0  }
0xf5: {  	[sflag:s7] =	ssyncadd.s32 @!p0 $0xFFFFFC00  }
0xf6: {  	_ =	swait.ge @!p0 [sflag:s7], $0x400  }
0xf7: {  	[sflag:s7] =	ssyncset.done @!p0 $0x0  }
0xf8: {  	[sflag:s7] =	ssyncadd.s32 @!p0 $0xFFFFFC00  }
0xf9: {  	_ =	swait.ge @!p0 [sflag:s7], $0x400  }
0xfa: {  	[sflag:s7] =	ssyncset.done @!p0 $0x0  }
0xfb: {  	[sflag:s7] =	ssyncadd.s32 @!p0 $0xFFFFFC00  }
0xfc: {  	_ =	swait.ge @!p0 [sflag:s7], $0x400  }
0xfd: {  	[sflag:s7] =	ssyncset.done @!p0 $0x0  }
0xfe: {  	[sflag:s7] =	ssyncadd.s32 @!p0 $0xFFFFFC00  }
0xff: {  	_ =	swait.ge @!p0 [sflag:s7], $0x400  }
0x100: {  	[sflag:s7] =	ssyncset.done @!p0 $0x0  }
0x101: {  	[sflag:s7] =	ssyncadd.s32 @!p0 $0xFFFFFC00  }
0x102: {  	_ =	swait.ge @!p0 [sflag:s7], $0x400  }
0x103: {  	[sflag:s7] =	ssyncset.done @!p0 $0x0  }
0x104: {  	[sflag:s7] =	ssyncadd.s32 @!p0 $0xFFFFFC00  }
0x105: {  	_ =	swait.ge @!p0 [sflag:s7], $0x400  }
0x106: {  	[sflag:s7] =	ssyncset.done @!p0 $0x0  }
0x107: {  	[sflag:s7] =	ssyncadd.s32 @!p0 $0xFFFFFC00  }
0x108: {  	_ =	swait.ge @!p0 [sflag:s7], $0x400  }
0x109: {  	[sflag:s7] =	ssyncset.done @!p0 $0x0  }
0x10a: {  	[sflag:s7] =	ssyncadd.s32 @!p0 $0xFFFFFC00  }
0x10b: {  	_ =	swait.ge @!p0 [sflag:s7], $0x400  }
0x10c: {  	[sflag:s7] =	ssyncset.done @!p0 $0x0  }
0x10d: {  	[sflag:s7] =	ssyncadd.s32 @!p0 $0xFFFFFC00  }
0x10e: {  	_ =	swait.ge @!p0 [sflag:s7], $0x400  }
0x10f: {  	[sflag:s7] =	ssyncset.done @!p0 $0x0  }
0x110: {  	[sflag:s7] =	ssyncadd.s32 @!p0 $0xFFFFFC00  }
0x111: {  	v32 =	vmov s4;
	s13 =	simm.s32 $0x2;
	_ =	swait.ge @!p0 [sflag:s7], $0x400  }
0x112: {  	v33 =	vand.u32 $0x78, v32;
	v35 =	vmov s13;
	s13 =	simm.s32 $0x4;
	v32 =	vshll.u32 v32, $0x6;
	s10 =	simm.s32 $0x1;
	[sflag:s7] =	ssyncset.done @!p0 $0x0  }
0x113: {  	v37 =	vmov s13;
	v32 =	vand.u32 $0x2000, v32;
	v34 =	vmov s10;
	s10 =	simm.s32 $0x3;
	[sflag:s7] =	ssyncadd.s32 @!p0 $0xFFFFFC00  }
0x114: {  	s13 =	simm.s32 $0x6;
	v41 =	vand.u32 $0x78, v35;
	v35 =	vshll.u32 v35, $0x6;
	v36 =	vmov s10;
	s10 =	simm.s32 $0x5;
	_ =	swait.ge @!p0 [sflag:s7], $0x400  }
0x115: {  	v39 =	vmov s13;
	v43 =	vand.u32 $0x78, v37;
	v38 =	vmov s10;
	s10 =	simm.s32 $0x7;
	[sflag:s7] =	ssyncset.done @!p0 $0x0  }
0x116: {  	v37 =	vshll.u32 v37, $0x6;
	v32 =	vor.u32 v33, v32;
	v45 =	vmov s10;
	[sflag:s7] =	ssyncadd.s32 @!p0 $0xFFFFFC00  }
0x117: {  	v58 =	vand.u32 $0x2000, v35;
	v46 =	vand.u32 $0x78, v39;
	v47 =	vshll.u32 v45, $0x6;
	_ =	swait.ge [sflag:s11], $0x4000  }
0x118: {  	v49 =	vor.u32 v55, v32;
	v45 =	vand.u32 $0x78, v45;
	v47 =	vand.u32 $0x2000, v47;
	[sflag:s11] =	ssyncset.done $0x0  }
0x119: {  	s9 =	simm.s32 $0x1A00;
	v40 =	vand.u32 $0x78, v34;
	v34 =	vshll.u32 v34, $0x6;
	v45 =	vor.u32 v45, v47;
	[sflag:s11] =	ssyncadd.s32 $0xFFFFC000  }
0x11a: {  	v41 =	vor.u32 v41, v58;
	v54 =	vand.u32 $0x2000, v34;
	v47 =	vor.u32 v4, v45;
	v34 =	vld [tilespmem:s9+$0xC0]  }
0x11b: {  	v42 =	vand.u32 $0x78, v36;
	v36 =	vshll.u32 v36, $0x6;
	v40 =	vor.u32 v40, v54;
	v48 =	vld [tilespmem:s9+$0xFFFFFF00]  }
0x11c: {  	v51 =	vor.u32 v12, v41;
	v62 =	vand.u32 $0x2000, v36;
	v50 =	vor.u32 v8, v40;
	v59 =	vld [tilespmem:s9+$0xFFFFFF40]  }
0x11d: {  	v44 =	vand.u32 $0x78, v38;
	v54 =	vand.u32 $0x2000, v37;
	v60 =	vor.u32 v42, v62;
	v36 =	vld [tilespmem:s9+$0xFFFFFF80]  }
0x11e: {  	v38 =	vshll.u32 v38, $0x6;
	v33 =	vor.u32 v43, v54;
	v42 =	vor.u32 v16, v60;
	v37 =	vld [tilespmem:s9+$0xFFFFFFC0]  }
0x11f: {  	v39 =	vshll.u32 v39, $0x6;
	v38 =	vand.u32 $0x2000, v38;
	v52 =	vor.u32 v63, v33;
	v43 =	vld [tilespmem:s9+$0x0];
	[tilespmem:v47+s12+$0x0] =	vst.idx.msk $0xffff, v34  }
0x120: {  	v58 =	vand.u32 $0x2000, v39;
	[tilespmem:v49+s12+$0x0] =	vst.idx.msk $0xffff, v48;
	v34 =	vor.u32 v44, v38;
	v44 =	vor.u32 v53, v45;
	v39 =	vld [tilespmem:s9+$0xD0]  }
0x121: {  	v35 =	vor.u32 v46, v58;
	[tilespmem:v50+s12+$0x0] =	vst.idx.msk $0xffff, v59;
	v59 =	vld [tilespmem:s9+$0x40];
	v62 =	vor.u32 v31, v34  }
0x122: {  	[tilespmem:v51+s12+$0x0] =	vst.idx.msk $0xffff, v36;
	v36 =	vld [tilespmem:s9+$0x80];
	v38 =	vor.u32 v24, v35  }
0x123: {  	[tilespmem:v42+s12+$0x0] =	vst.idx.msk $0xffff, v37;
	v42 =	vor.u32 v13, v41;
	v37 =	vld [tilespmem:s9+$0xFFFFFF90]  }
0x124: {  	v54 =	vor.u32 v57, v40;
	[tilespmem:v52+s12+$0x0] =	vst.idx.msk $0xffff, v43;
	v46 =	vld [tilespmem:s9+$0xFFFFFF50]  }
0x125: {  	v58 =	vor.u32 v17, v60;
	v43 =	vld [tilespmem:s9+$0xFFFFFFD0];
	[tilespmem:v44+s12+$0x0] =	vst.idx.msk $0xffff, v39  }
0x126: {  	[tilespmem:v62+s12+$0x0] =	vst.idx.msk $0xffff, v59;
	v59 =	vor.u32 v3, v45;
	v39 =	vld [tilespmem:s9+$0xE0]  }
0x127: {  	v52 =	vor.u32 v20, v33;
	[tilespmem:v38+s12+$0x0] =	vst.idx.msk $0xffff, v36;
	v62 =	vld [tilespmem:s9+$0x10]  }
0x128: {  	[tilespmem:v42+s12+$0x0] =	vst.idx.msk $0xffff, v37;
	v37 =	vld [tilespmem:s9+$0x90];
	v42 =	vor.u32 v23, v35  }
0x129: {  	[tilespmem:v54+s12+$0x0] =	vst.idx.msk $0xffff, v46;
	v54 =	vor.u32 v9, v34;
	v36 =	vld [tilespmem:s9+$0x50]  }
0x12a: {  	v49 =	vor.u32 v56, v32;
	v46 =	vld [tilespmem:s9+$0xFFFFFF10];
	[tilespmem:v58+s12+$0x0] =	vst.idx.msk $0xffff, v43  }
0x12b: {  	v50 =	vor.u32 v11, v40;
	v43 =	vld [tilespmem:s9+$0xFFFFFF60];
	[tilespmem:v59+s12+$0x0] =	vst.idx.msk $0xffff, v39  }
0x12c: {  	v44 =	vor.u32 v15, v45;
	[tilespmem:v52+s12+$0x0] =	vst.idx.msk $0xffff, v62;
	v39 =	vld [tilespmem:s9+$0xF0]  }
0x12d: {  	v15 =	vmov v57;
	v57 =	vor.u32 v61, v41;
	v51 =	vld [tilespmem:s9+$0xFFFFFFA0];
	[tilespmem:v42+s12+$0x0] =	vst.idx.msk $0xffff, v37  }
0x12e: {  	v19 =	vmov v55;
	v55 =	vor.u32 v18, v60;
	[tilespmem:v54+s12+$0x0] =	vst.idx.msk $0xffff, v36;
	v54 =	vld [tilespmem:s9+$0xFFFFFFE0]  }
0x12f: {  	v22 =	vmov v63;
	v63 =	vor.u32 v28, v33;
	[tilespmem:v49+s12+$0x0] =	vst.idx.msk $0xffff, v46;
	v52 =	vld [tilespmem:s9+$0x20]  }
0x130: {  	[tilespmem:v50+s12+$0x0] =	vst.idx.msk $0xffff, v43  }
0x131: {  	s10 =	simm.s32 $0x9;
	v50 =	vld [tilespmem:s9+$0xA0];
	[tilespmem:v44+s12+$0x0] =	vst.idx.msk $0xffff, v39  }
0x132: {  	v5 =	vmovc v61;
	v21 =	vmov v20;
	v25 =	vmov v9;
	s13 =	simm.s32 $0x8;
	v61 =	vmov s10;
	s10 =	simm.s32 $0xB;
	v20 =	vld [tilespmem:$0x1FF60];
	[tilespmem:v57+s12+$0x0] =	vst.idx.msk $0xffff, v51  }
0x133: {  	v30 =	vmovc v56;
	v9 =	vmovc v53;
	v53 =	vor.u32 v27, v35;
	v62 =	vmov s13;
	s13 =	simm.s32 $0xA;
	v49 =	vmov s10;
	v56 =	vld [tilespmem:s9+$0xFFFFFF20];
	[tilespmem:v55+s12+$0x0] =	vst.idx.msk $0xffff, v54  }
0x134: {  	s10 =	simm.s32 $0xD;
	v38 =	vand.u32 $0x78, v62;
	v45 =	vshll.u32 v62, $0x6;
	v48 =	vmov s13;
	v6 =	vld [tilespmem:s9+$0x60];
	[tilespmem:v63+s12+$0x0] =	vst.idx.msk $0xffff, v52  }
0x135: {  	s13 =	simm.s32 $0xC;
	v62 =	vor.u32 v26, v34;
	v37 =	vmov s10;
	v43 =	vand.u32 $0x78, v49;
	v2 =	vld [tilespmem:$0x1FF70]  }
0x136: {  	v59 =	vor.u32 v0, v40;
	v46 =	vmov s13;
	s13 =	simm.s32 $0xE;
	v47 =	vand.u32 $0x2000, v45;
	v57 =	vld [tilespmem:s9+$0xFFFFFF70]  }
0x137: {  	v45 =	vand.u32 $0x78, v61;
	v40 =	vand.u32 $0x78, v37;
	v36 =	vmov s13;
	v51 =	vld [tilespmem:s9+$0xFFFFFFB0]  }
0x138: {  	v42 =	vand.u32 $0x78, v46;
	v44 =	vand.u32 $0x78, v48;
	v39 =	vand.u32 $0x78, v36;
	v55 =	vld [tilespmem:s9+$0xFFFFFFF0]  }
0x139: {  	v54 =	vor.u32 v1, v41;
	v52 =	vshll.u32 v61, $0x6;
	v12 =	vld [tilespmem:$0x1FF80];
	v58 =	vor.u32 v20, v32  }
0x13a: {  	s7 =	simm.s32 $0x10;
	s10 =	simm.s32 $0xF;
	v29 =	vld [tilespmem:$0x1FF90];
	[tilespmem:v62+s12+$0x0] =	vst.idx.msk $0xffff, v6;
	v6 =	vmovc v0;
	v10 =	vmov v20;
	v20 =	vmov v1;
	v41 =	vor.u32 v2, v60  }
.LBB2_4:
0x13b: {  	_ = 	snop  }
0x13c: {  	v0 =	vld [tilespmem:$0x1FFB0]  }
0x13d: {  	v61 =	vld [tilespmem:s9+$0x30];
	[tilespmem:v53+s12+$0x0] =	vst.idx.msk $0xffff, v50  }
0x13e: {  	v48 =	vshll.u32 v48, $0x6;
	v60 =	vmov s10;
	v33 =	vor.u32 v12, v33;
	[tilespmem:v58+s12+$0x0] =	vst.idx.msk $0xffff, v56;
	v53 =	vld [tilespmem:s9+$0x70]  }
0x13f: {  	v63 =	vshll.u32 v60, $0x6;
	v62 =	vand.u32 $0x78, v60;
	v60 =	vand.u32 $0x2000, v48;
	[tilespmem:v59+s12+$0x0] =	vst.idx.msk $0xffff, v57;
	v57 =	vld [tilespmem:s9+$0xB0]  }
0x140: {  	v34 =	vor.u32 v29, v34;
	v35 =	vor.u32 v14, v35;
	v60 =	vor.u32 v44, v60;
	v56 =	vld [tilespmem:s9+$0xFFFFFF30]  }
0x141: {  	v50 =	vand.u32 $0x2000, v63;
	v58 =	vor.u32 v7, v32;
	s9 =	sadd.s32 $0x200, s9;
	v44 =	vor.u32 v0, v60;
	v0 =	vld [tilespmem:$0x1FFC0]  }
0x142: {  	[tilespmem:v54+s12+$0x0] =	vst.idx.msk $0xffff, v51;
	v32 =	vor.u32 v38, v47;
	v50 =	vor.u32 v62, v50;
	v47 =	vld [tilespmem:s9+$0xC0]  }
0x143: {  	v63 =	vand.u32 $0x2000, v52;
	[tilespmem:v41+s12+$0x0] =	vst.idx.msk $0xffff, v55;
	v51 =	vor.u32 v4, v50;
	v52 =	vld [tilespmem:s9+$0xFFFFFF00]  }
0x144: {  	v49 =	vshll.u32 v49, $0x6;
	v59 =	vor.u32 v19, v32;
	v55 =	vor.u32 v45, v63;
	[tilespmem:v33+s12+$0x0] =	vst.idx.msk $0xffff, v61;
	v45 =	vld [tilespmem:s9+$0xFFFFFF40]  }
0x145: {  	v46 =	vshll.u32 v46, $0x6;
	v62 =	vand.u32 $0x2000, v49;
	v48 =	vor.u32 v8, v55;
	v63 =	vld [tilespmem:s9+$0xFFFFFF80];
	[tilespmem:v34+s12+$0x0] =	vst.idx.msk $0xffff, v53  }
0x146: {  	v49 =	vand.u32 $0x2000, v46;
	v41 =	vor.u32 v43, v62;
	v43 =	vld [tilespmem:s9+$0xFFFFFFC0];
	[tilespmem:v35+s12+$0x0] =	vst.idx.msk $0xffff, v57  }
0x147: {  	v33 =	vor.u32 v42, v49;
	v46 =	vor.u32 v16, v41;
	v53 =	vshll.u32 v37, $0x6;
	[tilespmem:v58+s12+$0x0] =	vst.idx.msk $0xffff, v56;
	v57 =	vld [tilespmem:s9+$0x0]  }
0x148: {  	v42 =	vor.u32 v22, v33;
	v34 =	vand.u32 $0x2000, v53;
	v61 =	vld [tilespmem:s9+$0x40];
	[tilespmem:v51+s12+$0x0] =	vst.idx.msk $0xffff, v47  }
0x149: {  	v58 =	vshll.u32 v36, $0x6;
	[tilespmem:v59+s12+$0x0] =	vst.idx.msk $0xffff, v52;
	v34 =	vor.u32 v40, v34;
	v59 =	vor.u32 v9, v50;
	v36 =	vld [tilespmem:s9+$0xD0]  }
0x14a: {  	v35 =	vand.u32 $0x2000, v58;
	[tilespmem:v48+s12+$0x0] =	vst.idx.msk $0xffff, v45;
	v56 =	vld [tilespmem:s9+$0x80];
	v62 =	vor.u32 v31, v34  }
0x14b: {  	[tilespmem:v44+s12+$0x0] =	vst.idx.msk $0xffff, v63;
	v52 =	vor.u32 v15, v55;
	v35 =	vor.u32 v39, v35;
	v63 =	vld [tilespmem:s9+$0xFFFFFF50]  }
0x14c: {  	[tilespmem:v46+s12+$0x0] =	vst.idx.msk $0xffff, v43;
	v53 =	vld [tilespmem:s9+$0xFFFFFF90];
	v39 =	vor.u32 v24, v35  }
0x14d: {  	v54 =	vor.u32 v13, v60;
	v46 =	vld [tilespmem:s9+$0xFFFFFF10];
	[tilespmem:v42+s12+$0x0] =	vst.idx.msk $0xffff, v57  }
0x14e: {  	v58 =	vor.u32 v17, v41;
	v57 =	vld [tilespmem:s9+$0xFFFFFFD0];
	[tilespmem:v59+s12+$0x0] =	vst.idx.msk $0xffff, v36  }
0x14f: {  	[tilespmem:v62+s12+$0x0] =	vst.idx.msk $0xffff, v61;
	v61 =	vld [tilespmem:s9+$0x10];
	v62 =	vor.u32 v21, v33  }
0x150: {  	v59 =	vor.u32 v3, v50;
	[tilespmem:v52+s12+$0x0] =	vst.idx.msk $0xffff, v63;
	v36 =	vld [tilespmem:s9+$0xE0]  }
0x151: {  	[tilespmem:v39+s12+$0x0] =	vst.idx.msk $0xffff, v56;
	v63 =	vld [tilespmem:s9+$0x50];
	v56 =	vor.u32 v25, v34  }
0x152: {  	v49 =	vor.u32 v30, v32;
	[tilespmem:v54+s12+$0x0] =	vst.idx.msk $0xffff, v53;
	v37 =	vld [tilespmem:s9+$0xFFFFFF60]  }
0x153: {  	v42 =	vor.u32 v11, v55;
	v51 =	vld [tilespmem:s9+$0xFFFFFFA0];
	[tilespmem:v58+s12+$0x0] =	vst.idx.msk $0xffff, v57  }
0x154: {  	v54 =	vld [tilespmem:s9+$0xFFFFFFE0];
	[tilespmem:v62+s12+$0x0] =	vst.idx.msk $0xffff, v61;
	v61 =	vor.u32 v18, v41  }
0x155: {  	v52 =	vor.u32 v5, v60;
	v43 =	vld [tilespmem:s9+$0x90];
	[tilespmem:v59+s12+$0x0] =	vst.idx.msk $0xffff, v36  }
0x156: {  	s13 =	sadd.s32 $0x2, s7;
	v2 =	vor.u32 v26, v34;
	v44 =	vor.u32 v23, v35;
	[tilespmem:v56+s12+$0x0] =	vst.idx.msk $0xffff, v63;
	v63 =	vld [tilespmem:s9+$0x20]  }
0x157: {  	v48 =	vmov s13;
	s13 =	sadd.s32 $0x4, s7;
	[tilespmem:v49+s12+$0x0] =	vst.idx.msk $0xffff, v46;
	v57 =	vor.u32 v0, v50;
	v0 =	vor.u32 v28, v33;
	v40 =	vld [tilespmem:s9+$0xF0]  }
0x158: {  	s10 =	sadd.s32 $0x1, s7;
	v46 =	vmov s13;
	v53 =	vor.u32 v27, v35;
	v58 =	vmov s7;
	[tilespmem:v42+s12+$0x0] =	vst.idx.msk $0xffff, v37;
	v1 =	vld [tilespmem:s9+$0x60]  }
0x159: {  	p2 =	slt.u32 s7, $0xF8;
	s13 =	sadd.s32 $0x6, s7;
	v38 =	vand.u32 $0x78, v58;
	v62 =	vmov s10;
	s10 =	sadd.s32 $0x3, s7;
	[tilespmem:v61+s12+$0x0] =	vst.idx.msk $0xffff, v54;
	v54 =	vor.u32 v20, v60;
	v60 =	vld [tilespmem:$0x1FF70]  }
.Ltmp6:
0x15a: {  	v59 =	vshll.u32 v58, $0x6;
	v49 =	vmov s10;
	v36 =	vmov s13;
	v56 =	vld [tilespmem:s9+$0xFFFFFF20];
	[tilespmem:v52+s12+$0x0] =	vst.idx.msk $0xffff, v51;
	(pc) =	sbr.rel @p2 .LBB2_4-.Ltmp6, $4  }
0x15b: {  	s10 =	sadd.s32 $0x5, s7;
	v45 =	vand.u32 $0x78, v62;
	v58 =	vor.u32 v10, v32;
	v42 =	vand.u32 $0x78, v46;
	[tilespmem:v44+s12+$0x0] =	vst.idx.msk $0xffff, v43;
	v51 =	vld [tilespmem:s9+$0xFFFFFFB0]  }
0x15c: {  	v52 =	vshll.u32 v62, $0x6;
	v37 =	vmov s10;
	v47 =	vand.u32 $0x2000, v59;
	v50 =	vld [tilespmem:s9+$0xA0];
	[tilespmem:v0+s12+$0x0] =	vst.idx.msk $0xffff, v63  }
0x15d: {  	v44 =	vand.u32 $0x78, v48;
	v43 =	vand.u32 $0x78, v49;
	v59 =	vor.u32 v6, v55;
	v55 =	vld [tilespmem:s9+$0xFFFFFFF0];
	[tilespmem:v57+s12+$0x0] =	vst.idx.msk $0xffff, v40  }
0x15e: {  	v39 =	vand.u32 $0x78, v36;
	s10 =	sadd.s32 $0x7, s7;
	s7 =	sadd.s32 $0x8, s7;
	v57 =	vld [tilespmem:s9+$0xFFFFFF70];
	v40 =	vand.u32 $0x78, v37;
	[tilespmem:v2+s12+$0x0] =	vst.idx.msk $0xffff, v1;
	v41 =	vor.u32 v60, v41  }
0x15f: {  	_ =	sdelay $0x3  }
0x160: {  	v2 =	vld [tilespmem:s9+$0x30];
	v33 =	vor.u32 v12, v33;
	[tilespmem:v58+s12+$0x0] =	vst.idx.msk $0xffff, v56  }
0x161: {  	v58 =	vld [tilespmem:s9+$0x70];
	v34 =	vor.u32 v29, v34;
	[tilespmem:v54+s12+$0x0] =	vst.idx.msk $0xffff, v51  }
0x162: {  	[tilespmem:v53+s12+$0x0] =	vst.idx.msk $0xffff, v50  }
0x163: {  	v1 =	vmov s10;
	s7 =	sadd.s32 $0x200, s9;
	[tilespmem:v41+s12+$0x0] =	vst.idx.msk $0xffff, v55  }
0x164: {  	v0 =	vshll.u32 v48, $0x6;
	v48 =	vshll.u32 v49, $0x6;
	v51 =	vld [tilespmem:s7+$0xC0];
	v53 =	vshll.u32 v1, $0x6;
	[tilespmem:v59+s12+$0x0] =	vst.idx.msk $0xffff, v57  }
0x165: {  	v35 =	vor.u32 v14, v35;
	v1 =	vand.u32 $0x78, v1;
	v49 =	vand.u32 $0x2000, v53;
	v53 =	vld [tilespmem:s9+$0xB0];
	[tilespmem:v33+s12+$0x0] =	vst.idx.msk $0xffff, v2  }
0x166: {  	v46 =	vshll.u32 v46, $0x6;
	v32 =	vor.u32 v7, v32;
	v1 =	vor.u32 v1, v49;
	v49 =	vld [tilespmem:s9+$0xFFFFFF30];
	[tilespmem:v34+s12+$0x0] =	vst.idx.msk $0xffff, v58  }
0x167: {  	v62 =	vmovc v12;
	v38 =	vor.u32 v38, v47;
	v59 =	vand.u32 $0x2000, v52;
	v52 =	vor.u32 v4, v1;
	v12 =	vld [tilespmem:$0x1FFB0]  }
0x168: {  	v61 =	vld [tilespmem:s7+$0xFFFFFF00];
	v63 =	vor.u32 v19, v38;
	v56 =	vand.u32 $0x2000, v48;
	v45 =	vor.u32 v45, v59  }
0x169: {  	v43 =	vor.u32 v43, v56;
	v2 =	vld [tilespmem:s7+$0xFFFFFF40];
	v59 =	vand.u32 $0x2000, v46;
	v33 =	vor.u32 v8, v45  }
0x16a: {  	v0 =	vand.u32 $0x2000, v0;
	v46 =	vor.u32 v16, v43;
	v42 =	vor.u32 v42, v59;
	[tilespmem:v35+s12+$0x0] =	vst.idx.msk $0xffff, v53;
	v35 =	vld [tilespmem:s7+$0xFFFFFFC0]  }
0x16b: {  	v36 =	vshll.u32 v36, $0x6;
	v0 =	vor.u32 v44, v0;
	v44 =	vor.u32 v22, v42;
	[tilespmem:v32+s12+$0x0] =	vst.idx.msk $0xffff, v49;
	v32 =	vld [tilespmem:s7+$0x0]  }
0x16c: {  	v37 =	vshll.u32 v37, $0x6;
	v36 =	vand.u32 $0x2000, v36;
	v57 =	vld [tilespmem:s7+$0xFFFFFF80];
	[tilespmem:v52+s12+$0x0] =	vst.idx.msk $0xffff, v51;
	v58 =	vor.u32 v12, v0  }
0x16d: {  	v37 =	vand.u32 $0x2000, v37;
	v36 =	vor.u32 v39, v36;
	[tilespmem:v63+s12+$0x0] =	vst.idx.msk $0xffff, v61;
	v63 =	vor.u32 v9, v1;
	v61 =	vld [tilespmem:s7+$0xD0]  }
0x16e: {  	v37 =	vor.u32 v40, v37;
	v39 =	vor.u32 v24, v36;
	v53 =	vld [tilespmem:s7+$0x80];
	[tilespmem:v33+s12+$0x0] =	vst.idx.msk $0xffff, v2  }
0x16f: {  	v52 =	vor.u32 v31, v37;
	v2 =	vld [tilespmem:s7+$0x40];
	[tilespmem:v46+s12+$0x0] =	vst.idx.msk $0xffff, v35  }
0x170: {  	v56 =	vor.u32 v15, v45;
	v54 =	vld [tilespmem:s7+$0xFFFFFF50];
	[tilespmem:v44+s12+$0x0] =	vst.idx.msk $0xffff, v32  }
0x171: {  	v32 =	vld [tilespmem:s7+$0xFFFFFFD0];
	v44 =	vor.u32 v17, v43;
	[tilespmem:v58+s12+$0x0] =	vst.idx.msk $0xffff, v57  }
0x172: {  	[tilespmem:v63+s12+$0x0] =	vst.idx.msk $0xffff, v61;
	v61 =	vld [tilespmem:s7+$0x10];
	v63 =	vor.u32 v21, v42  }
0x173: {  	v59 =	vor.u32 v13, v0;
	[tilespmem:v39+s12+$0x0] =	vst.idx.msk $0xffff, v53;
	v58 =	vld [tilespmem:s7+$0xFFFFFF90]  }
0x174: {  	v33 =	vor.u32 v3, v1;
	[tilespmem:v52+s12+$0x0] =	vst.idx.msk $0xffff, v2;
	v2 =	vld [tilespmem:s7+$0xE0]  }
0x175: {  	[tilespmem:v56+s12+$0x0] =	vst.idx.msk $0xffff, v54  }
0x176: {  	[tilespmem:v44+s12+$0x0] =	vst.idx.msk $0xffff, v32  }
0x177: {  	[tilespmem:v63+s12+$0x0] =	vst.idx.msk $0xffff, v61  }
0x178: {  	v52 =	vld [tilespmem:s7+$0x50];
	[tilespmem:v59+s12+$0x0] =	vst.idx.msk $0xffff, v58  }
0x179: {  	v53 =	vor.u32 v25, v37;
	v54 =	vld [tilespmem:s7+$0x90];
	[tilespmem:v33+s12+$0x0] =	vst.idx.msk $0xffff, v2  }
0x17a: {  	v57 =	vmov v15;
	v56 =	vor.u32 v23, v36;
	v15 =	vld [tilespmem:$0x1FFC0]  }
0x17b: {  	v49 =	vor.u32 v11, v45;
	v32 =	vld [tilespmem:s7+$0xFFFFFF60]  }
0x17c: {  	v58 =	vld [tilespmem:s7+$0xFFFFFF10];
	v59 =	vor.u32 v30, v38  }
0x17d: {  	v51 =	vor.u32 v5, v0;
	v50 =	vld [tilespmem:s7+$0xFFFFFFA0]  }
0x17e: {  	v34 =	vld [tilespmem:s7+$0xFFFFFFE0];
	[tilespmem:v53+s12+$0x0] =	vst.idx.msk $0xffff, v52;
	v52 =	vor.u32 v18, v43  }
0x17f: {  	v2 =	vld [tilespmem:s7+$0xF0];
	[tilespmem:v56+s12+$0x0] =	vst.idx.msk $0xffff, v54;
	v1 =	vor.u32 v15, v1  }
0x180: {  	v53 =	vld [tilespmem:s7+$0x20];
	v54 =	vor.u32 v28, v42;
	[tilespmem:v49+s12+$0x0] =	vst.idx.msk $0xffff, v32  }
0x181: {  	v48 =	vor.u32 v26, v37;
	v63 =	vld [tilespmem:s7+$0x60];
	[tilespmem:v59+s12+$0x0] =	vst.idx.msk $0xffff, v58  }
0x182: {  	v46 =	vld [tilespmem:s7+$0xA0];
	v49 =	vor.u32 v27, v36;
	[tilespmem:v51+s12+$0x0] =	vst.idx.msk $0xffff, v50  }
0x183: {  	v50 =	vld [tilespmem:s7+$0xFFFFFF70];
	v51 =	vor.u32 v6, v45;
	[tilespmem:v52+s12+$0x0] =	vst.idx.msk $0xffff, v34  }
0x184: {  	[tilespmem:v1+s12+$0x0] =	vst.idx.msk $0xffff, v2;
	v1 =	vld [tilespmem:s7+$0xFFFFFF20];
	v2 =	vor.u32 v10, v38  }
0x185: {  	v0 =	vor.u32 v20, v0;
	[tilespmem:v54+s12+$0x0] =	vst.idx.msk $0xffff, v53;
	v52 =	vld [tilespmem:s7+$0xFFFFFFB0]  }
0x186: {  	v54 =	vor.u32 v60, v43;
	v53 =	vld [tilespmem:s7+$0xFFFFFFF0];
	[tilespmem:v48+s12+$0x0] =	vst.idx.msk $0xffff, v63  }
0x187: {  	v60 =	vor.u32 v62, v42;
	v56 =	vld [tilespmem:s7+$0x30];
	[tilespmem:v49+s12+$0x0] =	vst.idx.msk $0xffff, v46  }
0x188: {  	v36 =	vor.u32 v14, v36;
	v62 =	vld [tilespmem:s7+$0xB0];
	[tilespmem:v51+s12+$0x0] =	vst.idx.msk $0xffff, v50  }
0x189: {  	[tilespmem:v2+s12+$0x0] =	vst.idx.msk $0xffff, v1;
	v1 =	vld [tilespmem:s7+$0x70];
	v2 =	vor.u32 v29, v37  }
0x18a: {  	v38 =	vor.u32 v7, v38;
	[tilespmem:v0+s12+$0x0] =	vst.idx.msk $0xffff, v52;
	v63 =	vld [tilespmem:s7+$0xFFFFFF30]  }
0x18b: {  	[tilespmem:v54+s12+$0x0] =	vst.idx.msk $0xffff, v53  }
0x18c: {  	s10 =	sshll.u32 s8, $0x16;
	[tilespmem:v60+s12+$0x0] =	vst.idx.msk $0xffff, v56  }
0x18d: {  	[tilespmem:v36+s12+$0x0] =	vst.idx.msk $0xffff, v62;
	s7 =	sadd.s32 s6, s10  }
0x18e: {  	s7 =	sshrl.u32 s7, $0x3;
	[tilespmem:v2+s12+$0x0] =	vst.idx.msk $0xffff, v1  }
0x18f: {  	s13 =	sadd.s32 s1, s7;
	s10 =	sor.u32 $0x4000, s7;
	[tilespmem:v38+s12+$0x0] =	vst.idx.msk $0xffff, v63  }
0x190: {  	[hbm4b:s13+s2] =	stream.linear.scatter [tilespmem:s12], [sflag:$0x3], $0x400, $0x38;
	[tilespmem:$0x11900] =	vst v63  }
0x191: {  	s9 =	sadd.s32 s1, s10;
	s13 =	simm.s32 $0x9D00  }
0x192: {  	[hbm4b:s9+s2] =	stream.linear.scatter [tilespmem:s13], [sflag:$0x3], $0x400, $0x38;
	[tilespmem:$0x11900] =	vst v63  }
0x193: {  	s13 =	sor.u32 $0x8000, s7  }
0x194: {  	s10 =	sor.u32 $0xC000, s7;
	s9 =	sadd.s32 s1, s13  }
0x195: {  	[hbm4b:s9+s2] =	stream.linear.scatter [tilespmem:s14], [sflag:$0x3], $0x400, $0x38;
	[tilespmem:$0x11900] =	vst v63  }
0x196: {  	s13 =	sor.u32 $0x10000, s7;
	s9 =	sadd.s32 s1, s10  }
0x197: {  	[hbm4b:s9+s2] =	stream.linear.scatter [tilespmem:s15], [sflag:$0x3], $0x400, $0x38;
	[tilespmem:$0x11900] =	vst v63  }
0x198: {  	s10 =	sor.u32 $0x14000, s7;
	s9 =	sadd.s32 s1, s13  }
0x199: {  	[hbm4b:s9+s2] =	stream.linear.scatter [tilespmem:s16], [sflag:$0x3], $0x400, $0x38;
	[tilespmem:$0x11900] =	vst v63  }
0x19a: {  	s13 =	sor.u32 $0x18000, s7;
	s9 =	sadd.s32 s1, s10  }
0x19b: {  	[hbm4b:s9+s2] =	stream.linear.scatter [tilespmem:s17], [sflag:$0x3], $0x400, $0x38;
	[tilespmem:$0x11900] =	vst v63  }
0x19c: {  	s10 =	sor.u32 $0x1C000, s7;
	s9 =	sadd.s32 s1, s13  }
0x19d: {  	[hbm4b:s9+s2] =	stream.linear.scatter [tilespmem:s18], [sflag:$0x3], $0x400, $0x38;
	[tilespmem:$0x11900] =	vst v63  }
0x19e: {  	s13 =	sor.u32 $0x20000, s7;
	s9 =	sadd.s32 s1, s10  }
0x19f: {  	[hbm4b:s9+s2] =	stream.linear.scatter [tilespmem:s19], [sflag:$0x3], $0x400, $0x38;
	[tilespmem:$0x11900] =	vst v63  }
0x1a0: {  	s10 =	sor.u32 $0x24000, s7;
	s9 =	sadd.s32 s1, s13  }
0x1a1: {  	[hbm4b:s9+s2] =	stream.linear.scatter [tilespmem:s20], [sflag:$0x3], $0x400, $0x38;
	[tilespmem:$0x11900] =	vst v63  }
0x1a2: {  	s13 =	sor.u32 $0x28000, s7;
	s9 =	sadd.s32 s1, s10  }
0x1a3: {  	[hbm4b:s9+s2] =	stream.linear.scatter [tilespmem:s21], [sflag:$0x3], $0x400, $0x38;
	[tilespmem:$0x11900] =	vst v63  }
0x1a4: {  	s10 =	sor.u32 $0x2C000, s7;
	s9 =	sadd.s32 s1, s13  }
0x1a5: {  	[hbm4b:s9+s2] =	stream.linear.scatter [tilespmem:s22], [sflag:$0x3], $0x400, $0x38;
	[tilespmem:$0x11900] =	vst v63  }
0x1a6: {  	s13 =	sor.u32 $0x30000, s7;
	s9 =	sadd.s32 s1, s10  }
0x1a7: {  	[hbm4b:s9+s2] =	stream.linear.scatter [tilespmem:s23], [sflag:$0x3], $0x400, $0x38;
	[tilespmem:$0x11900] =	vst v63  }
0x1a8: {  	s10 =	sor.u32 $0x34000, s7;
	s9 =	sadd.s32 s1, s13  }
0x1a9: {  	[hbm4b:s9+s2] =	stream.linear.scatter [tilespmem:s24], [sflag:$0x3], $0x400, $0x38;
	[tilespmem:$0x11900] =	vst v63  }
0x1aa: {  	s9 =	sadd.s32 s1, s10  }
0x1ab: {  	[hbm4b:s9+s2] =	stream.linear.scatter [tilespmem:s25], [sflag:$0x3], $0x400, $0x38;
	[tilespmem:$0x11900] =	vst v63  }
.Ltmp7:
0x1ac: {  	s13 =	sor.u32 $0x38000, s7;
	(pc) =	sbr.rel @p1 .LBB2_9-.Ltmp7, $4  }
0x1ad: {  	s7 =	sor.u32 $0x3C000, s7;
	s9 =	sadd.s32 s1, s13  }
0x1ae: {  	[hbm4b:s9+s2] =	stream.linear.scatter [tilespmem:s26], [sflag:$0x3], $0x400, $0x38;
	[tilespmem:$0x11900] =	vst v63  }
0x1af: {  	v55 =	vmovc v19;
	v20 =	vmov v21;
	v61 =	vmov v5;
	v58 =	vmov v28;
	s7 =	sadd.s32 s1, s7  }
0x1b0: {  	v59 =	vmovc v6;
	v53 =	vmovc v9;
	v56 =	vmov v30;
	v9 =	vmov v25;
	v63 =	vmov v22;
	[hbm4b:s7+s2] =	stream.linear.scatter [tilespmem:s28], [sflag:$0x3], $0x400, $0x38;
	[tilespmem:$0x11900] =	vst v63  }
0x1b1: {  	s7 =	sshll.u32 s8, $0x9  }
0x1b2: {  	s7 =	sand.u32 $0x3FFFFE00, s7  }
0x1b3: {  	s9 =	simm.s32 $0x100;
	s10 =	simm.s32 $0x1900;
	s7 =	sadd.s32 $0x200, s7  }
0x1b4: {  	[tilespmem:s10], [sflag:$0x1] =	stream.indirect.gather [hbm4b:s5+s9], $0x40, s7, s9, $0xb8;
	[tilespmem:$0x11900] =	vst v63  }
0x1b5: {  	s7 =	simm.s32 @!p0 $0x4  }
0x1b6: {  	_ =	swait.ge @!p0 [sflag:s7], $0x400  }
0x1b7: {  	[sflag:s7] =	ssyncset.done @!p0 $0x0  }
0x1b8: {  	[sflag:s7] =	ssyncadd.s32 @!p0 $0xFFFFFC00  }
0x1b9: {  	_ =	swait.ge @!p0 [sflag:s7], $0x400  }
0x1ba: {  	[sflag:s7] =	ssyncset.done @!p0 $0x0  }
0x1bb: {  	[sflag:s7] =	ssyncadd.s32 @!p0 $0xFFFFFC00  }
0x1bc: {  	_ =	swait.ge @!p0 [sflag:s7], $0x400  }
0x1bd: {  	[sflag:s7] =	ssyncset.done @!p0 $0x0  }
0x1be: {  	[sflag:s7] =	ssyncadd.s32 @!p0 $0xFFFFFC00  }
0x1bf: {  	_ =	swait.ge @!p0 [sflag:s7], $0x400  }
0x1c0: {  	[sflag:s7] =	ssyncset.done @!p0 $0x0  }
0x1c1: {  	[sflag:s7] =	ssyncadd.s32 @!p0 $0xFFFFFC00  }
0x1c2: {  	_ =	swait.ge @!p0 [sflag:s7], $0x400  }
0x1c3: {  	[sflag:s7] =	ssyncset.done @!p0 $0x0  }
0x1c4: {  	[sflag:s7] =	ssyncadd.s32 @!p0 $0xFFFFFC00  }
0x1c5: {  	_ =	swait.ge @!p0 [sflag:s7], $0x400  }
0x1c6: {  	[sflag:s7] =	ssyncset.done @!p0 $0x0  }
0x1c7: {  	[sflag:s7] =	ssyncadd.s32 @!p0 $0xFFFFFC00  }
0x1c8: {  	_ =	swait.ge @!p0 [sflag:s7], $0x400  }
0x1c9: {  	[sflag:s7] =	ssyncset.done @!p0 $0x0  }
0x1ca: {  	[sflag:s7] =	ssyncadd.s32 @!p0 $0xFFFFFC00  }
0x1cb: {  	_ =	swait.ge @!p0 [sflag:s7], $0x400  }
0x1cc: {  	[sflag:s7] =	ssyncset.done @!p0 $0x0  }
0x1cd: {  	[sflag:s7] =	ssyncadd.s32 @!p0 $0xFFFFFC00  }
0x1ce: {  	_ =	swait.ge @!p0 [sflag:s7], $0x400  }
0x1cf: {  	[sflag:s7] =	ssyncset.done @!p0 $0x0  }
0x1d0: {  	[sflag:s7] =	ssyncadd.s32 @!p0 $0xFFFFFC00  }
0x1d1: {  	_ =	swait.ge @!p0 [sflag:s7], $0x400  }
0x1d2: {  	[sflag:s7] =	ssyncset.done @!p0 $0x0  }
0x1d3: {  	[sflag:s7] =	ssyncadd.s32 @!p0 $0xFFFFFC00  }
0x1d4: {  	_ =	swait.ge @!p0 [sflag:s7], $0x400  }
0x1d5: {  	[sflag:s7] =	ssyncset.done @!p0 $0x0  }
0x1d6: {  	[sflag:s7] =	ssyncadd.s32 @!p0 $0xFFFFFC00  }
0x1d7: {  	_ =	swait.ge @!p0 [sflag:s7], $0x400  }
0x1d8: {  	[sflag:s7] =	ssyncset.done @!p0 $0x0  }
0x1d9: {  	[sflag:s7] =	ssyncadd.s32 @!p0 $0xFFFFFC00  }
0x1da: {  	_ =	swait.ge @!p0 [sflag:s7], $0x400  }
0x1db: {  	[sflag:s7] =	ssyncset.done @!p0 $0x0  }
0x1dc: {  	[sflag:s7] =	ssyncadd.s32 @!p0 $0xFFFFFC00  }
0x1dd: {  	_ =	swait.ge @!p0 [sflag:s7], $0x400  }
0x1de: {  	[sflag:s7] =	ssyncset.done @!p0 $0x0  }
0x1df: {  	s13 =	simm.s32 $0x0;
	[sflag:s7] =	ssyncadd.s32 @!p0 $0xFFFFFC00  }
0x1e0: {  	v0 =	vmov s13;
	s13 =	simm.s32 $0x2;
	_ =	swait.ge @!p0 [sflag:s7], $0x400  }
0x1e1: {  	v1 =	vand.u32 $0x78, v0;
	v32 =	vmov s13;
	s13 =	simm.s32 $0x4;
	v0 =	vshll.u32 v0, $0x6;
	s10 =	simm.s32 $0x1;
	[sflag:s7] =	ssyncset.done @!p0 $0x0  }
0x1e2: {  	v34 =	vmov s13;
	v0 =	vand.u32 $0x2000, v0;
	v2 =	vmov s10;
	s10 =	simm.s32 $0x3;
	[sflag:s7] =	ssyncadd.s32 @!p0 $0xFFFFFC00  }
0x1e3: {  	s13 =	simm.s32 $0x6;
	v38 =	vand.u32 $0x78, v32;
	v45 =	vshll.u32 v32, $0x6;
	v33 =	vmov s10;
	s10 =	simm.s32 $0x5;
	_ =	swait.ge @!p0 [sflag:s7], $0x400  }
0x1e4: {  	v36 =	vmov s13;
	v40 =	vand.u32 $0x78, v34;
	v35 =	vmov s10;
	s10 =	simm.s32 $0x7;
	[sflag:s7] =	ssyncset.done @!p0 $0x0  }
0x1e5: {  	v34 =	vshll.u32 v34, $0x6;
	v32 =	vor.u32 v1, v0;
	v42 =	vmov s10;
	[sflag:s7] =	ssyncadd.s32 @!p0 $0xFFFFFC00  }
0x1e6: {  	v54 =	vand.u32 $0x2000, v45;
	v37 =	vand.u32 $0x78, v2;
	v44 =	vshll.u32 v42, $0x6;
	_ =	swait.ge [sflag:s29], $0x4000  }
0x1e7: {  	v2 =	vshll.u32 v2, $0x6;
	v50 =	vand.u32 $0x78, v42;
	v51 =	vand.u32 $0x2000, v44;
	[sflag:s29] =	ssyncset.done $0x0  }
0x1e8: {  	s9 =	simm.s32 $0x5A00;
	v43 =	vand.u32 $0x78, v36;
	v46 =	vor.u32 v55, v32;
	v42 =	vor.u32 v50, v51;
	[sflag:s29] =	ssyncadd.s32 $0xFFFFC000  }
0x1e9: {  	v60 =	vand.u32 $0x2000, v34;
	v52 =	vand.u32 $0x2000, v2;
	v2 =	vor.u32 v4, v42;
	v1 =	vld [tilespmem:s9+$0xC0]  }
0x1ea: {  	v39 =	vand.u32 $0x78, v33;
	v33 =	vshll.u32 v33, $0x6;
	v0 =	vor.u32 v37, v52;
	v44 =	vld [tilespmem:s9+$0xFFFFFF00]  }
0x1eb: {  	v52 =	vor.u32 v38, v54;
	v33 =	vand.u32 $0x2000, v33;
	v47 =	vor.u32 v8, v0;
	v45 =	vld [tilespmem:s9+$0xFFFFFF40]  }
0x1ec: {  	v41 =	vand.u32 $0x78, v35;
	v38 =	vor.u32 v12, v52;
	v25 =	vor.u32 v39, v33;
	v55 =	vld [tilespmem:s9+$0xFFFFFF80]  }
0x1ed: {  	v62 =	vshll.u32 v35, $0x6;
	v33 =	vor.u32 v40, v60;
	v48 =	vor.u32 v16, v25;
	v39 =	vld [tilespmem:s9+$0xFFFFFFC0]  }
0x1ee: {  	v34 =	vand.u32 $0x2000, v62;
	v49 =	vor.u32 v63, v33;
	v50 =	vshll.u32 v36, $0x6;
	v40 =	vld [tilespmem:s9+$0x0];
	[tilespmem:v2+s30+$0x0] =	vst.idx.msk $0xffff, v1  }
0x1ef: {  	v34 =	vor.u32 v41, v34;
	v51 =	vand.u32 $0x2000, v50;
	v36 =	vor.u32 v53, v42;
	[tilespmem:v46+s30+$0x0] =	vst.idx.msk $0xffff, v44;
	v2 =	vld [tilespmem:s9+$0xD0]  }
0x1f0: {  	v35 =	vor.u32 v43, v51;
	v41 =	vld [tilespmem:s9+$0x40];
	[tilespmem:v47+s30+$0x0] =	vst.idx.msk $0xffff, v45;
	v44 =	vor.u32 v31, v34  }
0x1f1: {  	v54 =	vor.u32 v24, v35;
	[tilespmem:v38+s30+$0x0] =	vst.idx.msk $0xffff, v55;
	v1 =	vld [tilespmem:s9+$0x80]  }
0x1f2: {  	v60 =	vor.u32 v57, v0;
	[tilespmem:v48+s30+$0x0] =	vst.idx.msk $0xffff, v39;
	v55 =	vld [tilespmem:s9+$0xFFFFFF50]  }
0x1f3: {  	v48 =	vor.u32 v13, v52;
	[tilespmem:v49+s30+$0x0] =	vst.idx.msk $0xffff, v40;
	v62 =	vld [tilespmem:s9+$0xFFFFFF90]  }
0x1f4: {  	v51 =	vor.u32 v17, v25;
	v50 =	vld [tilespmem:s9+$0xFFFFFFD0];
	[tilespmem:v36+s30+$0x0] =	vst.idx.msk $0xffff, v2  }
0x1f5: {  	[tilespmem:v44+s30+$0x0] =	vst.idx.msk $0xffff, v41;
	v36 =	vor.u32 v3, v42;
	v2 =	vld [tilespmem:s9+$0xE0]  }
0x1f6: {  	v41 =	vld [tilespmem:s9+$0x10];
	v44 =	vor.u32 v20, v33;
	[tilespmem:v54+s30+$0x0] =	vst.idx.msk $0xffff, v1  }
0x1f7: {  	[tilespmem:v60+s30+$0x0] =	vst.idx.msk $0xffff, v55;
	v54 =	vld [tilespmem:s9+$0x50];
	v55 =	vor.u32 v9, v34  }
0x1f8: {  	v43 =	vor.u32 v23, v35;
	[tilespmem:v48+s30+$0x0] =	vst.idx.msk $0xffff, v62;
	v39 =	vld [tilespmem:s9+$0x90]  }
0x1f9: {  	v60 =	vld [tilespmem:s9+$0xFFFFFF10];
	v62 =	vor.u32 v56, v32;
	[tilespmem:v51+s30+$0x0] =	vst.idx.msk $0xffff, v50  }
0x1fa: {  	v50 =	vor.u32 v11, v0;
	v40 =	vld [tilespmem:s9+$0xFFFFFF60];
	[tilespmem:v36+s30+$0x0] =	vst.idx.msk $0xffff, v2  }
0x1fb: {  	s13 =	simm.s32 $0x8;
	[tilespmem:v44+s30+$0x0] =	vst.idx.msk $0xffff, v41;
	v41 =	vor.u32 v15, v42;
	v2 =	vld [tilespmem:s9+$0xF0]  }
0x1fc: {  	v51 =	vmov s13;
	v42 =	vld [tilespmem:s9+$0xFFFFFFA0];
	v44 =	vor.u32 v61, v52;
	[tilespmem:v55+s30+$0x0] =	vst.idx.msk $0xffff, v54  }
0x1fd: {  	v38 =	vand.u32 $0x78, v51;
	v1 =	vshll.u32 v51, $0x6;
	v51 =	vld [tilespmem:s9+$0xFFFFFFE0];
	v54 =	vor.u32 v18, v25;
	[tilespmem:v43+s30+$0x0] =	vst.idx.msk $0xffff, v39  }
0x1fe: {  	v19 =	vor.u32 v58, v33;
	[tilespmem:v62+s30+$0x0] =	vst.idx.msk $0xffff, v60;
	v55 =	vld [tilespmem:s9+$0x20]  }
0x1ff: {  	[tilespmem:v50+s30+$0x0] =	vst.idx.msk $0xffff, v40;
	v22 =	vld [tilespmem:s9+$0x60]  }
0x200: {  	v50 =	vld [tilespmem:s9+$0xA0];
	[tilespmem:v41+s30+$0x0] =	vst.idx.msk $0xffff, v2  }
0x201: {  	v60 =	vld [tilespmem:$0x1FF60];
	[tilespmem:v44+s30+$0x0] =	vst.idx.msk $0xffff, v42  }
0x202: {  	v5 =	vmov v13;
	v13 =	vmov v17;
	v17 =	vor.u32 v26, v34;
	v56 =	vld [tilespmem:s9+$0xFFFFFF20];
	[tilespmem:v54+s30+$0x0] =	vst.idx.msk $0xffff, v51  }
0x203: {  	v30 =	vmov v12;
	v54 =	vld [tilespmem:$0x1FFA0];
	[tilespmem:v19+s30+$0x0] =	vst.idx.msk $0xffff, v55  }
0x204: {  	v10 =	vmovc v11;
	v28 =	vmovc v4;
	v29 =	vmov v53;
	v6 =	vmov v8;
	s13 =	simm.s32 $0xA;
	v11 =	vmov v61;
	v61 =	vld [tilespmem:$0x1FF70]  }
0x205: {  	v21 =	vmovc v9;
	s10 =	simm.s32 $0x9;
	v4 =	vmovc v63;
	v63 =	vmov v57;
	v53 =	vor.u32 v27, v35;
	v48 =	vmov s13;
	s13 =	simm.s32 $0xC;
	v57 =	vld [tilespmem:s9+$0xFFFFFF70]  }
0x206: {  	v12 =	vmovc v18;
	v9 =	vmovc v30;
	v46 =	vmov s13;
	v47 =	vand.u32 $0x2000, v1;
	v39 =	vmov s10;
	s10 =	simm.s32 $0xB;
	v51 =	vld [tilespmem:s9+$0xFFFFFFB0]  }
0x207: {  	s13 =	simm.s32 $0xE;
	v15 =	vmovc v59;
	v59 =	vor.u32 v59, v0;
	v62 =	vmovc v58;
	v18 =	vmov v20;
	v49 =	vmov s10;
	s10 =	simm.s32 $0xD;
	v55 =	vld [tilespmem:s9+$0xFFFFFFF0];
	[tilespmem:v17+s30+$0x0] =	vst.idx.msk $0xffff, v22  }
0x208: {  	v20 =	vmovc v31;
	v31 =	vmovc v7;
	v36 =	vmov s13;
	v45 =	vand.u32 $0x78, v39;
	v37 =	vmov s10;
	v22 =	vld [tilespmem:$0x1FF80]  }
0x209: {  	v7 =	vmovc v10;
	v10 =	vmovc v5;
	v43 =	vand.u32 $0x78, v49;
	v58 =	vor.u32 v60, v32;
	v41 =	vor.u32 v61, v25;
	v25 =	vld [tilespmem:$0x1FF90]  }
0x20a: {  	v5 =	vmovc v63;
	v30 =	vmovc v31;
	v40 =	vand.u32 $0x78, v37;
	v44 =	vand.u32 $0x78, v48;
	v42 =	vand.u32 $0x78, v46;
	v17 =	vld [tilespmem:$0x1FFF0]  }
0x20b: {  	s7 =	simm.s32 $0x10;
	s10 =	simm.s32 $0xF;
	v19 =	vmovc v62;
	v8 =	vld [tilespmem:$0x1FFE0];
	v31 =	vmovc v60;
	v54 =	vor.u32 v54, v52;
	v52 =	vshll.u32 v39, $0x6;
	v39 =	vand.u32 $0x78, v36  }
.LBB2_7:
0x20c: {  	v2 =	vld [tilespmem:s9+$0x30]  }
0x20d: {  	v1 =	vmov s10;
	v33 =	vor.u32 v22, v33;
	[tilespmem:v53+s30+$0x0] =	vst.idx.msk $0xffff, v50;
	v61 =	vshll.u32 v49, $0x6;
	v63 =	vld [tilespmem:s9+$0x70]  }
0x20e: {  	[tilespmem:v58+s30+$0x0] =	vst.idx.msk $0xffff, v56;
	v34 =	vor.u32 v25, v34;
	v35 =	vor.u32 v14, v35;
	v3 =	vld [tilespmem:$0x1FFD0];
	v62 =	vshll.u32 v1, $0x6  }
0x20f: {  	[tilespmem:v59+s30+$0x0] =	vst.idx.msk $0xffff, v57;
	v56 =	vor.u32 v30, v32;
	v1 =	vand.u32 $0x78, v1;
	v53 =	vld [tilespmem:s9+$0xB0];
	v49 =	vand.u32 $0x2000, v62  }
0x210: {  	[tilespmem:v54+s30+$0x0] =	vst.idx.msk $0xffff, v51;
	v32 =	vor.u32 v38, v47;
	v57 =	vand.u32 $0x2000, v52;
	v1 =	vor.u32 v1, v49;
	v49 =	vld [tilespmem:s9+$0xFFFFFF30];
	s9 =	sadd.s32 $0x200, s9  }
0x211: {  	v0 =	vshll.u32 v48, $0x6;
	[tilespmem:v41+s30+$0x0] =	vst.idx.msk $0xffff, v55;
	v55 =	vor.u32 v45, v57;
	v47 =	vld [tilespmem:s9+$0xC0];
	v51 =	vor.u32 v28, v1  }
0x212: {  	v0 =	vand.u32 $0x2000, v0;
	v38 =	vor.u32 v6, v55;
	v60 =	vld [tilespmem:s9+$0xFFFFFF40];
	[tilespmem:v33+s30+$0x0] =	vst.idx.msk $0xffff, v2  }
0x213: {  	v59 =	vor.u32 v8, v32;
	v61 =	vand.u32 $0x2000, v61;
	v0 =	vor.u32 v44, v0;
	v58 =	vld [tilespmem:s9+$0xFFFFFF00];
	[tilespmem:v34+s30+$0x0] =	vst.idx.msk $0xffff, v63  }
0x214: {  	v46 =	vshll.u32 v46, $0x6;
	v41 =	vor.u32 v43, v61;
	v62 =	vld [tilespmem:s9+$0xFFFFFF80];
	v63 =	vor.u32 v9, v0;
	[tilespmem:v35+s30+$0x0] =	vst.idx.msk $0xffff, v53  }
0x215: {  	v48 =	vand.u32 $0x2000, v46;
	v50 =	vor.u32 v16, v41;
	v43 =	vld [tilespmem:s9+$0xFFFFFFC0];
	v53 =	vshll.u32 v37, $0x6;
	[tilespmem:v56+s30+$0x0] =	vst.idx.msk $0xffff, v49  }
0x216: {  	v33 =	vor.u32 v42, v48;
	v34 =	vand.u32 $0x2000, v53;
	v56 =	vld [tilespmem:s9+$0x0];
	[tilespmem:v51+s30+$0x0] =	vst.idx.msk $0xffff, v47  }
0x217: {  	v57 =	vshll.u32 v36, $0x6;
	v42 =	vor.u32 v4, v33;
	v34 =	vor.u32 v40, v34;
	[tilespmem:v38+s30+$0x0] =	vst.idx.msk $0xffff, v60;
	v60 =	vld [tilespmem:s9+$0x40]  }
0x218: {  	v35 =	vand.u32 $0x2000, v57;
	[tilespmem:v59+s30+$0x0] =	vst.idx.msk $0xffff, v58;
	v61 =	vor.u32 v20, v34;
	v58 =	vld [tilespmem:s9+$0xD0]  }
0x219: {  	v35 =	vor.u32 v39, v35;
	v59 =	vor.u32 v29, v1;
	[tilespmem:v63+s30+$0x0] =	vst.idx.msk $0xffff, v62;
	v62 =	vld [tilespmem:s9+$0x80]  }
0x21a: {  	[tilespmem:v50+s30+$0x0] =	vst.idx.msk $0xffff, v43;
	v63 =	vor.u32 v24, v35;
	v48 =	vld [tilespmem:s9+$0xFFFFFF50]  }
0x21b: {  	v49 =	vor.u32 v5, v55;
	v52 =	vld [tilespmem:s9+$0xFFFFFFD0]  }
0x21c: {  	v53 =	vor.u32 v13, v41;
	v46 =	vld [tilespmem:s9+$0xFFFFFF10];
	[tilespmem:v42+s30+$0x0] =	vst.idx.msk $0xffff, v56  }
0x21d: {  	v51 =	vor.u32 v10, v0;
	v50 =	vld [tilespmem:s9+$0xFFFFFF90];
	[tilespmem:v61+s30+$0x0] =	vst.idx.msk $0xffff, v60  }
0x21e: {  	[tilespmem:v59+s30+$0x0] =	vst.idx.msk $0xffff, v58;
	v58 =	vld [tilespmem:s9+$0x10];
	v59 =	vor.u32 v18, v33  }
0x21f: {  	v61 =	vor.u32 v21, v34;
	[tilespmem:v63+s30+$0x0] =	vst.idx.msk $0xffff, v62;
	v60 =	vld [tilespmem:s9+$0x50]  }
0x220: {  	[tilespmem:v49+s30+$0x0] =	vst.idx.msk $0xffff, v48;
	v63 =	vor.u32 v23, v35;
	v62 =	vld [tilespmem:s9+$0x90]  }
0x221: {  	v56 =	vor.u32 v3, v1;
	v3 =	vld [tilespmem:$0x1FFC0];
	[tilespmem:v53+s30+$0x0] =	vst.idx.msk $0xffff, v52  }
0x222: {  	v54 =	vld [tilespmem:s9+$0xE0];
	[tilespmem:v51+s30+$0x0] =	vst.idx.msk $0xffff, v50  }
0x223: {  	v37 =	vld [tilespmem:s9+$0xFFFFFF60];
	[tilespmem:v59+s30+$0x0] =	vst.idx.msk $0xffff, v58  }
0x224: {  	v47 =	vor.u32 v17, v32;
	v52 =	vld [tilespmem:s9+$0xFFFFFFE0];
	[tilespmem:v61+s30+$0x0] =	vst.idx.msk $0xffff, v60  }
0x225: {  	[tilespmem:v63+s30+$0x0] =	vst.idx.msk $0xffff, v62;
	v61 =	vld [tilespmem:s9+$0x20];
	v62 =	vor.u32 v19, v33  }
0x226: {  	s13 =	sadd.s32 $0x2, s7;
	v57 =	vor.u32 v7, v55;
	v40 =	vld [tilespmem:s9+$0xFFFFFFA0]  }
0x227: {  	v48 =	vmov s13;
	v51 =	vor.u32 v11, v0;
	v58 =	vmov s7;
	[tilespmem:v56+s30+$0x0] =	vst.idx.msk $0xffff, v54;
	v63 =	vld [tilespmem:s9+$0x60]  }
0x228: {  	v1 =	vor.u32 v3, v1;
	v59 =	vshll.u32 v58, $0x6;
	v54 =	vor.u32 v12, v41;
	v2 =	vld [tilespmem:s9+$0xF0]  }
0x229: {  	s13 =	sadd.s32 $0x4, s7;
	[tilespmem:v47+s30+$0x0] =	vst.idx.msk $0xffff, v46;
	v3 =	vor.u32 v26, v34;
	v47 =	vand.u32 $0x2000, v59;
	v59 =	vor.u32 v15, v55;
	v55 =	vld [tilespmem:$0x1FFA0]  }
0x22a: {  	p0 =	slt.u32 s7, $0xF8;
	s10 =	sadd.s32 $0x1, s7;
	v53 =	vor.u32 v27, v35;
	v46 =	vmov s13;
	s13 =	sadd.s32 $0x6, s7;
	[tilespmem:v62+s30+$0x0] =	vst.idx.msk $0xffff, v61;
	v62 =	vld [tilespmem:$0x1FF70]  }
.Ltmp8:
0x22b: {  	v44 =	vand.u32 $0x78, v48;
	v36 =	vmov s13;
	v60 =	vmov s10;
	s10 =	sadd.s32 $0x3, s7;
	[tilespmem:v57+s30+$0x0] =	vst.idx.msk $0xffff, v37;
	v56 =	vld [tilespmem:s9+$0xFFFFFF20];
	(pc) =	sbr.rel @p0 .LBB2_7-.Ltmp8, $4  }
0x22c: {  	v42 =	vand.u32 $0x78, v46;
	v39 =	vand.u32 $0x78, v36;
	v49 =	vmov s10;
	s10 =	sadd.s32 $0x5, s7;
	v50 =	vld [tilespmem:s9+$0xA0];
	[tilespmem:v51+s30+$0x0] =	vst.idx.msk $0xffff, v40  }
0x22d: {  	v38 =	vand.u32 $0x78, v58;
	v45 =	vand.u32 $0x78, v60;
	v37 =	vmov s10;
	v57 =	vld [tilespmem:s9+$0xFFFFFF70];
	[tilespmem:v54+s30+$0x0] =	vst.idx.msk $0xffff, v52  }
0x22e: {  	v58 =	vor.u32 v31, v32;
	v43 =	vand.u32 $0x78, v49;
	v40 =	vand.u32 $0x78, v37;
	v51 =	vld [tilespmem:s9+$0xFFFFFFB0];
	[tilespmem:v3+s30+$0x0] =	vst.idx.msk $0xffff, v63  }
0x22f: {  	s10 =	sadd.s32 $0x7, s7;
	s7 =	sadd.s32 $0x8, s7;
	v52 =	vshll.u32 v60, $0x6;
	[tilespmem:v1+s30+$0x0] =	vst.idx.msk $0xffff, v2;
	v54 =	vor.u32 v55, v0;
	v55 =	vld [tilespmem:s9+$0xFFFFFFF0];
	v41 =	vor.u32 v62, v41  }
.Ltmp9:
0x230: {  	_ = 	snop;
	(pc) =	sbr.rel .LBB2_8-.Ltmp9, $1  }
0x231: {  	_ =	sdelay $0x3  }
.LBB2_12:
0x232: {  	_ =	sfence.sel $0x180000  }
0x233: {  	[bflag:$0x0] =	sbarrier.arrive $0xFFFF  }
0x234: {  	_ =	strace $0x9000004A  }
0x235: {  	s0 =	stileid.u32;
	[bflag:$0x2] =	sbarrier.arrive $0xFFFF  }
0x236: {  	p0 =	sne.s32 s0, $0x0;
	s0 =	rddreg [dreg:$0x2]  }
0x237: {  	s0 =	sadd.s32 @!p0 $0x100000, s0  }
0x238: {  	[sflag:s0] =	ssyncadd.tile.s32 @!p0 $0x1;
	_ =	shalt  }
.Lfunc_end2:
_tile_overlayer_lowered:
.L_overlay_start_2:
0x239: {  	(tag) =	ssettag $0x2  }
0x23a: {  	s0 =	rddreg [dreg:$0x0];
	s2 =	stileid.u32  }
0x23b: {  	s1 =	rddreg [dreg:$0x1];
	p0 =	sne.s32 s2, $0x0  }
0x23c: {  	s3 =	rddreg [dreg:$0x2];
	[bflag:$0x3] =	sbarrier.arrive $0xFFFF;
	s2 =	simm.s32 @!p0 $0x1C05  }
0x23d: {  	[timem:s3], [sflag:s2] =	dma.local @!p0 [hbm:s0], s1  }
0x23e: {  	s0 =	simm.s32 @!p0 $0x5  }
0x23f: {  	_ =	swait.ge @!p0 [sflag:s0], s1  }
0x240: {  	s1 =	ssub.s32 @!p0 $0x0, s1;
	[sflag:s0] =	ssyncset.done @!p0 $0x0  }
0x241: {  	[sflag:s0] =	ssyncadd.s32 @!p0 s1  }
0x242: {  	[bflag:$0x3] =	sbarrier.arrive $0xFFFF  }
0x243: {  	_ =	shalt  }

// kernel: sparse-core-data-format-call.cloned.1.call-start
scs
called_computation_lowered:
.L_overlay_start_0:
0x0: {  	s1 =	sld [smem:$0x3FD9]  }
0x1: {  	s2 =	sld [smem:$0x3FFE];
	_ =	sdelay $0x1  }
0x2: {  	s3 =	srdreg.scid  }
0x3: {  	s0 =	sand.u32 $0x1, s3  }
0x4: {  	s17 =	sshll.u32 s0, $0xA;
	s1 =	sadd.s32 s2, s1  }
0x5: {  	s1 =	sadd.s32 s1, s17  }
0x6: {  	[smem:$0x3FC5] =	sst s1  }
0x7: {  	_ = 	snop  }
0x8: {  	(tm) =	ssettm $0x1  }
0x9: {  	s18 =	sld [smem:$0x3FFB];
	_ =	sdelay $0x3  }
0xa: {  	_ =	strace s18  }
0xb: {  	s1 =	sld [smem:$0x3FFC];
	_ =	sdelay $0x3  }
0xc: {  	_ =	strace s1  }
0xd: {  	s1 =	sld [smem:$0x3FFD];
	_ =	sdelay $0x3  }
0xe: {  	_ =	strace s1  }
0xf: {  	_ =	strace $0x8FFFFFFF  }
0x10: {  	s19 =	sld [smem:$0x3FDB];
	_ =	sdelay $0x1  }
0x11: {  	s20 =	simm.s32 $_scs_section_size  }
0x12: {  	s4 =	simm.s32 $_size__tile_overlayer_lowered;
	s5 =	simm.s32 $_tile_overlayer_lowered  }
0x13: {  	s23 =	simm.s32 $0x1BFF;
	s22 =	sshll.u32 s5, $0x1;
	s1 =	sadd.s32 s20, s19  }
0x14: {  	s6 =	simm.s32 $0x0;
	s21 =	sshll.u32 s4, $0x1;
	s4 =	sadd.s32 s22, s1  }
0x15: {  	[timem:s6], [sflag:s23] =	dma.local [hbm:s4], s21  }
0x16: {  	_ =	swait.ge [sflag:s23], s21  }
0x17: {  	s2 =	ssub.s32 $0x0, s21;
	[sflag:s23] =	ssyncset.done $0x0  }
0x18: {  	[sflag:s23] =	ssyncadd.s32 s2;
	_ =	sdelay $0x1  }
0x19: {  	s24 =	simm.s32 $0x1B8B  }
0x1a: {  	_ =	swait.ge [sflag:s24], $0x1  }
0x1b: {  	[sflag:s24] =	ssyncset.done $0x0  }
0x1c: {  	s26 =	simm.s32 $0x1B8E;
	s25 =	sld [smem:$0x3FFE];
	[sflag:s24] =	ssyncadd.s32 $0xFFFFFFFF  }
0x1d: {  	s27 =	simm.s32 $execute0_lowered;
	[smem:$0x3FD2] =	sst s26  }
0x1e: {  	s4 =	sshll.u32 s27, $0x1;
	_ =	strace $0x80000046;
	[dreg:$0x1] =	wrdreg $0xFFFFFFFF  }
0x1f: {  	s28 =	simm.s32 $_size_execute0_lowered;
	s1 =	sadd.s32 s1, s4;
	[dreg:$0x0] =	wrdreg $0x0  }
0x20: {  	s4 =	sshll.u32 s28, $0x1;
	[dreg:$0x2] =	wrdreg s1  }
0x21: {  	[dreg:$0x3] =	wrdreg s4  }
0x22: {  	[dreg:$0x4] =	wrdreg $0xC0  }
0x23: {  	_ =	task [dreg:s6], $0x5FFFF  }
0x24: {  	[dreg:$0x1] =	wrdreg $0xFFFFFFFF  }
0x25: {  	[dreg:$0x0] =	wrdreg $0x60  }
0x26: {  	[dreg:$0x2] =	wrdreg s25  }
0x27: {  	[dreg:$0x3] =	wrdreg $0x9  }
0x28: {  	_ =	task.clear_ibuf [dreg:s6], $0x4FFFF;
	_ =	strace $0x90000046  }
0x29: {  	s29 =	simm.s32 $0x9;
	_ =	strace $0x80000048  }
0x2a: {  	_ =	swait.ge [sflag:s29], $0x1  }
0x2b: {  	[sflag:s29] =	ssyncadd.s32 $0xFFFFFFFF  }
0x2c: {  	_ =	strace $0x90000048  }
0x2d: {  	_ =	sfence  }
0x2e: {  	s30 =	sld [smem:$0x0];
	_ =	sdelay $0x2  }
0x2f: {  	s31 =	sshll.u32 s3, $0xD;
	s3 =	sshrl.u32 s3, $0x2  }
0x30: {  	s2 =	sand.u32 $0x4000, s31;
	s1 =	sadd.s32 s3, s30  }
0x31: {  	s0 =	sor.u32 s2, s0;
	s1 =	sshll.u32 s1, $0x11  }
0x32: {  	s0 =	sor.u32 s1, s0  }
0x33: {  	s0 =	sadd.s32 $0x8F2B, s0  }
0x34: {  	[sflag:s0] =	ssyncadd.remote.s32 $0x1  }
0x35: {  	_ =	sfence.sel $0xFFFF  }
0x36: {  	[dreg:$0x0] =	wrdreg $0xFFFFFFFF;
	(pc) =	sbr.abs _section_cstart, $3  }
0x37: {  	[dreg:$0x1] =	wrdreg $0xFFFFFFFF  }
0x38: {  	_ =	task.clear_ibuf [dreg:s6], $0x2FFFF;
	_ =	strace $0x9FFFFFFF  }
0x39: {  	(tm) =	ssettm $0x7FFFFFFF  }
tec
execute0_lowered:
.L_overlay_start_1:
0x0: {  	(tag) =	ssettag $0x1  }
0x1: {  	s0 =	srdreg.scid  }
0x2: {  	s5 =	rddreg [dreg:$0x0];
	s1 =	stileid.u32;
	s4 =	simm.s32 $0x1  }
0x3: {  	s6 =	simm.s32 $0x2;
	s15 =	simm.s32 $0x0;
	p0 =	por $0x0, $0x0  }
0x4: {  	s8 =	simm.s32 $0x80;
	s14 =	simm.s32 $0x0;
	s2 =	sshll.u32 s0, $0x4  }
0x5: {  	s9 =	simm.s32 $0x0;
	s10 =	simm.s32 $0x0;
	s2 =	sand.u32 $0x10, s2  }
.Ltmp0:
0x6: {  	s12 =	simm.s32 $0x0;
	s3 =	sor.u32 s1, s2;
	(pc) =	sbr.rel .LBB1_1-.Ltmp0, $4  }
0x7: {  	s0 =	rddreg [dreg:$0x1];
	_ =	strace $0x80000047;
	s3 =	sshll.u32 s3, $0x7  }
0x8: {  	s13 =	simm.s32 $0x0;
	[sflag:s4] =	ssyncpa.u1 $0x0;
	s7 =	ssub.s32 $0xF4200, s3  }
0x9: {  	s2 =	sadd.s32 $0xA00, s5;
	[sflag:s6] =	ssyncpa.u1 $0x0;
	s6 =	sshrl.u32 s7, $0xC  }
0xa: {  	s5 =	sadd.s32 $0x7A1E00, s5;
	s11 =	smov.u32 s3;
	s7 =	sadd.s32 $0x2, s6  }
.LBB1_5:
0xb: {  	p1 =	slt.u32 s13, $0x2  }
0xc: {  	s17 =	smov.u32 s15;
	p2 =	sgt.s32 @!p1 s15, $0xF41C0;
	s16 =	sshra.s32 @!p1 s15, $0x1F  }
0xd: {  	p3 =	sgt.s32 @!p1 s14, $0x40;
	s18 =	sshra.s32 @!p1 s14, $0x1F;
	p2 =	por !p2, p1  }
0xe: {  	s15 =	sand.u32 @!p1 s16, s15;
	p3 =	por !p3, p1;
	s16 =	smov.u32 s14  }
0xf: {  	s14 =	sand.u32 @!p1 s18, s14;
	s17 =	simm.s32 @p2 $0xF41C0;
	s16 =	simm.s32 @p3 $0x40  }
0x10: {  	s15 =	ssub.s32 @!p1 s17, s15;
	s14 =	ssub.s32 @!p1 s16, s14  }
0x11: {  	s18 =	smov.u32 s12;
	s16 =	sadd.s32 @!p1 $0xFFF0BE40, s15;
	s17 =	sadd.s32 @!p1 $0xFFFFFFC0, s14  }
0x12: {  	s15 =	ssub.s32 @!p1 $0xF4240, s15;
	p2 =	sgt.s32 @!p1 s16, $0x7F;
	p3 =	sgt.s32 @!p1 s17, $0x3F  }
0x13: {  	s14 =	ssub.s32 @!p1 $0x80, s14;
	p2 =	por !p2, p1;
	p3 =	por !p3, p1  }
0x14: {  	s16 =	sadd.s32 $0x1000, s11;
	s15 =	simm.s32 @!p2 $0x0;
	s14 =	simm.s32 @!p3 $0x0  }
0x15: {  	p2 =	sgt.s32 s16, $0xF423F;
	s14 =	smul.u32 @!p1 s14, s15;
	s15 =	sadd.s32 $0x40, s12  }
0x16: {  	s18 =	smov.u32 @p2 s15  }
0x17: {  	s16 =	smov.u32 @p2 s3;
	p2 =	sgt.s32 s18, $0x3F  }
0x18: {  	s18 =	simm.s32 @p2 $0x0;
	p2 =	sne.s32 s13, s7  }
.Ltmp1:
0x19: {  	p0 =	por !p0, !p0;
	s17 =	simm.s32 @!p1 $0x2;
	(pc) =	sbr.rel @!p2 .LBB1_6-.Ltmp1, $4  }
0x1a: {  	s15 =	smov.u32 s9;
	s9 =	smov.u32 s11;
	s14 =	sand.u32 @!p1 $0x3FFFFFFF, s14  }
0x1b: {  	s11 =	smov.u32 s16;
	_ =	swait.ge @!p1 [sflag:s17], s14;
	s19 =	ssub.s32 @!p1 $0x0, s14  }
0x1c: {  	s14 =	smov.u32 s10;
	s13 =	sadd.s32 $0x1, s13;
	[sflag:s17] =	ssyncset.done @!p1 $0x0  }
0x1d: {  	s10 =	smov.u32 s12;
	s12 =	smov.u32 s18;
	[sflag:s17] =	ssyncadd.s32 @!p1 s19  }
.LBB1_1:
0x1e: {  	p1 =	sgt.u32 s13, s6  }
0x1f: {  	s16 =	sshrl.u32 @!p1 s12, $0x3  }
0x20: {  	s17 =	sshll.u32 @!p1 s11, $0x3;
	s16 =	smul.u32 @!p1 $0x7A1400, s16  }
0x21: {  	s18 =	sshll.u32 @!p1 s12, $0x7;
	s17 =	sand.u32 @!p1 $0xFFFFFC00, s17  }
0x22: {  	s16 =	sadd.s32 @!p1 s16, s17;
	s17 =	sand.u32 @!p1 $0x380, s18  }
0x23: {  	s18 =	sand.u32 @!p1 $0x7F, s11;
	s16 =	sor.u32 @!p1 s17, s16  }
0x24: {  	s17 =	sor.u32 @!p1 s18, s16  }
0x25: {  	s18 =	smulhi.u32 @!p1 $0x218D6287, s17;
	_ =	sdelay $0x1  }
0x26: {  	s16 =	smulhi.u32 @!p1 $0x218D6287, s16;
	s18 =	sshrl.u32 @!p1 s18, $0x11  }
0x27: {  	s18 =	smul.u32 @!p1 $0xF4280, s18  }
0x28: {  	s19 =	sxor.u32 @!p1 $0xFFFFFFFF, s13;
	s16 =	sshrl.u32 @!p1 s16, $0x11  }
0x29: {  	s19 =	sshll.u32 @!p1 s19, $0xD;
	s16 =	sand.u32 @!p1 $0x3F, s16;
	s17 =	ssub.s32 @!p1 s17, s18  }
0x2a: {  	s16 =	smul.u32 @!p1 $0x1E850, s16;
	s18 =	sshrl.u32 @!p1 s17, $0x3;
	s17 =	sand.u32 @!p1 $0x7, s17  }
0x2b: {  	s19 =	sand.u32 @!p1 $0x2000, s19;
	s18 =	sadd.s32 @!p1 s2, s18;
	s17 =	sshll.u32 @!p1 s17, $0x12  }
0x2c: {  	s16 =	sadd.s32 @!p1 s16, s18;
	s17 =	sor.u32 @!p1 $0x400, s17;
	s18 =	simm.s32 @!p1 $0x7A1400  }
0x2d: {  	[tilespmem:s19], [sflag:$0x1] =	stream.strided.gather @!p1 [hbm4b:s16+s17], $0x2000, s18, s17, $0x38;
	[tilespmem:$0x8100] =	vst v63  }
0x2e: {  	p1 =	seq.s32 s13, $0x0  }
0x2f: {  	p2 =	sge.u32 @!p1 s13, s7  }
0x30: {  	p1 =	por p1, p2  }
.Ltmp2:
0x31: {  	_ = 	snop;
	(pc) =	sbr.rel @p1 .LBB1_5-.Ltmp2, $1  }
0x32: {  	_ =	sdelay $0x3  }
0x33: {  	s16 =	simm.s32 $0x1  }
0x34: {  	_ =	swait.ge [sflag:s4], $0x2000;
	s16 =	simm.s32 @!p0 $0x0  }
0x35: {  	[sflag:s4] =	ssyncset.done $0x0;
	s17 =	sshll.u32 s16, $0xD  }
0x36: {  	[sflag:s4] =	ssyncadd.s32 $0xFFFFE000;
	s17 =	sor.u32 $0x40, s17  }
0x37: {  	s16 =	smul.u32 $0x8200, s16;
	v0 =	vld [tilespmem:s17+$0x30]  }
0x38: {  	v1 =	vld [tilespmem:s17+$0xFFFFFFD0]  }
0x39: {  	s16 =	sshrl.u32 s16, $0x2;
	v5 =	vld [tilespmem:s17+$0xFFFFFFE0]  }
0x3a: {  	v6 =	vld [tilespmem:s17+$0xFFFFFFF0];
	s19 =	sor.u32 $0x4000, s16  }
0x3b: {  	s31 =	sand.u32 $0x1, s13;
	v4 =	vld [tilespmem:s17+$0x0];
	s18 =	sadd.s32 $0x0, s19  }
0x3c: {  	v3 =	vld [tilespmem:s17+$0x10];
	s16 =	smul.u32 $0x8200, s31;
	[tilespmem:s18+$0x1C70 ss:$0x41] =	vst.msk $0xffff, v0  }
0x3d: {  	v2 =	vld [tilespmem:s17+$0x20];
	[tilespmem:s18+$0x410 ss:$0x41] =	vst.msk $0xffff, v1  }
0x3e: {  	s16 =	sshrl.u32 s16, $0x2;
	v1 =	vld [tilespmem:s17+$0xFFFFFFC0];
	[tilespmem:s18+$0x820 ss:$0x41] =	vst.msk $0xffff, v5;
	s17 =	sadd.s32 $0x80, s17  }
0x3f: {  	s20 =	simm.s32 $0x4;
	s21 =	simm.s32 $0x8;
	s16 =	sor.u32 $0x4000, s16;
	[tilespmem:s18+$0xC30 ss:$0x41] =	vst.msk $0xffff, v6;
	v0 =	vld [tilespmem:s17+$0x30]  }
.LBB1_3:
0x40: {  	p1 =	sne.s32 s21, $0xFC;
	v5 =	vld [tilespmem:s17+$0xFFFFFFD0];
	[tilespmem:s18+$0x1040 ss:$0x41] =	vst.msk $0xffff, v4  }
0x41: {  	v6 =	vld [tilespmem:s17+$0xFFFFFFE0];
	[tilespmem:s18+$0x1450 ss:$0x41] =	vst.msk $0xffff, v3  }
0x42: {  	s22 =	sshra.s32 s20, $0x2;
	s20 =	smov.u32 s21;
	v7 =	vld [tilespmem:s17+$0xFFFFFFF0];
	[tilespmem:s18+$0x1860 ss:$0x41] =	vst.msk $0xffff, v2  }
.Ltmp3:
0x43: {  	v4 =	vld [tilespmem:s17+$0x0];
	[tilespmem:s18+$0x0 ss:$0x41] =	vst.msk $0xffff, v1;
	s18 =	sadd.s32 s22, s19;
	(pc) =	sbr.rel @p1 .LBB1_3-.Ltmp3, $4  }
0x44: {  	v3 =	vld [tilespmem:s17+$0x10];
	[tilespmem:s18+$0x1C70 ss:$0x41] =	vst.msk $0xffff, v0  }
0x45: {  	[tilespmem:s18+$0x410 ss:$0x41] =	vst.msk $0xffff, v5;
	v2 =	vld [tilespmem:s17+$0x20]  }
0x46: {  	v1 =	vld [tilespmem:s17+$0xFFFFFFC0];
	[tilespmem:s18+$0x820 ss:$0x41] =	vst.msk $0xffff, v6;
	s17 =	sadd.s32 $0x80, s17  }
0x47: {  	s21 =	sadd.s32 $0x4, s21;
	v0 =	vld [tilespmem:s17+$0x30];
	[tilespmem:s18+$0xC30 ss:$0x41] =	vst.msk $0xffff, v7  }
0x48: {  	s21 =	sshll.u32 s9, $0x7;
	s22 =	sshll.u32 s10, $0x3;
	s20 =	sshra.s32 s20, $0x2  }
0x49: {  	p1 =	sgt.s32 s9, $0xF41C0;
	s30 =	sshra.s32 s9, $0x1F;
	s25 =	sshra.s32 s10, $0x1F  }
0x4a: {  	v5 =	vld [tilespmem:s17+$0xFFFFFFD0];
	s28 =	sshrl.u32 s10, $0x3;
	s23 =	sand.u32 $0xFFFFFC00, s21;
	s22 =	sand.u32 $0xFFFFFC00, s22  }
0x4b: {  	[tilespmem:s18+$0x1040 ss:$0x41] =	vst.msk $0xffff, v4;
	v58 =	vld [tilespmem:s17+$0xFFFFFFE0];
	s21 =	sand.u32 $0x380, s21;
	s19 =	sadd.s32 s20, s19;
	s22 =	sadd.s32 s22, s23  }
0x4c: {  	v59 =	vld [tilespmem:s17+$0xFFFFFFF0];
	[tilespmem:s18+$0x1450 ss:$0x41] =	vst.msk $0xffff, v3;
	s29 =	sor.u32 s21, s22;
	s21 =	smov.u32 s9;
	s22 =	sand.u32 s30, s9  }
0x4d: {  	v60 =	vld [tilespmem:s17+$0x0];
	[tilespmem:s18+$0x1860 ss:$0x41] =	vst.msk $0xffff, v2;
	s30 =	sand.u32 $0x7, s10;
	s20 =	sshrl.u32 s29, $0x7;
	s21 =	simm.s32 @!p1 $0xF41C0  }
0x4e: {  	v61 =	vld [tilespmem:s17+$0x10];
	[tilespmem:s18+$0x0 ss:$0x41] =	vst.msk $0xffff, v1;
	p1 =	sgt.s32 s10, $0x40;
	s24 =	ssub.s32 s21, s22;
	s21 =	smov.u32 s10  }
0x4f: {  	v62 =	vld [tilespmem:s17+$0x20];
	[tilespmem:s19+$0x1C70 ss:$0x41] =	vst.msk $0xffff, v0;
	s31 =	smulhi.u32 $0x218DEF5, s20;
	s22 =	sand.u32 s25, s10;
	s21 =	simm.s32 @!p1 $0x40  }
0x50: {  	v63 =	vld [tilespmem:s17+$0xFFFFFFC0];
	[tilespmem:s19+$0x410 ss:$0x41] =	vst.msk $0xffff, v5;
	s26 =	sadd.s32 $0xFFF0BE40, s24;
	s17 =	ssub.s32 $0xF4240, s24;
	s21 =	ssub.s32 s21, s22  }
0x51: {  	[tilespmem:s19+$0x820 ss:$0x41] =	vst.msk $0xffff, v58;
	s23 =	sshrl.u32 s31, $0xD;
	p1 =	sgt.s32 s26, $0x7F;
	s27 =	sadd.s32 $0xFFFFFFC0, s21  }
0x52: {  	[tilespmem:s19+$0xC30 ss:$0x41] =	vst.msk $0xffff, v59;
	s23 =	smul.u32 $0xF4240, s23;
	s18 =	ssub.s32 $0x80, s21;
	p2 =	sgt.s32 s27, $0x3F  }
.Ltmp4:
0x53: {  	[tilespmem:s19+$0x1040 ss:$0x41] =	vst.msk $0xffff, v60;
	s17 =	simm.s32 @p1 $0x0;
	s18 =	simm.s32 @p2 $0x0;
	(pc) =	sbr.rel .LBB1_5-.Ltmp4, $4  }
0x54: {  	s29 =	sand.u32 $0xF, s28;
	[tilespmem:s19+$0x1450 ss:$0x41] =	vst.msk $0xffff, v61;
	s20 =	ssub.s32 s20, s23;
	s17 =	smul.u32 s18, s17  }
0x55: {  	[tilespmem:s19+$0x1860 ss:$0x41] =	vst.msk $0xffff, v62;
	s21 =	sshll.u32 s30, $0x12;
	s20 =	sshll.u32 s20, $0x4;
	s18 =	sadd.s32 s5, s29  }
0x56: {  	[tilespmem:s19+$0x0 ss:$0x41] =	vst.msk $0xffff, v63;
	s31 =	sor.u32 $0x40, s21;
	s18 =	sadd.s32 s20, s18;
	s17 =	sand.u32 $0x3FFFFFFF, s17  }
0x57: {  	[hbm4b:s18+s31] =	stream.strided.scatter [tilespmem:s16], [sflag:$0x2], s17, s8, s31, $0x18;
	[tilespmem:$0x8100] =	vst v63  }
.LBB1_6:
0x58: {  	_ =	sfence.sel $0x180000  }
0x59: {  	s2 =	simm.s32 $0x1;
	[bflag:$0x0] =	sbarrier.arrive $0xFFFF  }
0x5a: {  	s31 =	simm.s32 $0x2;
	[sflag:s2] =	ssyncpa.u1 $0x1  }
0x5b: {  	[sflag:s31] =	ssyncpa.u1 $0x1  }
0x5c: {  	p0 =	sne.s32 s1, $0x0;
	_ =	strace $0x90000047  }
0x5d: {  	s0 =	sadd.s32 @!p0 $0x100000, s0;
	[bflag:$0x2] =	sbarrier.arrive $0xFFFF  }
0x5e: {  	[sflag:s0] =	ssyncadd.tile.s32 @!p0 $0x1;
	_ =	shalt  }
.Lfunc_end1:
_tile_overlayer_lowered:
.L_overlay_start_2:
0x5f: {  	(tag) =	ssettag $0x2  }
0x60: {  	s0 =	rddreg [dreg:$0x0];
	s2 =	stileid.u32  }
0x61: {  	s1 =	rddreg [dreg:$0x1];
	p0 =	sne.s32 s2, $0x0  }
0x62: {  	s3 =	rddreg [dreg:$0x2];
	[bflag:$0x3] =	sbarrier.arrive $0xFFFF;
	s2 =	simm.s32 @!p0 $0x1C01  }
0x63: {  	[timem:s3], [sflag:s2] =	dma.local @!p0 [hbm:s0], s1  }
0x64: {  	s0 =	simm.s32 @!p0 $0x1  }
0x65: {  	_ =	swait.ge @!p0 [sflag:s0], s1  }
0x66: {  	s1 =	ssub.s32 @!p0 $0x0, s1;
	[sflag:s0] =	ssyncset.done @!p0 $0x0  }
0x67: {  	[sflag:s0] =	ssyncadd.s32 @!p0 s1  }
0x68: {  	[bflag:$0x3] =	sbarrier.arrive $0xFFFF  }
0x69: {  	_ =	shalt  }

</sc_bundles>
